<compile_context>
chip_gen: v7x
topology: tpu7x:2x2x1
jax: 0.10.2.dev20260603
libtpu: 0.0.44.dev20260713+nightly
codegen_flags: <defaults>
</compile_context>

<pallas_src>
import functools

import jax
import jax.numpy as jnp
from jax import lax
from jax.experimental import pallas as pl
from jax.experimental.pallas import tpu as pltpu
from jax.experimental.pallas import tpu_sc as plsc

N = 10000
E = 320000
G = 64

NC = 2
NS = 16
NW = NC * NS
EPW = E // NW
CHUNK = 125
NCHUNK = EPW // CHUNK
NBUF = 8
LEAD = 7
NGRP = NCHUNK // NBUF
RZ = 624
RTAIL = N - NS * RZ

ROWS = 10000
GRID = N // ROWS


def _edge_agg(table, src, dst, zeros, W):
    mesh = plsc.VectorSubcoreMesh(core_axis_name="c", subcore_axis_name="s")

    @functools.partial(
        pl.kernel,
        out_type=jax.ShapeDtypeStruct((NC, N, W), jnp.float32),
        mesh=mesh,
        scratch_types=[
            pltpu.VMEM((NCHUNK, CHUNK), jnp.int32),
            pltpu.VMEM((NCHUNK, CHUNK), jnp.int32),
            [pltpu.VMEM((CHUNK, W), jnp.float32) for _ in range(NBUF)],
            pltpu.VMEM_SHARED((N, W), jnp.float32),
            [pltpu.SemaphoreType.DMA for _ in range(NBUF)],
            [pltpu.SemaphoreType.DMA for _ in range(NBUF)],
        ],
        compiler_params=pltpu.CompilerParams(use_tc_tiling_on_sc=False),
    )
    def k(tab_hbm, src_hbm, dst_hbm, zero_hbm, out_hbm, sidx, didx, rows,
          acc, gsem, ssem):
        c = lax.axis_index("c")
        s = lax.axis_index("s")
        wid = c * NS + s

        pltpu.sync_copy(src_hbm.at[wid], sidx)
        pltpu.sync_copy(dst_hbm.at[wid], didx)
        for b in range(LEAD):
            pltpu.async_copy(tab_hbm.at[sidx.at[b]], rows[b], gsem[b])

        pltpu.sync_copy(zero_hbm.at[pl.ds(s * RZ, RZ)], acc.at[pl.ds(s * RZ, RZ)])

        @pl.when(s == NS - 1)
        def _():
            pltpu.sync_copy(zero_hbm.at[pl.ds(NS * RZ, RTAIL)],
                            acc.at[pl.ds(NS * RZ, RTAIL)])

        plsc.subcore_barrier()

        def body(g, carry):
            for b in range(NBUF):
                kk = g * NBUF + b
                pltpu.make_async_copy(tab_hbm.at[sidx.at[kk]], rows[b],
                                      gsem[b]).wait()
                pltpu.async_copy(rows[b], acc.at[didx.at[kk]], ssem[b],
                                 add=True)
                bl = (b + LEAD) % NBUF

                @pl.when(kk + LEAD < NCHUNK)
                def _(kk=kk, bl=bl):
                    @pl.when(kk - (NBUF - LEAD) >= 0)
                    def _():
                        kd = kk - (NBUF - LEAD)
                        pltpu.make_async_copy(rows[bl], acc.at[didx.at[kd]],
                                              ssem[bl]).wait()
                    pltpu.async_copy(tab_hbm.at[sidx.at[kk + LEAD]], rows[bl],
                                     gsem[bl])

            return carry

        lax.fori_loop(0, NGRP, body, 0)
        for b in range(NBUF):
            kd = NCHUNK - NBUF + b
            pltpu.make_async_copy(rows[b], acc.at[didx.at[kd]],
                                  ssem[b]).wait()
        plsc.subcore_barrier()
        pltpu.sync_copy(acc.at[pl.ds(s * RZ, RZ)], out_hbm.at[c, pl.ds(s * RZ, RZ)])

        @pl.when(s == NS - 1)
        def _():
            pltpu.sync_copy(acc.at[pl.ds(NS * RZ, RTAIL)],
                            out_hbm.at[c, pl.ds(NS * RZ, RTAIL)])

    return k(table, src, dst, zeros)


def _proj2(x4, Wa_blk, Wb_blk):
    PB = x4.shape[0]
    D4 = x4.shape[1]

    def body(x_ref, wa_ref, wb_ref, p_ref, r_ref):
        xb = x_ref[...]
        p_ref[...] = jnp.dot(xb, wa_ref[...], preferred_element_type=jnp.float32)
        r_ref[...] = jnp.dot(xb, wb_ref[...], preferred_element_type=jnp.float32)

    return pl.pallas_call(
        body,
        out_shape=[
            jax.ShapeDtypeStruct((PB, 128), jnp.float32),
            jax.ShapeDtypeStruct((PB, 128), jnp.float32),
        ],
    )(x4, Wa_blk, Wb_blk)


def _elu(v):
    return jnp.where(v > 0, v, jnp.exp(jnp.minimum(v, 0.0)) - 1.0)


def _combine1(aggpk, r1pk, b1_tiled):
    PB = r1pk.shape[0]

    def body(a0_ref, a1_ref, r_ref, b_ref, o_ref):
        o_ref[...] = _elu(a0_ref[0] + a1_ref[0] + r_ref[...] + b_ref[...])

    return pl.pallas_call(
        body,
        grid=(1,),
        in_specs=[
            pl.BlockSpec((1, PB, 128), lambda i: (0, 0, 0)),
            pl.BlockSpec((1, PB, 128), lambda i: (1, 0, 0)),
            pl.BlockSpec((PB, 128), lambda i: (0, 0)),
            pl.BlockSpec((1, 128), lambda i: (0, 0)),
        ],
        out_specs=pl.BlockSpec((PB, 128), lambda i: (0, 0)),
        out_shape=jax.ShapeDtypeStruct(r1pk.shape, jnp.float32),
    )(aggpk, aggpk, r1pk, b1_tiled)


def _combine_mm(aggpk, hpk, Wr_blk, b_tiled, Wt_blk):
    PB = hpk.shape[0]
    WO = Wr_blk.shape[1]

    def body(a0_ref, a1_ref, h_ref, wr_ref, b_ref, wt_ref, o_ref):
        a = a0_ref[0] + a1_ref[0]
        v = (jnp.dot(a, wr_ref[...], preferred_element_type=jnp.float32)
             + jnp.dot(h_ref[...], wt_ref[...], preferred_element_type=jnp.float32)
             + b_ref[...])
        o_ref[...] = _elu(v)

    return pl.pallas_call(
        body,
        grid=(1,),
        in_specs=[
            pl.BlockSpec((1, PB, 128), lambda i: (0, 0, 0)),
            pl.BlockSpec((1, PB, 128), lambda i: (1, 0, 0)),
            pl.BlockSpec((PB, 128), lambda i: (0, 0)),
            pl.BlockSpec((128, WO), lambda i: (0, 0)),
            pl.BlockSpec((1, WO), lambda i: (0, 0)),
            pl.BlockSpec((128, WO), lambda i: (0, 0)),
        ],
        out_specs=pl.BlockSpec((PB, WO), lambda i: (0, 0)),
        out_shape=jax.ShapeDtypeStruct((PB, WO), jnp.float32),
    )(aggpk, aggpk, hpk, Wr_blk, b_tiled, Wt_blk)


def _final_pool_head(aggpk, hpk2, Wr_blk, b_tiled, Wt_blk, bat_ev, bat_od,
                     fc1_W, fc1_b, fc2_W, fc2_b, fc3_W, fc3_b):
    PB = hpk2.shape[0]
    NCLS = fc3_W.shape[1]

    def body(a0_ref, a1_ref, h_ref, wr_ref, b_ref, wt_ref, be_ref, bo_ref,
             w1_ref, b1_ref, w2_ref, b2_ref, w3_ref, b3_ref, o_ref):
        a = a0_ref[0] + a1_ref[0]
        h3 = _elu(jnp.dot(a, wr_ref[...], preferred_element_type=jnp.float32)
                  + jnp.dot(h_ref[...], wt_ref[...],
                            preferred_element_type=jnp.float32)
                  + b_ref[...])
        iota = lax.broadcasted_iota(jnp.int32, (PB, G), 1)
        oh_e = (be_ref[0, 0, :][:, None] == iota).astype(jnp.float32)
        oh_o = (bo_ref[0, 0, :][:, None] == iota).astype(jnp.float32)
        dn = (((0,), (0,)), ((), ()))
        sums = (lax.dot_general(oh_e, h3[:, :64], dn,
                                preferred_element_type=jnp.float32)
                + lax.dot_general(oh_o, h3[:, 64:], dn,
                                  preferred_element_type=jnp.float32))
        counts = (jnp.sum(oh_e, axis=0) + jnp.sum(oh_o, axis=0))[:, None]
        pooled = sums / jnp.maximum(counts, 1.0)
        z = _elu(jnp.dot(pooled, w1_ref[...],
                         preferred_element_type=jnp.float32) + b1_ref[...])
        z = _elu(jnp.dot(z, w2_ref[...],
                         preferred_element_type=jnp.float32) + b2_ref[...])
        z = (jnp.dot(z, w3_ref[...], preferred_element_type=jnp.float32)
             + b3_ref[...])
        m = jnp.max(z, axis=1, keepdims=True)
        zs = z - m
        lse = jnp.log(jnp.sum(jnp.exp(zs), axis=1, keepdims=True))
        o_ref[...] = zs - lse

    return pl.pallas_call(
        body,
        grid=(1,),
        in_specs=[
            pl.BlockSpec((1, PB, 128), lambda i: (0, 0, 0)),
            pl.BlockSpec((1, PB, 128), lambda i: (1, 0, 0)),
            pl.BlockSpec((PB, 128), lambda i: (0, 0)),
            pl.BlockSpec((128, 128), lambda i: (0, 0)),
            pl.BlockSpec((1, 128), lambda i: (0, 0)),
            pl.BlockSpec((128, 128), lambda i: (0, 0)),
            pl.BlockSpec((1, 1, PB), lambda i: (0, 0, 0)),
            pl.BlockSpec((1, 1, PB), lambda i: (0, 0, 0)),
            pl.BlockSpec((64, 64), lambda i: (0, 0)),
            pl.BlockSpec((1, 64), lambda i: (0, 0)),
            pl.BlockSpec((64, 32), lambda i: (0, 0)),
            pl.BlockSpec((1, 32), lambda i: (0, 0)),
            pl.BlockSpec((32, NCLS), lambda i: (0, 0)),
            pl.BlockSpec((1, NCLS), lambda i: (0, 0)),
        ],
        out_specs=pl.BlockSpec((G, NCLS), lambda i: (0, 0)),
        out_shape=jax.ShapeDtypeStruct((G, NCLS), jnp.float32),
    )(aggpk, aggpk, hpk2, Wr_blk, b_tiled, Wt_blk, bat_ev, bat_od,
      fc1_W, fc1_b, fc2_W, fc2_b, fc3_W, fc3_b)


def kernel(x, edge_index, batch, W1_rel, b1_rel, W1_root, W2_rel, b2_rel,
           W2_root, W3_rel, b3_rel, W3_root, fc1_W, fc1_b, fc2_W, fc2_b,
           fc3_W, fc3_b):
    zeros32 = jnp.zeros((N, 32), jnp.float32)
    zeros64 = jnp.zeros((N, 64), jnp.float32)
    src = edge_index[0].reshape(NW, NCHUNK, CHUNK)
    dst = edge_index[1].reshape(NW, NCHUNK, CHUNK)
    eye4 = jnp.eye(4, dtype=jnp.float32)
    eye2 = jnp.eye(2, dtype=jnp.float32)

    x4 = x.reshape(N // 4, 512)
    p1pk, r1pk = _proj2(x4, jnp.kron(eye4, W1_rel), jnp.kron(eye4, W1_root))
    agg1 = _edge_agg(p1pk.reshape(N, 32), src, dst, zeros32, 32)
    h1pk = _combine1(agg1.reshape(NC, N * 32 // 128, 128), r1pk,
                     jnp.tile(b1_rel, 4).reshape(1, 128))
    agg2 = _edge_agg(h1pk.reshape(N, 32), src, dst, zeros32, 32)
    h2pk = _combine_mm(agg2.reshape(NC, N * 32 // 128, 128), h1pk,
                       jnp.kron(eye4, W2_rel),
                       jnp.tile(b2_rel, 4).reshape(1, 256),
                       jnp.kron(eye4, W2_root))
    agg3 = _edge_agg(h2pk.reshape(N, 64), src, dst, zeros64, 64)
    return _final_pool_head(agg3.reshape(NC, N * 64 // 128, 128),
                            h2pk.reshape(N // 2, 128),
                            jnp.kron(eye2, W3_rel),
                            jnp.tile(b3_rel, 2).reshape(1, 128),
                            jnp.kron(eye2, W3_root),
                            batch[0::2].reshape(1, 1, N // 2),
                            batch[1::2].reshape(1, 1, N // 2),
                            fc1_W, fc1_b.reshape(1, -1),
                            fc2_W, fc2_b.reshape(1, -1),
                            fc3_W, fc3_b.reshape(1, -1))

# --- scband reference (transcript-rebuilt; emitter-appended) ---
"""Pipeline reference for scband-gnnnet-83906481094709 (READ-ONLY COPY).

The authoritative reference and input builder live on the scoring server;
editing this copy changes nothing except your own understanding.
"""

import jax, jax.numpy as jnp
import numpy as np

N = 10000
E = 320000
D = 128
G = 64
NUM_CLASSES = 10


def _graph_conv(x, edge_index, W_rel, b_rel, W_root):
    # PyG GraphConv: out = lin_rel(sum_{j in N(i)} x_j) + lin_root(x_i)
    src = edge_index[0]
    dst = edge_index[1]
    agg = jax.ops.segment_sum(x[src], dst, num_segments=x.shape[0])
    return agg @ W_rel + b_rel + x @ W_root


def setup_inputs(seed: int = 0):
    key = jax.random.key(seed)
    ks = jax.random.split(key, 24)
    inp = {}
    inp["x"] = jax.random.normal(ks[0], (N, D), dtype=jnp.float32)
    inp["edge_index"] = jax.random.randint(ks[1], (2, E), 0, N, dtype=jnp.int32)
    inp["batch"] = jnp.sort(jax.random.randint(ks[2], (N,), 0, G, dtype=jnp.int32))
    s = 0.05
    inp["W1_rel"] = jax.random.normal(ks[3], (D, 32), dtype=jnp.float32) * s
    inp["b1_rel"] = jnp.zeros((32,), dtype=jnp.float32)
    inp["W1_root"] = jax.random.normal(ks[4], (D, 32), dtype=jnp.float32) * s
    inp["W2_rel"] = jax.random.normal(ks[5], (32, 64), dtype=jnp.float32) * s
    inp["b2_rel"] = jnp.zeros((64,), dtype=jnp.float32)
    inp["W2_root"] = jax.random.normal(ks[6], (32, 64), dtype=jnp.float32) * s
    inp["W3_rel"] = jax.random.normal(ks[7], (64, 64), dtype=jnp.float32) * s
    inp["b3_rel"] = jnp.zeros((64,), dtype=jnp.float32)
    inp["W3_root"] = jax.random.normal(ks[8], (64, 64), dtype=jnp.float32) * s
    inp["fc1_W"] = jax.random.normal(ks[9], (64, 64), dtype=jnp.float32) * s
    inp["fc1_b"] = jnp.zeros((64,), dtype=jnp.float32)
    inp["fc2_W"] = jax.random.normal(ks[10], (64, 32), dtype=jnp.float32) * s
    inp["fc2_b"] = jnp.zeros((32,), dtype=jnp.float32)
    inp["fc3_W"] = jax.random.normal(ks[11], (32, NUM_CLASSES), dtype=jnp.float32) * s
    inp["fc3_b"] = jnp.zeros((NUM_CLASSES,), dtype=jnp.float32)
    return inp


def reference(x, edge_index, batch, W1_rel, b1_rel, W1_root, W2_rel, b2_rel, W2_root, W3_rel, b3_rel, W3_root, fc1_W, fc1_b, fc2_W, fc2_b, fc3_W, fc3_b):
    h = jax.nn.elu(_graph_conv(x, edge_index, W1_rel, b1_rel, W1_root))
    h = jax.nn.elu(_graph_conv(h, edge_index, W2_rel, b2_rel, W2_root))
    h = jax.nn.elu(_graph_conv(h, edge_index, W3_rel, b3_rel, W3_root))
    # scatter_mean over batch ids -> [G, 64]
    sums = jax.ops.segment_sum(h, batch, num_segments=G)
    counts = jax.ops.segment_sum(jnp.ones((h.shape[0], 1), dtype=jnp.float32), batch, num_segments=G)
    pooled = sums / jnp.maximum(counts, 1.0)
    z = jax.nn.elu(pooled @ fc1_W + fc1_b)
    # dropout is identity in eval mode
    z = jax.nn.elu(z @ fc2_W + fc2_b)
    z = z @ fc3_W + fc3_b
    return jax.nn.log_softmax(z, axis=1)

if __name__ == "__main__":
    import jax
    _d = setup_inputs()
    print(jax.jit(kernel)(*tuple(_d.values())))

</pallas_src>

<mosaic_0001>
#map = affine_map<(d0, d1) -> (0, 0)>
#map1 = affine_map<(d0, d1) -> (0, 0, 0)>
module attributes {stable_mosaic.version = 14 : i64} {
  func.func @k(%arg0: i32, %arg1: i32, %arg2: memref<10000x32xf32, #tpu.memory_space<hbm>>, %arg3: memref<32x80x125xi32, #tpu.memory_space<hbm>>, %arg4: memref<32x80x125xi32, #tpu.memory_space<hbm>>, %arg5: memref<10000x32xf32, #tpu.memory_space<hbm>>, %arg6: memref<2x10000x32xf32, #tpu.memory_space<hbm>>, %arg7: memref<80x125xi32, #tpu.memory_space<vmem>>, %arg8: memref<80x125xi32, #tpu.memory_space<vmem>>, %arg9: memref<125x32xf32, #tpu.memory_space<vmem>>, %arg10: memref<125x32xf32, #tpu.memory_space<vmem>>, %arg11: memref<125x32xf32, #tpu.memory_space<vmem>>, %arg12: memref<125x32xf32, #tpu.memory_space<vmem>>, %arg13: memref<125x32xf32, #tpu.memory_space<vmem>>, %arg14: memref<125x32xf32, #tpu.memory_space<vmem>>, %arg15: memref<125x32xf32, #tpu.memory_space<vmem>>, %arg16: memref<125x32xf32, #tpu.memory_space<vmem>>, %arg17: memref<10000x32xf32, #tpu.memory_space<vmem_shared>>, %arg18: memref<!tpu.dma_semaphore, #tpu.memory_space<semaphore_mem>>, %arg19: memref<!tpu.dma_semaphore, #tpu.memory_space<semaphore_mem>>, %arg20: memref<!tpu.dma_semaphore, #tpu.memory_space<semaphore_mem>>, %arg21: memref<!tpu.dma_semaphore, #tpu.memory_space<semaphore_mem>>, %arg22: memref<!tpu.dma_semaphore, #tpu.memory_space<semaphore_mem>>, %arg23: memref<!tpu.dma_semaphore, #tpu.memory_space<semaphore_mem>>, %arg24: memref<!tpu.dma_semaphore, #tpu.memory_space<semaphore_mem>>, %arg25: memref<!tpu.dma_semaphore, #tpu.memory_space<semaphore_mem>>, %arg26: memref<!tpu.dma_semaphore, #tpu.memory_space<semaphore_mem>>, %arg27: memref<!tpu.dma_semaphore, #tpu.memory_space<semaphore_mem>>, %arg28: memref<!tpu.dma_semaphore, #tpu.memory_space<semaphore_mem>>, %arg29: memref<!tpu.dma_semaphore, #tpu.memory_space<semaphore_mem>>, %arg30: memref<!tpu.dma_semaphore, #tpu.memory_space<semaphore_mem>>, %arg31: memref<!tpu.dma_semaphore, #tpu.memory_space<semaphore_mem>>, %arg32: memref<!tpu.dma_semaphore, #tpu.memory_space<semaphore_mem>>, %arg33: memref<!tpu.dma_semaphore, #tpu.memory_space<semaphore_mem>>) attributes {dimension_semantics = [#tpu.dimension_semantics<core_parallel>, #tpu.dimension_semantics<subcore_parallel>], iteration_bounds = array<i64: 2, 16>, scalar_prefetch = 0 : i64, scratch_operands = 27 : i64, tpu.core_type = #tpu.core_type<sc_vector_subcore>, window_params = [{transform_indices = #map}, {transform_indices = #map1}, {transform_indices = #map1}, {transform_indices = #map}, {transform_indices = #map1}]} {
    %mul3A = arith.constant 16 : i32
    %mul3A_0 = arith.muli %arg0, %mul3A : i32
    %add3A = arith.addi %mul3A_0, %arg1 : i32
    "tpu.region"() ({
      %run_scoped3A = tpu.sem_alloc : memref<!tpu.dma_semaphore, #tpu.memory_space<semaphore_mem>>
      %dma_start3A_125 = arith.constant 0 : i32
      %dma_start3A_126 = arith.constant 0 : i32
      %dma_start3A_127 = tpu.memref_slice %arg3[%add3A, %dma_start3A_125, %dma_start3A_126] : memref<32x80x125xi32, #tpu.memory_space<hbm>> -> memref<1x80x125xi32, #tpu.memory_space<hbm>>
      %dma_start3A_128 = tpu.memref_squeeze %dma_start3A_127 : memref<1x80x125xi32, #tpu.memory_space<hbm>> -> memref<80x125xi32, #tpu.memory_space<hbm>>
      %dma_start3A_129 = arith.constant 0 : i32
      %dma_start3A_130 = arith.constant 0 : i32
      %dma_start3A_131 = tpu.memref_slice %arg3[%add3A, %dma_start3A_129, %dma_start3A_130] : memref<32x80x125xi32, #tpu.memory_space<hbm>> -> memref<1x80x125xi32, #tpu.memory_space<hbm>>
      %dma_start3A_132 = tpu.memref_squeeze %dma_start3A_131 : memref<1x80x125xi32, #tpu.memory_space<hbm>> -> memref<80x125xi32, #tpu.memory_space<hbm>>
      tpu.enqueue_dma source(%dma_start3A_132 : memref<80x125xi32, #tpu.memory_space<hbm>>) target(%arg7 : memref<80x125xi32, #tpu.memory_space<vmem>>) target_semaphore(%run_scoped3A : memref<!tpu.dma_semaphore, #tpu.memory_space<semaphore_mem>>)
      %dma_wait3A_133 = arith.constant 0 : i32
      %dma_wait3A_134 = arith.constant 0 : i32
      %dma_wait3A_135 = tpu.memref_slice %arg3[%add3A, %dma_wait3A_133, %dma_wait3A_134] : memref<32x80x125xi32, #tpu.memory_space<hbm>> -> memref<1x80x125xi32, #tpu.memory_space<hbm>>
      %dma_wait3A_136 = tpu.memref_squeeze %dma_wait3A_135 : memref<1x80x125xi32, #tpu.memory_space<hbm>> -> memref<80x125xi32, #tpu.memory_space<hbm>>
      %dma_wait3A_137 = arith.constant 0 : i32
      %dma_wait3A_138 = arith.constant 0 : i32
      %dma_wait3A_139 = tpu.memref_slice %arg3[%add3A, %dma_wait3A_137, %dma_wait3A_138] : memref<32x80x125xi32, #tpu.memory_space<hbm>> -> memref<1x80x125xi32, #tpu.memory_space<hbm>>
      %dma_wait3A_140 = tpu.memref_squeeze %dma_wait3A_139 : memref<1x80x125xi32, #tpu.memory_space<hbm>> -> memref<80x125xi32, #tpu.memory_space<hbm>>
      tpu.wait_dma2 semaphore(%run_scoped3A : memref<!tpu.dma_semaphore, #tpu.memory_space<semaphore_mem>>) src(%dma_wait3A_140 : memref<80x125xi32, #tpu.memory_space<hbm>>) dst(%arg7 : memref<80x125xi32, #tpu.memory_space<vmem>>)
      tpu.yield
    }) : () -> ()
    "tpu.region"() ({
      %run_scoped3A = tpu.sem_alloc : memref<!tpu.dma_semaphore, #tpu.memory_space<semaphore_mem>>
      %dma_start3A_125 = arith.constant 0 : i32
      %dma_start3A_126 = arith.constant 0 : i32
      %dma_start3A_127 = tpu.memref_slice %arg4[%add3A, %dma_start3A_125, %dma_start3A_126] : memref<32x80x125xi32, #tpu.memory_space<hbm>> -> memref<1x80x125xi32, #tpu.memory_space<hbm>>
      %dma_start3A_128 = tpu.memref_squeeze %dma_start3A_127 : memref<1x80x125xi32, #tpu.memory_space<hbm>> -> memref<80x125xi32, #tpu.memory_space<hbm>>
      %dma_start3A_129 = arith.constant 0 : i32
      %dma_start3A_130 = arith.constant 0 : i32
      %dma_start3A_131 = tpu.memref_slice %arg4[%add3A, %dma_start3A_129, %dma_start3A_130] : memref<32x80x125xi32, #tpu.memory_space<hbm>> -> memref<1x80x125xi32, #tpu.memory_space<hbm>>
      %dma_start3A_132 = tpu.memref_squeeze %dma_start3A_131 : memref<1x80x125xi32, #tpu.memory_space<hbm>> -> memref<80x125xi32, #tpu.memory_space<hbm>>
      tpu.enqueue_dma source(%dma_start3A_132 : memref<80x125xi32, #tpu.memory_space<hbm>>) target(%arg8 : memref<80x125xi32, #tpu.memory_space<vmem>>) target_semaphore(%run_scoped3A : memref<!tpu.dma_semaphore, #tpu.memory_space<semaphore_mem>>)
      %dma_wait3A_133 = arith.constant 0 : i32
      %dma_wait3A_134 = arith.constant 0 : i32
      %dma_wait3A_135 = tpu.memref_slice %arg4[%add3A, %dma_wait3A_133, %dma_wait3A_134] : memref<32x80x125xi32, #tpu.memory_space<hbm>> -> memref<1x80x125xi32, #tpu.memory_space<hbm>>
      %dma_wait3A_136 = tpu.memref_squeeze %dma_wait3A_135 : memref<1x80x125xi32, #tpu.memory_space<hbm>> -> memref<80x125xi32, #tpu.memory_space<hbm>>
      %dma_wait3A_137 = arith.constant 0 : i32
      %dma_wait3A_138 = arith.constant 0 : i32
      %dma_wait3A_139 = tpu.memref_slice %arg4[%add3A, %dma_wait3A_137, %dma_wait3A_138] : memref<32x80x125xi32, #tpu.memory_space<hbm>> -> memref<1x80x125xi32, #tpu.memory_space<hbm>>
      %dma_wait3A_140 = tpu.memref_squeeze %dma_wait3A_139 : memref<1x80x125xi32, #tpu.memory_space<hbm>> -> memref<80x125xi32, #tpu.memory_space<hbm>>
      tpu.wait_dma2 semaphore(%run_scoped3A : memref<!tpu.dma_semaphore, #tpu.memory_space<semaphore_mem>>) src(%dma_wait3A_140 : memref<80x125xi32, #tpu.memory_space<hbm>>) dst(%arg8 : memref<80x125xi32, #tpu.memory_space<vmem>>)
      tpu.yield
    }) : () -> ()
    %dma_start3A = arith.constant 0 : i32
    %dma_start3A_1 = arith.constant 0 : i32
    %dma_start3A_2 = tpu.memref_slice %arg7[%dma_start3A, %dma_start3A_1] : memref<80x125xi32, #tpu.memory_space<vmem>> -> memref<1x125xi32, #tpu.memory_space<vmem>>
    %dma_start3A_3 = tpu.memref_squeeze %dma_start3A_2 : memref<1x125xi32, #tpu.memory_space<vmem>> -> memref<125xi32, #tpu.memory_space<vmem>>
    %dma_start3A_4 = arith.constant 0 : i32
    %dma_start3A_5 = arith.constant 0 : i32
    %dma_start3A_6 = tpu.memref_slice %arg2[%dma_start3A_4, %dma_start3A_5] : memref<10000x32xf32, #tpu.memory_space<hbm>> -> memref<10000x32xf32, #tpu.memory_space<hbm>>
    tpu.enqueue_indirect_dma source(%dma_start3A_6 : memref<10000x32xf32, #tpu.memory_space<hbm>>) target(%arg9 : memref<125x32xf32, #tpu.memory_space<vmem>>) offsets(%dma_start3A_3 : memref<125xi32, #tpu.memory_space<vmem>>) semaphore(%arg18 : memref<!tpu.dma_semaphore, #tpu.memory_space<semaphore_mem>>)
    %dma_start3A_7 = arith.constant 1 : i32
    %dma_start3A_8 = arith.constant 0 : i32
    %dma_start3A_9 = tpu.memref_slice %arg7[%dma_start3A_7, %dma_start3A_8] : memref<80x125xi32, #tpu.memory_space<vmem>> -> memref<1x125xi32, #tpu.memory_space<vmem>>
    %dma_start3A_10 = tpu.memref_squeeze %dma_start3A_9 : memref<1x125xi32, #tpu.memory_space<vmem>> -> memref<125xi32, #tpu.memory_space<vmem>>
    %dma_start3A_11 = arith.constant 0 : i32
    %dma_start3A_12 = arith.constant 0 : i32
    %dma_start3A_13 = tpu.memref_slice %arg2[%dma_start3A_11, %dma_start3A_12] : memref<10000x32xf32, #tpu.memory_space<hbm>> -> memref<10000x32xf32, #tpu.memory_space<hbm>>
    tpu.enqueue_indirect_dma source(%dma_start3A_13 : memref<10000x32xf32, #tpu.memory_space<hbm>>) target(%arg10 : memref<125x32xf32, #tpu.memory_space<vmem>>) offsets(%dma_start3A_10 : memref<125xi32, #tpu.memory_space<vmem>>) semaphore(%arg19 : memref<!tpu.dma_semaphore, #tpu.memory_space<semaphore_mem>>)
    %dma_start3A_14 = arith.constant 2 : i32
    %dma_start3A_15 = arith.constant 0 : i32
    %dma_start3A_16 = tpu.memref_slice %arg7[%dma_start3A_14, %dma_start3A_15] : memref<80x125xi32, #tpu.memory_space<vmem>> -> memref<1x125xi32, #tpu.memory_space<vmem>>
    %dma_start3A_17 = tpu.memref_squeeze %dma_start3A_16 : memref<1x125xi32, #tpu.memory_space<vmem>> -> memref<125xi32, #tpu.memory_space<vmem>>
    %dma_start3A_18 = arith.constant 0 : i32
    %dma_start3A_19 = arith.constant 0 : i32
    %dma_start3A_20 = tpu.memref_slice %arg2[%dma_start3A_18, %dma_start3A_19] : memref<10000x32xf32, #tpu.memory_space<hbm>> -> memref<10000x32xf32, #tpu.memory_space<hbm>>
    tpu.enqueue_indirect_dma source(%dma_start3A_20 : memref<10000x32xf32, #tpu.memory_space<hbm>>) target(%arg11 : memref<125x32xf32, #tpu.memory_space<vmem>>) offsets(%dma_start3A_17 : memref<125xi32, #tpu.memory_space<vmem>>) semaphore(%arg20 : memref<!tpu.dma_semaphore, #tpu.memory_space<semaphore_mem>>)
    %dma_start3A_21 = arith.constant 3 : i32
    %dma_start3A_22 = arith.constant 0 : i32
    %dma_start3A_23 = tpu.memref_slice %arg7[%dma_start3A_21, %dma_start3A_22] : memref<80x125xi32, #tpu.memory_space<vmem>> -> memref<1x125xi32, #tpu.memory_space<vmem>>
    %dma_start3A_24 = tpu.memref_squeeze %dma_start3A_23 : memref<1x125xi32, #tpu.memory_space<vmem>> -> memref<125xi32, #tpu.memory_space<vmem>>
    %dma_start3A_25 = arith.constant 0 : i32
    %dma_start3A_26 = arith.constant 0 : i32
    %dma_start3A_27 = tpu.memref_slice %arg2[%dma_start3A_25, %dma_start3A_26] : memref<10000x32xf32, #tpu.memory_space<hbm>> -> memref<10000x32xf32, #tpu.memory_space<hbm>>
    tpu.enqueue_indirect_dma source(%dma_start3A_27 : memref<10000x32xf32, #tpu.memory_space<hbm>>) target(%arg12 : memref<125x32xf32, #tpu.memory_space<vmem>>) offsets(%dma_start3A_24 : memref<125xi32, #tpu.memory_space<vmem>>) semaphore(%arg21 : memref<!tpu.dma_semaphore, #tpu.memory_space<semaphore_mem>>)
    %dma_start3A_28 = arith.constant 4 : i32
    %dma_start3A_29 = arith.constant 0 : i32
    %dma_start3A_30 = tpu.memref_slice %arg7[%dma_start3A_28, %dma_start3A_29] : memref<80x125xi32, #tpu.memory_space<vmem>> -> memref<1x125xi32, #tpu.memory_space<vmem>>
    %dma_start3A_31 = tpu.memref_squeeze %dma_start3A_30 : memref<1x125xi32, #tpu.memory_space<vmem>> -> memref<125xi32, #tpu.memory_space<vmem>>
    %dma_start3A_32 = arith.constant 0 : i32
    %dma_start3A_33 = arith.constant 0 : i32
    %dma_start3A_34 = tpu.memref_slice %arg2[%dma_start3A_32, %dma_start3A_33] : memref<10000x32xf32, #tpu.memory_space<hbm>> -> memref<10000x32xf32, #tpu.memory_space<hbm>>
    tpu.enqueue_indirect_dma source(%dma_start3A_34 : memref<10000x32xf32, #tpu.memory_space<hbm>>) target(%arg13 : memref<125x32xf32, #tpu.memory_space<vmem>>) offsets(%dma_start3A_31 : memref<125xi32, #tpu.memory_space<vmem>>) semaphore(%arg22 : memref<!tpu.dma_semaphore, #tpu.memory_space<semaphore_mem>>)
    %dma_start3A_35 = arith.constant 5 : i32
    %dma_start3A_36 = arith.constant 0 : i32
    %dma_start3A_37 = tpu.memref_slice %arg7[%dma_start3A_35, %dma_start3A_36] : memref<80x125xi32, #tpu.memory_space<vmem>> -> memref<1x125xi32, #tpu.memory_space<vmem>>
    %dma_start3A_38 = tpu.memref_squeeze %dma_start3A_37 : memref<1x125xi32, #tpu.memory_space<vmem>> -> memref<125xi32, #tpu.memory_space<vmem>>
    %dma_start3A_39 = arith.constant 0 : i32
    %dma_start3A_40 = arith.constant 0 : i32
    %dma_start3A_41 = tpu.memref_slice %arg2[%dma_start3A_39, %dma_start3A_40] : memref<10000x32xf32, #tpu.memory_space<hbm>> -> memref<10000x32xf32, #tpu.memory_space<hbm>>
    tpu.enqueue_indirect_dma source(%dma_start3A_41 : memref<10000x32xf32, #tpu.memory_space<hbm>>) target(%arg14 : memref<125x32xf32, #tpu.memory_space<vmem>>) offsets(%dma_start3A_38 : memref<125xi32, #tpu.memory_space<vmem>>) semaphore(%arg23 : memref<!tpu.dma_semaphore, #tpu.memory_space<semaphore_mem>>)
    %dma_start3A_42 = arith.constant 6 : i32
    %dma_start3A_43 = arith.constant 0 : i32
    %dma_start3A_44 = tpu.memref_slice %arg7[%dma_start3A_42, %dma_start3A_43] : memref<80x125xi32, #tpu.memory_space<vmem>> -> memref<1x125xi32, #tpu.memory_space<vmem>>
    %dma_start3A_45 = tpu.memref_squeeze %dma_start3A_44 : memref<1x125xi32, #tpu.memory_space<vmem>> -> memref<125xi32, #tpu.memory_space<vmem>>
    %dma_start3A_46 = arith.constant 0 : i32
    %dma_start3A_47 = arith.constant 0 : i32
    %dma_start3A_48 = tpu.memref_slice %arg2[%dma_start3A_46, %dma_start3A_47] : memref<10000x32xf32, #tpu.memory_space<hbm>> -> memref<10000x32xf32, #tpu.memory_space<hbm>>
    tpu.enqueue_indirect_dma source(%dma_start3A_48 : memref<10000x32xf32, #tpu.memory_space<hbm>>) target(%arg15 : memref<125x32xf32, #tpu.memory_space<vmem>>) offsets(%dma_start3A_45 : memref<125xi32, #tpu.memory_space<vmem>>) semaphore(%arg24 : memref<!tpu.dma_semaphore, #tpu.memory_space<semaphore_mem>>)
    %mul3A_49 = arith.constant 624 : i32
    %mul3A_50 = arith.muli %arg1, %mul3A_49 : i32
    %mul3A_51 = arith.constant 624 : i32
    %mul3A_52 = arith.muli %arg1, %mul3A_51 : i32
    "tpu.region"() ({
      %run_scoped3A = tpu.sem_alloc : memref<!tpu.dma_semaphore, #tpu.memory_space<semaphore_mem>>
      %dma_start3A_125 = arith.constant 0 : i32
      %dma_start3A_126 = tpu.memref_slice %arg17[%mul3A_52, %dma_start3A_125] : memref<10000x32xf32, #tpu.memory_space<vmem_shared>> -> memref<624x32xf32, #tpu.memory_space<vmem_shared>>
      %dma_start3A_127 = arith.constant 0 : i32
      %dma_start3A_128 = tpu.memref_slice %arg5[%mul3A_50, %dma_start3A_127] : memref<10000x32xf32, #tpu.memory_space<hbm>> -> memref<624x32xf32, #tpu.memory_space<hbm>>
      tpu.enqueue_dma source(%dma_start3A_128 : memref<624x32xf32, #tpu.memory_space<hbm>>) target(%dma_start3A_126 : memref<624x32xf32, #tpu.memory_space<vmem_shared>>) target_semaphore(%run_scoped3A : memref<!tpu.dma_semaphore, #tpu.memory_space<semaphore_mem>>)
      %dma_wait3A_129 = arith.constant 0 : i32
      %dma_wait3A_130 = tpu.memref_slice %arg17[%mul3A_52, %dma_wait3A_129] : memref<10000x32xf32, #tpu.memory_space<vmem_shared>> -> memref<624x32xf32, #tpu.memory_space<vmem_shared>>
      %dma_wait3A_131 = arith.constant 0 : i32
      %dma_wait3A_132 = tpu.memref_slice %arg5[%mul3A_50, %dma_wait3A_131] : memref<10000x32xf32, #tpu.memory_space<hbm>> -> memref<624x32xf32, #tpu.memory_space<hbm>>
      tpu.wait_dma2 semaphore(%run_scoped3A : memref<!tpu.dma_semaphore, #tpu.memory_space<semaphore_mem>>) src(%dma_wait3A_132 : memref<624x32xf32, #tpu.memory_space<hbm>>) dst(%dma_wait3A_130 : memref<624x32xf32, #tpu.memory_space<vmem_shared>>)
      tpu.yield
    }) : () -> ()
    %eq3A = arith.constant 15 : i32
    %eq3A_53 = arith.cmpi eq, %arg1, %eq3A : i32
    %convert_element_type3A = arith.extui %eq3A_53 : i1 to i32
    %cond3A = arith.constant 0 : i32
    %cond3A_54 = arith.cmpi ne, %convert_element_type3A, %cond3A : i32
    scf.if %cond3A_54 {
      "tpu.region"() ({
        %run_scoped3A = tpu.sem_alloc : memref<!tpu.dma_semaphore, #tpu.memory_space<semaphore_mem>>
        %dma_start3A_125 = arith.constant 9984 : i32
        %dma_start3A_126 = arith.constant 0 : i32
        %dma_start3A_127 = tpu.memref_slice %arg17[%dma_start3A_125, %dma_start3A_126] : memref<10000x32xf32, #tpu.memory_space<vmem_shared>> -> memref<16x32xf32, #tpu.memory_space<vmem_shared>>
        %dma_start3A_128 = arith.constant 9984 : i32
        %dma_start3A_129 = arith.constant 0 : i32
        %dma_start3A_130 = tpu.memref_slice %arg5[%dma_start3A_128, %dma_start3A_129] : memref<10000x32xf32, #tpu.memory_space<hbm>> -> memref<16x32xf32, #tpu.memory_space<hbm>>
        tpu.enqueue_dma source(%dma_start3A_130 : memref<16x32xf32, #tpu.memory_space<hbm>>) target(%dma_start3A_127 : memref<16x32xf32, #tpu.memory_space<vmem_shared>>) target_semaphore(%run_scoped3A : memref<!tpu.dma_semaphore, #tpu.memory_space<semaphore_mem>>)
        %dma_wait3A_131 = arith.constant 9984 : i32
        %dma_wait3A_132 = arith.constant 0 : i32
        %dma_wait3A_133 = tpu.memref_slice %arg17[%dma_wait3A_131, %dma_wait3A_132] : memref<10000x32xf32, #tpu.memory_space<vmem_shared>> -> memref<16x32xf32, #tpu.memory_space<vmem_shared>>
        %dma_wait3A_134 = arith.constant 9984 : i32
        %dma_wait3A_135 = arith.constant 0 : i32
        %dma_wait3A_136 = tpu.memref_slice %arg5[%dma_wait3A_134, %dma_wait3A_135] : memref<10000x32xf32, #tpu.memory_space<hbm>> -> memref<16x32xf32, #tpu.memory_space<hbm>>
        tpu.wait_dma2 semaphore(%run_scoped3A : memref<!tpu.dma_semaphore, #tpu.memory_space<semaphore_mem>>) src(%dma_wait3A_136 : memref<16x32xf32, #tpu.memory_space<hbm>>) dst(%dma_wait3A_133 : memref<16x32xf32, #tpu.memory_space<vmem_shared>>)
        tpu.yield
      }) : () -> ()
    } else {
    }
    %barrier3A = arith.constant 0 : index
    tpu.barrier barrier_id(%barrier3A)
    %scan3A = arith.constant 0 : i32
    %scan3A_55 = arith.constant 0 : i32
    %scan3A_56 = arith.constant 10 : i32
    %scan3A_57 = arith.addi %scan3A_55, %scan3A_56 : i32
    %scan3A_58 = arith.constant 1 : i32
    scf.for %scan3A_125 = %scan3A_55 to %scan3A_57 step %scan3A_58  : i32 {
      %mul3A_126 = arith.constant 8 : i32
      %mul3A_127 = arith.muli %scan3A_125, %mul3A_126 : i32
      %add3A_128 = arith.constant 0 : i32
      %add3A_129 = arith.addi %mul3A_127, %add3A_128 : i32
      %dma_wait3A_130 = arith.constant 0 : i32
      %dma_wait3A_131 = tpu.memref_slice %arg7[%add3A_129, %dma_wait3A_130] : memref<80x125xi32, #tpu.memory_space<vmem>> -> memref<1x125xi32, #tpu.memory_space<vmem>>
      %dma_wait3A_132 = tpu.memref_squeeze %dma_wait3A_131 : memref<1x125xi32, #tpu.memory_space<vmem>> -> memref<125xi32, #tpu.memory_space<vmem>>
      %dma_wait3A_133 = arith.constant 0 : i32
      %dma_wait3A_134 = arith.constant 0 : i32
      %dma_wait3A_135 = tpu.memref_slice %arg2[%dma_wait3A_133, %dma_wait3A_134] : memref<10000x32xf32, #tpu.memory_space<hbm>> -> memref<10000x32xf32, #tpu.memory_space<hbm>>
      tpu.wait_indirect_dma semaphore(%arg18 : memref<!tpu.dma_semaphore, #tpu.memory_space<semaphore_mem>>) src(%dma_wait3A_135 : memref<10000x32xf32, #tpu.memory_space<hbm>>) dst(%arg9 : memref<125x32xf32, #tpu.memory_space<vmem>>)
      %dma_start3A_136 = arith.constant 0 : i32
      %dma_start3A_137 = tpu.memref_slice %arg8[%add3A_129, %dma_start3A_136] : memref<80x125xi32, #tpu.memory_space<vmem>> -> memref<1x125xi32, #tpu.memory_space<vmem>>
      %dma_start3A_138 = tpu.memref_squeeze %dma_start3A_137 : memref<1x125xi32, #tpu.memory_space<vmem>> -> memref<125xi32, #tpu.memory_space<vmem>>
      %dma_start3A_139 = arith.constant 0 : i32
      %dma_start3A_140 = arith.constant 0 : i32
      %dma_start3A_141 = tpu.memref_slice %arg17[%dma_start3A_139, %dma_start3A_140] : memref<10000x32xf32, #tpu.memory_space<vmem_shared>> -> memref<10000x32xf32, #tpu.memory_space<vmem_shared>>
      tpu.enqueue_indirect_dma source(%arg9 : memref<125x32xf32, #tpu.memory_space<vmem>>) target(%dma_start3A_141 : memref<10000x32xf32, #tpu.memory_space<vmem_shared>>) offsets(%dma_start3A_138 : memref<125xi32, #tpu.memory_space<vmem>>) semaphore(%arg26 : memref<!tpu.dma_semaphore, #tpu.memory_space<semaphore_mem>>) {add = true}
      %add3A_142 = arith.constant 7 : i32
      %add3A_143 = arith.addi %add3A_129, %add3A_142 : i32
      %lt3A = arith.constant 80 : i32
      %lt3A_144 = arith.cmpi slt, %add3A_143, %lt3A : i32
      %convert_element_type3A_145 = arith.extui %lt3A_144 : i1 to i32
      %cond3A_146 = arith.constant 0 : i32
      %cond3A_147 = arith.cmpi ne, %convert_element_type3A_145, %cond3A_146 : i32
      scf.if %cond3A_147 {
        %sub3A = arith.constant 1 : i32
        %sub3A_309 = arith.subi %add3A_129, %sub3A : i32
        %ge3A = arith.constant 0 : i32
        %ge3A_310 = arith.cmpi sge, %sub3A_309, %ge3A : i32
        %convert_element_type3A_311 = arith.extui %ge3A_310 : i1 to i32
        %cond3A_312 = arith.constant 0 : i32
        %cond3A_313 = arith.cmpi ne, %convert_element_type3A_311, %cond3A_312 : i32
        scf.if %cond3A_313 {
          %sub3A_322 = arith.constant 1 : i32
          %sub3A_323 = arith.subi %add3A_129, %sub3A_322 : i32
          %dma_wait3A_324 = arith.constant 0 : i32
          %dma_wait3A_325 = tpu.memref_slice %arg8[%sub3A_323, %dma_wait3A_324] : memref<80x125xi32, #tpu.memory_space<vmem>> -> memref<1x125xi32, #tpu.memory_space<vmem>>
          %dma_wait3A_326 = tpu.memref_squeeze %dma_wait3A_325 : memref<1x125xi32, #tpu.memory_space<vmem>> -> memref<125xi32, #tpu.memory_space<vmem>>
          %dma_wait3A_327 = arith.constant 0 : i32
          %dma_wait3A_328 = arith.constant 0 : i32
          %dma_wait3A_329 = tpu.memref_slice %arg17[%dma_wait3A_327, %dma_wait3A_328] : memref<10000x32xf32, #tpu.memory_space<vmem_shared>> -> memref<10000x32xf32, #tpu.memory_space<vmem_shared>>
          tpu.wait_indirect_dma semaphore(%arg33 : memref<!tpu.dma_semaphore, #tpu.memory_space<semaphore_mem>>) src(%arg16 : memref<125x32xf32, #tpu.memory_space<vmem>>) dst(%dma_wait3A_329 : memref<10000x32xf32, #tpu.memory_space<vmem_shared>>)
        } else {
        }
        %add3A_314 = arith.constant 7 : i32
        %add3A_315 = arith.addi %add3A_129, %add3A_314 : i32
        %dma_start3A_316 = arith.constant 0 : i32
        %dma_start3A_317 = tpu.memref_slice %arg7[%add3A_315, %dma_start3A_316] : memref<80x125xi32, #tpu.memory_space<vmem>> -> memref<1x125xi32, #tpu.memory_space<vmem>>
        %dma_start3A_318 = tpu.memref_squeeze %dma_start3A_317 : memref<1x125xi32, #tpu.memory_space<vmem>> -> memref<125xi32, #tpu.memory_space<vmem>>
        %dma_start3A_319 = arith.constant 0 : i32
        %dma_start3A_320 = arith.constant 0 : i32
        %dma_start3A_321 = tpu.memref_slice %arg2[%dma_start3A_319, %dma_start3A_320] : memref<10000x32xf32, #tpu.memory_space<hbm>> -> memref<10000x32xf32, #tpu.memory_space<hbm>>
        tpu.enqueue_indirect_dma source(%dma_start3A_321 : memref<10000x32xf32, #tpu.memory_space<hbm>>) target(%arg16 : memref<125x32xf32, #tpu.memory_space<vmem>>) offsets(%dma_start3A_318 : memref<125xi32, #tpu.memory_space<vmem>>) semaphore(%arg25 : memref<!tpu.dma_semaphore, #tpu.memory_space<semaphore_mem>>)
      } else {
      }
      %mul3A_148 = arith.constant 8 : i32
      %mul3A_149 = arith.muli %scan3A_125, %mul3A_148 : i32
      %add3A_150 = arith.constant 1 : i32
      %add3A_151 = arith.addi %mul3A_149, %add3A_150 : i32
      %dma_wait3A_152 = arith.constant 0 : i32
      %dma_wait3A_153 = tpu.memref_slice %arg7[%add3A_151, %dma_wait3A_152] : memref<80x125xi32, #tpu.memory_space<vmem>> -> memref<1x125xi32, #tpu.memory_space<vmem>>
      %dma_wait3A_154 = tpu.memref_squeeze %dma_wait3A_153 : memref<1x125xi32, #tpu.memory_space<vmem>> -> memref<125xi32, #tpu.memory_space<vmem>>
      %dma_wait3A_155 = arith.constant 0 : i32
      %dma_wait3A_156 = arith.constant 0 : i32
      %dma_wait3A_157 = tpu.memref_slice %arg2[%dma_wait3A_155, %dma_wait3A_156] : memref<10000x32xf32, #tpu.memory_space<hbm>> -> memref<10000x32xf32, #tpu.memory_space<hbm>>
      tpu.wait_indirect_dma semaphore(%arg19 : memref<!tpu.dma_semaphore, #tpu.memory_space<semaphore_mem>>) src(%dma_wait3A_157 : memref<10000x32xf32, #tpu.memory_space<hbm>>) dst(%arg10 : memref<125x32xf32, #tpu.memory_space<vmem>>)
      %dma_start3A_158 = arith.constant 0 : i32
      %dma_start3A_159 = tpu.memref_slice %arg8[%add3A_151, %dma_start3A_158] : memref<80x125xi32, #tpu.memory_space<vmem>> -> memref<1x125xi32, #tpu.memory_space<vmem>>
      %dma_start3A_160 = tpu.memref_squeeze %dma_start3A_159 : memref<1x125xi32, #tpu.memory_space<vmem>> -> memref<125xi32, #tpu.memory_space<vmem>>
      %dma_start3A_161 = arith.constant 0 : i32
      %dma_start3A_162 = arith.constant 0 : i32
      %dma_start3A_163 = tpu.memref_slice %arg17[%dma_start3A_161, %dma_start3A_162] : memref<10000x32xf32, #tpu.memory_space<vmem_shared>> -> memref<10000x32xf32, #tpu.memory_space<vmem_shared>>
      tpu.enqueue_indirect_dma source(%arg10 : memref<125x32xf32, #tpu.memory_space<vmem>>) target(%dma_start3A_163 : memref<10000x32xf32, #tpu.memory_space<vmem_shared>>) offsets(%dma_start3A_160 : memref<125xi32, #tpu.memory_space<vmem>>) semaphore(%arg27 : memref<!tpu.dma_semaphore, #tpu.memory_space<semaphore_mem>>) {add = true}
      %add3A_164 = arith.constant 7 : i32
      %add3A_165 = arith.addi %add3A_151, %add3A_164 : i32
      %lt3A_166 = arith.constant 80 : i32
      %lt3A_167 = arith.cmpi slt, %add3A_165, %lt3A_166 : i32
      %convert_element_type3A_168 = arith.extui %lt3A_167 : i1 to i32
      %cond3A_169 = arith.constant 0 : i32
      %cond3A_170 = arith.cmpi ne, %convert_element_type3A_168, %cond3A_169 : i32
      scf.if %cond3A_170 {
        %sub3A = arith.constant 1 : i32
        %sub3A_309 = arith.subi %add3A_151, %sub3A : i32
        %ge3A = arith.constant 0 : i32
        %ge3A_310 = arith.cmpi sge, %sub3A_309, %ge3A : i32
        %convert_element_type3A_311 = arith.extui %ge3A_310 : i1 to i32
        %cond3A_312 = arith.constant 0 : i32
        %cond3A_313 = arith.cmpi ne, %convert_element_type3A_311, %cond3A_312 : i32
        scf.if %cond3A_313 {
          %sub3A_322 = arith.constant 1 : i32
          %sub3A_323 = arith.subi %add3A_151, %sub3A_322 : i32
          %dma_wait3A_324 = arith.constant 0 : i32
          %dma_wait3A_325 = tpu.memref_slice %arg8[%sub3A_323, %dma_wait3A_324] : memref<80x125xi32, #tpu.memory_space<vmem>> -> memref<1x125xi32, #tpu.memory_space<vmem>>
          %dma_wait3A_326 = tpu.memref_squeeze %dma_wait3A_325 : memref<1x125xi32, #tpu.memory_space<vmem>> -> memref<125xi32, #tpu.memory_space<vmem>>
          %dma_wait3A_327 = arith.constant 0 : i32
          %dma_wait3A_328 = arith.constant 0 : i32
          %dma_wait3A_329 = tpu.memref_slice %arg17[%dma_wait3A_327, %dma_wait3A_328] : memref<10000x32xf32, #tpu.memory_space<vmem_shared>> -> memref<10000x32xf32, #tpu.memory_space<vmem_shared>>
          tpu.wait_indirect_dma semaphore(%arg26 : memref<!tpu.dma_semaphore, #tpu.memory_space<semaphore_mem>>) src(%arg9 : memref<125x32xf32, #tpu.memory_space<vmem>>) dst(%dma_wait3A_329 : memref<10000x32xf32, #tpu.memory_space<vmem_shared>>)
        } else {
        }
        %add3A_314 = arith.constant 7 : i32
        %add3A_315 = arith.addi %add3A_151, %add3A_314 : i32
        %dma_start3A_316 = arith.constant 0 : i32
        %dma_start3A_317 = tpu.memref_slice %arg7[%add3A_315, %dma_start3A_316] : memref<80x125xi32, #tpu.memory_space<vmem>> -> memref<1x125xi32, #tpu.memory_space<vmem>>
        %dma_start3A_318 = tpu.memref_squeeze %dma_start3A_317 : memref<1x125xi32, #tpu.memory_space<vmem>> -> memref<125xi32, #tpu.memory_space<vmem>>
        %dma_start3A_319 = arith.constant 0 : i32
        %dma_start3A_320 = arith.constant 0 : i32
        %dma_start3A_321 = tpu.memref_slice %arg2[%dma_start3A_319, %dma_start3A_320] : memref<10000x32xf32, #tpu.memory_space<hbm>> -> memref<10000x32xf32, #tpu.memory_space<hbm>>
        tpu.enqueue_indirect_dma source(%dma_start3A_321 : memref<10000x32xf32, #tpu.memory_space<hbm>>) target(%arg9 : memref<125x32xf32, #tpu.memory_space<vmem>>) offsets(%dma_start3A_318 : memref<125xi32, #tpu.memory_space<vmem>>) semaphore(%arg18 : memref<!tpu.dma_semaphore, #tpu.memory_space<semaphore_mem>>)
      } else {
      }
      %mul3A_171 = arith.constant 8 : i32
      %mul3A_172 = arith.muli %scan3A_125, %mul3A_171 : i32
      %add3A_173 = arith.constant 2 : i32
      %add3A_174 = arith.addi %mul3A_172, %add3A_173 : i32
      %dma_wait3A_175 = arith.constant 0 : i32
      %dma_wait3A_176 = tpu.memref_slice %arg7[%add3A_174, %dma_wait3A_175] : memref<80x125xi32, #tpu.memory_space<vmem>> -> memref<1x125xi32, #tpu.memory_space<vmem>>
      %dma_wait3A_177 = tpu.memref_squeeze %dma_wait3A_176 : memref<1x125xi32, #tpu.memory_space<vmem>> -> memref<125xi32, #tpu.memory_space<vmem>>
      %dma_wait3A_178 = arith.constant 0 : i32
      %dma_wait3A_179 = arith.constant 0 : i32
      %dma_wait3A_180 = tpu.memref_slice %arg2[%dma_wait3A_178, %dma_wait3A_179] : memref<10000x32xf32, #tpu.memory_space<hbm>> -> memref<10000x32xf32, #tpu.memory_space<hbm>>
      tpu.wait_indirect_dma semaphore(%arg20 : memref<!tpu.dma_semaphore, #tpu.memory_space<semaphore_mem>>) src(%dma_wait3A_180 : memref<10000x32xf32, #tpu.memory_space<hbm>>) dst(%arg11 : memref<125x32xf32, #tpu.memory_space<vmem>>)
      %dma_start3A_181 = arith.constant 0 : i32
      %dma_start3A_182 = tpu.memref_slice %arg8[%add3A_174, %dma_start3A_181] : memref<80x125xi32, #tpu.memory_space<vmem>> -> memref<1x125xi32, #tpu.memory_space<vmem>>
      %dma_start3A_183 = tpu.memref_squeeze %dma_start3A_182 : memref<1x125xi32, #tpu.memory_space<vmem>> -> memref<125xi32, #tpu.memory_space<vmem>>
      %dma_start3A_184 = arith.constant 0 : i32
      %dma_start3A_185 = arith.constant 0 : i32
      %dma_start3A_186 = tpu.memref_slice %arg17[%dma_start3A_184, %dma_start3A_185] : memref<10000x32xf32, #tpu.memory_space<vmem_shared>> -> memref<10000x32xf32, #tpu.memory_space<vmem_shared>>
      tpu.enqueue_indirect_dma source(%arg11 : memref<125x32xf32, #tpu.memory_space<vmem>>) target(%dma_start3A_186 : memref<10000x32xf32, #tpu.memory_space<vmem_shared>>) offsets(%dma_start3A_183 : memref<125xi32, #tpu.memory_space<vmem>>) semaphore(%arg28 : memref<!tpu.dma_semaphore, #tpu.memory_space<semaphore_mem>>) {add = true}
      %add3A_187 = arith.constant 7 : i32
      %add3A_188 = arith.addi %add3A_174, %add3A_187 : i32
      %lt3A_189 = arith.constant 80 : i32
      %lt3A_190 = arith.cmpi slt, %add3A_188, %lt3A_189 : i32
      %convert_element_type3A_191 = arith.extui %lt3A_190 : i1 to i32
      %cond3A_192 = arith.constant 0 : i32
      %cond3A_193 = arith.cmpi ne, %convert_element_type3A_191, %cond3A_192 : i32
      scf.if %cond3A_193 {
        %sub3A = arith.constant 1 : i32
        %sub3A_309 = arith.subi %add3A_174, %sub3A : i32
        %ge3A = arith.constant 0 : i32
        %ge3A_310 = arith.cmpi sge, %sub3A_309, %ge3A : i32
        %convert_element_type3A_311 = arith.extui %ge3A_310 : i1 to i32
        %cond3A_312 = arith.constant 0 : i32
        %cond3A_313 = arith.cmpi ne, %convert_element_type3A_311, %cond3A_312 : i32
        scf.if %cond3A_313 {
          %sub3A_322 = arith.constant 1 : i32
          %sub3A_323 = arith.subi %add3A_174, %sub3A_322 : i32
          %dma_wait3A_324 = arith.constant 0 : i32
          %dma_wait3A_325 = tpu.memref_slice %arg8[%sub3A_323, %dma_wait3A_324] : memref<80x125xi32, #tpu.memory_space<vmem>> -> memref<1x125xi32, #tpu.memory_space<vmem>>
          %dma_wait3A_326 = tpu.memref_squeeze %dma_wait3A_325 : memref<1x125xi32, #tpu.memory_space<vmem>> -> memref<125xi32, #tpu.memory_space<vmem>>
          %dma_wait3A_327 = arith.constant 0 : i32
          %dma_wait3A_328 = arith.constant 0 : i32
          %dma_wait3A_329 = tpu.memref_slice %arg17[%dma_wait3A_327, %dma_wait3A_328] : memref<10000x32xf32, #tpu.memory_space<vmem_shared>> -> memref<10000x32xf32, #tpu.memory_space<vmem_shared>>
          tpu.wait_indirect_dma semaphore(%arg27 : memref<!tpu.dma_semaphore, #tpu.memory_space<semaphore_mem>>) src(%arg10 : memref<125x32xf32, #tpu.memory_space<vmem>>) dst(%dma_wait3A_329 : memref<10000x32xf32, #tpu.memory_space<vmem_shared>>)
        } else {
        }
        %add3A_314 = arith.constant 7 : i32
        %add3A_315 = arith.addi %add3A_174, %add3A_314 : i32
        %dma_start3A_316 = arith.constant 0 : i32
        %dma_start3A_317 = tpu.memref_slice %arg7[%add3A_315, %dma_start3A_316] : memref<80x125xi32, #tpu.memory_space<vmem>> -> memref<1x125xi32, #tpu.memory_space<vmem>>
        %dma_start3A_318 = tpu.memref_squeeze %dma_start3A_317 : memref<1x125xi32, #tpu.memory_space<vmem>> -> memref<125xi32, #tpu.memory_space<vmem>>
        %dma_start3A_319 = arith.constant 0 : i32
        %dma_start3A_320 = arith.constant 0 : i32
        %dma_start3A_321 = tpu.memref_slice %arg2[%dma_start3A_319, %dma_start3A_320] : memref<10000x32xf32, #tpu.memory_space<hbm>> -> memref<10000x32xf32, #tpu.memory_space<hbm>>
        tpu.enqueue_indirect_dma source(%dma_start3A_321 : memref<10000x32xf32, #tpu.memory_space<hbm>>) target(%arg10 : memref<125x32xf32, #tpu.memory_space<vmem>>) offsets(%dma_start3A_318 : memref<125xi32, #tpu.memory_space<vmem>>) semaphore(%arg19 : memref<!tpu.dma_semaphore, #tpu.memory_space<semaphore_mem>>)
      } else {
      }
      %mul3A_194 = arith.constant 8 : i32
      %mul3A_195 = arith.muli %scan3A_125, %mul3A_194 : i32
      %add3A_196 = arith.constant 3 : i32
      %add3A_197 = arith.addi %mul3A_195, %add3A_196 : i32
      %dma_wait3A_198 = arith.constant 0 : i32
      %dma_wait3A_199 = tpu.memref_slice %arg7[%add3A_197, %dma_wait3A_198] : memref<80x125xi32, #tpu.memory_space<vmem>> -> memref<1x125xi32, #tpu.memory_space<vmem>>
      %dma_wait3A_200 = tpu.memref_squeeze %dma_wait3A_199 : memref<1x125xi32, #tpu.memory_space<vmem>> -> memref<125xi32, #tpu.memory_space<vmem>>
      %dma_wait3A_201 = arith.constant 0 : i32
      %dma_wait3A_202 = arith.constant 0 : i32
      %dma_wait3A_203 = tpu.memref_slice %arg2[%dma_wait3A_201, %dma_wait3A_202] : memref<10000x32xf32, #tpu.memory_space<hbm>> -> memref<10000x32xf32, #tpu.memory_space<hbm>>
      tpu.wait_indirect_dma semaphore(%arg21 : memref<!tpu.dma_semaphore, #tpu.memory_space<semaphore_mem>>) src(%dma_wait3A_203 : memref<10000x32xf32, #tpu.memory_space<hbm>>) dst(%arg12 : memref<125x32xf32, #tpu.memory_space<vmem>>)
      %dma_start3A_204 = arith.constant 0 : i32
      %dma_start3A_205 = tpu.memref_slice %arg8[%add3A_197, %dma_start3A_204] : memref<80x125xi32, #tpu.memory_space<vmem>> -> memref<1x125xi32, #tpu.memory_space<vmem>>
      %dma_start3A_206 = tpu.memref_squeeze %dma_start3A_205 : memref<1x125xi32, #tpu.memory_space<vmem>> -> memref<125xi32, #tpu.memory_space<vmem>>
      %dma_start3A_207 = arith.constant 0 : i32
      %dma_start3A_208 = arith.constant 0 : i32
      %dma_start3A_209 = tpu.memref_slice %arg17[%dma_start3A_207, %dma_start3A_208] : memref<10000x32xf32, #tpu.memory_space<vmem_shared>> -> memref<10000x32xf32, #tpu.memory_space<vmem_shared>>
      tpu.enqueue_indirect_dma source(%arg12 : memref<125x32xf32, #tpu.memory_space<vmem>>) target(%dma_start3A_209 : memref<10000x32xf32, #tpu.memory_space<vmem_shared>>) offsets(%dma_start3A_206 : memref<125xi32, #tpu.memory_space<vmem>>) semaphore(%arg29 : memref<!tpu.dma_semaphore, #tpu.memory_space<semaphore_mem>>) {add = true}
      %add3A_210 = arith.constant 7 : i32
      %add3A_211 = arith.addi %add3A_197, %add3A_210 : i32
      %lt3A_212 = arith.constant 80 : i32
      %lt3A_213 = arith.cmpi slt, %add3A_211, %lt3A_212 : i32
      %convert_element_type3A_214 = arith.extui %lt3A_213 : i1 to i32
      %cond3A_215 = arith.constant 0 : i32
      %cond3A_216 = arith.cmpi ne, %convert_element_type3A_214, %cond3A_215 : i32
      scf.if %cond3A_216 {
        %sub3A = arith.constant 1 : i32
        %sub3A_309 = arith.subi %add3A_197, %sub3A : i32
        %ge3A = arith.constant 0 : i32
        %ge3A_310 = arith.cmpi sge, %sub3A_309, %ge3A : i32
        %convert_element_type3A_311 = arith.extui %ge3A_310 : i1 to i32
        %cond3A_312 = arith.constant 0 : i32
        %cond3A_313 = arith.cmpi ne, %convert_element_type3A_311, %cond3A_312 : i32
        scf.if %cond3A_313 {
          %sub3A_322 = arith.constant 1 : i32
          %sub3A_323 = arith.subi %add3A_197, %sub3A_322 : i32
          %dma_wait3A_324 = arith.constant 0 : i32
          %dma_wait3A_325 = tpu.memref_slice %arg8[%sub3A_323, %dma_wait3A_324] : memref<80x125xi32, #tpu.memory_space<vmem>> -> memref<1x125xi32, #tpu.memory_space<vmem>>
          %dma_wait3A_326 = tpu.memref_squeeze %dma_wait3A_325 : memref<1x125xi32, #tpu.memory_space<vmem>> -> memref<125xi32, #tpu.memory_space<vmem>>
          %dma_wait3A_327 = arith.constant 0 : i32
          %dma_wait3A_328 = arith.constant 0 : i32
          %dma_wait3A_329 = tpu.memref_slice %arg17[%dma_wait3A_327, %dma_wait3A_328] : memref<10000x32xf32, #tpu.memory_space<vmem_shared>> -> memref<10000x32xf32, #tpu.memory_space<vmem_shared>>
          tpu.wait_indirect_dma semaphore(%arg28 : memref<!tpu.dma_semaphore, #tpu.memory_space<semaphore_mem>>) src(%arg11 : memref<125x32xf32, #tpu.memory_space<vmem>>) dst(%dma_wait3A_329 : memref<10000x32xf32, #tpu.memory_space<vmem_shared>>)
        } else {
        }
        %add3A_314 = arith.constant 7 : i32
        %add3A_315 = arith.addi %add3A_197, %add3A_314 : i32
        %dma_start3A_316 = arith.constant 0 : i32
        %dma_start3A_317 = tpu.memref_slice %arg7[%add3A_315, %dma_start3A_316] : memref<80x125xi32, #tpu.memory_space<vmem>> -> memref<1x125xi32, #tpu.memory_space<vmem>>
        %dma_start3A_318 = tpu.memref_squeeze %dma_start3A_317 : memref<1x125xi32, #tpu.memory_space<vmem>> -> memref<125xi32, #tpu.memory_space<vmem>>
        %dma_start3A_319 = arith.constant 0 : i32
        %dma_start3A_320 = arith.constant 0 : i32
        %dma_start3A_321 = tpu.memref_slice %arg2[%dma_start3A_319, %dma_start3A_320] : memref<10000x32xf32, #tpu.memory_space<hbm>> -> memref<10000x32xf32, #tpu.memory_space<hbm>>
        tpu.enqueue_indirect_dma source(%dma_start3A_321 : memref<10000x32xf32, #tpu.memory_space<hbm>>) target(%arg11 : memref<125x32xf32, #tpu.memory_space<vmem>>) offsets(%dma_start3A_318 : memref<125xi32, #tpu.memory_space<vmem>>) semaphore(%arg20 : memref<!tpu.dma_semaphore, #tpu.memory_space<semaphore_mem>>)
      } else {
      }
      %mul3A_217 = arith.constant 8 : i32
      %mul3A_218 = arith.muli %scan3A_125, %mul3A_217 : i32
      %add3A_219 = arith.constant 4 : i32
      %add3A_220 = arith.addi %mul3A_218, %add3A_219 : i32
      %dma_wait3A_221 = arith.constant 0 : i32
      %dma_wait3A_222 = tpu.memref_slice %arg7[%add3A_220, %dma_wait3A_221] : memref<80x125xi32, #tpu.memory_space<vmem>> -> memref<1x125xi32, #tpu.memory_space<vmem>>
      %dma_wait3A_223 = tpu.memref_squeeze %dma_wait3A_222 : memref<1x125xi32, #tpu.memory_space<vmem>> -> memref<125xi32, #tpu.memory_space<vmem>>
      %dma_wait3A_224 = arith.constant 0 : i32
      %dma_wait3A_225 = arith.constant 0 : i32
      %dma_wait3A_226 = tpu.memref_slice %arg2[%dma_wait3A_224, %dma_wait3A_225] : memref<10000x32xf32, #tpu.memory_space<hbm>> -> memref<10000x32xf32, #tpu.memory_space<hbm>>
      tpu.wait_indirect_dma semaphore(%arg22 : memref<!tpu.dma_semaphore, #tpu.memory_space<semaphore_mem>>) src(%dma_wait3A_226 : memref<10000x32xf32, #tpu.memory_space<hbm>>) dst(%arg13 : memref<125x32xf32, #tpu.memory_space<vmem>>)
      %dma_start3A_227 = arith.constant 0 : i32
      %dma_start3A_228 = tpu.memref_slice %arg8[%add3A_220, %dma_start3A_227] : memref<80x125xi32, #tpu.memory_space<vmem>> -> memref<1x125xi32, #tpu.memory_space<vmem>>
      %dma_start3A_229 = tpu.memref_squeeze %dma_start3A_228 : memref<1x125xi32, #tpu.memory_space<vmem>> -> memref<125xi32, #tpu.memory_space<vmem>>
      %dma_start3A_230 = arith.constant 0 : i32
      %dma_start3A_231 = arith.constant 0 : i32
      %dma_start3A_232 = tpu.memref_slice %arg17[%dma_start3A_230, %dma_start3A_231] : memref<10000x32xf32, #tpu.memory_space<vmem_shared>> -> memref<10000x32xf32, #tpu.memory_space<vmem_shared>>
      tpu.enqueue_indirect_dma source(%arg13 : memref<125x32xf32, #tpu.memory_space<vmem>>) target(%dma_start3A_232 : memref<10000x32xf32, #tpu.memory_space<vmem_shared>>) offsets(%dma_start3A_229 : memref<125xi32, #tpu.memory_space<vmem>>) semaphore(%arg30 : memref<!tpu.dma_semaphore, #tpu.memory_space<semaphore_mem>>) {add = true}
      %add3A_233 = arith.constant 7 : i32
      %add3A_234 = arith.addi %add3A_220, %add3A_233 : i32
      %lt3A_235 = arith.constant 80 : i32
      %lt3A_236 = arith.cmpi slt, %add3A_234, %lt3A_235 : i32
      %convert_element_type3A_237 = arith.extui %lt3A_236 : i1 to i32
      %cond3A_238 = arith.constant 0 : i32
      %cond3A_239 = arith.cmpi ne, %convert_element_type3A_237, %cond3A_238 : i32
      scf.if %cond3A_239 {
        %sub3A = arith.constant 1 : i32
        %sub3A_309 = arith.subi %add3A_220, %sub3A : i32
        %ge3A = arith.constant 0 : i32
        %ge3A_310 = arith.cmpi sge, %sub3A_309, %ge3A : i32
        %convert_element_type3A_311 = arith.extui %ge3A_310 : i1 to i32
        %cond3A_312 = arith.constant 0 : i32
        %cond3A_313 = arith.cmpi ne, %convert_element_type3A_311, %cond3A_312 : i32
        scf.if %cond3A_313 {
          %sub3A_322 = arith.constant 1 : i32
          %sub3A_323 = arith.subi %add3A_220, %sub3A_322 : i32
          %dma_wait3A_324 = arith.constant 0 : i32
          %dma_wait3A_325 = tpu.memref_slice %arg8[%sub3A_323, %dma_wait3A_324] : memref<80x125xi32, #tpu.memory_space<vmem>> -> memref<1x125xi32, #tpu.memory_space<vmem>>
          %dma_wait3A_326 = tpu.memref_squeeze %dma_wait3A_325 : memref<1x125xi32, #tpu.memory_space<vmem>> -> memref<125xi32, #tpu.memory_space<vmem>>
          %dma_wait3A_327 = arith.constant 0 : i32
          %dma_wait3A_328 = arith.constant 0 : i32
          %dma_wait3A_329 = tpu.memref_slice %arg17[%dma_wait3A_327, %dma_wait3A_328] : memref<10000x32xf32, #tpu.memory_space<vmem_shared>> -> memref<10000x32xf32, #tpu.memory_space<vmem_shared>>
          tpu.wait_indirect_dma semaphore(%arg29 : memref<!tpu.dma_semaphore, #tpu.memory_space<semaphore_mem>>) src(%arg12 : memref<125x32xf32, #tpu.memory_space<vmem>>) dst(%dma_wait3A_329 : memref<10000x32xf32, #tpu.memory_space<vmem_shared>>)
        } else {
        }
        %add3A_314 = arith.constant 7 : i32
        %add3A_315 = arith.addi %add3A_220, %add3A_314 : i32
        %dma_start3A_316 = arith.constant 0 : i32
        %dma_start3A_317 = tpu.memref_slice %arg7[%add3A_315, %dma_start3A_316] : memref<80x125xi32, #tpu.memory_space<vmem>> -> memref<1x125xi32, #tpu.memory_space<vmem>>
        %dma_start3A_318 = tpu.memref_squeeze %dma_start3A_317 : memref<1x125xi32, #tpu.memory_space<vmem>> -> memref<125xi32, #tpu.memory_space<vmem>>
        %dma_start3A_319 = arith.constant 0 : i32
        %dma_start3A_320 = arith.constant 0 : i32
        %dma_start3A_321 = tpu.memref_slice %arg2[%dma_start3A_319, %dma_start3A_320] : memref<10000x32xf32, #tpu.memory_space<hbm>> -> memref<10000x32xf32, #tpu.memory_space<hbm>>
        tpu.enqueue_indirect_dma source(%dma_start3A_321 : memref<10000x32xf32, #tpu.memory_space<hbm>>) target(%arg12 : memref<125x32xf32, #tpu.memory_space<vmem>>) offsets(%dma_start3A_318 : memref<125xi32, #tpu.memory_space<vmem>>) semaphore(%arg21 : memref<!tpu.dma_semaphore, #tpu.memory_space<semaphore_mem>>)
      } else {
      }
      %mul3A_240 = arith.constant 8 : i32
      %mul3A_241 = arith.muli %scan3A_125, %mul3A_240 : i32
      %add3A_242 = arith.constant 5 : i32
      %add3A_243 = arith.addi %mul3A_241, %add3A_242 : i32
      %dma_wait3A_244 = arith.constant 0 : i32
      %dma_wait3A_245 = tpu.memref_slice %arg7[%add3A_243, %dma_wait3A_244] : memref<80x125xi32, #tpu.memory_space<vmem>> -> memref<1x125xi32, #tpu.memory_space<vmem>>
      %dma_wait3A_246 = tpu.memref_squeeze %dma_wait3A_245 : memref<1x125xi32, #tpu.memory_space<vmem>> -> memref<125xi32, #tpu.memory_space<vmem>>
      %dma_wait3A_247 = arith.constant 0 : i32
      %dma_wait3A_248 = arith.constant 0 : i32
      %dma_wait3A_249 = tpu.memref_slice %arg2[%dma_wait3A_247, %dma_wait3A_248] : memref<10000x32xf32, #tpu.memory_space<hbm>> -> memref<10000x32xf32, #tpu.memory_space<hbm>>
      tpu.wait_indirect_dma semaphore(%arg23 : memref<!tpu.dma_semaphore, #tpu.memory_space<semaphore_mem>>) src(%dma_wait3A_249 : memref<10000x32xf32, #tpu.memory_space<hbm>>) dst(%arg14 : memref<125x32xf32, #tpu.memory_space<vmem>>)
      %dma_start3A_250 = arith.constant 0 : i32
      %dma_start3A_251 = tpu.memref_slice %arg8[%add3A_243, %dma_start3A_250] : memref<80x125xi32, #tpu.memory_space<vmem>> -> memref<1x125xi32, #tpu.memory_space<vmem>>
      %dma_start3A_252 = tpu.memref_squeeze %dma_start3A_251 : memref<1x125xi32, #tpu.memory_space<vmem>> -> memref<125xi32, #tpu.memory_space<vmem>>
      %dma_start3A_253 = arith.constant 0 : i32
      %dma_start3A_254 = arith.constant 0 : i32
      %dma_start3A_255 = tpu.memref_slice %arg17[%dma_start3A_253, %dma_start3A_254] : memref<10000x32xf32, #tpu.memory_space<vmem_shared>> -> memref<10000x32xf32, #tpu.memory_space<vmem_shared>>
      tpu.enqueue_indirect_dma source(%arg14 : memref<125x32xf32, #tpu.memory_space<vmem>>) target(%dma_start3A_255 : memref<10000x32xf32, #tpu.memory_space<vmem_shared>>) offsets(%dma_start3A_252 : memref<125xi32, #tpu.memory_space<vmem>>) semaphore(%arg31 : memref<!tpu.dma_semaphore, #tpu.memory_space<semaphore_mem>>) {add = true}
      %add3A_256 = arith.constant 7 : i32
      %add3A_257 = arith.addi %add3A_243, %add3A_256 : i32
      %lt3A_258 = arith.constant 80 : i32
      %lt3A_259 = arith.cmpi slt, %add3A_257, %lt3A_258 : i32
      %convert_element_type3A_260 = arith.extui %lt3A_259 : i1 to i32
      %cond3A_261 = arith.constant 0 : i32
      %cond3A_262 = arith.cmpi ne, %convert_element_type3A_260, %cond3A_261 : i32
      scf.if %cond3A_262 {
        %sub3A = arith.constant 1 : i32
        %sub3A_309 = arith.subi %add3A_243, %sub3A : i32
        %ge3A = arith.constant 0 : i32
        %ge3A_310 = arith.cmpi sge, %sub3A_309, %ge3A : i32
        %convert_element_type3A_311 = arith.extui %ge3A_310 : i1 to i32
        %cond3A_312 = arith.constant 0 : i32
        %cond3A_313 = arith.cmpi ne, %convert_element_type3A_311, %cond3A_312 : i32
        scf.if %cond3A_313 {
          %sub3A_322 = arith.constant 1 : i32
          %sub3A_323 = arith.subi %add3A_243, %sub3A_322 : i32
          %dma_wait3A_324 = arith.constant 0 : i32
          %dma_wait3A_325 = tpu.memref_slice %arg8[%sub3A_323, %dma_wait3A_324] : memref<80x125xi32, #tpu.memory_space<vmem>> -> memref<1x125xi32, #tpu.memory_space<vmem>>
          %dma_wait3A_326 = tpu.memref_squeeze %dma_wait3A_325 : memref<1x125xi32, #tpu.memory_space<vmem>> -> memref<125xi32, #tpu.memory_space<vmem>>
          %dma_wait3A_327 = arith.constant 0 : i32
          %dma_wait3A_328 = arith.constant 0 : i32
          %dma_wait3A_329 = tpu.memref_slice %arg17[%dma_wait3A_327, %dma_wait3A_328] : memref<10000x32xf32, #tpu.memory_space<vmem_shared>> -> memref<10000x32xf32, #tpu.memory_space<vmem_shared>>
          tpu.wait_indirect_dma semaphore(%arg30 : memref<!tpu.dma_semaphore, #tpu.memory_space<semaphore_mem>>) src(%arg13 : memref<125x32xf32, #tpu.memory_space<vmem>>) dst(%dma_wait3A_329 : memref<10000x32xf32, #tpu.memory_space<vmem_shared>>)
        } else {
        }
        %add3A_314 = arith.constant 7 : i32
        %add3A_315 = arith.addi %add3A_243, %add3A_314 : i32
        %dma_start3A_316 = arith.constant 0 : i32
        %dma_start3A_317 = tpu.memref_slice %arg7[%add3A_315, %dma_start3A_316] : memref<80x125xi32, #tpu.memory_space<vmem>> -> memref<1x125xi32, #tpu.memory_space<vmem>>
        %dma_start3A_318 = tpu.memref_squeeze %dma_start3A_317 : memref<1x125xi32, #tpu.memory_space<vmem>> -> memref<125xi32, #tpu.memory_space<vmem>>
        %dma_start3A_319 = arith.constant 0 : i32
        %dma_start3A_320 = arith.constant 0 : i32
        %dma_start3A_321 = tpu.memref_slice %arg2[%dma_start3A_319, %dma_start3A_320] : memref<10000x32xf32, #tpu.memory_space<hbm>> -> memref<10000x32xf32, #tpu.memory_space<hbm>>
        tpu.enqueue_indirect_dma source(%dma_start3A_321 : memref<10000x32xf32, #tpu.memory_space<hbm>>) target(%arg13 : memref<125x32xf32, #tpu.memory_space<vmem>>) offsets(%dma_start3A_318 : memref<125xi32, #tpu.memory_space<vmem>>) semaphore(%arg22 : memref<!tpu.dma_semaphore, #tpu.memory_space<semaphore_mem>>)
      } else {
      }
      %mul3A_263 = arith.constant 8 : i32
      %mul3A_264 = arith.muli %scan3A_125, %mul3A_263 : i32
      %add3A_265 = arith.constant 6 : i32
      %add3A_266 = arith.addi %mul3A_264, %add3A_265 : i32
      %dma_wait3A_267 = arith.constant 0 : i32
      %dma_wait3A_268 = tpu.memref_slice %arg7[%add3A_266, %dma_wait3A_267] : memref<80x125xi32, #tpu.memory_space<vmem>> -> memref<1x125xi32, #tpu.memory_space<vmem>>
      %dma_wait3A_269 = tpu.memref_squeeze %dma_wait3A_268 : memref<1x125xi32, #tpu.memory_space<vmem>> -> memref<125xi32, #tpu.memory_space<vmem>>
      %dma_wait3A_270 = arith.constant 0 : i32
      %dma_wait3A_271 = arith.constant 0 : i32
      %dma_wait3A_272 = tpu.memref_slice %arg2[%dma_wait3A_270, %dma_wait3A_271] : memref<10000x32xf32, #tpu.memory_space<hbm>> -> memref<10000x32xf32, #tpu.memory_space<hbm>>
      tpu.wait_indirect_dma semaphore(%arg24 : memref<!tpu.dma_semaphore, #tpu.memory_space<semaphore_mem>>) src(%dma_wait3A_272 : memref<10000x32xf32, #tpu.memory_space<hbm>>) dst(%arg15 : memref<125x32xf32, #tpu.memory_space<vmem>>)
      %dma_start3A_273 = arith.constant 0 : i32
      %dma_start3A_274 = tpu.memref_slice %arg8[%add3A_266, %dma_start3A_273] : memref<80x125xi32, #tpu.memory_space<vmem>> -> memref<1x125xi32, #tpu.memory_space<vmem>>
      %dma_start3A_275 = tpu.memref_squeeze %dma_start3A_274 : memref<1x125xi32, #tpu.memory_space<vmem>> -> memref<125xi32, #tpu.memory_space<vmem>>
      %dma_start3A_276 = arith.constant 0 : i32
      %dma_start3A_277 = arith.constant 0 : i32
      %dma_start3A_278 = tpu.memref_slice %arg17[%dma_start3A_276, %dma_start3A_277] : memref<10000x32xf32, #tpu.memory_space<vmem_shared>> -> memref<10000x32xf32, #tpu.memory_space<vmem_shared>>
      tpu.enqueue_indirect_dma source(%arg15 : memref<125x32xf32, #tpu.memory_space<vmem>>) target(%dma_start3A_278 : memref<10000x32xf32, #tpu.memory_space<vmem_shared>>) offsets(%dma_start3A_275 : memref<125xi32, #tpu.memory_space<vmem>>) semaphore(%arg32 : memref<!tpu.dma_semaphore, #tpu.memory_space<semaphore_mem>>) {add = true}
      %add3A_279 = arith.constant 7 : i32
      %add3A_280 = arith.addi %add3A_266, %add3A_279 : i32
      %lt3A_281 = arith.constant 80 : i32
      %lt3A_282 = arith.cmpi slt, %add3A_280, %lt3A_281 : i32
      %convert_element_type3A_283 = arith.extui %lt3A_282 : i1 to i32
      %cond3A_284 = arith.constant 0 : i32
      %cond3A_285 = arith.cmpi ne, %convert_element_type3A_283, %cond3A_284 : i32
      scf.if %cond3A_285 {
        %sub3A = arith.constant 1 : i32
        %sub3A_309 = arith.subi %add3A_266, %sub3A : i32
        %ge3A = arith.constant 0 : i32
        %ge3A_310 = arith.cmpi sge, %sub3A_309, %ge3A : i32
        %convert_element_type3A_311 = arith.extui %ge3A_310 : i1 to i32
        %cond3A_312 = arith.constant 0 : i32
        %cond3A_313 = arith.cmpi ne, %convert_element_type3A_311, %cond3A_312 : i32
        scf.if %cond3A_313 {
          %sub3A_322 = arith.constant 1 : i32
          %sub3A_323 = arith.subi %add3A_266, %sub3A_322 : i32
          %dma_wait3A_324 = arith.constant 0 : i32
          %dma_wait3A_325 = tpu.memref_slice %arg8[%sub3A_323, %dma_wait3A_324] : memref<80x125xi32, #tpu.memory_space<vmem>> -> memref<1x125xi32, #tpu.memory_space<vmem>>
          %dma_wait3A_326 = tpu.memref_squeeze %dma_wait3A_325 : memref<1x125xi32, #tpu.memory_space<vmem>> -> memref<125xi32, #tpu.memory_space<vmem>>
          %dma_wait3A_327 = arith.constant 0 : i32
          %dma_wait3A_328 = arith.constant 0 : i32
          %dma_wait3A_329 = tpu.memref_slice %arg17[%dma_wait3A_327, %dma_wait3A_328] : memref<10000x32xf32, #tpu.memory_space<vmem_shared>> -> memref<10000x32xf32, #tpu.memory_space<vmem_shared>>
          tpu.wait_indirect_dma semaphore(%arg31 : memref<!tpu.dma_semaphore, #tpu.memory_space<semaphore_mem>>) src(%arg14 : memref<125x32xf32, #tpu.memory_space<vmem>>) dst(%dma_wait3A_329 : memref<10000x32xf32, #tpu.memory_space<vmem_shared>>)
        } else {
        }
        %add3A_314 = arith.constant 7 : i32
        %add3A_315 = arith.addi %add3A_266, %add3A_314 : i32
        %dma_start3A_316 = arith.constant 0 : i32
        %dma_start3A_317 = tpu.memref_slice %arg7[%add3A_315, %dma_start3A_316] : memref<80x125xi32, #tpu.memory_space<vmem>> -> memref<1x125xi32, #tpu.memory_space<vmem>>
        %dma_start3A_318 = tpu.memref_squeeze %dma_start3A_317 : memref<1x125xi32, #tpu.memory_space<vmem>> -> memref<125xi32, #tpu.memory_space<vmem>>
        %dma_start3A_319 = arith.constant 0 : i32
        %dma_start3A_320 = arith.constant 0 : i32
        %dma_start3A_321 = tpu.memref_slice %arg2[%dma_start3A_319, %dma_start3A_320] : memref<10000x32xf32, #tpu.memory_space<hbm>> -> memref<10000x32xf32, #tpu.memory_space<hbm>>
        tpu.enqueue_indirect_dma source(%dma_start3A_321 : memref<10000x32xf32, #tpu.memory_space<hbm>>) target(%arg14 : memref<125x32xf32, #tpu.memory_space<vmem>>) offsets(%dma_start3A_318 : memref<125xi32, #tpu.memory_space<vmem>>) semaphore(%arg23 : memref<!tpu.dma_semaphore, #tpu.memory_space<semaphore_mem>>)
      } else {
      }
      %mul3A_286 = arith.constant 8 : i32
      %mul3A_287 = arith.muli %scan3A_125, %mul3A_286 : i32
      %add3A_288 = arith.constant 7 : i32
      %add3A_289 = arith.addi %mul3A_287, %add3A_288 : i32
      %dma_wait3A_290 = arith.constant 0 : i32
      %dma_wait3A_291 = tpu.memref_slice %arg7[%add3A_289, %dma_wait3A_290] : memref<80x125xi32, #tpu.memory_space<vmem>> -> memref<1x125xi32, #tpu.memory_space<vmem>>
      %dma_wait3A_292 = tpu.memref_squeeze %dma_wait3A_291 : memref<1x125xi32, #tpu.memory_space<vmem>> -> memref<125xi32, #tpu.memory_space<vmem>>
      %dma_wait3A_293 = arith.constant 0 : i32
      %dma_wait3A_294 = arith.constant 0 : i32
      %dma_wait3A_295 = tpu.memref_slice %arg2[%dma_wait3A_293, %dma_wait3A_294] : memref<10000x32xf32, #tpu.memory_space<hbm>> -> memref<10000x32xf32, #tpu.memory_space<hbm>>
      tpu.wait_indirect_dma semaphore(%arg25 : memref<!tpu.dma_semaphore, #tpu.memory_space<semaphore_mem>>) src(%dma_wait3A_295 : memref<10000x32xf32, #tpu.memory_space<hbm>>) dst(%arg16 : memref<125x32xf32, #tpu.memory_space<vmem>>)
      %dma_start3A_296 = arith.constant 0 : i32
      %dma_start3A_297 = tpu.memref_slice %arg8[%add3A_289, %dma_start3A_296] : memref<80x125xi32, #tpu.memory_space<vmem>> -> memref<1x125xi32, #tpu.memory_space<vmem>>
      %dma_start3A_298 = tpu.memref_squeeze %dma_start3A_297 : memref<1x125xi32, #tpu.memory_space<vmem>> -> memref<125xi32, #tpu.memory_space<vmem>>
      %dma_start3A_299 = arith.constant 0 : i32
      %dma_start3A_300 = arith.constant 0 : i32
      %dma_start3A_301 = tpu.memref_slice %arg17[%dma_start3A_299, %dma_start3A_300] : memref<10000x32xf32, #tpu.memory_space<vmem_shared>> -> memref<10000x32xf32, #tpu.memory_space<vmem_shared>>
      tpu.enqueue_indirect_dma source(%arg16 : memref<125x32xf32, #tpu.memory_space<vmem>>) target(%dma_start3A_301 : memref<10000x32xf32, #tpu.memory_space<vmem_shared>>) offsets(%dma_start3A_298 : memref<125xi32, #tpu.memory_space<vmem>>) semaphore(%arg33 : memref<!tpu.dma_semaphore, #tpu.memory_space<semaphore_mem>>) {add = true}
      %add3A_302 = arith.constant 7 : i32
      %add3A_303 = arith.addi %add3A_289, %add3A_302 : i32
      %lt3A_304 = arith.constant 80 : i32
      %lt3A_305 = arith.cmpi slt, %add3A_303, %lt3A_304 : i32
      %convert_element_type3A_306 = arith.extui %lt3A_305 : i1 to i32
      %cond3A_307 = arith.constant 0 : i32
      %cond3A_308 = arith.cmpi ne, %convert_element_type3A_306, %cond3A_307 : i32
      scf.if %cond3A_308 {
        %sub3A = arith.constant 1 : i32
        %sub3A_309 = arith.subi %add3A_289, %sub3A : i32
        %ge3A = arith.constant 0 : i32
        %ge3A_310 = arith.cmpi sge, %sub3A_309, %ge3A : i32
        %convert_element_type3A_311 = arith.extui %ge3A_310 : i1 to i32
        %cond3A_312 = arith.constant 0 : i32
        %cond3A_313 = arith.cmpi ne, %convert_element_type3A_311, %cond3A_312 : i32
        scf.if %cond3A_313 {
          %sub3A_322 = arith.constant 1 : i32
          %sub3A_323 = arith.subi %add3A_289, %sub3A_322 : i32
          %dma_wait3A_324 = arith.constant 0 : i32
          %dma_wait3A_325 = tpu.memref_slice %arg8[%sub3A_323, %dma_wait3A_324] : memref<80x125xi32, #tpu.memory_space<vmem>> -> memref<1x125xi32, #tpu.memory_space<vmem>>
          %dma_wait3A_326 = tpu.memref_squeeze %dma_wait3A_325 : memref<1x125xi32, #tpu.memory_space<vmem>> -> memref<125xi32, #tpu.memory_space<vmem>>
          %dma_wait3A_327 = arith.constant 0 : i32
          %dma_wait3A_328 = arith.constant 0 : i32
          %dma_wait3A_329 = tpu.memref_slice %arg17[%dma_wait3A_327, %dma_wait3A_328] : memref<10000x32xf32, #tpu.memory_space<vmem_shared>> -> memref<10000x32xf32, #tpu.memory_space<vmem_shared>>
          tpu.wait_indirect_dma semaphore(%arg32 : memref<!tpu.dma_semaphore, #tpu.memory_space<semaphore_mem>>) src(%arg15 : memref<125x32xf32, #tpu.memory_space<vmem>>) dst(%dma_wait3A_329 : memref<10000x32xf32, #tpu.memory_space<vmem_shared>>)
        } else {
        }
        %add3A_314 = arith.constant 7 : i32
        %add3A_315 = arith.addi %add3A_289, %add3A_314 : i32
        %dma_start3A_316 = arith.constant 0 : i32
        %dma_start3A_317 = tpu.memref_slice %arg7[%add3A_315, %dma_start3A_316] : memref<80x125xi32, #tpu.memory_space<vmem>> -> memref<1x125xi32, #tpu.memory_space<vmem>>
        %dma_start3A_318 = tpu.memref_squeeze %dma_start3A_317 : memref<1x125xi32, #tpu.memory_space<vmem>> -> memref<125xi32, #tpu.memory_space<vmem>>
        %dma_start3A_319 = arith.constant 0 : i32
        %dma_start3A_320 = arith.constant 0 : i32
        %dma_start3A_321 = tpu.memref_slice %arg2[%dma_start3A_319, %dma_start3A_320] : memref<10000x32xf32, #tpu.memory_space<hbm>> -> memref<10000x32xf32, #tpu.memory_space<hbm>>
        tpu.enqueue_indirect_dma source(%dma_start3A_321 : memref<10000x32xf32, #tpu.memory_space<hbm>>) target(%arg15 : memref<125x32xf32, #tpu.memory_space<vmem>>) offsets(%dma_start3A_318 : memref<125xi32, #tpu.memory_space<vmem>>) semaphore(%arg24 : memref<!tpu.dma_semaphore, #tpu.memory_space<semaphore_mem>>)
      } else {
      }
    }
    %scan3A_59 = arith.constant 10 : i32
    %dma_wait3A = arith.constant 72 : i32
    %dma_wait3A_60 = arith.constant 0 : i32
    %dma_wait3A_61 = tpu.memref_slice %arg8[%dma_wait3A, %dma_wait3A_60] : memref<80x125xi32, #tpu.memory_space<vmem>> -> memref<1x125xi32, #tpu.memory_space<vmem>>
    %dma_wait3A_62 = tpu.memref_squeeze %dma_wait3A_61 : memref<1x125xi32, #tpu.memory_space<vmem>> -> memref<125xi32, #tpu.memory_space<vmem>>
    %dma_wait3A_63 = arith.constant 0 : i32
    %dma_wait3A_64 = arith.constant 0 : i32
    %dma_wait3A_65 = tpu.memref_slice %arg17[%dma_wait3A_63, %dma_wait3A_64] : memref<10000x32xf32, #tpu.memory_space<vmem_shared>> -> memref<10000x32xf32, #tpu.memory_space<vmem_shared>>
    tpu.wait_indirect_dma semaphore(%arg26 : memref<!tpu.dma_semaphore, #tpu.memory_space<semaphore_mem>>) src(%arg9 : memref<125x32xf32, #tpu.memory_space<vmem>>) dst(%dma_wait3A_65 : memref<10000x32xf32, #tpu.memory_space<vmem_shared>>)
    %dma_wait3A_66 = arith.constant 73 : i32
    %dma_wait3A_67 = arith.constant 0 : i32
    %dma_wait3A_68 = tpu.memref_slice %arg8[%dma_wait3A_66, %dma_wait3A_67] : memref<80x125xi32, #tpu.memory_space<vmem>> -> memref<1x125xi32, #tpu.memory_space<vmem>>
    %dma_wait3A_69 = tpu.memref_squeeze %dma_wait3A_68 : memref<1x125xi32, #tpu.memory_space<vmem>> -> memref<125xi32, #tpu.memory_space<vmem>>
    %dma_wait3A_70 = arith.constant 0 : i32
    %dma_wait3A_71 = arith.constant 0 : i32
    %dma_wait3A_72 = tpu.memref_slice %arg17[%dma_wait3A_70, %dma_wait3A_71] : memref<10000x32xf32, #tpu.memory_space<vmem_shared>> -> memref<10000x32xf32, #tpu.memory_space<vmem_shared>>
    tpu.wait_indirect_dma semaphore(%arg27 : memref<!tpu.dma_semaphore, #tpu.memory_space<semaphore_mem>>) src(%arg10 : memref<125x32xf32, #tpu.memory_space<vmem>>) dst(%dma_wait3A_72 : memref<10000x32xf32, #tpu.memory_space<vmem_shared>>)
    %dma_wait3A_73 = arith.constant 74 : i32
    %dma_wait3A_74 = arith.constant 0 : i32
    %dma_wait3A_75 = tpu.memref_slice %arg8[%dma_wait3A_73, %dma_wait3A_74] : memref<80x125xi32, #tpu.memory_space<vmem>> -> memref<1x125xi32, #tpu.memory_space<vmem>>
    %dma_wait3A_76 = tpu.memref_squeeze %dma_wait3A_75 : memref<1x125xi32, #tpu.memory_space<vmem>> -> memref<125xi32, #tpu.memory_space<vmem>>
    %dma_wait3A_77 = arith.constant 0 : i32
    %dma_wait3A_78 = arith.constant 0 : i32
    %dma_wait3A_79 = tpu.memref_slice %arg17[%dma_wait3A_77, %dma_wait3A_78] : memref<10000x32xf32, #tpu.memory_space<vmem_shared>> -> memref<10000x32xf32, #tpu.memory_space<vmem_shared>>
    tpu.wait_indirect_dma semaphore(%arg28 : memref<!tpu.dma_semaphore, #tpu.memory_space<semaphore_mem>>) src(%arg11 : memref<125x32xf32, #tpu.memory_space<vmem>>) dst(%dma_wait3A_79 : memref<10000x32xf32, #tpu.memory_space<vmem_shared>>)
    %dma_wait3A_80 = arith.constant 75 : i32
    %dma_wait3A_81 = arith.constant 0 : i32
    %dma_wait3A_82 = tpu.memref_slice %arg8[%dma_wait3A_80, %dma_wait3A_81] : memref<80x125xi32, #tpu.memory_space<vmem>> -> memref<1x125xi32, #tpu.memory_space<vmem>>
    %dma_wait3A_83 = tpu.memref_squeeze %dma_wait3A_82 : memref<1x125xi32, #tpu.memory_space<vmem>> -> memref<125xi32, #tpu.memory_space<vmem>>
    %dma_wait3A_84 = arith.constant 0 : i32
    %dma_wait3A_85 = arith.constant 0 : i32
    %dma_wait3A_86 = tpu.memref_slice %arg17[%dma_wait3A_84, %dma_wait3A_85] : memref<10000x32xf32, #tpu.memory_space<vmem_shared>> -> memref<10000x32xf32, #tpu.memory_space<vmem_shared>>
    tpu.wait_indirect_dma semaphore(%arg29 : memref<!tpu.dma_semaphore, #tpu.memory_space<semaphore_mem>>) src(%arg12 : memref<125x32xf32, #tpu.memory_space<vmem>>) dst(%dma_wait3A_86 : memref<10000x32xf32, #tpu.memory_space<vmem_shared>>)
    %dma_wait3A_87 = arith.constant 76 : i32
    %dma_wait3A_88 = arith.constant 0 : i32
    %dma_wait3A_89 = tpu.memref_slice %arg8[%dma_wait3A_87, %dma_wait3A_88] : memref<80x125xi32, #tpu.memory_space<vmem>> -> memref<1x125xi32, #tpu.memory_space<vmem>>
    %dma_wait3A_90 = tpu.memref_squeeze %dma_wait3A_89 : memref<1x125xi32, #tpu.memory_space<vmem>> -> memref<125xi32, #tpu.memory_space<vmem>>
    %dma_wait3A_91 = arith.constant 0 : i32
    %dma_wait3A_92 = arith.constant 0 : i32
    %dma_wait3A_93 = tpu.memref_slice %arg17[%dma_wait3A_91, %dma_wait3A_92] : memref<10000x32xf32, #tpu.memory_space<vmem_shared>> -> memref<10000x32xf32, #tpu.memory_space<vmem_shared>>
    tpu.wait_indirect_dma semaphore(%arg30 : memref<!tpu.dma_semaphore, #tpu.memory_space<semaphore_mem>>) src(%arg13 : memref<125x32xf32, #tpu.memory_space<vmem>>) dst(%dma_wait3A_93 : memref<10000x32xf32, #tpu.memory_space<vmem_shared>>)
    %dma_wait3A_94 = arith.constant 77 : i32
    %dma_wait3A_95 = arith.constant 0 : i32
    %dma_wait3A_96 = tpu.memref_slice %arg8[%dma_wait3A_94, %dma_wait3A_95] : memref<80x125xi32, #tpu.memory_space<vmem>> -> memref<1x125xi32, #tpu.memory_space<vmem>>
    %dma_wait3A_97 = tpu.memref_squeeze %dma_wait3A_96 : memref<1x125xi32, #tpu.memory_space<vmem>> -> memref<125xi32, #tpu.memory_space<vmem>>
    %dma_wait3A_98 = arith.constant 0 : i32
    %dma_wait3A_99 = arith.constant 0 : i32
    %dma_wait3A_100 = tpu.memref_slice %arg17[%dma_wait3A_98, %dma_wait3A_99] : memref<10000x32xf32, #tpu.memory_space<vmem_shared>> -> memref<10000x32xf32, #tpu.memory_space<vmem_shared>>
    tpu.wait_indirect_dma semaphore(%arg31 : memref<!tpu.dma_semaphore, #tpu.memory_space<semaphore_mem>>) src(%arg14 : memref<125x32xf32, #tpu.memory_space<vmem>>) dst(%dma_wait3A_100 : memref<10000x32xf32, #tpu.memory_space<vmem_shared>>)
    %dma_wait3A_101 = arith.constant 78 : i32
    %dma_wait3A_102 = arith.constant 0 : i32
    %dma_wait3A_103 = tpu.memref_slice %arg8[%dma_wait3A_101, %dma_wait3A_102] : memref<80x125xi32, #tpu.memory_space<vmem>> -> memref<1x125xi32, #tpu.memory_space<vmem>>
    %dma_wait3A_104 = tpu.memref_squeeze %dma_wait3A_103 : memref<1x125xi32, #tpu.memory_space<vmem>> -> memref<125xi32, #tpu.memory_space<vmem>>
    %dma_wait3A_105 = arith.constant 0 : i32
    %dma_wait3A_106 = arith.constant 0 : i32
    %dma_wait3A_107 = tpu.memref_slice %arg17[%dma_wait3A_105, %dma_wait3A_106] : memref<10000x32xf32, #tpu.memory_space<vmem_shared>> -> memref<10000x32xf32, #tpu.memory_space<vmem_shared>>
    tpu.wait_indirect_dma semaphore(%arg32 : memref<!tpu.dma_semaphore, #tpu.memory_space<semaphore_mem>>) src(%arg15 : memref<125x32xf32, #tpu.memory_space<vmem>>) dst(%dma_wait3A_107 : memref<10000x32xf32, #tpu.memory_space<vmem_shared>>)
    %dma_wait3A_108 = arith.constant 79 : i32
    %dma_wait3A_109 = arith.constant 0 : i32
    %dma_wait3A_110 = tpu.memref_slice %arg8[%dma_wait3A_108, %dma_wait3A_109] : memref<80x125xi32, #tpu.memory_space<vmem>> -> memref<1x125xi32, #tpu.memory_space<vmem>>
    %dma_wait3A_111 = tpu.memref_squeeze %dma_wait3A_110 : memref<1x125xi32, #tpu.memory_space<vmem>> -> memref<125xi32, #tpu.memory_space<vmem>>
    %dma_wait3A_112 = arith.constant 0 : i32
    %dma_wait3A_113 = arith.constant 0 : i32
    %dma_wait3A_114 = tpu.memref_slice %arg17[%dma_wait3A_112, %dma_wait3A_113] : memref<10000x32xf32, #tpu.memory_space<vmem_shared>> -> memref<10000x32xf32, #tpu.memory_space<vmem_shared>>
    tpu.wait_indirect_dma semaphore(%arg33 : memref<!tpu.dma_semaphore, #tpu.memory_space<semaphore_mem>>) src(%arg16 : memref<125x32xf32, #tpu.memory_space<vmem>>) dst(%dma_wait3A_114 : memref<10000x32xf32, #tpu.memory_space<vmem_shared>>)
    %barrier3A_115 = arith.constant 0 : index
    tpu.barrier barrier_id(%barrier3A_115)
    %mul3A_116 = arith.constant 624 : i32
    %mul3A_117 = arith.muli %arg1, %mul3A_116 : i32
    %mul3A_118 = arith.constant 624 : i32
    %mul3A_119 = arith.muli %arg1, %mul3A_118 : i32
    "tpu.region"() ({
      %run_scoped3A = tpu.sem_alloc : memref<!tpu.dma_semaphore, #tpu.memory_space<semaphore_mem>>
      %dma_start3A_125 = arith.constant 0 : i32
      %dma_start3A_126 = tpu.memref_slice %arg6[%arg0, %mul3A_119, %dma_start3A_125] : memref<2x10000x32xf32, #tpu.memory_space<hbm>> -> memref<1x624x32xf32, #tpu.memory_space<hbm>>
      %dma_start3A_127 = tpu.memref_squeeze %dma_start3A_126 : memref<1x624x32xf32, #tpu.memory_space<hbm>> -> memref<624x32xf32, #tpu.memory_space<hbm>>
      %dma_start3A_128 = arith.constant 0 : i32
      %dma_start3A_129 = tpu.memref_slice %arg17[%mul3A_117, %dma_start3A_128] : memref<10000x32xf32, #tpu.memory_space<vmem_shared>> -> memref<624x32xf32, #tpu.memory_space<vmem_shared>>
      tpu.enqueue_dma source(%dma_start3A_129 : memref<624x32xf32, #tpu.memory_space<vmem_shared>>) target(%dma_start3A_127 : memref<624x32xf32, #tpu.memory_space<hbm>>) target_semaphore(%run_scoped3A : memref<!tpu.dma_semaphore, #tpu.memory_space<semaphore_mem>>)
      %dma_wait3A_130 = arith.constant 0 : i32
      %dma_wait3A_131 = tpu.memref_slice %arg6[%arg0, %mul3A_119, %dma_wait3A_130] : memref<2x10000x32xf32, #tpu.memory_space<hbm>> -> memref<1x624x32xf32, #tpu.memory_space<hbm>>
      %dma_wait3A_132 = tpu.memref_squeeze %dma_wait3A_131 : memref<1x624x32xf32, #tpu.memory_space<hbm>> -> memref<624x32xf32, #tpu.memory_space<hbm>>
      %dma_wait3A_133 = arith.constant 0 : i32
      %dma_wait3A_134 = tpu.memref_slice %arg17[%mul3A_117, %dma_wait3A_133] : memref<10000x32xf32, #tpu.memory_space<vmem_shared>> -> memref<624x32xf32, #tpu.memory_space<vmem_shared>>
      tpu.wait_dma2 semaphore(%run_scoped3A : memref<!tpu.dma_semaphore, #tpu.memory_space<semaphore_mem>>) src(%dma_wait3A_134 : memref<624x32xf32, #tpu.memory_space<vmem_shared>>) dst(%dma_wait3A_132 : memref<624x32xf32, #tpu.memory_space<hbm>>)
      tpu.yield
    }) : () -> ()
    %eq3A_120 = arith.constant 15 : i32
    %eq3A_121 = arith.cmpi eq, %arg1, %eq3A_120 : i32
    %convert_element_type3A_122 = arith.extui %eq3A_121 : i1 to i32
    %cond3A_123 = arith.constant 0 : i32
    %cond3A_124 = arith.cmpi ne, %convert_element_type3A_122, %cond3A_123 : i32
    scf.if %cond3A_124 {
      "tpu.region"() ({
        %run_scoped3A = tpu.sem_alloc : memref<!tpu.dma_semaphore, #tpu.memory_space<semaphore_mem>>
        %dma_start3A_125 = arith.constant 9984 : i32
        %dma_start3A_126 = arith.constant 0 : i32
        %dma_start3A_127 = tpu.memref_slice %arg6[%arg0, %dma_start3A_125, %dma_start3A_126] : memref<2x10000x32xf32, #tpu.memory_space<hbm>> -> memref<1x16x32xf32, #tpu.memory_space<hbm>>
        %dma_start3A_128 = tpu.memref_squeeze %dma_start3A_127 : memref<1x16x32xf32, #tpu.memory_space<hbm>> -> memref<16x32xf32, #tpu.memory_space<hbm>>
        %dma_start3A_129 = arith.constant 9984 : i32
        %dma_start3A_130 = arith.constant 0 : i32
        %dma_start3A_131 = tpu.memref_slice %arg17[%dma_start3A_129, %dma_start3A_130] : memref<10000x32xf32, #tpu.memory_space<vmem_shared>> -> memref<16x32xf32, #tpu.memory_space<vmem_shared>>
        tpu.enqueue_dma source(%dma_start3A_131 : memref<16x32xf32, #tpu.memory_space<vmem_shared>>) target(%dma_start3A_128 : memref<16x32xf32, #tpu.memory_space<hbm>>) target_semaphore(%run_scoped3A : memref<!tpu.dma_semaphore, #tpu.memory_space<semaphore_mem>>)
        %dma_wait3A_132 = arith.constant 9984 : i32
        %dma_wait3A_133 = arith.constant 0 : i32
        %dma_wait3A_134 = tpu.memref_slice %arg6[%arg0, %dma_wait3A_132, %dma_wait3A_133] : memref<2x10000x32xf32, #tpu.memory_space<hbm>> -> memref<1x16x32xf32, #tpu.memory_space<hbm>>
        %dma_wait3A_135 = tpu.memref_squeeze %dma_wait3A_134 : memref<1x16x32xf32, #tpu.memory_space<hbm>> -> memref<16x32xf32, #tpu.memory_space<hbm>>
        %dma_wait3A_136 = arith.constant 9984 : i32
        %dma_wait3A_137 = arith.constant 0 : i32
        %dma_wait3A_138 = tpu.memref_slice %arg17[%dma_wait3A_136, %dma_wait3A_137] : memref<10000x32xf32, #tpu.memory_space<vmem_shared>> -> memref<16x32xf32, #tpu.memory_space<vmem_shared>>
        tpu.wait_dma2 semaphore(%run_scoped3A : memref<!tpu.dma_semaphore, #tpu.memory_space<semaphore_mem>>) src(%dma_wait3A_138 : memref<16x32xf32, #tpu.memory_space<vmem_shared>>) dst(%dma_wait3A_135 : memref<16x32xf32, #tpu.memory_space<hbm>>)
        tpu.yield
      }) : () -> ()
    } else {
    }
    return
  }
}

#map = affine_map<(d0, d1) -> (0, 0)>
#map1 = affine_map<(d0, d1) -> (0, 0, 0)>
module attributes {stable_mosaic.version = 14 : i64} {
  func.func @k(%arg0: i32, %arg1: i32, %arg2: memref<10000x64xf32, #tpu.memory_space<hbm>>, %arg3: memref<32x80x125xi32, #tpu.memory_space<hbm>>, %arg4: memref<32x80x125xi32, #tpu.memory_space<hbm>>, %arg5: memref<10000x64xf32, #tpu.memory_space<hbm>>, %arg6: memref<2x10000x64xf32, #tpu.memory_space<hbm>>, %arg7: memref<80x125xi32, #tpu.memory_space<vmem>>, %arg8: memref<80x125xi32, #tpu.memory_space<vmem>>, %arg9: memref<125x64xf32, #tpu.memory_space<vmem>>, %arg10: memref<125x64xf32, #tpu.memory_space<vmem>>, %arg11: memref<125x64xf32, #tpu.memory_space<vmem>>, %arg12: memref<125x64xf32, #tpu.memory_space<vmem>>, %arg13: memref<125x64xf32, #tpu.memory_space<vmem>>, %arg14: memref<125x64xf32, #tpu.memory_space<vmem>>, %arg15: memref<125x64xf32, #tpu.memory_space<vmem>>, %arg16: memref<125x64xf32, #tpu.memory_space<vmem>>, %arg17: memref<10000x64xf32, #tpu.memory_space<vmem_shared>>, %arg18: memref<!tpu.dma_semaphore, #tpu.memory_space<semaphore_mem>>, %arg19: memref<!tpu.dma_semaphore, #tpu.memory_space<semaphore_mem>>, %arg20: memref<!tpu.dma_semaphore, #tpu.memory_space<semaphore_mem>>, %arg21: memref<!tpu.dma_semaphore, #tpu.memory_space<semaphore_mem>>, %arg22: memref<!tpu.dma_semaphore, #tpu.memory_space<semaphore_mem>>, %arg23: memref<!tpu.dma_semaphore, #tpu.memory_space<semaphore_mem>>, %arg24: memref<!tpu.dma_semaphore, #tpu.memory_space<semaphore_mem>>, %arg25: memref<!tpu.dma_semaphore, #tpu.memory_space<semaphore_mem>>, %arg26: memref<!tpu.dma_semaphore, #tpu.memory_space<semaphore_mem>>, %arg27: memref<!tpu.dma_semaphore, #tpu.memory_space<semaphore_mem>>, %arg28: memref<!tpu.dma_semaphore, #tpu.memory_space<semaphore_mem>>, %arg29: memref<!tpu.dma_semaphore, #tpu.memory_space<semaphore_mem>>, %arg30: memref<!tpu.dma_semaphore, #tpu.memory_space<semaphore_mem>>, %arg31: memref<!tpu.dma_semaphore, #tpu.memory_space<semaphore_mem>>, %arg32: memref<!tpu.dma_semaphore, #tpu.memory_space<semaphore_mem>>, %arg33: memref<!tpu.dma_semaphore, #tpu.memory_space<semaphore_mem>>) attributes {dimension_semantics = [#tpu.dimension_semantics<core_parallel>, #tpu.dimension_semantics<subcore_parallel>], iteration_bounds = array<i64: 2, 16>, scalar_prefetch = 0 : i64, scratch_operands = 27 : i64, tpu.core_type = #tpu.core_type<sc_vector_subcore>, window_params = [{transform_indices = #map}, {transform_indices = #map1}, {transform_indices = #map1}, {transform_indices = #map}, {transform_indices = #map1}]} {
    %mul3A = arith.constant 16 : i32
    %mul3A_0 = arith.muli %arg0, %mul3A : i32
    %add3A = arith.addi %mul3A_0, %arg1 : i32
    "tpu.region"() ({
      %run_scoped3A = tpu.sem_alloc : memref<!tpu.dma_semaphore, #tpu.memory_space<semaphore_mem>>
      %dma_start3A_125 = arith.constant 0 : i32
      %dma_start3A_126 = arith.constant 0 : i32
      %dma_start3A_127 = tpu.memref_slice %arg3[%add3A, %dma_start3A_125, %dma_start3A_126] : memref<32x80x125xi32, #tpu.memory_space<hbm>> -> memref<1x80x125xi32, #tpu.memory_space<hbm>>
      %dma_start3A_128 = tpu.memref_squeeze %dma_start3A_127 : memref<1x80x125xi32, #tpu.memory_space<hbm>> -> memref<80x125xi32, #tpu.memory_space<hbm>>
      %dma_start3A_129 = arith.constant 0 : i32
      %dma_start3A_130 = arith.constant 0 : i32
      %dma_start3A_131 = tpu.memref_slice %arg3[%add3A, %dma_start3A_129, %dma_start3A_130] : memref<32x80x125xi32, #tpu.memory_space<hbm>> -> memref<1x80x125xi32, #tpu.memory_space<hbm>>
      %dma_start3A_132 = tpu.memref_squeeze %dma_start3A_131 : memref<1x80x125xi32, #tpu.memory_space<hbm>> -> memref<80x125xi32, #tpu.memory_space<hbm>>
      tpu.enqueue_dma source(%dma_start3A_132 : memref<80x125xi32, #tpu.memory_space<hbm>>) target(%arg7 : memref<80x125xi32, #tpu.memory_space<vmem>>) target_semaphore(%run_scoped3A : memref<!tpu.dma_semaphore, #tpu.memory_space<semaphore_mem>>)
      %dma_wait3A_133 = arith.constant 0 : i32
      %dma_wait3A_134 = arith.constant 0 : i32
      %dma_wait3A_135 = tpu.memref_slice %arg3[%add3A, %dma_wait3A_133, %dma_wait3A_134] : memref<32x80x125xi32, #tpu.memory_space<hbm>> -> memref<1x80x125xi32, #tpu.memory_space<hbm>>
      %dma_wait3A_136 = tpu.memref_squeeze %dma_wait3A_135 : memref<1x80x125xi32, #tpu.memory_space<hbm>> -> memref<80x125xi32, #tpu.memory_space<hbm>>
      %dma_wait3A_137 = arith.constant 0 : i32
      %dma_wait3A_138 = arith.constant 0 : i32
      %dma_wait3A_139 = tpu.memref_slice %arg3[%add3A, %dma_wait3A_137, %dma_wait3A_138] : memref<32x80x125xi32, #tpu.memory_space<hbm>> -> memref<1x80x125xi32, #tpu.memory_space<hbm>>
      %dma_wait3A_140 = tpu.memref_squeeze %dma_wait3A_139 : memref<1x80x125xi32, #tpu.memory_space<hbm>> -> memref<80x125xi32, #tpu.memory_space<hbm>>
      tpu.wait_dma2 semaphore(%run_scoped3A : memref<!tpu.dma_semaphore, #tpu.memory_space<semaphore_mem>>) src(%dma_wait3A_140 : memref<80x125xi32, #tpu.memory_space<hbm>>) dst(%arg7 : memref<80x125xi32, #tpu.memory_space<vmem>>)
      tpu.yield
    }) : () -> ()
    "tpu.region"() ({
      %run_scoped3A = tpu.sem_alloc : memref<!tpu.dma_semaphore, #tpu.memory_space<semaphore_mem>>
      %dma_start3A_125 = arith.constant 0 : i32
      %dma_start3A_126 = arith.constant 0 : i32
      %dma_start3A_127 = tpu.memref_slice %arg4[%add3A, %dma_start3A_125, %dma_start3A_126] : memref<32x80x125xi32, #tpu.memory_space<hbm>> -> memref<1x80x125xi32, #tpu.memory_space<hbm>>
      %dma_start3A_128 = tpu.memref_squeeze %dma_start3A_127 : memref<1x80x125xi32, #tpu.memory_space<hbm>> -> memref<80x125xi32, #tpu.memory_space<hbm>>
      %dma_start3A_129 = arith.constant 0 : i32
      %dma_start3A_130 = arith.constant 0 : i32
      %dma_start3A_131 = tpu.memref_slice %arg4[%add3A, %dma_start3A_129, %dma_start3A_130] : memref<32x80x125xi32, #tpu.memory_space<hbm>> -> memref<1x80x125xi32, #tpu.memory_space<hbm>>
      %dma_start3A_132 = tpu.memref_squeeze %dma_start3A_131 : memref<1x80x125xi32, #tpu.memory_space<hbm>> -> memref<80x125xi32, #tpu.memory_space<hbm>>
      tpu.enqueue_dma source(%dma_start3A_132 : memref<80x125xi32, #tpu.memory_space<hbm>>) target(%arg8 : memref<80x125xi32, #tpu.memory_space<vmem>>) target_semaphore(%run_scoped3A : memref<!tpu.dma_semaphore, #tpu.memory_space<semaphore_mem>>)
      %dma_wait3A_133 = arith.constant 0 : i32
      %dma_wait3A_134 = arith.constant 0 : i32
      %dma_wait3A_135 = tpu.memref_slice %arg4[%add3A, %dma_wait3A_133, %dma_wait3A_134] : memref<32x80x125xi32, #tpu.memory_space<hbm>> -> memref<1x80x125xi32, #tpu.memory_space<hbm>>
      %dma_wait3A_136 = tpu.memref_squeeze %dma_wait3A_135 : memref<1x80x125xi32, #tpu.memory_space<hbm>> -> memref<80x125xi32, #tpu.memory_space<hbm>>
      %dma_wait3A_137 = arith.constant 0 : i32
      %dma_wait3A_138 = arith.constant 0 : i32
      %dma_wait3A_139 = tpu.memref_slice %arg4[%add3A, %dma_wait3A_137, %dma_wait3A_138] : memref<32x80x125xi32, #tpu.memory_space<hbm>> -> memref<1x80x125xi32, #tpu.memory_space<hbm>>
      %dma_wait3A_140 = tpu.memref_squeeze %dma_wait3A_139 : memref<1x80x125xi32, #tpu.memory_space<hbm>> -> memref<80x125xi32, #tpu.memory_space<hbm>>
      tpu.wait_dma2 semaphore(%run_scoped3A : memref<!tpu.dma_semaphore, #tpu.memory_space<semaphore_mem>>) src(%dma_wait3A_140 : memref<80x125xi32, #tpu.memory_space<hbm>>) dst(%arg8 : memref<80x125xi32, #tpu.memory_space<vmem>>)
      tpu.yield
    }) : () -> ()
    %dma_start3A = arith.constant 0 : i32
    %dma_start3A_1 = arith.constant 0 : i32
    %dma_start3A_2 = tpu.memref_slice %arg7[%dma_start3A, %dma_start3A_1] : memref<80x125xi32, #tpu.memory_space<vmem>> -> memref<1x125xi32, #tpu.memory_space<vmem>>
    %dma_start3A_3 = tpu.memref_squeeze %dma_start3A_2 : memref<1x125xi32, #tpu.memory_space<vmem>> -> memref<125xi32, #tpu.memory_space<vmem>>
    %dma_start3A_4 = arith.constant 0 : i32
    %dma_start3A_5 = arith.constant 0 : i32
    %dma_start3A_6 = tpu.memref_slice %arg2[%dma_start3A_4, %dma_start3A_5] : memref<10000x64xf32, #tpu.memory_space<hbm>> -> memref<10000x64xf32, #tpu.memory_space<hbm>>
    tpu.enqueue_indirect_dma source(%dma_start3A_6 : memref<10000x64xf32, #tpu.memory_space<hbm>>) target(%arg9 : memref<125x64xf32, #tpu.memory_space<vmem>>) offsets(%dma_start3A_3 : memref<125xi32, #tpu.memory_space<vmem>>) semaphore(%arg18 : memref<!tpu.dma_semaphore, #tpu.memory_space<semaphore_mem>>)
    %dma_start3A_7 = arith.constant 1 : i32
    %dma_start3A_8 = arith.constant 0 : i32
    %dma_start3A_9 = tpu.memref_slice %arg7[%dma_start3A_7, %dma_start3A_8] : memref<80x125xi32, #tpu.memory_space<vmem>> -> memref<1x125xi32, #tpu.memory_space<vmem>>
    %dma_start3A_10 = tpu.memref_squeeze %dma_start3A_9 : memref<1x125xi32, #tpu.memory_space<vmem>> -> memref<125xi32, #tpu.memory_space<vmem>>
    %dma_start3A_11 = arith.constant 0 : i32
    %dma_start3A_12 = arith.constant 0 : i32
    %dma_start3A_13 = tpu.memref_slice %arg2[%dma_start3A_11, %dma_start3A_12] : memref<10000x64xf32, #tpu.memory_space<hbm>> -> memref<10000x64xf32, #tpu.memory_space<hbm>>
    tpu.enqueue_indirect_dma source(%dma_start3A_13 : memref<10000x64xf32, #tpu.memory_space<hbm>>) target(%arg10 : memref<125x64xf32, #tpu.memory_space<vmem>>) offsets(%dma_start3A_10 : memref<125xi32, #tpu.memory_space<vmem>>) semaphore(%arg19 : memref<!tpu.dma_semaphore, #tpu.memory_space<semaphore_mem>>)
    %dma_start3A_14 = arith.constant 2 : i32
    %dma_start3A_15 = arith.constant 0 : i32
    %dma_start3A_16 = tpu.memref_slice %arg7[%dma_start3A_14, %dma_start3A_15] : memref<80x125xi32, #tpu.memory_space<vmem>> -> memref<1x125xi32, #tpu.memory_space<vmem>>
    %dma_start3A_17 = tpu.memref_squeeze %dma_start3A_16 : memref<1x125xi32, #tpu.memory_space<vmem>> -> memref<125xi32, #tpu.memory_space<vmem>>
    %dma_start3A_18 = arith.constant 0 : i32
    %dma_start3A_19 = arith.constant 0 : i32
    %dma_start3A_20 = tpu.memref_slice %arg2[%dma_start3A_18, %dma_start3A_19] : memref<10000x64xf32, #tpu.memory_space<hbm>> -> memref<10000x64xf32, #tpu.memory_space<hbm>>
    tpu.enqueue_indirect_dma source(%dma_start3A_20 : memref<10000x64xf32, #tpu.memory_space<hbm>>) target(%arg11 : memref<125x64xf32, #tpu.memory_space<vmem>>) offsets(%dma_start3A_17 : memref<125xi32, #tpu.memory_space<vmem>>) semaphore(%arg20 : memref<!tpu.dma_semaphore, #tpu.memory_space<semaphore_mem>>)
    %dma_start3A_21 = arith.constant 3 : i32
    %dma_start3A_22 = arith.constant 0 : i32
    %dma_start3A_23 = tpu.memref_slice %arg7[%dma_start3A_21, %dma_start3A_22] : memref<80x125xi32, #tpu.memory_space<vmem>> -> memref<1x125xi32, #tpu.memory_space<vmem>>
    %dma_start3A_24 = tpu.memref_squeeze %dma_start3A_23 : memref<1x125xi32, #tpu.memory_space<vmem>> -> memref<125xi32, #tpu.memory_space<vmem>>
    %dma_start3A_25 = arith.constant 0 : i32
    %dma_start3A_26 = arith.constant 0 : i32
    %dma_start3A_27 = tpu.memref_slice %arg2[%dma_start3A_25, %dma_start3A_26] : memref<10000x64xf32, #tpu.memory_space<hbm>> -> memref<10000x64xf32, #tpu.memory_space<hbm>>
    tpu.enqueue_indirect_dma source(%dma_start3A_27 : memref<10000x64xf32, #tpu.memory_space<hbm>>) target(%arg12 : memref<125x64xf32, #tpu.memory_space<vmem>>) offsets(%dma_start3A_24 : memref<125xi32, #tpu.memory_space<vmem>>) semaphore(%arg21 : memref<!tpu.dma_semaphore, #tpu.memory_space<semaphore_mem>>)
    %dma_start3A_28 = arith.constant 4 : i32
    %dma_start3A_29 = arith.constant 0 : i32
    %dma_start3A_30 = tpu.memref_slice %arg7[%dma_start3A_28, %dma_start3A_29] : memref<80x125xi32, #tpu.memory_space<vmem>> -> memref<1x125xi32, #tpu.memory_space<vmem>>
    %dma_start3A_31 = tpu.memref_squeeze %dma_start3A_30 : memref<1x125xi32, #tpu.memory_space<vmem>> -> memref<125xi32, #tpu.memory_space<vmem>>
    %dma_start3A_32 = arith.constant 0 : i32
    %dma_start3A_33 = arith.constant 0 : i32
    %dma_start3A_34 = tpu.memref_slice %arg2[%dma_start3A_32, %dma_start3A_33] : memref<10000x64xf32, #tpu.memory_space<hbm>> -> memref<10000x64xf32, #tpu.memory_space<hbm>>
    tpu.enqueue_indirect_dma source(%dma_start3A_34 : memref<10000x64xf32, #tpu.memory_space<hbm>>) target(%arg13 : memref<125x64xf32, #tpu.memory_space<vmem>>) offsets(%dma_start3A_31 : memref<125xi32, #tpu.memory_space<vmem>>) semaphore(%arg22 : memref<!tpu.dma_semaphore, #tpu.memory_space<semaphore_mem>>)
    %dma_start3A_35 = arith.constant 5 : i32
    %dma_start3A_36 = arith.constant 0 : i32
    %dma_start3A_37 = tpu.memref_slice %arg7[%dma_start3A_35, %dma_start3A_36] : memref<80x125xi32, #tpu.memory_space<vmem>> -> memref<1x125xi32, #tpu.memory_space<vmem>>
    %dma_start3A_38 = tpu.memref_squeeze %dma_start3A_37 : memref<1x125xi32, #tpu.memory_space<vmem>> -> memref<125xi32, #tpu.memory_space<vmem>>
    %dma_start3A_39 = arith.constant 0 : i32
    %dma_start3A_40 = arith.constant 0 : i32
    %dma_start3A_41 = tpu.memref_slice %arg2[%dma_start3A_39, %dma_start3A_40] : memref<10000x64xf32, #tpu.memory_space<hbm>> -> memref<10000x64xf32, #tpu.memory_space<hbm>>
    tpu.enqueue_indirect_dma source(%dma_start3A_41 : memref<10000x64xf32, #tpu.memory_space<hbm>>) target(%arg14 : memref<125x64xf32, #tpu.memory_space<vmem>>) offsets(%dma_start3A_38 : memref<125xi32, #tpu.memory_space<vmem>>) semaphore(%arg23 : memref<!tpu.dma_semaphore, #tpu.memory_space<semaphore_mem>>)
    %dma_start3A_42 = arith.constant 6 : i32
    %dma_start3A_43 = arith.constant 0 : i32
    %dma_start3A_44 = tpu.memref_slice %arg7[%dma_start3A_42, %dma_start3A_43] : memref<80x125xi32, #tpu.memory_space<vmem>> -> memref<1x125xi32, #tpu.memory_space<vmem>>
    %dma_start3A_45 = tpu.memref_squeeze %dma_start3A_44 : memref<1x125xi32, #tpu.memory_space<vmem>> -> memref<125xi32, #tpu.memory_space<vmem>>
    %dma_start3A_46 = arith.constant 0 : i32
    %dma_start3A_47 = arith.constant 0 : i32
    %dma_start3A_48 = tpu.memref_slice %arg2[%dma_start3A_46, %dma_start3A_47] : memref<10000x64xf32, #tpu.memory_space<hbm>> -> memref<10000x64xf32, #tpu.memory_space<hbm>>
    tpu.enqueue_indirect_dma source(%dma_start3A_48 : memref<10000x64xf32, #tpu.memory_space<hbm>>) target(%arg15 : memref<125x64xf32, #tpu.memory_space<vmem>>) offsets(%dma_start3A_45 : memref<125xi32, #tpu.memory_space<vmem>>) semaphore(%arg24 : memref<!tpu.dma_semaphore, #tpu.memory_space<semaphore_mem>>)
    %mul3A_49 = arith.constant 624 : i32
    %mul3A_50 = arith.muli %arg1, %mul3A_49 : i32
    %mul3A_51 = arith.constant 624 : i32
    %mul3A_52 = arith.muli %arg1, %mul3A_51 : i32
    "tpu.region"() ({
      %run_scoped3A = tpu.sem_alloc : memref<!tpu.dma_semaphore, #tpu.memory_space<semaphore_mem>>
      %dma_start3A_125 = arith.constant 0 : i32
      %dma_start3A_126 = tpu.memref_slice %arg17[%mul3A_52, %dma_start3A_125] : memref<10000x64xf32, #tpu.memory_space<vmem_shared>> -> memref<624x64xf32, #tpu.memory_space<vmem_shared>>
      %dma_start3A_127 = arith.constant 0 : i32
      %dma_start3A_128 = tpu.memref_slice %arg5[%mul3A_50, %dma_start3A_127] : memref<10000x64xf32, #tpu.memory_space<hbm>> -> memref<624x64xf32, #tpu.memory_space<hbm>>
      tpu.enqueue_dma source(%dma_start3A_128 : memref<624x64xf32, #tpu.memory_space<hbm>>) target(%dma_start3A_126 : memref<624x64xf32, #tpu.memory_space<vmem_shared>>) target_semaphore(%run_scoped3A : memref<!tpu.dma_semaphore, #tpu.memory_space<semaphore_mem>>)
      %dma_wait3A_129 = arith.constant 0 : i32
      %dma_wait3A_130 = tpu.memref_slice %arg17[%mul3A_52, %dma_wait3A_129] : memref<10000x64xf32, #tpu.memory_space<vmem_shared>> -> memref<624x64xf32, #tpu.memory_space<vmem_shared>>
      %dma_wait3A_131 = arith.constant 0 : i32
      %dma_wait3A_132 = tpu.memref_slice %arg5[%mul3A_50, %dma_wait3A_131] : memref<10000x64xf32, #tpu.memory_space<hbm>> -> memref<624x64xf32, #tpu.memory_space<hbm>>
      tpu.wait_dma2 semaphore(%run_scoped3A : memref<!tpu.dma_semaphore, #tpu.memory_space<semaphore_mem>>) src(%dma_wait3A_132 : memref<624x64xf32, #tpu.memory_space<hbm>>) dst(%dma_wait3A_130 : memref<624x64xf32, #tpu.memory_space<vmem_shared>>)
      tpu.yield
    }) : () -> ()
    %eq3A = arith.constant 15 : i32
    %eq3A_53 = arith.cmpi eq, %arg1, %eq3A : i32
    %convert_element_type3A = arith.extui %eq3A_53 : i1 to i32
    %cond3A = arith.constant 0 : i32
    %cond3A_54 = arith.cmpi ne, %convert_element_type3A, %cond3A : i32
    scf.if %cond3A_54 {
      "tpu.region"() ({
        %run_scoped3A = tpu.sem_alloc : memref<!tpu.dma_semaphore, #tpu.memory_space<semaphore_mem>>
        %dma_start3A_125 = arith.constant 9984 : i32
        %dma_start3A_126 = arith.constant 0 : i32
        %dma_start3A_127 = tpu.memref_slice %arg17[%dma_start3A_125, %dma_start3A_126] : memref<10000x64xf32, #tpu.memory_space<vmem_shared>> -> memref<16x64xf32, #tpu.memory_space<vmem_shared>>
        %dma_start3A_128 = arith.constant 9984 : i32
        %dma_start3A_129 = arith.constant 0 : i32
        %dma_start3A_130 = tpu.memref_slice %arg5[%dma_start3A_128, %dma_start3A_129] : memref<10000x64xf32, #tpu.memory_space<hbm>> -> memref<16x64xf32, #tpu.memory_space<hbm>>
        tpu.enqueue_dma source(%dma_start3A_130 : memref<16x64xf32, #tpu.memory_space<hbm>>) target(%dma_start3A_127 : memref<16x64xf32, #tpu.memory_space<vmem_shared>>) target_semaphore(%run_scoped3A : memref<!tpu.dma_semaphore, #tpu.memory_space<semaphore_mem>>)
        %dma_wait3A_131 = arith.constant 9984 : i32
        %dma_wait3A_132 = arith.constant 0 : i32
        %dma_wait3A_133 = tpu.memref_slice %arg17[%dma_wait3A_131, %dma_wait3A_132] : memref<10000x64xf32, #tpu.memory_space<vmem_shared>> -> memref<16x64xf32, #tpu.memory_space<vmem_shared>>
        %dma_wait3A_134 = arith.constant 9984 : i32
        %dma_wait3A_135 = arith.constant 0 : i32
        %dma_wait3A_136 = tpu.memref_slice %arg5[%dma_wait3A_134, %dma_wait3A_135] : memref<10000x64xf32, #tpu.memory_space<hbm>> -> memref<16x64xf32, #tpu.memory_space<hbm>>
        tpu.wait_dma2 semaphore(%run_scoped3A : memref<!tpu.dma_semaphore, #tpu.memory_space<semaphore_mem>>) src(%dma_wait3A_136 : memref<16x64xf32, #tpu.memory_space<hbm>>) dst(%dma_wait3A_133 : memref<16x64xf32, #tpu.memory_space<vmem_shared>>)
        tpu.yield
      }) : () -> ()
    } else {
    }
    %barrier3A = arith.constant 0 : index
    tpu.barrier barrier_id(%barrier3A)
    %scan3A = arith.constant 0 : i32
    %scan3A_55 = arith.constant 0 : i32
    %scan3A_56 = arith.constant 10 : i32
    %scan3A_57 = arith.addi %scan3A_55, %scan3A_56 : i32
    %scan3A_58 = arith.constant 1 : i32
    scf.for %scan3A_125 = %scan3A_55 to %scan3A_57 step %scan3A_58  : i32 {
      %mul3A_126 = arith.constant 8 : i32
      %mul3A_127 = arith.muli %scan3A_125, %mul3A_126 : i32
      %add3A_128 = arith.constant 0 : i32
      %add3A_129 = arith.addi %mul3A_127, %add3A_128 : i32
      %dma_wait3A_130 = arith.constant 0 : i32
      %dma_wait3A_131 = tpu.memref_slice %arg7[%add3A_129, %dma_wait3A_130] : memref<80x125xi32, #tpu.memory_space<vmem>> -> memref<1x125xi32, #tpu.memory_space<vmem>>
      %dma_wait3A_132 = tpu.memref_squeeze %dma_wait3A_131 : memref<1x125xi32, #tpu.memory_space<vmem>> -> memref<125xi32, #tpu.memory_space<vmem>>
      %dma_wait3A_133 = arith.constant 0 : i32
      %dma_wait3A_134 = arith.constant 0 : i32
      %dma_wait3A_135 = tpu.memref_slice %arg2[%dma_wait3A_133, %dma_wait3A_134] : memref<10000x64xf32, #tpu.memory_space<hbm>> -> memref<10000x64xf32, #tpu.memory_space<hbm>>
      tpu.wait_indirect_dma semaphore(%arg18 : memref<!tpu.dma_semaphore, #tpu.memory_space<semaphore_mem>>) src(%dma_wait3A_135 : memref<10000x64xf32, #tpu.memory_space<hbm>>) dst(%arg9 : memref<125x64xf32, #tpu.memory_space<vmem>>)
      %dma_start3A_136 = arith.constant 0 : i32
      %dma_start3A_137 = tpu.memref_slice %arg8[%add3A_129, %dma_start3A_136] : memref<80x125xi32, #tpu.memory_space<vmem>> -> memref<1x125xi32, #tpu.memory_space<vmem>>
      %dma_start3A_138 = tpu.memref_squeeze %dma_start3A_137 : memref<1x125xi32, #tpu.memory_space<vmem>> -> memref<125xi32, #tpu.memory_space<vmem>>
      %dma_start3A_139 = arith.constant 0 : i32
      %dma_start3A_140 = arith.constant 0 : i32
      %dma_start3A_141 = tpu.memref_slice %arg17[%dma_start3A_139, %dma_start3A_140] : memref<10000x64xf32, #tpu.memory_space<vmem_shared>> -> memref<10000x64xf32, #tpu.memory_space<vmem_shared>>
      tpu.enqueue_indirect_dma source(%arg9 : memref<125x64xf32, #tpu.memory_space<vmem>>) target(%dma_start3A_141 : memref<10000x64xf32, #tpu.memory_space<vmem_shared>>) offsets(%dma_start3A_138 : memref<125xi32, #tpu.memory_space<vmem>>) semaphore(%arg26 : memref<!tpu.dma_semaphore, #tpu.memory_space<semaphore_mem>>) {add = true}
      %add3A_142 = arith.constant 7 : i32
      %add3A_143 = arith.addi %add3A_129, %add3A_142 : i32
      %lt3A = arith.constant 80 : i32
      %lt3A_144 = arith.cmpi slt, %add3A_143, %lt3A : i32
      %convert_element_type3A_145 = arith.extui %lt3A_144 : i1 to i32
      %cond3A_146 = arith.constant 0 : i32
      %cond3A_147 = arith.cmpi ne, %convert_element_type3A_145, %cond3A_146 : i32
      scf.if %cond3A_147 {
        %sub3A = arith.constant 1 : i32
        %sub3A_309 = arith.subi %add3A_129, %sub3A : i32
        %ge3A = arith.constant 0 : i32
        %ge3A_310 = arith.cmpi sge, %sub3A_309, %ge3A : i32
        %convert_element_type3A_311 = arith.extui %ge3A_310 : i1 to i32
        %cond3A_312 = arith.constant 0 : i32
        %cond3A_313 = arith.cmpi ne, %convert_element_type3A_311, %cond3A_312 : i32
        scf.if %cond3A_313 {
          %sub3A_322 = arith.constant 1 : i32
          %sub3A_323 = arith.subi %add3A_129, %sub3A_322 : i32
          %dma_wait3A_324 = arith.constant 0 : i32
          %dma_wait3A_325 = tpu.memref_slice %arg8[%sub3A_323, %dma_wait3A_324] : memref<80x125xi32, #tpu.memory_space<vmem>> -> memref<1x125xi32, #tpu.memory_space<vmem>>
          %dma_wait3A_326 = tpu.memref_squeeze %dma_wait3A_325 : memref<1x125xi32, #tpu.memory_space<vmem>> -> memref<125xi32, #tpu.memory_space<vmem>>
          %dma_wait3A_327 = arith.constant 0 : i32
          %dma_wait3A_328 = arith.constant 0 : i32
          %dma_wait3A_329 = tpu.memref_slice %arg17[%dma_wait3A_327, %dma_wait3A_328] : memref<10000x64xf32, #tpu.memory_space<vmem_shared>> -> memref<10000x64xf32, #tpu.memory_space<vmem_shared>>
          tpu.wait_indirect_dma semaphore(%arg33 : memref<!tpu.dma_semaphore, #tpu.memory_space<semaphore_mem>>) src(%arg16 : memref<125x64xf32, #tpu.memory_space<vmem>>) dst(%dma_wait3A_329 : memref<10000x64xf32, #tpu.memory_space<vmem_shared>>)
        } else {
        }
        %add3A_314 = arith.constant 7 : i32
        %add3A_315 = arith.addi %add3A_129, %add3A_314 : i32
        %dma_start3A_316 = arith.constant 0 : i32
        %dma_start3A_317 = tpu.memref_slice %arg7[%add3A_315, %dma_start3A_316] : memref<80x125xi32, #tpu.memory_space<vmem>> -> memref<1x125xi32, #tpu.memory_space<vmem>>
        %dma_start3A_318 = tpu.memref_squeeze %dma_start3A_317 : memref<1x125xi32, #tpu.memory_space<vmem>> -> memref<125xi32, #tpu.memory_space<vmem>>
        %dma_start3A_319 = arith.constant 0 : i32
        %dma_start3A_320 = arith.constant 0 : i32
        %dma_start3A_321 = tpu.memref_slice %arg2[%dma_start3A_319, %dma_start3A_320] : memref<10000x64xf32, #tpu.memory_space<hbm>> -> memref<10000x64xf32, #tpu.memory_space<hbm>>
        tpu.enqueue_indirect_dma source(%dma_start3A_321 : memref<10000x64xf32, #tpu.memory_space<hbm>>) target(%arg16 : memref<125x64xf32, #tpu.memory_space<vmem>>) offsets(%dma_start3A_318 : memref<125xi32, #tpu.memory_space<vmem>>) semaphore(%arg25 : memref<!tpu.dma_semaphore, #tpu.memory_space<semaphore_mem>>)
      } else {
      }
      %mul3A_148 = arith.constant 8 : i32
      %mul3A_149 = arith.muli %scan3A_125, %mul3A_148 : i32
      %add3A_150 = arith.constant 1 : i32
      %add3A_151 = arith.addi %mul3A_149, %add3A_150 : i32
      %dma_wait3A_152 = arith.constant 0 : i32
      %dma_wait3A_153 = tpu.memref_slice %arg7[%add3A_151, %dma_wait3A_152] : memref<80x125xi32, #tpu.memory_space<vmem>> -> memref<1x125xi32, #tpu.memory_space<vmem>>
      %dma_wait3A_154 = tpu.memref_squeeze %dma_wait3A_153 : memref<1x125xi32, #tpu.memory_space<vmem>> -> memref<125xi32, #tpu.memory_space<vmem>>
      %dma_wait3A_155 = arith.constant 0 : i32
      %dma_wait3A_156 = arith.constant 0 : i32
      %dma_wait3A_157 = tpu.memref_slice %arg2[%dma_wait3A_155, %dma_wait3A_156] : memref<10000x64xf32, #tpu.memory_space<hbm>> -> memref<10000x64xf32, #tpu.memory_space<hbm>>
      tpu.wait_indirect_dma semaphore(%arg19 : memref<!tpu.dma_semaphore, #tpu.memory_space<semaphore_mem>>) src(%dma_wait3A_157 : memref<10000x64xf32, #tpu.memory_space<hbm>>) dst(%arg10 : memref<125x64xf32, #tpu.memory_space<vmem>>)
      %dma_start3A_158 = arith.constant 0 : i32
      %dma_start3A_159 = tpu.memref_slice %arg8[%add3A_151, %dma_start3A_158] : memref<80x125xi32, #tpu.memory_space<vmem>> -> memref<1x125xi32, #tpu.memory_space<vmem>>
      %dma_start3A_160 = tpu.memref_squeeze %dma_start3A_159 : memref<1x125xi32, #tpu.memory_space<vmem>> -> memref<125xi32, #tpu.memory_space<vmem>>
      %dma_start3A_161 = arith.constant 0 : i32
      %dma_start3A_162 = arith.constant 0 : i32
      %dma_start3A_163 = tpu.memref_slice %arg17[%dma_start3A_161, %dma_start3A_162] : memref<10000x64xf32, #tpu.memory_space<vmem_shared>> -> memref<10000x64xf32, #tpu.memory_space<vmem_shared>>
      tpu.enqueue_indirect_dma source(%arg10 : memref<125x64xf32, #tpu.memory_space<vmem>>) target(%dma_start3A_163 : memref<10000x64xf32, #tpu.memory_space<vmem_shared>>) offsets(%dma_start3A_160 : memref<125xi32, #tpu.memory_space<vmem>>) semaphore(%arg27 : memref<!tpu.dma_semaphore, #tpu.memory_space<semaphore_mem>>) {add = true}
      %add3A_164 = arith.constant 7 : i32
      %add3A_165 = arith.addi %add3A_151, %add3A_164 : i32
      %lt3A_166 = arith.constant 80 : i32
      %lt3A_167 = arith.cmpi slt, %add3A_165, %lt3A_166 : i32
      %convert_element_type3A_168 = arith.extui %lt3A_167 : i1 to i32
      %cond3A_169 = arith.constant 0 : i32
      %cond3A_170 = arith.cmpi ne, %convert_element_type3A_168, %cond3A_169 : i32
      scf.if %cond3A_170 {
        %sub3A = arith.constant 1 : i32
        %sub3A_309 = arith.subi %add3A_151, %sub3A : i32
        %ge3A = arith.constant 0 : i32
        %ge3A_310 = arith.cmpi sge, %sub3A_309, %ge3A : i32
        %convert_element_type3A_311 = arith.extui %ge3A_310 : i1 to i32
        %cond3A_312 = arith.constant 0 : i32
        %cond3A_313 = arith.cmpi ne, %convert_element_type3A_311, %cond3A_312 : i32
        scf.if %cond3A_313 {
          %sub3A_322 = arith.constant 1 : i32
          %sub3A_323 = arith.subi %add3A_151, %sub3A_322 : i32
          %dma_wait3A_324 = arith.constant 0 : i32
          %dma_wait3A_325 = tpu.memref_slice %arg8[%sub3A_323, %dma_wait3A_324] : memref<80x125xi32, #tpu.memory_space<vmem>> -> memref<1x125xi32, #tpu.memory_space<vmem>>
          %dma_wait3A_326 = tpu.memref_squeeze %dma_wait3A_325 : memref<1x125xi32, #tpu.memory_space<vmem>> -> memref<125xi32, #tpu.memory_space<vmem>>
          %dma_wait3A_327 = arith.constant 0 : i32
          %dma_wait3A_328 = arith.constant 0 : i32
          %dma_wait3A_329 = tpu.memref_slice %arg17[%dma_wait3A_327, %dma_wait3A_328] : memref<10000x64xf32, #tpu.memory_space<vmem_shared>> -> memref<10000x64xf32, #tpu.memory_space<vmem_shared>>
          tpu.wait_indirect_dma semaphore(%arg26 : memref<!tpu.dma_semaphore, #tpu.memory_space<semaphore_mem>>) src(%arg9 : memref<125x64xf32, #tpu.memory_space<vmem>>) dst(%dma_wait3A_329 : memref<10000x64xf32, #tpu.memory_space<vmem_shared>>)
        } else {
        }
        %add3A_314 = arith.constant 7 : i32
        %add3A_315 = arith.addi %add3A_151, %add3A_314 : i32
        %dma_start3A_316 = arith.constant 0 : i32
        %dma_start3A_317 = tpu.memref_slice %arg7[%add3A_315, %dma_start3A_316] : memref<80x125xi32, #tpu.memory_space<vmem>> -> memref<1x125xi32, #tpu.memory_space<vmem>>
        %dma_start3A_318 = tpu.memref_squeeze %dma_start3A_317 : memref<1x125xi32, #tpu.memory_space<vmem>> -> memref<125xi32, #tpu.memory_space<vmem>>
        %dma_start3A_319 = arith.constant 0 : i32
        %dma_start3A_320 = arith.constant 0 : i32
        %dma_start3A_321 = tpu.memref_slice %arg2[%dma_start3A_319, %dma_start3A_320] : memref<10000x64xf32, #tpu.memory_space<hbm>> -> memref<10000x64xf32, #tpu.memory_space<hbm>>
        tpu.enqueue_indirect_dma source(%dma_start3A_321 : memref<10000x64xf32, #tpu.memory_space<hbm>>) target(%arg9 : memref<125x64xf32, #tpu.memory_space<vmem>>) offsets(%dma_start3A_318 : memref<125xi32, #tpu.memory_space<vmem>>) semaphore(%arg18 : memref<!tpu.dma_semaphore, #tpu.memory_space<semaphore_mem>>)
      } else {
      }
      %mul3A_171 = arith.constant 8 : i32
      %mul3A_172 = arith.muli %scan3A_125, %mul3A_171 : i32
      %add3A_173 = arith.constant 2 : i32
      %add3A_174 = arith.addi %mul3A_172, %add3A_173 : i32
      %dma_wait3A_175 = arith.constant 0 : i32
      %dma_wait3A_176 = tpu.memref_slice %arg7[%add3A_174, %dma_wait3A_175] : memref<80x125xi32, #tpu.memory_space<vmem>> -> memref<1x125xi32, #tpu.memory_space<vmem>>
      %dma_wait3A_177 = tpu.memref_squeeze %dma_wait3A_176 : memref<1x125xi32, #tpu.memory_space<vmem>> -> memref<125xi32, #tpu.memory_space<vmem>>
      %dma_wait3A_178 = arith.constant 0 : i32
      %dma_wait3A_179 = arith.constant 0 : i32
      %dma_wait3A_180 = tpu.memref_slice %arg2[%dma_wait3A_178, %dma_wait3A_179] : memref<10000x64xf32, #tpu.memory_space<hbm>> -> memref<10000x64xf32, #tpu.memory_space<hbm>>
      tpu.wait_indirect_dma semaphore(%arg20 : memref<!tpu.dma_semaphore, #tpu.memory_space<semaphore_mem>>) src(%dma_wait3A_180 : memref<10000x64xf32, #tpu.memory_space<hbm>>) dst(%arg11 : memref<125x64xf32, #tpu.memory_space<vmem>>)
      %dma_start3A_181 = arith.constant 0 : i32
      %dma_start3A_182 = tpu.memref_slice %arg8[%add3A_174, %dma_start3A_181] : memref<80x125xi32, #tpu.memory_space<vmem>> -> memref<1x125xi32, #tpu.memory_space<vmem>>
      %dma_start3A_183 = tpu.memref_squeeze %dma_start3A_182 : memref<1x125xi32, #tpu.memory_space<vmem>> -> memref<125xi32, #tpu.memory_space<vmem>>
      %dma_start3A_184 = arith.constant 0 : i32
      %dma_start3A_185 = arith.constant 0 : i32
      %dma_start3A_186 = tpu.memref_slice %arg17[%dma_start3A_184, %dma_start3A_185] : memref<10000x64xf32, #tpu.memory_space<vmem_shared>> -> memref<10000x64xf32, #tpu.memory_space<vmem_shared>>
      tpu.enqueue_indirect_dma source(%arg11 : memref<125x64xf32, #tpu.memory_space<vmem>>) target(%dma_start3A_186 : memref<10000x64xf32, #tpu.memory_space<vmem_shared>>) offsets(%dma_start3A_183 : memref<125xi32, #tpu.memory_space<vmem>>) semaphore(%arg28 : memref<!tpu.dma_semaphore, #tpu.memory_space<semaphore_mem>>) {add = true}
      %add3A_187 = arith.constant 7 : i32
      %add3A_188 = arith.addi %add3A_174, %add3A_187 : i32
      %lt3A_189 = arith.constant 80 : i32
      %lt3A_190 = arith.cmpi slt, %add3A_188, %lt3A_189 : i32
      %convert_element_type3A_191 = arith.extui %lt3A_190 : i1 to i32
      %cond3A_192 = arith.constant 0 : i32
      %cond3A_193 = arith.cmpi ne, %convert_element_type3A_191, %cond3A_192 : i32
      scf.if %cond3A_193 {
        %sub3A = arith.constant 1 : i32
        %sub3A_309 = arith.subi %add3A_174, %sub3A : i32
        %ge3A = arith.constant 0 : i32
        %ge3A_310 = arith.cmpi sge, %sub3A_309, %ge3A : i32
        %convert_element_type3A_311 = arith.extui %ge3A_310 : i1 to i32
        %cond3A_312 = arith.constant 0 : i32
        %cond3A_313 = arith.cmpi ne, %convert_element_type3A_311, %cond3A_312 : i32
        scf.if %cond3A_313 {
          %sub3A_322 = arith.constant 1 : i32
          %sub3A_323 = arith.subi %add3A_174, %sub3A_322 : i32
          %dma_wait3A_324 = arith.constant 0 : i32
          %dma_wait3A_325 = tpu.memref_slice %arg8[%sub3A_323, %dma_wait3A_324] : memref<80x125xi32, #tpu.memory_space<vmem>> -> memref<1x125xi32, #tpu.memory_space<vmem>>
          %dma_wait3A_326 = tpu.memref_squeeze %dma_wait3A_325 : memref<1x125xi32, #tpu.memory_space<vmem>> -> memref<125xi32, #tpu.memory_space<vmem>>
          %dma_wait3A_327 = arith.constant 0 : i32
          %dma_wait3A_328 = arith.constant 0 : i32
          %dma_wait3A_329 = tpu.memref_slice %arg17[%dma_wait3A_327, %dma_wait3A_328] : memref<10000x64xf32, #tpu.memory_space<vmem_shared>> -> memref<10000x64xf32, #tpu.memory_space<vmem_shared>>
          tpu.wait_indirect_dma semaphore(%arg27 : memref<!tpu.dma_semaphore, #tpu.memory_space<semaphore_mem>>) src(%arg10 : memref<125x64xf32, #tpu.memory_space<vmem>>) dst(%dma_wait3A_329 : memref<10000x64xf32, #tpu.memory_space<vmem_shared>>)
        } else {
        }
        %add3A_314 = arith.constant 7 : i32
        %add3A_315 = arith.addi %add3A_174, %add3A_314 : i32
        %dma_start3A_316 = arith.constant 0 : i32
        %dma_start3A_317 = tpu.memref_slice %arg7[%add3A_315, %dma_start3A_316] : memref<80x125xi32, #tpu.memory_space<vmem>> -> memref<1x125xi32, #tpu.memory_space<vmem>>
        %dma_start3A_318 = tpu.memref_squeeze %dma_start3A_317 : memref<1x125xi32, #tpu.memory_space<vmem>> -> memref<125xi32, #tpu.memory_space<vmem>>
        %dma_start3A_319 = arith.constant 0 : i32
        %dma_start3A_320 = arith.constant 0 : i32
        %dma_start3A_321 = tpu.memref_slice %arg2[%dma_start3A_319, %dma_start3A_320] : memref<10000x64xf32, #tpu.memory_space<hbm>> -> memref<10000x64xf32, #tpu.memory_space<hbm>>
        tpu.enqueue_indirect_dma source(%dma_start3A_321 : memref<10000x64xf32, #tpu.memory_space<hbm>>) target(%arg10 : memref<125x64xf32, #tpu.memory_space<vmem>>) offsets(%dma_start3A_318 : memref<125xi32, #tpu.memory_space<vmem>>) semaphore(%arg19 : memref<!tpu.dma_semaphore, #tpu.memory_space<semaphore_mem>>)
      } else {
      }
      %mul3A_194 = arith.constant 8 : i32
      %mul3A_195 = arith.muli %scan3A_125, %mul3A_194 : i32
      %add3A_196 = arith.constant 3 : i32
      %add3A_197 = arith.addi %mul3A_195, %add3A_196 : i32
      %dma_wait3A_198 = arith.constant 0 : i32
      %dma_wait3A_199 = tpu.memref_slice %arg7[%add3A_197, %dma_wait3A_198] : memref<80x125xi32, #tpu.memory_space<vmem>> -> memref<1x125xi32, #tpu.memory_space<vmem>>
      %dma_wait3A_200 = tpu.memref_squeeze %dma_wait3A_199 : memref<1x125xi32, #tpu.memory_space<vmem>> -> memref<125xi32, #tpu.memory_space<vmem>>
      %dma_wait3A_201 = arith.constant 0 : i32
      %dma_wait3A_202 = arith.constant 0 : i32
      %dma_wait3A_203 = tpu.memref_slice %arg2[%dma_wait3A_201, %dma_wait3A_202] : memref<10000x64xf32, #tpu.memory_space<hbm>> -> memref<10000x64xf32, #tpu.memory_space<hbm>>
      tpu.wait_indirect_dma semaphore(%arg21 : memref<!tpu.dma_semaphore, #tpu.memory_space<semaphore_mem>>) src(%dma_wait3A_203 : memref<10000x64xf32, #tpu.memory_space<hbm>>) dst(%arg12 : memref<125x64xf32, #tpu.memory_space<vmem>>)
      %dma_start3A_204 = arith.constant 0 : i32
      %dma_start3A_205 = tpu.memref_slice %arg8[%add3A_197, %dma_start3A_204] : memref<80x125xi32, #tpu.memory_space<vmem>> -> memref<1x125xi32, #tpu.memory_space<vmem>>
      %dma_start3A_206 = tpu.memref_squeeze %dma_start3A_205 : memref<1x125xi32, #tpu.memory_space<vmem>> -> memref<125xi32, #tpu.memory_space<vmem>>
      %dma_start3A_207 = arith.constant 0 : i32
      %dma_start3A_208 = arith.constant 0 : i32
      %dma_start3A_209 = tpu.memref_slice %arg17[%dma_start3A_207, %dma_start3A_208] : memref<10000x64xf32, #tpu.memory_space<vmem_shared>> -> memref<10000x64xf32, #tpu.memory_space<vmem_shared>>
      tpu.enqueue_indirect_dma source(%arg12 : memref<125x64xf32, #tpu.memory_space<vmem>>) target(%dma_start3A_209 : memref<10000x64xf32, #tpu.memory_space<vmem_shared>>) offsets(%dma_start3A_206 : memref<125xi32, #tpu.memory_space<vmem>>) semaphore(%arg29 : memref<!tpu.dma_semaphore, #tpu.memory_space<semaphore_mem>>) {add = true}
      %add3A_210 = arith.constant 7 : i32
      %add3A_211 = arith.addi %add3A_197, %add3A_210 : i32
      %lt3A_212 = arith.constant 80 : i32
      %lt3A_213 = arith.cmpi slt, %add3A_211, %lt3A_212 : i32
      %convert_element_type3A_214 = arith.extui %lt3A_213 : i1 to i32
      %cond3A_215 = arith.constant 0 : i32
      %cond3A_216 = arith.cmpi ne, %convert_element_type3A_214, %cond3A_215 : i32
      scf.if %cond3A_216 {
        %sub3A = arith.constant 1 : i32
        %sub3A_309 = arith.subi %add3A_197, %sub3A : i32
        %ge3A = arith.constant 0 : i32
        %ge3A_310 = arith.cmpi sge, %sub3A_309, %ge3A : i32
        %convert_element_type3A_311 = arith.extui %ge3A_310 : i1 to i32
        %cond3A_312 = arith.constant 0 : i32
        %cond3A_313 = arith.cmpi ne, %convert_element_type3A_311, %cond3A_312 : i32
        scf.if %cond3A_313 {
          %sub3A_322 = arith.constant 1 : i32
          %sub3A_323 = arith.subi %add3A_197, %sub3A_322 : i32
          %dma_wait3A_324 = arith.constant 0 : i32
          %dma_wait3A_325 = tpu.memref_slice %arg8[%sub3A_323, %dma_wait3A_324] : memref<80x125xi32, #tpu.memory_space<vmem>> -> memref<1x125xi32, #tpu.memory_space<vmem>>
          %dma_wait3A_326 = tpu.memref_squeeze %dma_wait3A_325 : memref<1x125xi32, #tpu.memory_space<vmem>> -> memref<125xi32, #tpu.memory_space<vmem>>
          %dma_wait3A_327 = arith.constant 0 : i32
          %dma_wait3A_328 = arith.constant 0 : i32
          %dma_wait3A_329 = tpu.memref_slice %arg17[%dma_wait3A_327, %dma_wait3A_328] : memref<10000x64xf32, #tpu.memory_space<vmem_shared>> -> memref<10000x64xf32, #tpu.memory_space<vmem_shared>>
          tpu.wait_indirect_dma semaphore(%arg28 : memref<!tpu.dma_semaphore, #tpu.memory_space<semaphore_mem>>) src(%arg11 : memref<125x64xf32, #tpu.memory_space<vmem>>) dst(%dma_wait3A_329 : memref<10000x64xf32, #tpu.memory_space<vmem_shared>>)
        } else {
        }
        %add3A_314 = arith.constant 7 : i32
        %add3A_315 = arith.addi %add3A_197, %add3A_314 : i32
        %dma_start3A_316 = arith.constant 0 : i32
        %dma_start3A_317 = tpu.memref_slice %arg7[%add3A_315, %dma_start3A_316] : memref<80x125xi32, #tpu.memory_space<vmem>> -> memref<1x125xi32, #tpu.memory_space<vmem>>
        %dma_start3A_318 = tpu.memref_squeeze %dma_start3A_317 : memref<1x125xi32, #tpu.memory_space<vmem>> -> memref<125xi32, #tpu.memory_space<vmem>>
        %dma_start3A_319 = arith.constant 0 : i32
        %dma_start3A_320 = arith.constant 0 : i32
        %dma_start3A_321 = tpu.memref_slice %arg2[%dma_start3A_319, %dma_start3A_320] : memref<10000x64xf32, #tpu.memory_space<hbm>> -> memref<10000x64xf32, #tpu.memory_space<hbm>>
        tpu.enqueue_indirect_dma source(%dma_start3A_321 : memref<10000x64xf32, #tpu.memory_space<hbm>>) target(%arg11 : memref<125x64xf32, #tpu.memory_space<vmem>>) offsets(%dma_start3A_318 : memref<125xi32, #tpu.memory_space<vmem>>) semaphore(%arg20 : memref<!tpu.dma_semaphore, #tpu.memory_space<semaphore_mem>>)
      } else {
      }
      %mul3A_217 = arith.constant 8 : i32
      %mul3A_218 = arith.muli %scan3A_125, %mul3A_217 : i32
      %add3A_219 = arith.constant 4 : i32
      %add3A_220 = arith.addi %mul3A_218, %add3A_219 : i32
      %dma_wait3A_221 = arith.constant 0 : i32
      %dma_wait3A_222 = tpu.memref_slice %arg7[%add3A_220, %dma_wait3A_221] : memref<80x125xi32, #tpu.memory_space<vmem>> -> memref<1x125xi32, #tpu.memory_space<vmem>>
      %dma_wait3A_223 = tpu.memref_squeeze %dma_wait3A_222 : memref<1x125xi32, #tpu.memory_space<vmem>> -> memref<125xi32, #tpu.memory_space<vmem>>
      %dma_wait3A_224 = arith.constant 0 : i32
      %dma_wait3A_225 = arith.constant 0 : i32
      %dma_wait3A_226 = tpu.memref_slice %arg2[%dma_wait3A_224, %dma_wait3A_225] : memref<10000x64xf32, #tpu.memory_space<hbm>> -> memref<10000x64xf32, #tpu.memory_space<hbm>>
      tpu.wait_indirect_dma semaphore(%arg22 : memref<!tpu.dma_semaphore, #tpu.memory_space<semaphore_mem>>) src(%dma_wait3A_226 : memref<10000x64xf32, #tpu.memory_space<hbm>>) dst(%arg13 : memref<125x64xf32, #tpu.memory_space<vmem>>)
      %dma_start3A_227 = arith.constant 0 : i32
      %dma_start3A_228 = tpu.memref_slice %arg8[%add3A_220, %dma_start3A_227] : memref<80x125xi32, #tpu.memory_space<vmem>> -> memref<1x125xi32, #tpu.memory_space<vmem>>
      %dma_start3A_229 = tpu.memref_squeeze %dma_start3A_228 : memref<1x125xi32, #tpu.memory_space<vmem>> -> memref<125xi32, #tpu.memory_space<vmem>>
      %dma_start3A_230 = arith.constant 0 : i32
      %dma_start3A_231 = arith.constant 0 : i32
      %dma_start3A_232 = tpu.memref_slice %arg17[%dma_start3A_230, %dma_start3A_231] : memref<10000x64xf32, #tpu.memory_space<vmem_shared>> -> memref<10000x64xf32, #tpu.memory_space<vmem_shared>>
      tpu.enqueue_indirect_dma source(%arg13 : memref<125x64xf32, #tpu.memory_space<vmem>>) target(%dma_start3A_232 : memref<10000x64xf32, #tpu.memory_space<vmem_shared>>) offsets(%dma_start3A_229 : memref<125xi32, #tpu.memory_space<vmem>>) semaphore(%arg30 : memref<!tpu.dma_semaphore, #tpu.memory_space<semaphore_mem>>) {add = true}
      %add3A_233 = arith.constant 7 : i32
      %add3A_234 = arith.addi %add3A_220, %add3A_233 : i32
      %lt3A_235 = arith.constant 80 : i32
      %lt3A_236 = arith.cmpi slt, %add3A_234, %lt3A_235 : i32
      %convert_element_type3A_237 = arith.extui %lt3A_236 : i1 to i32
      %cond3A_238 = arith.constant 0 : i32
      %cond3A_239 = arith.cmpi ne, %convert_element_type3A_237, %cond3A_238 : i32
      scf.if %cond3A_239 {
        %sub3A = arith.constant 1 : i32
        %sub3A_309 = arith.subi %add3A_220, %sub3A : i32
        %ge3A = arith.constant 0 : i32
        %ge3A_310 = arith.cmpi sge, %sub3A_309, %ge3A : i32
        %convert_element_type3A_311 = arith.extui %ge3A_310 : i1 to i32
        %cond3A_312 = arith.constant 0 : i32
        %cond3A_313 = arith.cmpi ne, %convert_element_type3A_311, %cond3A_312 : i32
        scf.if %cond3A_313 {
          %sub3A_322 = arith.constant 1 : i32
          %sub3A_323 = arith.subi %add3A_220, %sub3A_322 : i32
          %dma_wait3A_324 = arith.constant 0 : i32
          %dma_wait3A_325 = tpu.memref_slice %arg8[%sub3A_323, %dma_wait3A_324] : memref<80x125xi32, #tpu.memory_space<vmem>> -> memref<1x125xi32, #tpu.memory_space<vmem>>
          %dma_wait3A_326 = tpu.memref_squeeze %dma_wait3A_325 : memref<1x125xi32, #tpu.memory_space<vmem>> -> memref<125xi32, #tpu.memory_space<vmem>>
          %dma_wait3A_327 = arith.constant 0 : i32
          %dma_wait3A_328 = arith.constant 0 : i32
          %dma_wait3A_329 = tpu.memref_slice %arg17[%dma_wait3A_327, %dma_wait3A_328] : memref<10000x64xf32, #tpu.memory_space<vmem_shared>> -> memref<10000x64xf32, #tpu.memory_space<vmem_shared>>
          tpu.wait_indirect_dma semaphore(%arg29 : memref<!tpu.dma_semaphore, #tpu.memory_space<semaphore_mem>>) src(%arg12 : memref<125x64xf32, #tpu.memory_space<vmem>>) dst(%dma_wait3A_329 : memref<10000x64xf32, #tpu.memory_space<vmem_shared>>)
        } else {
        }
        %add3A_314 = arith.constant 7 : i32
        %add3A_315 = arith.addi %add3A_220, %add3A_314 : i32
        %dma_start3A_316 = arith.constant 0 : i32
        %dma_start3A_317 = tpu.memref_slice %arg7[%add3A_315, %dma_start3A_316] : memref<80x125xi32, #tpu.memory_space<vmem>> -> memref<1x125xi32, #tpu.memory_space<vmem>>
        %dma_start3A_318 = tpu.memref_squeeze %dma_start3A_317 : memref<1x125xi32, #tpu.memory_space<vmem>> -> memref<125xi32, #tpu.memory_space<vmem>>
        %dma_start3A_319 = arith.constant 0 : i32
        %dma_start3A_320 = arith.constant 0 : i32
        %dma_start3A_321 = tpu.memref_slice %arg2[%dma_start3A_319, %dma_start3A_320] : memref<10000x64xf32, #tpu.memory_space<hbm>> -> memref<10000x64xf32, #tpu.memory_space<hbm>>
        tpu.enqueue_indirect_dma source(%dma_start3A_321 : memref<10000x64xf32, #tpu.memory_space<hbm>>) target(%arg12 : memref<125x64xf32, #tpu.memory_space<vmem>>) offsets(%dma_start3A_318 : memref<125xi32, #tpu.memory_space<vmem>>) semaphore(%arg21 : memref<!tpu.dma_semaphore, #tpu.memory_space<semaphore_mem>>)
      } else {
      }
      %mul3A_240 = arith.constant 8 : i32
      %mul3A_241 = arith.muli %scan3A_125, %mul3A_240 : i32
      %add3A_242 = arith.constant 5 : i32
      %add3A_243 = arith.addi %mul3A_241, %add3A_242 : i32
      %dma_wait3A_244 = arith.constant 0 : i32
      %dma_wait3A_245 = tpu.memref_slice %arg7[%add3A_243, %dma_wait3A_244] : memref<80x125xi32, #tpu.memory_space<vmem>> -> memref<1x125xi32, #tpu.memory_space<vmem>>
      %dma_wait3A_246 = tpu.memref_squeeze %dma_wait3A_245 : memref<1x125xi32, #tpu.memory_space<vmem>> -> memref<125xi32, #tpu.memory_space<vmem>>
      %dma_wait3A_247 = arith.constant 0 : i32
      %dma_wait3A_248 = arith.constant 0 : i32
      %dma_wait3A_249 = tpu.memref_slice %arg2[%dma_wait3A_247, %dma_wait3A_248] : memref<10000x64xf32, #tpu.memory_space<hbm>> -> memref<10000x64xf32, #tpu.memory_space<hbm>>
      tpu.wait_indirect_dma semaphore(%arg23 : memref<!tpu.dma_semaphore, #tpu.memory_space<semaphore_mem>>) src(%dma_wait3A_249 : memref<10000x64xf32, #tpu.memory_space<hbm>>) dst(%arg14 : memref<125x64xf32, #tpu.memory_space<vmem>>)
      %dma_start3A_250 = arith.constant 0 : i32
      %dma_start3A_251 = tpu.memref_slice %arg8[%add3A_243, %dma_start3A_250] : memref<80x125xi32, #tpu.memory_space<vmem>> -> memref<1x125xi32, #tpu.memory_space<vmem>>
      %dma_start3A_252 = tpu.memref_squeeze %dma_start3A_251 : memref<1x125xi32, #tpu.memory_space<vmem>> -> memref<125xi32, #tpu.memory_space<vmem>>
      %dma_start3A_253 = arith.constant 0 : i32
      %dma_start3A_254 = arith.constant 0 : i32
      %dma_start3A_255 = tpu.memref_slice %arg17[%dma_start3A_253, %dma_start3A_254] : memref<10000x64xf32, #tpu.memory_space<vmem_shared>> -> memref<10000x64xf32, #tpu.memory_space<vmem_shared>>
      tpu.enqueue_indirect_dma source(%arg14 : memref<125x64xf32, #tpu.memory_space<vmem>>) target(%dma_start3A_255 : memref<10000x64xf32, #tpu.memory_space<vmem_shared>>) offsets(%dma_start3A_252 : memref<125xi32, #tpu.memory_space<vmem>>) semaphore(%arg31 : memref<!tpu.dma_semaphore, #tpu.memory_space<semaphore_mem>>) {add = true}
      %add3A_256 = arith.constant 7 : i32
      %add3A_257 = arith.addi %add3A_243, %add3A_256 : i32
      %lt3A_258 = arith.constant 80 : i32
      %lt3A_259 = arith.cmpi slt, %add3A_257, %lt3A_258 : i32
      %convert_element_type3A_260 = arith.extui %lt3A_259 : i1 to i32
      %cond3A_261 = arith.constant 0 : i32
      %cond3A_262 = arith.cmpi ne, %convert_element_type3A_260, %cond3A_261 : i32
      scf.if %cond3A_262 {
        %sub3A = arith.constant 1 : i32
        %sub3A_309 = arith.subi %add3A_243, %sub3A : i32
        %ge3A = arith.constant 0 : i32
        %ge3A_310 = arith.cmpi sge, %sub3A_309, %ge3A : i32
        %convert_element_type3A_311 = arith.extui %ge3A_310 : i1 to i32
        %cond3A_312 = arith.constant 0 : i32
        %cond3A_313 = arith.cmpi ne, %convert_element_type3A_311, %cond3A_312 : i32
        scf.if %cond3A_313 {
          %sub3A_322 = arith.constant 1 : i32
          %sub3A_323 = arith.subi %add3A_243, %sub3A_322 : i32
          %dma_wait3A_324 = arith.constant 0 : i32
          %dma_wait3A_325 = tpu.memref_slice %arg8[%sub3A_323, %dma_wait3A_324] : memref<80x125xi32, #tpu.memory_space<vmem>> -> memref<1x125xi32, #tpu.memory_space<vmem>>
          %dma_wait3A_326 = tpu.memref_squeeze %dma_wait3A_325 : memref<1x125xi32, #tpu.memory_space<vmem>> -> memref<125xi32, #tpu.memory_space<vmem>>
          %dma_wait3A_327 = arith.constant 0 : i32
          %dma_wait3A_328 = arith.constant 0 : i32
          %dma_wait3A_329 = tpu.memref_slice %arg17[%dma_wait3A_327, %dma_wait3A_328] : memref<10000x64xf32, #tpu.memory_space<vmem_shared>> -> memref<10000x64xf32, #tpu.memory_space<vmem_shared>>
          tpu.wait_indirect_dma semaphore(%arg30 : memref<!tpu.dma_semaphore, #tpu.memory_space<semaphore_mem>>) src(%arg13 : memref<125x64xf32, #tpu.memory_space<vmem>>) dst(%dma_wait3A_329 : memref<10000x64xf32, #tpu.memory_space<vmem_shared>>)
        } else {
        }
        %add3A_314 = arith.constant 7 : i32
        %add3A_315 = arith.addi %add3A_243, %add3A_314 : i32
        %dma_start3A_316 = arith.constant 0 : i32
        %dma_start3A_317 = tpu.memref_slice %arg7[%add3A_315, %dma_start3A_316] : memref<80x125xi32, #tpu.memory_space<vmem>> -> memref<1x125xi32, #tpu.memory_space<vmem>>
        %dma_start3A_318 = tpu.memref_squeeze %dma_start3A_317 : memref<1x125xi32, #tpu.memory_space<vmem>> -> memref<125xi32, #tpu.memory_space<vmem>>
        %dma_start3A_319 = arith.constant 0 : i32
        %dma_start3A_320 = arith.constant 0 : i32
        %dma_start3A_321 = tpu.memref_slice %arg2[%dma_start3A_319, %dma_start3A_320] : memref<10000x64xf32, #tpu.memory_space<hbm>> -> memref<10000x64xf32, #tpu.memory_space<hbm>>
        tpu.enqueue_indirect_dma source(%dma_start3A_321 : memref<10000x64xf32, #tpu.memory_space<hbm>>) target(%arg13 : memref<125x64xf32, #tpu.memory_space<vmem>>) offsets(%dma_start3A_318 : memref<125xi32, #tpu.memory_space<vmem>>) semaphore(%arg22 : memref<!tpu.dma_semaphore, #tpu.memory_space<semaphore_mem>>)
      } else {
      }
      %mul3A_263 = arith.constant 8 : i32
      %mul3A_264 = arith.muli %scan3A_125, %mul3A_263 : i32
      %add3A_265 = arith.constant 6 : i32
      %add3A_266 = arith.addi %mul3A_264, %add3A_265 : i32
      %dma_wait3A_267 = arith.constant 0 : i32
      %dma_wait3A_268 = tpu.memref_slice %arg7[%add3A_266, %dma_wait3A_267] : memref<80x125xi32, #tpu.memory_space<vmem>> -> memref<1x125xi32, #tpu.memory_space<vmem>>
      %dma_wait3A_269 = tpu.memref_squeeze %dma_wait3A_268 : memref<1x125xi32, #tpu.memory_space<vmem>> -> memref<125xi32, #tpu.memory_space<vmem>>
      %dma_wait3A_270 = arith.constant 0 : i32
      %dma_wait3A_271 = arith.constant 0 : i32
      %dma_wait3A_272 = tpu.memref_slice %arg2[%dma_wait3A_270, %dma_wait3A_271] : memref<10000x64xf32, #tpu.memory_space<hbm>> -> memref<10000x64xf32, #tpu.memory_space<hbm>>
      tpu.wait_indirect_dma semaphore(%arg24 : memref<!tpu.dma_semaphore, #tpu.memory_space<semaphore_mem>>) src(%dma_wait3A_272 : memref<10000x64xf32, #tpu.memory_space<hbm>>) dst(%arg15 : memref<125x64xf32, #tpu.memory_space<vmem>>)
      %dma_start3A_273 = arith.constant 0 : i32
      %dma_start3A_274 = tpu.memref_slice %arg8[%add3A_266, %dma_start3A_273] : memref<80x125xi32, #tpu.memory_space<vmem>> -> memref<1x125xi32, #tpu.memory_space<vmem>>
      %dma_start3A_275 = tpu.memref_squeeze %dma_start3A_274 : memref<1x125xi32, #tpu.memory_space<vmem>> -> memref<125xi32, #tpu.memory_space<vmem>>
      %dma_start3A_276 = arith.constant 0 : i32
      %dma_start3A_277 = arith.constant 0 : i32
      %dma_start3A_278 = tpu.memref_slice %arg17[%dma_start3A_276, %dma_start3A_277] : memref<10000x64xf32, #tpu.memory_space<vmem_shared>> -> memref<10000x64xf32, #tpu.memory_space<vmem_shared>>
      tpu.enqueue_indirect_dma source(%arg15 : memref<125x64xf32, #tpu.memory_space<vmem>>) target(%dma_start3A_278 : memref<10000x64xf32, #tpu.memory_space<vmem_shared>>) offsets(%dma_start3A_275 : memref<125xi32, #tpu.memory_space<vmem>>) semaphore(%arg32 : memref<!tpu.dma_semaphore, #tpu.memory_space<semaphore_mem>>) {add = true}
      %add3A_279 = arith.constant 7 : i32
      %add3A_280 = arith.addi %add3A_266, %add3A_279 : i32
      %lt3A_281 = arith.constant 80 : i32
      %lt3A_282 = arith.cmpi slt, %add3A_280, %lt3A_281 : i32
      %convert_element_type3A_283 = arith.extui %lt3A_282 : i1 to i32
      %cond3A_284 = arith.constant 0 : i32
      %cond3A_285 = arith.cmpi ne, %convert_element_type3A_283, %cond3A_284 : i32
      scf.if %cond3A_285 {
        %sub3A = arith.constant 1 : i32
        %sub3A_309 = arith.subi %add3A_266, %sub3A : i32
        %ge3A = arith.constant 0 : i32
        %ge3A_310 = arith.cmpi sge, %sub3A_309, %ge3A : i32
        %convert_element_type3A_311 = arith.extui %ge3A_310 : i1 to i32
        %cond3A_312 = arith.constant 0 : i32
        %cond3A_313 = arith.cmpi ne, %convert_element_type3A_311, %cond3A_312 : i32
        scf.if %cond3A_313 {
          %sub3A_322 = arith.constant 1 : i32
          %sub3A_323 = arith.subi %add3A_266, %sub3A_322 : i32
          %dma_wait3A_324 = arith.constant 0 : i32
          %dma_wait3A_325 = tpu.memref_slice %arg8[%sub3A_323, %dma_wait3A_324] : memref<80x125xi32, #tpu.memory_space<vmem>> -> memref<1x125xi32, #tpu.memory_space<vmem>>
          %dma_wait3A_326 = tpu.memref_squeeze %dma_wait3A_325 : memref<1x125xi32, #tpu.memory_space<vmem>> -> memref<125xi32, #tpu.memory_space<vmem>>
          %dma_wait3A_327 = arith.constant 0 : i32
          %dma_wait3A_328 = arith.constant 0 : i32
          %dma_wait3A_329 = tpu.memref_slice %arg17[%dma_wait3A_327, %dma_wait3A_328] : memref<10000x64xf32, #tpu.memory_space<vmem_shared>> -> memref<10000x64xf32, #tpu.memory_space<vmem_shared>>
          tpu.wait_indirect_dma semaphore(%arg31 : memref<!tpu.dma_semaphore, #tpu.memory_space<semaphore_mem>>) src(%arg14 : memref<125x64xf32, #tpu.memory_space<vmem>>) dst(%dma_wait3A_329 : memref<10000x64xf32, #tpu.memory_space<vmem_shared>>)
        } else {
        }
        %add3A_314 = arith.constant 7 : i32
        %add3A_315 = arith.addi %add3A_266, %add3A_314 : i32
        %dma_start3A_316 = arith.constant 0 : i32
        %dma_start3A_317 = tpu.memref_slice %arg7[%add3A_315, %dma_start3A_316] : memref<80x125xi32, #tpu.memory_space<vmem>> -> memref<1x125xi32, #tpu.memory_space<vmem>>
        %dma_start3A_318 = tpu.memref_squeeze %dma_start3A_317 : memref<1x125xi32, #tpu.memory_space<vmem>> -> memref<125xi32, #tpu.memory_space<vmem>>
        %dma_start3A_319 = arith.constant 0 : i32
        %dma_start3A_320 = arith.constant 0 : i32
        %dma_start3A_321 = tpu.memref_slice %arg2[%dma_start3A_319, %dma_start3A_320] : memref<10000x64xf32, #tpu.memory_space<hbm>> -> memref<10000x64xf32, #tpu.memory_space<hbm>>
        tpu.enqueue_indirect_dma source(%dma_start3A_321 : memref<10000x64xf32, #tpu.memory_space<hbm>>) target(%arg14 : memref<125x64xf32, #tpu.memory_space<vmem>>) offsets(%dma_start3A_318 : memref<125xi32, #tpu.memory_space<vmem>>) semaphore(%arg23 : memref<!tpu.dma_semaphore, #tpu.memory_space<semaphore_mem>>)
      } else {
      }
      %mul3A_286 = arith.constant 8 : i32
      %mul3A_287 = arith.muli %scan3A_125, %mul3A_286 : i32
      %add3A_288 = arith.constant 7 : i32
      %add3A_289 = arith.addi %mul3A_287, %add3A_288 : i32
      %dma_wait3A_290 = arith.constant 0 : i32
      %dma_wait3A_291 = tpu.memref_slice %arg7[%add3A_289, %dma_wait3A_290] : memref<80x125xi32, #tpu.memory_space<vmem>> -> memref<1x125xi32, #tpu.memory_space<vmem>>
      %dma_wait3A_292 = tpu.memref_squeeze %dma_wait3A_291 : memref<1x125xi32, #tpu.memory_space<vmem>> -> memref<125xi32, #tpu.memory_space<vmem>>
      %dma_wait3A_293 = arith.constant 0 : i32
      %dma_wait3A_294 = arith.constant 0 : i32
      %dma_wait3A_295 = tpu.memref_slice %arg2[%dma_wait3A_293, %dma_wait3A_294] : memref<10000x64xf32, #tpu.memory_space<hbm>> -> memref<10000x64xf32, #tpu.memory_space<hbm>>
      tpu.wait_indirect_dma semaphore(%arg25 : memref<!tpu.dma_semaphore, #tpu.memory_space<semaphore_mem>>) src(%dma_wait3A_295 : memref<10000x64xf32, #tpu.memory_space<hbm>>) dst(%arg16 : memref<125x64xf32, #tpu.memory_space<vmem>>)
      %dma_start3A_296 = arith.constant 0 : i32
      %dma_start3A_297 = tpu.memref_slice %arg8[%add3A_289, %dma_start3A_296] : memref<80x125xi32, #tpu.memory_space<vmem>> -> memref<1x125xi32, #tpu.memory_space<vmem>>
      %dma_start3A_298 = tpu.memref_squeeze %dma_start3A_297 : memref<1x125xi32, #tpu.memory_space<vmem>> -> memref<125xi32, #tpu.memory_space<vmem>>
      %dma_start3A_299 = arith.constant 0 : i32
      %dma_start3A_300 = arith.constant 0 : i32
      %dma_start3A_301 = tpu.memref_slice %arg17[%dma_start3A_299, %dma_start3A_300] : memref<10000x64xf32, #tpu.memory_space<vmem_shared>> -> memref<10000x64xf32, #tpu.memory_space<vmem_shared>>
      tpu.enqueue_indirect_dma source(%arg16 : memref<125x64xf32, #tpu.memory_space<vmem>>) target(%dma_start3A_301 : memref<10000x64xf32, #tpu.memory_space<vmem_shared>>) offsets(%dma_start3A_298 : memref<125xi32, #tpu.memory_space<vmem>>) semaphore(%arg33 : memref<!tpu.dma_semaphore, #tpu.memory_space<semaphore_mem>>) {add = true}
      %add3A_302 = arith.constant 7 : i32
      %add3A_303 = arith.addi %add3A_289, %add3A_302 : i32
      %lt3A_304 = arith.constant 80 : i32
      %lt3A_305 = arith.cmpi slt, %add3A_303, %lt3A_304 : i32
      %convert_element_type3A_306 = arith.extui %lt3A_305 : i1 to i32
      %cond3A_307 = arith.constant 0 : i32
      %cond3A_308 = arith.cmpi ne, %convert_element_type3A_306, %cond3A_307 : i32
      scf.if %cond3A_308 {
        %sub3A = arith.constant 1 : i32
        %sub3A_309 = arith.subi %add3A_289, %sub3A : i32
        %ge3A = arith.constant 0 : i32
        %ge3A_310 = arith.cmpi sge, %sub3A_309, %ge3A : i32
        %convert_element_type3A_311 = arith.extui %ge3A_310 : i1 to i32
        %cond3A_312 = arith.constant 0 : i32
        %cond3A_313 = arith.cmpi ne, %convert_element_type3A_311, %cond3A_312 : i32
        scf.if %cond3A_313 {
          %sub3A_322 = arith.constant 1 : i32
          %sub3A_323 = arith.subi %add3A_289, %sub3A_322 : i32
          %dma_wait3A_324 = arith.constant 0 : i32
          %dma_wait3A_325 = tpu.memref_slice %arg8[%sub3A_323, %dma_wait3A_324] : memref<80x125xi32, #tpu.memory_space<vmem>> -> memref<1x125xi32, #tpu.memory_space<vmem>>
          %dma_wait3A_326 = tpu.memref_squeeze %dma_wait3A_325 : memref<1x125xi32, #tpu.memory_space<vmem>> -> memref<125xi32, #tpu.memory_space<vmem>>
          %dma_wait3A_327 = arith.constant 0 : i32
          %dma_wait3A_328 = arith.constant 0 : i32
          %dma_wait3A_329 = tpu.memref_slice %arg17[%dma_wait3A_327, %dma_wait3A_328] : memref<10000x64xf32, #tpu.memory_space<vmem_shared>> -> memref<10000x64xf32, #tpu.memory_space<vmem_shared>>
          tpu.wait_indirect_dma semaphore(%arg32 : memref<!tpu.dma_semaphore, #tpu.memory_space<semaphore_mem>>) src(%arg15 : memref<125x64xf32, #tpu.memory_space<vmem>>) dst(%dma_wait3A_329 : memref<10000x64xf32, #tpu.memory_space<vmem_shared>>)
        } else {
        }
        %add3A_314 = arith.constant 7 : i32
        %add3A_315 = arith.addi %add3A_289, %add3A_314 : i32
        %dma_start3A_316 = arith.constant 0 : i32
        %dma_start3A_317 = tpu.memref_slice %arg7[%add3A_315, %dma_start3A_316] : memref<80x125xi32, #tpu.memory_space<vmem>> -> memref<1x125xi32, #tpu.memory_space<vmem>>
        %dma_start3A_318 = tpu.memref_squeeze %dma_start3A_317 : memref<1x125xi32, #tpu.memory_space<vmem>> -> memref<125xi32, #tpu.memory_space<vmem>>
        %dma_start3A_319 = arith.constant 0 : i32
        %dma_start3A_320 = arith.constant 0 : i32
        %dma_start3A_321 = tpu.memref_slice %arg2[%dma_start3A_319, %dma_start3A_320] : memref<10000x64xf32, #tpu.memory_space<hbm>> -> memref<10000x64xf32, #tpu.memory_space<hbm>>
        tpu.enqueue_indirect_dma source(%dma_start3A_321 : memref<10000x64xf32, #tpu.memory_space<hbm>>) target(%arg15 : memref<125x64xf32, #tpu.memory_space<vmem>>) offsets(%dma_start3A_318 : memref<125xi32, #tpu.memory_space<vmem>>) semaphore(%arg24 : memref<!tpu.dma_semaphore, #tpu.memory_space<semaphore_mem>>)
      } else {
      }
    }
    %scan3A_59 = arith.constant 10 : i32
    %dma_wait3A = arith.constant 72 : i32
    %dma_wait3A_60 = arith.constant 0 : i32
    %dma_wait3A_61 = tpu.memref_slice %arg8[%dma_wait3A, %dma_wait3A_60] : memref<80x125xi32, #tpu.memory_space<vmem>> -> memref<1x125xi32, #tpu.memory_space<vmem>>
    %dma_wait3A_62 = tpu.memref_squeeze %dma_wait3A_61 : memref<1x125xi32, #tpu.memory_space<vmem>> -> memref<125xi32, #tpu.memory_space<vmem>>
    %dma_wait3A_63 = arith.constant 0 : i32
    %dma_wait3A_64 = arith.constant 0 : i32
    %dma_wait3A_65 = tpu.memref_slice %arg17[%dma_wait3A_63, %dma_wait3A_64] : memref<10000x64xf32, #tpu.memory_space<vmem_shared>> -> memref<10000x64xf32, #tpu.memory_space<vmem_shared>>
    tpu.wait_indirect_dma semaphore(%arg26 : memref<!tpu.dma_semaphore, #tpu.memory_space<semaphore_mem>>) src(%arg9 : memref<125x64xf32, #tpu.memory_space<vmem>>) dst(%dma_wait3A_65 : memref<10000x64xf32, #tpu.memory_space<vmem_shared>>)
    %dma_wait3A_66 = arith.constant 73 : i32
    %dma_wait3A_67 = arith.constant 0 : i32
    %dma_wait3A_68 = tpu.memref_slice %arg8[%dma_wait3A_66, %dma_wait3A_67] : memref<80x125xi32, #tpu.memory_space<vmem>> -> memref<1x125xi32, #tpu.memory_space<vmem>>
    %dma_wait3A_69 = tpu.memref_squeeze %dma_wait3A_68 : memref<1x125xi32, #tpu.memory_space<vmem>> -> memref<125xi32, #tpu.memory_space<vmem>>
    %dma_wait3A_70 = arith.constant 0 : i32
    %dma_wait3A_71 = arith.constant 0 : i32
    %dma_wait3A_72 = tpu.memref_slice %arg17[%dma_wait3A_70, %dma_wait3A_71] : memref<10000x64xf32, #tpu.memory_space<vmem_shared>> -> memref<10000x64xf32, #tpu.memory_space<vmem_shared>>
    tpu.wait_indirect_dma semaphore(%arg27 : memref<!tpu.dma_semaphore, #tpu.memory_space<semaphore_mem>>) src(%arg10 : memref<125x64xf32, #tpu.memory_space<vmem>>) dst(%dma_wait3A_72 : memref<10000x64xf32, #tpu.memory_space<vmem_shared>>)
    %dma_wait3A_73 = arith.constant 74 : i32
    %dma_wait3A_74 = arith.constant 0 : i32
    %dma_wait3A_75 = tpu.memref_slice %arg8[%dma_wait3A_73, %dma_wait3A_74] : memref<80x125xi32, #tpu.memory_space<vmem>> -> memref<1x125xi32, #tpu.memory_space<vmem>>
    %dma_wait3A_76 = tpu.memref_squeeze %dma_wait3A_75 : memref<1x125xi32, #tpu.memory_space<vmem>> -> memref<125xi32, #tpu.memory_space<vmem>>
    %dma_wait3A_77 = arith.constant 0 : i32
    %dma_wait3A_78 = arith.constant 0 : i32
    %dma_wait3A_79 = tpu.memref_slice %arg17[%dma_wait3A_77, %dma_wait3A_78] : memref<10000x64xf32, #tpu.memory_space<vmem_shared>> -> memref<10000x64xf32, #tpu.memory_space<vmem_shared>>
    tpu.wait_indirect_dma semaphore(%arg28 : memref<!tpu.dma_semaphore, #tpu.memory_space<semaphore_mem>>) src(%arg11 : memref<125x64xf32, #tpu.memory_space<vmem>>) dst(%dma_wait3A_79 : memref<10000x64xf32, #tpu.memory_space<vmem_shared>>)
    %dma_wait3A_80 = arith.constant 75 : i32
    %dma_wait3A_81 = arith.constant 0 : i32
    %dma_wait3A_82 = tpu.memref_slice %arg8[%dma_wait3A_80, %dma_wait3A_81] : memref<80x125xi32, #tpu.memory_space<vmem>> -> memref<1x125xi32, #tpu.memory_space<vmem>>
    %dma_wait3A_83 = tpu.memref_squeeze %dma_wait3A_82 : memref<1x125xi32, #tpu.memory_space<vmem>> -> memref<125xi32, #tpu.memory_space<vmem>>
    %dma_wait3A_84 = arith.constant 0 : i32
    %dma_wait3A_85 = arith.constant 0 : i32
    %dma_wait3A_86 = tpu.memref_slice %arg17[%dma_wait3A_84, %dma_wait3A_85] : memref<10000x64xf32, #tpu.memory_space<vmem_shared>> -> memref<10000x64xf32, #tpu.memory_space<vmem_shared>>
    tpu.wait_indirect_dma semaphore(%arg29 : memref<!tpu.dma_semaphore, #tpu.memory_space<semaphore_mem>>) src(%arg12 : memref<125x64xf32, #tpu.memory_space<vmem>>) dst(%dma_wait3A_86 : memref<10000x64xf32, #tpu.memory_space<vmem_shared>>)
    %dma_wait3A_87 = arith.constant 76 : i32
    %dma_wait3A_88 = arith.constant 0 : i32
    %dma_wait3A_89 = tpu.memref_slice %arg8[%dma_wait3A_87, %dma_wait3A_88] : memref<80x125xi32, #tpu.memory_space<vmem>> -> memref<1x125xi32, #tpu.memory_space<vmem>>
    %dma_wait3A_90 = tpu.memref_squeeze %dma_wait3A_89 : memref<1x125xi32, #tpu.memory_space<vmem>> -> memref<125xi32, #tpu.memory_space<vmem>>
    %dma_wait3A_91 = arith.constant 0 : i32
    %dma_wait3A_92 = arith.constant 0 : i32
    %dma_wait3A_93 = tpu.memref_slice %arg17[%dma_wait3A_91, %dma_wait3A_92] : memref<10000x64xf32, #tpu.memory_space<vmem_shared>> -> memref<10000x64xf32, #tpu.memory_space<vmem_shared>>
    tpu.wait_indirect_dma semaphore(%arg30 : memref<!tpu.dma_semaphore, #tpu.memory_space<semaphore_mem>>) src(%arg13 : memref<125x64xf32, #tpu.memory_space<vmem>>) dst(%dma_wait3A_93 : memref<10000x64xf32, #tpu.memory_space<vmem_shared>>)
    %dma_wait3A_94 = arith.constant 77 : i32
    %dma_wait3A_95 = arith.constant 0 : i32
    %dma_wait3A_96 = tpu.memref_slice %arg8[%dma_wait3A_94, %dma_wait3A_95] : memref<80x125xi32, #tpu.memory_space<vmem>> -> memref<1x125xi32, #tpu.memory_space<vmem>>
    %dma_wait3A_97 = tpu.memref_squeeze %dma_wait3A_96 : memref<1x125xi32, #tpu.memory_space<vmem>> -> memref<125xi32, #tpu.memory_space<vmem>>
    %dma_wait3A_98 = arith.constant 0 : i32
    %dma_wait3A_99 = arith.constant 0 : i32
    %dma_wait3A_100 = tpu.memref_slice %arg17[%dma_wait3A_98, %dma_wait3A_99] : memref<10000x64xf32, #tpu.memory_space<vmem_shared>> -> memref<10000x64xf32, #tpu.memory_space<vmem_shared>>
    tpu.wait_indirect_dma semaphore(%arg31 : memref<!tpu.dma_semaphore, #tpu.memory_space<semaphore_mem>>) src(%arg14 : memref<125x64xf32, #tpu.memory_space<vmem>>) dst(%dma_wait3A_100 : memref<10000x64xf32, #tpu.memory_space<vmem_shared>>)
    %dma_wait3A_101 = arith.constant 78 : i32
    %dma_wait3A_102 = arith.constant 0 : i32
    %dma_wait3A_103 = tpu.memref_slice %arg8[%dma_wait3A_101, %dma_wait3A_102] : memref<80x125xi32, #tpu.memory_space<vmem>> -> memref<1x125xi32, #tpu.memory_space<vmem>>
    %dma_wait3A_104 = tpu.memref_squeeze %dma_wait3A_103 : memref<1x125xi32, #tpu.memory_space<vmem>> -> memref<125xi32, #tpu.memory_space<vmem>>
    %dma_wait3A_105 = arith.constant 0 : i32
    %dma_wait3A_106 = arith.constant 0 : i32
    %dma_wait3A_107 = tpu.memref_slice %arg17[%dma_wait3A_105, %dma_wait3A_106] : memref<10000x64xf32, #tpu.memory_space<vmem_shared>> -> memref<10000x64xf32, #tpu.memory_space<vmem_shared>>
    tpu.wait_indirect_dma semaphore(%arg32 : memref<!tpu.dma_semaphore, #tpu.memory_space<semaphore_mem>>) src(%arg15 : memref<125x64xf32, #tpu.memory_space<vmem>>) dst(%dma_wait3A_107 : memref<10000x64xf32, #tpu.memory_space<vmem_shared>>)
    %dma_wait3A_108 = arith.constant 79 : i32
    %dma_wait3A_109 = arith.constant 0 : i32
    %dma_wait3A_110 = tpu.memref_slice %arg8[%dma_wait3A_108, %dma_wait3A_109] : memref<80x125xi32, #tpu.memory_space<vmem>> -> memref<1x125xi32, #tpu.memory_space<vmem>>
    %dma_wait3A_111 = tpu.memref_squeeze %dma_wait3A_110 : memref<1x125xi32, #tpu.memory_space<vmem>> -> memref<125xi32, #tpu.memory_space<vmem>>
    %dma_wait3A_112 = arith.constant 0 : i32
    %dma_wait3A_113 = arith.constant 0 : i32
    %dma_wait3A_114 = tpu.memref_slice %arg17[%dma_wait3A_112, %dma_wait3A_113] : memref<10000x64xf32, #tpu.memory_space<vmem_shared>> -> memref<10000x64xf32, #tpu.memory_space<vmem_shared>>
    tpu.wait_indirect_dma semaphore(%arg33 : memref<!tpu.dma_semaphore, #tpu.memory_space<semaphore_mem>>) src(%arg16 : memref<125x64xf32, #tpu.memory_space<vmem>>) dst(%dma_wait3A_114 : memref<10000x64xf32, #tpu.memory_space<vmem_shared>>)
    %barrier3A_115 = arith.constant 0 : index
    tpu.barrier barrier_id(%barrier3A_115)
    %mul3A_116 = arith.constant 624 : i32
    %mul3A_117 = arith.muli %arg1, %mul3A_116 : i32
    %mul3A_118 = arith.constant 624 : i32
    %mul3A_119 = arith.muli %arg1, %mul3A_118 : i32
    "tpu.region"() ({
      %run_scoped3A = tpu.sem_alloc : memref<!tpu.dma_semaphore, #tpu.memory_space<semaphore_mem>>
      %dma_start3A_125 = arith.constant 0 : i32
      %dma_start3A_126 = tpu.memref_slice %arg6[%arg0, %mul3A_119, %dma_start3A_125] : memref<2x10000x64xf32, #tpu.memory_space<hbm>> -> memref<1x624x64xf32, #tpu.memory_space<hbm>>
      %dma_start3A_127 = tpu.memref_squeeze %dma_start3A_126 : memref<1x624x64xf32, #tpu.memory_space<hbm>> -> memref<624x64xf32, #tpu.memory_space<hbm>>
      %dma_start3A_128 = arith.constant 0 : i32
      %dma_start3A_129 = tpu.memref_slice %arg17[%mul3A_117, %dma_start3A_128] : memref<10000x64xf32, #tpu.memory_space<vmem_shared>> -> memref<624x64xf32, #tpu.memory_space<vmem_shared>>
      tpu.enqueue_dma source(%dma_start3A_129 : memref<624x64xf32, #tpu.memory_space<vmem_shared>>) target(%dma_start3A_127 : memref<624x64xf32, #tpu.memory_space<hbm>>) target_semaphore(%run_scoped3A : memref<!tpu.dma_semaphore, #tpu.memory_space<semaphore_mem>>)
      %dma_wait3A_130 = arith.constant 0 : i32
      %dma_wait3A_131 = tpu.memref_slice %arg6[%arg0, %mul3A_119, %dma_wait3A_130] : memref<2x10000x64xf32, #tpu.memory_space<hbm>> -> memref<1x624x64xf32, #tpu.memory_space<hbm>>
      %dma_wait3A_132 = tpu.memref_squeeze %dma_wait3A_131 : memref<1x624x64xf32, #tpu.memory_space<hbm>> -> memref<624x64xf32, #tpu.memory_space<hbm>>
      %dma_wait3A_133 = arith.constant 0 : i32
      %dma_wait3A_134 = tpu.memref_slice %arg17[%mul3A_117, %dma_wait3A_133] : memref<10000x64xf32, #tpu.memory_space<vmem_shared>> -> memref<624x64xf32, #tpu.memory_space<vmem_shared>>
      tpu.wait_dma2 semaphore(%run_scoped3A : memref<!tpu.dma_semaphore, #tpu.memory_space<semaphore_mem>>) src(%dma_wait3A_134 : memref<624x64xf32, #tpu.memory_space<vmem_shared>>) dst(%dma_wait3A_132 : memref<624x64xf32, #tpu.memory_space<hbm>>)
      tpu.yield
    }) : () -> ()
    %eq3A_120 = arith.constant 15 : i32
    %eq3A_121 = arith.cmpi eq, %arg1, %eq3A_120 : i32
    %convert_element_type3A_122 = arith.extui %eq3A_121 : i1 to i32
    %cond3A_123 = arith.constant 0 : i32
    %cond3A_124 = arith.cmpi ne, %convert_element_type3A_122, %cond3A_123 : i32
    scf.if %cond3A_124 {
      "tpu.region"() ({
        %run_scoped3A = tpu.sem_alloc : memref<!tpu.dma_semaphore, #tpu.memory_space<semaphore_mem>>
        %dma_start3A_125 = arith.constant 9984 : i32
        %dma_start3A_126 = arith.constant 0 : i32
        %dma_start3A_127 = tpu.memref_slice %arg6[%arg0, %dma_start3A_125, %dma_start3A_126] : memref<2x10000x64xf32, #tpu.memory_space<hbm>> -> memref<1x16x64xf32, #tpu.memory_space<hbm>>
        %dma_start3A_128 = tpu.memref_squeeze %dma_start3A_127 : memref<1x16x64xf32, #tpu.memory_space<hbm>> -> memref<16x64xf32, #tpu.memory_space<hbm>>
        %dma_start3A_129 = arith.constant 9984 : i32
        %dma_start3A_130 = arith.constant 0 : i32
        %dma_start3A_131 = tpu.memref_slice %arg17[%dma_start3A_129, %dma_start3A_130] : memref<10000x64xf32, #tpu.memory_space<vmem_shared>> -> memref<16x64xf32, #tpu.memory_space<vmem_shared>>
        tpu.enqueue_dma source(%dma_start3A_131 : memref<16x64xf32, #tpu.memory_space<vmem_shared>>) target(%dma_start3A_128 : memref<16x64xf32, #tpu.memory_space<hbm>>) target_semaphore(%run_scoped3A : memref<!tpu.dma_semaphore, #tpu.memory_space<semaphore_mem>>)
        %dma_wait3A_132 = arith.constant 9984 : i32
        %dma_wait3A_133 = arith.constant 0 : i32
        %dma_wait3A_134 = tpu.memref_slice %arg6[%arg0, %dma_wait3A_132, %dma_wait3A_133] : memref<2x10000x64xf32, #tpu.memory_space<hbm>> -> memref<1x16x64xf32, #tpu.memory_space<hbm>>
        %dma_wait3A_135 = tpu.memref_squeeze %dma_wait3A_134 : memref<1x16x64xf32, #tpu.memory_space<hbm>> -> memref<16x64xf32, #tpu.memory_space<hbm>>
        %dma_wait3A_136 = arith.constant 9984 : i32
        %dma_wait3A_137 = arith.constant 0 : i32
        %dma_wait3A_138 = tpu.memref_slice %arg17[%dma_wait3A_136, %dma_wait3A_137] : memref<10000x64xf32, #tpu.memory_space<vmem_shared>> -> memref<16x64xf32, #tpu.memory_space<vmem_shared>>
        tpu.wait_dma2 semaphore(%run_scoped3A : memref<!tpu.dma_semaphore, #tpu.memory_space<semaphore_mem>>) src(%dma_wait3A_138 : memref<16x64xf32, #tpu.memory_space<vmem_shared>>) dst(%dma_wait3A_135 : memref<16x64xf32, #tpu.memory_space<hbm>>)
        tpu.yield
      }) : () -> ()
    } else {
    }
    return
  }
}

#map = affine_map<(d0, d1) -> (0, 0)>
#map1 = affine_map<(d0, d1) -> (0, 0, 0)>
module attributes {stable_mosaic.version = 14 : i64} {
  func.func @k(%arg0: i32, %arg1: i32, %arg2: memref<10000x32xf32, #tpu.memory_space<hbm>>, %arg3: memref<32x80x125xi32, #tpu.memory_space<hbm>>, %arg4: memref<32x80x125xi32, #tpu.memory_space<hbm>>, %arg5: memref<10000x32xf32, #tpu.memory_space<hbm>>, %arg6: memref<2x10000x32xf32, #tpu.memory_space<hbm>>, %arg7: memref<80x125xi32, #tpu.memory_space<vmem>>, %arg8: memref<80x125xi32, #tpu.memory_space<vmem>>, %arg9: memref<125x32xf32, #tpu.memory_space<vmem>>, %arg10: memref<125x32xf32, #tpu.memory_space<vmem>>, %arg11: memref<125x32xf32, #tpu.memory_space<vmem>>, %arg12: memref<125x32xf32, #tpu.memory_space<vmem>>, %arg13: memref<125x32xf32, #tpu.memory_space<vmem>>, %arg14: memref<125x32xf32, #tpu.memory_space<vmem>>, %arg15: memref<125x32xf32, #tpu.memory_space<vmem>>, %arg16: memref<125x32xf32, #tpu.memory_space<vmem>>, %arg17: memref<10000x32xf32, #tpu.memory_space<vmem_shared>>, %arg18: memref<!tpu.dma_semaphore, #tpu.memory_space<semaphore_mem>>, %arg19: memref<!tpu.dma_semaphore, #tpu.memory_space<semaphore_mem>>, %arg20: memref<!tpu.dma_semaphore, #tpu.memory_space<semaphore_mem>>, %arg21: memref<!tpu.dma_semaphore, #tpu.memory_space<semaphore_mem>>, %arg22: memref<!tpu.dma_semaphore, #tpu.memory_space<semaphore_mem>>, %arg23: memref<!tpu.dma_semaphore, #tpu.memory_space<semaphore_mem>>, %arg24: memref<!tpu.dma_semaphore, #tpu.memory_space<semaphore_mem>>, %arg25: memref<!tpu.dma_semaphore, #tpu.memory_space<semaphore_mem>>, %arg26: memref<!tpu.dma_semaphore, #tpu.memory_space<semaphore_mem>>, %arg27: memref<!tpu.dma_semaphore, #tpu.memory_space<semaphore_mem>>, %arg28: memref<!tpu.dma_semaphore, #tpu.memory_space<semaphore_mem>>, %arg29: memref<!tpu.dma_semaphore, #tpu.memory_space<semaphore_mem>>, %arg30: memref<!tpu.dma_semaphore, #tpu.memory_space<semaphore_mem>>, %arg31: memref<!tpu.dma_semaphore, #tpu.memory_space<semaphore_mem>>, %arg32: memref<!tpu.dma_semaphore, #tpu.memory_space<semaphore_mem>>, %arg33: memref<!tpu.dma_semaphore, #tpu.memory_space<semaphore_mem>>) attributes {dimension_semantics = [#tpu.dimension_semantics<core_parallel>, #tpu.dimension_semantics<subcore_parallel>], iteration_bounds = array<i64: 2, 16>, scalar_prefetch = 0 : i64, scratch_operands = 27 : i64, tpu.core_type = #tpu.core_type<sc_vector_subcore>, window_params = [{transform_indices = #map}, {transform_indices = #map1}, {transform_indices = #map1}, {transform_indices = #map}, {transform_indices = #map1}]} {
    %mul3A = arith.constant 16 : i32
    %mul3A_0 = arith.muli %arg0, %mul3A : i32
    %add3A = arith.addi %mul3A_0, %arg1 : i32
    "tpu.region"() ({
      %run_scoped3A = tpu.sem_alloc : memref<!tpu.dma_semaphore, #tpu.memory_space<semaphore_mem>>
      %dma_start3A_125 = arith.constant 0 : i32
      %dma_start3A_126 = arith.constant 0 : i32
      %dma_start3A_127 = tpu.memref_slice %arg3[%add3A, %dma_start3A_125, %dma_start3A_126] : memref<32x80x125xi32, #tpu.memory_space<hbm>> -> memref<1x80x125xi32, #tpu.memory_space<hbm>>
      %dma_start3A_128 = tpu.memref_squeeze %dma_start3A_127 : memref<1x80x125xi32, #tpu.memory_space<hbm>> -> memref<80x125xi32, #tpu.memory_space<hbm>>
      %dma_start3A_129 = arith.constant 0 : i32
      %dma_start3A_130 = arith.constant 0 : i32
      %dma_start3A_131 = tpu.memref_slice %arg3[%add3A, %dma_start3A_129, %dma_start3A_130] : memref<32x80x125xi32, #tpu.memory_space<hbm>> -> memref<1x80x125xi32, #tpu.memory_space<hbm>>
      %dma_start3A_132 = tpu.memref_squeeze %dma_start3A_131 : memref<1x80x125xi32, #tpu.memory_space<hbm>> -> memref<80x125xi32, #tpu.memory_space<hbm>>
      tpu.enqueue_dma source(%dma_start3A_132 : memref<80x125xi32, #tpu.memory_space<hbm>>) target(%arg7 : memref<80x125xi32, #tpu.memory_space<vmem>>) target_semaphore(%run_scoped3A : memref<!tpu.dma_semaphore, #tpu.memory_space<semaphore_mem>>)
      %dma_wait3A_133 = arith.constant 0 : i32
      %dma_wait3A_134 = arith.constant 0 : i32
      %dma_wait3A_135 = tpu.memref_slice %arg3[%add3A, %dma_wait3A_133, %dma_wait3A_134] : memref<32x80x125xi32, #tpu.memory_space<hbm>> -> memref<1x80x125xi32, #tpu.memory_space<hbm>>
      %dma_wait3A_136 = tpu.memref_squeeze %dma_wait3A_135 : memref<1x80x125xi32, #tpu.memory_space<hbm>> -> memref<80x125xi32, #tpu.memory_space<hbm>>
      %dma_wait3A_137 = arith.constant 0 : i32
      %dma_wait3A_138 = arith.constant 0 : i32
      %dma_wait3A_139 = tpu.memref_slice %arg3[%add3A, %dma_wait3A_137, %dma_wait3A_138] : memref<32x80x125xi32, #tpu.memory_space<hbm>> -> memref<1x80x125xi32, #tpu.memory_space<hbm>>
      %dma_wait3A_140 = tpu.memref_squeeze %dma_wait3A_139 : memref<1x80x125xi32, #tpu.memory_space<hbm>> -> memref<80x125xi32, #tpu.memory_space<hbm>>
      tpu.wait_dma2 semaphore(%run_scoped3A : memref<!tpu.dma_semaphore, #tpu.memory_space<semaphore_mem>>) src(%dma_wait3A_140 : memref<80x125xi32, #tpu.memory_space<hbm>>) dst(%arg7 : memref<80x125xi32, #tpu.memory_space<vmem>>)
      tpu.yield
    }) : () -> ()
    "tpu.region"() ({
      %run_scoped3A = tpu.sem_alloc : memref<!tpu.dma_semaphore, #tpu.memory_space<semaphore_mem>>
      %dma_start3A_125 = arith.constant 0 : i32
      %dma_start3A_126 = arith.constant 0 : i32
      %dma_start3A_127 = tpu.memref_slice %arg4[%add3A, %dma_start3A_125, %dma_start3A_126] : memref<32x80x125xi32, #tpu.memory_space<hbm>> -> memref<1x80x125xi32, #tpu.memory_space<hbm>>
      %dma_start3A_128 = tpu.memref_squeeze %dma_start3A_127 : memref<1x80x125xi32, #tpu.memory_space<hbm>> -> memref<80x125xi32, #tpu.memory_space<hbm>>
      %dma_start3A_129 = arith.constant 0 : i32
      %dma_start3A_130 = arith.constant 0 : i32
      %dma_start3A_131 = tpu.memref_slice %arg4[%add3A, %dma_start3A_129, %dma_start3A_130] : memref<32x80x125xi32, #tpu.memory_space<hbm>> -> memref<1x80x125xi32, #tpu.memory_space<hbm>>
      %dma_start3A_132 = tpu.memref_squeeze %dma_start3A_131 : memref<1x80x125xi32, #tpu.memory_space<hbm>> -> memref<80x125xi32, #tpu.memory_space<hbm>>
      tpu.enqueue_dma source(%dma_start3A_132 : memref<80x125xi32, #tpu.memory_space<hbm>>) target(%arg8 : memref<80x125xi32, #tpu.memory_space<vmem>>) target_semaphore(%run_scoped3A : memref<!tpu.dma_semaphore, #tpu.memory_space<semaphore_mem>>)
      %dma_wait3A_133 = arith.constant 0 : i32
      %dma_wait3A_134 = arith.constant 0 : i32
      %dma_wait3A_135 = tpu.memref_slice %arg4[%add3A, %dma_wait3A_133, %dma_wait3A_134] : memref<32x80x125xi32, #tpu.memory_space<hbm>> -> memref<1x80x125xi32, #tpu.memory_space<hbm>>
      %dma_wait3A_136 = tpu.memref_squeeze %dma_wait3A_135 : memref<1x80x125xi32, #tpu.memory_space<hbm>> -> memref<80x125xi32, #tpu.memory_space<hbm>>
      %dma_wait3A_137 = arith.constant 0 : i32
      %dma_wait3A_138 = arith.constant 0 : i32
      %dma_wait3A_139 = tpu.memref_slice %arg4[%add3A, %dma_wait3A_137, %dma_wait3A_138] : memref<32x80x125xi32, #tpu.memory_space<hbm>> -> memref<1x80x125xi32, #tpu.memory_space<hbm>>
      %dma_wait3A_140 = tpu.memref_squeeze %dma_wait3A_139 : memref<1x80x125xi32, #tpu.memory_space<hbm>> -> memref<80x125xi32, #tpu.memory_space<hbm>>
      tpu.wait_dma2 semaphore(%run_scoped3A : memref<!tpu.dma_semaphore, #tpu.memory_space<semaphore_mem>>) src(%dma_wait3A_140 : memref<80x125xi32, #tpu.memory_space<hbm>>) dst(%arg8 : memref<80x125xi32, #tpu.memory_space<vmem>>)
      tpu.yield
    }) : () -> ()
    %dma_start3A = arith.constant 0 : i32
    %dma_start3A_1 = arith.constant 0 : i32
    %dma_start3A_2 = tpu.memref_slice %arg7[%dma_start3A, %dma_start3A_1] : memref<80x125xi32, #tpu.memory_space<vmem>> -> memref<1x125xi32, #tpu.memory_space<vmem>>
    %dma_start3A_3 = tpu.memref_squeeze %dma_start3A_2 : memref<1x125xi32, #tpu.memory_space<vmem>> -> memref<125xi32, #tpu.memory_space<vmem>>
    %dma_start3A_4 = arith.constant 0 : i32
    %dma_start3A_5 = arith.constant 0 : i32
    %dma_start3A_6 = tpu.memref_slice %arg2[%dma_start3A_4, %dma_start3A_5] : memref<10000x32xf32, #tpu.memory_space<hbm>> -> memref<10000x32xf32, #tpu.memory_space<hbm>>
    tpu.enqueue_indirect_dma source(%dma_start3A_6 : memref<10000x32xf32, #tpu.memory_space<hbm>>) target(%arg9 : memref<125x32xf32, #tpu.memory_space<vmem>>) offsets(%dma_start3A_3 : memref<125xi32, #tpu.memory_space<vmem>>) semaphore(%arg18 : memref<!tpu.dma_semaphore, #tpu.memory_space<semaphore_mem>>)
    %dma_start3A_7 = arith.constant 1 : i32
    %dma_start3A_8 = arith.constant 0 : i32
    %dma_start3A_9 = tpu.memref_slice %arg7[%dma_start3A_7, %dma_start3A_8] : memref<80x125xi32, #tpu.memory_space<vmem>> -> memref<1x125xi32, #tpu.memory_space<vmem>>
    %dma_start3A_10 = tpu.memref_squeeze %dma_start3A_9 : memref<1x125xi32, #tpu.memory_space<vmem>> -> memref<125xi32, #tpu.memory_space<vmem>>
    %dma_start3A_11 = arith.constant 0 : i32
    %dma_start3A_12 = arith.constant 0 : i32
    %dma_start3A_13 = tpu.memref_slice %arg2[%dma_start3A_11, %dma_start3A_12] : memref<10000x32xf32, #tpu.memory_space<hbm>> -> memref<10000x32xf32, #tpu.memory_space<hbm>>
    tpu.enqueue_indirect_dma source(%dma_start3A_13 : memref<10000x32xf32, #tpu.memory_space<hbm>>) target(%arg10 : memref<125x32xf32, #tpu.memory_space<vmem>>) offsets(%dma_start3A_10 : memref<125xi32, #tpu.memory_space<vmem>>) semaphore(%arg19 : memref<!tpu.dma_semaphore, #tpu.memory_space<semaphore_mem>>)
    %dma_start3A_14 = arith.constant 2 : i32
    %dma_start3A_15 = arith.constant 0 : i32
    %dma_start3A_16 = tpu.memref_slice %arg7[%dma_start3A_14, %dma_start3A_15] : memref<80x125xi32, #tpu.memory_space<vmem>> -> memref<1x125xi32, #tpu.memory_space<vmem>>
    %dma_start3A_17 = tpu.memref_squeeze %dma_start3A_16 : memref<1x125xi32, #tpu.memory_space<vmem>> -> memref<125xi32, #tpu.memory_space<vmem>>
    %dma_start3A_18 = arith.constant 0 : i32
    %dma_start3A_19 = arith.constant 0 : i32
    %dma_start3A_20 = tpu.memref_slice %arg2[%dma_start3A_18, %dma_start3A_19] : memref<10000x32xf32, #tpu.memory_space<hbm>> -> memref<10000x32xf32, #tpu.memory_space<hbm>>
    tpu.enqueue_indirect_dma source(%dma_start3A_20 : memref<10000x32xf32, #tpu.memory_space<hbm>>) target(%arg11 : memref<125x32xf32, #tpu.memory_space<vmem>>) offsets(%dma_start3A_17 : memref<125xi32, #tpu.memory_space<vmem>>) semaphore(%arg20 : memref<!tpu.dma_semaphore, #tpu.memory_space<semaphore_mem>>)
    %dma_start3A_21 = arith.constant 3 : i32
    %dma_start3A_22 = arith.constant 0 : i32
    %dma_start3A_23 = tpu.memref_slice %arg7[%dma_start3A_21, %dma_start3A_22] : memref<80x125xi32, #tpu.memory_space<vmem>> -> memref<1x125xi32, #tpu.memory_space<vmem>>
    %dma_start3A_24 = tpu.memref_squeeze %dma_start3A_23 : memref<1x125xi32, #tpu.memory_space<vmem>> -> memref<125xi32, #tpu.memory_space<vmem>>
    %dma_start3A_25 = arith.constant 0 : i32
    %dma_start3A_26 = arith.constant 0 : i32
    %dma_start3A_27 = tpu.memref_slice %arg2[%dma_start3A_25, %dma_start3A_26] : memref<10000x32xf32, #tpu.memory_space<hbm>> -> memref<10000x32xf32, #tpu.memory_space<hbm>>
    tpu.enqueue_indirect_dma source(%dma_start3A_27 : memref<10000x32xf32, #tpu.memory_space<hbm>>) target(%arg12 : memref<125x32xf32, #tpu.memory_space<vmem>>) offsets(%dma_start3A_24 : memref<125xi32, #tpu.memory_space<vmem>>) semaphore(%arg21 : memref<!tpu.dma_semaphore, #tpu.memory_space<semaphore_mem>>)
    %dma_start3A_28 = arith.constant 4 : i32
    %dma_start3A_29 = arith.constant 0 : i32
    %dma_start3A_30 = tpu.memref_slice %arg7[%dma_start3A_28, %dma_start3A_29] : memref<80x125xi32, #tpu.memory_space<vmem>> -> memref<1x125xi32, #tpu.memory_space<vmem>>
    %dma_start3A_31 = tpu.memref_squeeze %dma_start3A_30 : memref<1x125xi32, #tpu.memory_space<vmem>> -> memref<125xi32, #tpu.memory_space<vmem>>
    %dma_start3A_32 = arith.constant 0 : i32
    %dma_start3A_33 = arith.constant 0 : i32
    %dma_start3A_34 = tpu.memref_slice %arg2[%dma_start3A_32, %dma_start3A_33] : memref<10000x32xf32, #tpu.memory_space<hbm>> -> memref<10000x32xf32, #tpu.memory_space<hbm>>
    tpu.enqueue_indirect_dma source(%dma_start3A_34 : memref<10000x32xf32, #tpu.memory_space<hbm>>) target(%arg13 : memref<125x32xf32, #tpu.memory_space<vmem>>) offsets(%dma_start3A_31 : memref<125xi32, #tpu.memory_space<vmem>>) semaphore(%arg22 : memref<!tpu.dma_semaphore, #tpu.memory_space<semaphore_mem>>)
    %dma_start3A_35 = arith.constant 5 : i32
    %dma_start3A_36 = arith.constant 0 : i32
    %dma_start3A_37 = tpu.memref_slice %arg7[%dma_start3A_35, %dma_start3A_36] : memref<80x125xi32, #tpu.memory_space<vmem>> -> memref<1x125xi32, #tpu.memory_space<vmem>>
    %dma_start3A_38 = tpu.memref_squeeze %dma_start3A_37 : memref<1x125xi32, #tpu.memory_space<vmem>> -> memref<125xi32, #tpu.memory_space<vmem>>
    %dma_start3A_39 = arith.constant 0 : i32
    %dma_start3A_40 = arith.constant 0 : i32
    %dma_start3A_41 = tpu.memref_slice %arg2[%dma_start3A_39, %dma_start3A_40] : memref<10000x32xf32, #tpu.memory_space<hbm>> -> memref<10000x32xf32, #tpu.memory_space<hbm>>
    tpu.enqueue_indirect_dma source(%dma_start3A_41 : memref<10000x32xf32, #tpu.memory_space<hbm>>) target(%arg14 : memref<125x32xf32, #tpu.memory_space<vmem>>) offsets(%dma_start3A_38 : memref<125xi32, #tpu.memory_space<vmem>>) semaphore(%arg23 : memref<!tpu.dma_semaphore, #tpu.memory_space<semaphore_mem>>)
    %dma_start3A_42 = arith.constant 6 : i32
    %dma_start3A_43 = arith.constant 0 : i32
    %dma_start3A_44 = tpu.memref_slice %arg7[%dma_start3A_42, %dma_start3A_43] : memref<80x125xi32, #tpu.memory_space<vmem>> -> memref<1x125xi32, #tpu.memory_space<vmem>>
    %dma_start3A_45 = tpu.memref_squeeze %dma_start3A_44 : memref<1x125xi32, #tpu.memory_space<vmem>> -> memref<125xi32, #tpu.memory_space<vmem>>
    %dma_start3A_46 = arith.constant 0 : i32
    %dma_start3A_47 = arith.constant 0 : i32
    %dma_start3A_48 = tpu.memref_slice %arg2[%dma_start3A_46, %dma_start3A_47] : memref<10000x32xf32, #tpu.memory_space<hbm>> -> memref<10000x32xf32, #tpu.memory_space<hbm>>
    tpu.enqueue_indirect_dma source(%dma_start3A_48 : memref<10000x32xf32, #tpu.memory_space<hbm>>) target(%arg15 : memref<125x32xf32, #tpu.memory_space<vmem>>) offsets(%dma_start3A_45 : memref<125xi32, #tpu.memory_space<vmem>>) semaphore(%arg24 : memref<!tpu.dma_semaphore, #tpu.memory_space<semaphore_mem>>)
    %mul3A_49 = arith.constant 624 : i32
    %mul3A_50 = arith.muli %arg1, %mul3A_49 : i32
    %mul3A_51 = arith.constant 624 : i32
    %mul3A_52 = arith.muli %arg1, %mul3A_51 : i32
    "tpu.region"() ({
      %run_scoped3A = tpu.sem_alloc : memref<!tpu.dma_semaphore, #tpu.memory_space<semaphore_mem>>
      %dma_start3A_125 = arith.constant 0 : i32
      %dma_start3A_126 = tpu.memref_slice %arg17[%mul3A_52, %dma_start3A_125] : memref<10000x32xf32, #tpu.memory_space<vmem_shared>> -> memref<624x32xf32, #tpu.memory_space<vmem_shared>>
      %dma_start3A_127 = arith.constant 0 : i32
      %dma_start3A_128 = tpu.memref_slice %arg5[%mul3A_50, %dma_start3A_127] : memref<10000x32xf32, #tpu.memory_space<hbm>> -> memref<624x32xf32, #tpu.memory_space<hbm>>
      tpu.enqueue_dma source(%dma_start3A_128 : memref<624x32xf32, #tpu.memory_space<hbm>>) target(%dma_start3A_126 : memref<624x32xf32, #tpu.memory_space<vmem_shared>>) target_semaphore(%run_scoped3A : memref<!tpu.dma_semaphore, #tpu.memory_space<semaphore_mem>>)
      %dma_wait3A_129 = arith.constant 0 : i32
      %dma_wait3A_130 = tpu.memref_slice %arg17[%mul3A_52, %dma_wait3A_129] : memref<10000x32xf32, #tpu.memory_space<vmem_shared>> -> memref<624x32xf32, #tpu.memory_space<vmem_shared>>
      %dma_wait3A_131 = arith.constant 0 : i32
      %dma_wait3A_132 = tpu.memref_slice %arg5[%mul3A_50, %dma_wait3A_131] : memref<10000x32xf32, #tpu.memory_space<hbm>> -> memref<624x32xf32, #tpu.memory_space<hbm>>
      tpu.wait_dma2 semaphore(%run_scoped3A : memref<!tpu.dma_semaphore, #tpu.memory_space<semaphore_mem>>) src(%dma_wait3A_132 : memref<624x32xf32, #tpu.memory_space<hbm>>) dst(%dma_wait3A_130 : memref<624x32xf32, #tpu.memory_space<vmem_shared>>)
      tpu.yield
    }) : () -> ()
    %eq3A = arith.constant 15 : i32
    %eq3A_53 = arith.cmpi eq, %arg1, %eq3A : i32
    %convert_element_type3A = arith.extui %eq3A_53 : i1 to i32
    %cond3A = arith.constant 0 : i32
    %cond3A_54 = arith.cmpi ne, %convert_element_type3A, %cond3A : i32
    scf.if %cond3A_54 {
      "tpu.region"() ({
        %run_scoped3A = tpu.sem_alloc : memref<!tpu.dma_semaphore, #tpu.memory_space<semaphore_mem>>
        %dma_start3A_125 = arith.constant 9984 : i32
        %dma_start3A_126 = arith.constant 0 : i32
        %dma_start3A_127 = tpu.memref_slice %arg17[%dma_start3A_125, %dma_start3A_126] : memref<10000x32xf32, #tpu.memory_space<vmem_shared>> -> memref<16x32xf32, #tpu.memory_space<vmem_shared>>
        %dma_start3A_128 = arith.constant 9984 : i32
        %dma_start3A_129 = arith.constant 0 : i32
        %dma_start3A_130 = tpu.memref_slice %arg5[%dma_start3A_128, %dma_start3A_129] : memref<10000x32xf32, #tpu.memory_space<hbm>> -> memref<16x32xf32, #tpu.memory_space<hbm>>
        tpu.enqueue_dma source(%dma_start3A_130 : memref<16x32xf32, #tpu.memory_space<hbm>>) target(%dma_start3A_127 : memref<16x32xf32, #tpu.memory_space<vmem_shared>>) target_semaphore(%run_scoped3A : memref<!tpu.dma_semaphore, #tpu.memory_space<semaphore_mem>>)
        %dma_wait3A_131 = arith.constant 9984 : i32
        %dma_wait3A_132 = arith.constant 0 : i32
        %dma_wait3A_133 = tpu.memref_slice %arg17[%dma_wait3A_131, %dma_wait3A_132] : memref<10000x32xf32, #tpu.memory_space<vmem_shared>> -> memref<16x32xf32, #tpu.memory_space<vmem_shared>>
        %dma_wait3A_134 = arith.constant 9984 : i32
        %dma_wait3A_135 = arith.constant 0 : i32
        %dma_wait3A_136 = tpu.memref_slice %arg5[%dma_wait3A_134, %dma_wait3A_135] : memref<10000x32xf32, #tpu.memory_space<hbm>> -> memref<16x32xf32, #tpu.memory_space<hbm>>
        tpu.wait_dma2 semaphore(%run_scoped3A : memref<!tpu.dma_semaphore, #tpu.memory_space<semaphore_mem>>) src(%dma_wait3A_136 : memref<16x32xf32, #tpu.memory_space<hbm>>) dst(%dma_wait3A_133 : memref<16x32xf32, #tpu.memory_space<vmem_shared>>)
        tpu.yield
      }) : () -> ()
    } else {
    }
    %barrier3A = arith.constant 0 : index
    tpu.barrier barrier_id(%barrier3A)
    %scan3A = arith.constant 0 : i32
    %scan3A_55 = arith.constant 0 : i32
    %scan3A_56 = arith.constant 10 : i32
    %scan3A_57 = arith.addi %scan3A_55, %scan3A_56 : i32
    %scan3A_58 = arith.constant 1 : i32
    scf.for %scan3A_125 = %scan3A_55 to %scan3A_57 step %scan3A_58  : i32 {
      %mul3A_126 = arith.constant 8 : i32
      %mul3A_127 = arith.muli %scan3A_125, %mul3A_126 : i32
      %add3A_128 = arith.constant 0 : i32
      %add3A_129 = arith.addi %mul3A_127, %add3A_128 : i32
      %dma_wait3A_130 = arith.constant 0 : i32
      %dma_wait3A_131 = tpu.memref_slice %arg7[%add3A_129, %dma_wait3A_130] : memref<80x125xi32, #tpu.memory_space<vmem>> -> memref<1x125xi32, #tpu.memory_space<vmem>>
      %dma_wait3A_132 = tpu.memref_squeeze %dma_wait3A_131 : memref<1x125xi32, #tpu.memory_space<vmem>> -> memref<125xi32, #tpu.memory_space<vmem>>
      %dma_wait3A_133 = arith.constant 0 : i32
      %dma_wait3A_134 = arith.constant 0 : i32
      %dma_wait3A_135 = tpu.memref_slice %arg2[%dma_wait3A_133, %dma_wait3A_134] : memref<10000x32xf32, #tpu.memory_space<hbm>> -> memref<10000x32xf32, #tpu.memory_space<hbm>>
      tpu.wait_indirect_dma semaphore(%arg18 : memref<!tpu.dma_semaphore, #tpu.memory_space<semaphore_mem>>) src(%dma_wait3A_135 : memref<10000x32xf32, #tpu.memory_space<hbm>>) dst(%arg9 : memref<125x32xf32, #tpu.memory_space<vmem>>)
      %dma_start3A_136 = arith.constant 0 : i32
      %dma_start3A_137 = tpu.memref_slice %arg8[%add3A_129, %dma_start3A_136] : memref<80x125xi32, #tpu.memory_space<vmem>> -> memref<1x125xi32, #tpu.memory_space<vmem>>
      %dma_start3A_138 = tpu.memref_squeeze %dma_start3A_137 : memref<1x125xi32, #tpu.memory_space<vmem>> -> memref<125xi32, #tpu.memory_space<vmem>>
      %dma_start3A_139 = arith.constant 0 : i32
      %dma_start3A_140 = arith.constant 0 : i32
      %dma_start3A_141 = tpu.memref_slice %arg17[%dma_start3A_139, %dma_start3A_140] : memref<10000x32xf32, #tpu.memory_space<vmem_shared>> -> memref<10000x32xf32, #tpu.memory_space<vmem_shared>>
      tpu.enqueue_indirect_dma source(%arg9 : memref<125x32xf32, #tpu.memory_space<vmem>>) target(%dma_start3A_141 : memref<10000x32xf32, #tpu.memory_space<vmem_shared>>) offsets(%dma_start3A_138 : memref<125xi32, #tpu.memory_space<vmem>>) semaphore(%arg26 : memref<!tpu.dma_semaphore, #tpu.memory_space<semaphore_mem>>) {add = true}
      %add3A_142 = arith.constant 7 : i32
      %add3A_143 = arith.addi %add3A_129, %add3A_142 : i32
      %lt3A = arith.constant 80 : i32
      %lt3A_144 = arith.cmpi slt, %add3A_143, %lt3A : i32
      %convert_element_type3A_145 = arith.extui %lt3A_144 : i1 to i32
      %cond3A_146 = arith.constant 0 : i32
      %cond3A_147 = arith.cmpi ne, %convert_element_type3A_145, %cond3A_146 : i32
      scf.if %cond3A_147 {
        %sub3A = arith.constant 1 : i32
        %sub3A_309 = arith.subi %add3A_129, %sub3A : i32
        %ge3A = arith.constant 0 : i32
        %ge3A_310 = arith.cmpi sge, %sub3A_309, %ge3A : i32
        %convert_element_type3A_311 = arith.extui %ge3A_310 : i1 to i32
        %cond3A_312 = arith.constant 0 : i32
        %cond3A_313 = arith.cmpi ne, %convert_element_type3A_311, %cond3A_312 : i32
        scf.if %cond3A_313 {
          %sub3A_322 = arith.constant 1 : i32
          %sub3A_323 = arith.subi %add3A_129, %sub3A_322 : i32
          %dma_wait3A_324 = arith.constant 0 : i32
          %dma_wait3A_325 = tpu.memref_slice %arg8[%sub3A_323, %dma_wait3A_324] : memref<80x125xi32, #tpu.memory_space<vmem>> -> memref<1x125xi32, #tpu.memory_space<vmem>>
          %dma_wait3A_326 = tpu.memref_squeeze %dma_wait3A_325 : memref<1x125xi32, #tpu.memory_space<vmem>> -> memref<125xi32, #tpu.memory_space<vmem>>
          %dma_wait3A_327 = arith.constant 0 : i32
          %dma_wait3A_328 = arith.constant 0 : i32
          %dma_wait3A_329 = tpu.memref_slice %arg17[%dma_wait3A_327, %dma_wait3A_328] : memref<10000x32xf32, #tpu.memory_space<vmem_shared>> -> memref<10000x32xf32, #tpu.memory_space<vmem_shared>>
          tpu.wait_indirect_dma semaphore(%arg33 : memref<!tpu.dma_semaphore, #tpu.memory_space<semaphore_mem>>) src(%arg16 : memref<125x32xf32, #tpu.memory_space<vmem>>) dst(%dma_wait3A_329 : memref<10000x32xf32, #tpu.memory_space<vmem_shared>>)
        } else {
        }
        %add3A_314 = arith.constant 7 : i32
        %add3A_315 = arith.addi %add3A_129, %add3A_314 : i32
        %dma_start3A_316 = arith.constant 0 : i32
        %dma_start3A_317 = tpu.memref_slice %arg7[%add3A_315, %dma_start3A_316] : memref<80x125xi32, #tpu.memory_space<vmem>> -> memref<1x125xi32, #tpu.memory_space<vmem>>
        %dma_start3A_318 = tpu.memref_squeeze %dma_start3A_317 : memref<1x125xi32, #tpu.memory_space<vmem>> -> memref<125xi32, #tpu.memory_space<vmem>>
        %dma_start3A_319 = arith.constant 0 : i32
        %dma_start3A_320 = arith.constant 0 : i32
        %dma_start3A_321 = tpu.memref_slice %arg2[%dma_start3A_319, %dma_start3A_320] : memref<10000x32xf32, #tpu.memory_space<hbm>> -> memref<10000x32xf32, #tpu.memory_space<hbm>>
        tpu.enqueue_indirect_dma source(%dma_start3A_321 : memref<10000x32xf32, #tpu.memory_space<hbm>>) target(%arg16 : memref<125x32xf32, #tpu.memory_space<vmem>>) offsets(%dma_start3A_318 : memref<125xi32, #tpu.memory_space<vmem>>) semaphore(%arg25 : memref<!tpu.dma_semaphore, #tpu.memory_space<semaphore_mem>>)
      } else {
      }
      %mul3A_148 = arith.constant 8 : i32
      %mul3A_149 = arith.muli %scan3A_125, %mul3A_148 : i32
      %add3A_150 = arith.constant 1 : i32
      %add3A_151 = arith.addi %mul3A_149, %add3A_150 : i32
      %dma_wait3A_152 = arith.constant 0 : i32
      %dma_wait3A_153 = tpu.memref_slice %arg7[%add3A_151, %dma_wait3A_152] : memref<80x125xi32, #tpu.memory_space<vmem>> -> memref<1x125xi32, #tpu.memory_space<vmem>>
      %dma_wait3A_154 = tpu.memref_squeeze %dma_wait3A_153 : memref<1x125xi32, #tpu.memory_space<vmem>> -> memref<125xi32, #tpu.memory_space<vmem>>
      %dma_wait3A_155 = arith.constant 0 : i32
      %dma_wait3A_156 = arith.constant 0 : i32
      %dma_wait3A_157 = tpu.memref_slice %arg2[%dma_wait3A_155, %dma_wait3A_156] : memref<10000x32xf32, #tpu.memory_space<hbm>> -> memref<10000x32xf32, #tpu.memory_space<hbm>>
      tpu.wait_indirect_dma semaphore(%arg19 : memref<!tpu.dma_semaphore, #tpu.memory_space<semaphore_mem>>) src(%dma_wait3A_157 : memref<10000x32xf32, #tpu.memory_space<hbm>>) dst(%arg10 : memref<125x32xf32, #tpu.memory_space<vmem>>)
      %dma_start3A_158 = arith.constant 0 : i32
      %dma_start3A_159 = tpu.memref_slice %arg8[%add3A_151, %dma_start3A_158] : memref<80x125xi32, #tpu.memory_space<vmem>> -> memref<1x125xi32, #tpu.memory_space<vmem>>
      %dma_start3A_160 = tpu.memref_squeeze %dma_start3A_159 : memref<1x125xi32, #tpu.memory_space<vmem>> -> memref<125xi32, #tpu.memory_space<vmem>>
      %dma_start3A_161 = arith.constant 0 : i32
      %dma_start3A_162 = arith.constant 0 : i32
      %dma_start3A_163 = tpu.memref_slice %arg17[%dma_start3A_161, %dma_start3A_162] : memref<10000x32xf32, #tpu.memory_space<vmem_shared>> -> memref<10000x32xf32, #tpu.memory_space<vmem_shared>>
      tpu.enqueue_indirect_dma source(%arg10 : memref<125x32xf32, #tpu.memory_space<vmem>>) target(%dma_start3A_163 : memref<10000x32xf32, #tpu.memory_space<vmem_shared>>) offsets(%dma_start3A_160 : memref<125xi32, #tpu.memory_space<vmem>>) semaphore(%arg27 : memref<!tpu.dma_semaphore, #tpu.memory_space<semaphore_mem>>) {add = true}
      %add3A_164 = arith.constant 7 : i32
      %add3A_165 = arith.addi %add3A_151, %add3A_164 : i32
      %lt3A_166 = arith.constant 80 : i32
      %lt3A_167 = arith.cmpi slt, %add3A_165, %lt3A_166 : i32
      %convert_element_type3A_168 = arith.extui %lt3A_167 : i1 to i32
      %cond3A_169 = arith.constant 0 : i32
      %cond3A_170 = arith.cmpi ne, %convert_element_type3A_168, %cond3A_169 : i32
      scf.if %cond3A_170 {
        %sub3A = arith.constant 1 : i32
        %sub3A_309 = arith.subi %add3A_151, %sub3A : i32
        %ge3A = arith.constant 0 : i32
        %ge3A_310 = arith.cmpi sge, %sub3A_309, %ge3A : i32
        %convert_element_type3A_311 = arith.extui %ge3A_310 : i1 to i32
        %cond3A_312 = arith.constant 0 : i32
        %cond3A_313 = arith.cmpi ne, %convert_element_type3A_311, %cond3A_312 : i32
        scf.if %cond3A_313 {
          %sub3A_322 = arith.constant 1 : i32
          %sub3A_323 = arith.subi %add3A_151, %sub3A_322 : i32
          %dma_wait3A_324 = arith.constant 0 : i32
          %dma_wait3A_325 = tpu.memref_slice %arg8[%sub3A_323, %dma_wait3A_324] : memref<80x125xi32, #tpu.memory_space<vmem>> -> memref<1x125xi32, #tpu.memory_space<vmem>>
          %dma_wait3A_326 = tpu.memref_squeeze %dma_wait3A_325 : memref<1x125xi32, #tpu.memory_space<vmem>> -> memref<125xi32, #tpu.memory_space<vmem>>
          %dma_wait3A_327 = arith.constant 0 : i32
          %dma_wait3A_328 = arith.constant 0 : i32
          %dma_wait3A_329 = tpu.memref_slice %arg17[%dma_wait3A_327, %dma_wait3A_328] : memref<10000x32xf32, #tpu.memory_space<vmem_shared>> -> memref<10000x32xf32, #tpu.memory_space<vmem_shared>>
          tpu.wait_indirect_dma semaphore(%arg26 : memref<!tpu.dma_semaphore, #tpu.memory_space<semaphore_mem>>) src(%arg9 : memref<125x32xf32, #tpu.memory_space<vmem>>) dst(%dma_wait3A_329 : memref<10000x32xf32, #tpu.memory_space<vmem_shared>>)
        } else {
        }
        %add3A_314 = arith.constant 7 : i32
        %add3A_315 = arith.addi %add3A_151, %add3A_314 : i32
        %dma_start3A_316 = arith.constant 0 : i32
        %dma_start3A_317 = tpu.memref_slice %arg7[%add3A_315, %dma_start3A_316] : memref<80x125xi32, #tpu.memory_space<vmem>> -> memref<1x125xi32, #tpu.memory_space<vmem>>
        %dma_start3A_318 = tpu.memref_squeeze %dma_start3A_317 : memref<1x125xi32, #tpu.memory_space<vmem>> -> memref<125xi32, #tpu.memory_space<vmem>>
        %dma_start3A_319 = arith.constant 0 : i32
        %dma_start3A_320 = arith.constant 0 : i32
        %dma_start3A_321 = tpu.memref_slice %arg2[%dma_start3A_319, %dma_start3A_320] : memref<10000x32xf32, #tpu.memory_space<hbm>> -> memref<10000x32xf32, #tpu.memory_space<hbm>>
        tpu.enqueue_indirect_dma source(%dma_start3A_321 : memref<10000x32xf32, #tpu.memory_space<hbm>>) target(%arg9 : memref<125x32xf32, #tpu.memory_space<vmem>>) offsets(%dma_start3A_318 : memref<125xi32, #tpu.memory_space<vmem>>) semaphore(%arg18 : memref<!tpu.dma_semaphore, #tpu.memory_space<semaphore_mem>>)
      } else {
      }
      %mul3A_171 = arith.constant 8 : i32
      %mul3A_172 = arith.muli %scan3A_125, %mul3A_171 : i32
      %add3A_173 = arith.constant 2 : i32
      %add3A_174 = arith.addi %mul3A_172, %add3A_173 : i32
      %dma_wait3A_175 = arith.constant 0 : i32
      %dma_wait3A_176 = tpu.memref_slice %arg7[%add3A_174, %dma_wait3A_175] : memref<80x125xi32, #tpu.memory_space<vmem>> -> memref<1x125xi32, #tpu.memory_space<vmem>>
      %dma_wait3A_177 = tpu.memref_squeeze %dma_wait3A_176 : memref<1x125xi32, #tpu.memory_space<vmem>> -> memref<125xi32, #tpu.memory_space<vmem>>
      %dma_wait3A_178 = arith.constant 0 : i32
      %dma_wait3A_179 = arith.constant 0 : i32
      %dma_wait3A_180 = tpu.memref_slice %arg2[%dma_wait3A_178, %dma_wait3A_179] : memref<10000x32xf32, #tpu.memory_space<hbm>> -> memref<10000x32xf32, #tpu.memory_space<hbm>>
      tpu.wait_indirect_dma semaphore(%arg20 : memref<!tpu.dma_semaphore, #tpu.memory_space<semaphore_mem>>) src(%dma_wait3A_180 : memref<10000x32xf32, #tpu.memory_space<hbm>>) dst(%arg11 : memref<125x32xf32, #tpu.memory_space<vmem>>)
      %dma_start3A_181 = arith.constant 0 : i32
      %dma_start3A_182 = tpu.memref_slice %arg8[%add3A_174, %dma_start3A_181] : memref<80x125xi32, #tpu.memory_space<vmem>> -> memref<1x125xi32, #tpu.memory_space<vmem>>
      %dma_start3A_183 = tpu.memref_squeeze %dma_start3A_182 : memref<1x125xi32, #tpu.memory_space<vmem>> -> memref<125xi32, #tpu.memory_space<vmem>>
      %dma_start3A_184 = arith.constant 0 : i32
      %dma_start3A_185 = arith.constant 0 : i32
      %dma_start3A_186 = tpu.memref_slice %arg17[%dma_start3A_184, %dma_start3A_185] : memref<10000x32xf32, #tpu.memory_space<vmem_shared>> -> memref<10000x32xf32, #tpu.memory_space<vmem_shared>>
      tpu.enqueue_indirect_dma source(%arg11 : memref<125x32xf32, #tpu.memory_space<vmem>>) target(%dma_start3A_186 : memref<10000x32xf32, #tpu.memory_space<vmem_shared>>) offsets(%dma_start3A_183 : memref<125xi32, #tpu.memory_space<vmem>>) semaphore(%arg28 : memref<!tpu.dma_semaphore, #tpu.memory_space<semaphore_mem>>) {add = true}
      %add3A_187 = arith.constant 7 : i32
      %add3A_188 = arith.addi %add3A_174, %add3A_187 : i32
      %lt3A_189 = arith.constant 80 : i32
      %lt3A_190 = arith.cmpi slt, %add3A_188, %lt3A_189 : i32
      %convert_element_type3A_191 = arith.extui %lt3A_190 : i1 to i32
      %cond3A_192 = arith.constant 0 : i32
      %cond3A_193 = arith.cmpi ne, %convert_element_type3A_191, %cond3A_192 : i32
      scf.if %cond3A_193 {
        %sub3A = arith.constant 1 : i32
        %sub3A_309 = arith.subi %add3A_174, %sub3A : i32
        %ge3A = arith.constant 0 : i32
        %ge3A_310 = arith.cmpi sge, %sub3A_309, %ge3A : i32
        %convert_element_type3A_311 = arith.extui %ge3A_310 : i1 to i32
        %cond3A_312 = arith.constant 0 : i32
        %cond3A_313 = arith.cmpi ne, %convert_element_type3A_311, %cond3A_312 : i32
        scf.if %cond3A_313 {
          %sub3A_322 = arith.constant 1 : i32
          %sub3A_323 = arith.subi %add3A_174, %sub3A_322 : i32
          %dma_wait3A_324 = arith.constant 0 : i32
          %dma_wait3A_325 = tpu.memref_slice %arg8[%sub3A_323, %dma_wait3A_324] : memref<80x125xi32, #tpu.memory_space<vmem>> -> memref<1x125xi32, #tpu.memory_space<vmem>>
          %dma_wait3A_326 = tpu.memref_squeeze %dma_wait3A_325 : memref<1x125xi32, #tpu.memory_space<vmem>> -> memref<125xi32, #tpu.memory_space<vmem>>
          %dma_wait3A_327 = arith.constant 0 : i32
          %dma_wait3A_328 = arith.constant 0 : i32
          %dma_wait3A_329 = tpu.memref_slice %arg17[%dma_wait3A_327, %dma_wait3A_328] : memref<10000x32xf32, #tpu.memory_space<vmem_shared>> -> memref<10000x32xf32, #tpu.memory_space<vmem_shared>>
          tpu.wait_indirect_dma semaphore(%arg27 : memref<!tpu.dma_semaphore, #tpu.memory_space<semaphore_mem>>) src(%arg10 : memref<125x32xf32, #tpu.memory_space<vmem>>) dst(%dma_wait3A_329 : memref<10000x32xf32, #tpu.memory_space<vmem_shared>>)
        } else {
        }
        %add3A_314 = arith.constant 7 : i32
        %add3A_315 = arith.addi %add3A_174, %add3A_314 : i32
        %dma_start3A_316 = arith.constant 0 : i32
        %dma_start3A_317 = tpu.memref_slice %arg7[%add3A_315, %dma_start3A_316] : memref<80x125xi32, #tpu.memory_space<vmem>> -> memref<1x125xi32, #tpu.memory_space<vmem>>
        %dma_start3A_318 = tpu.memref_squeeze %dma_start3A_317 : memref<1x125xi32, #tpu.memory_space<vmem>> -> memref<125xi32, #tpu.memory_space<vmem>>
        %dma_start3A_319 = arith.constant 0 : i32
        %dma_start3A_320 = arith.constant 0 : i32
        %dma_start3A_321 = tpu.memref_slice %arg2[%dma_start3A_319, %dma_start3A_320] : memref<10000x32xf32, #tpu.memory_space<hbm>> -> memref<10000x32xf32, #tpu.memory_space<hbm>>
        tpu.enqueue_indirect_dma source(%dma_start3A_321 : memref<10000x32xf32, #tpu.memory_space<hbm>>) target(%arg10 : memref<125x32xf32, #tpu.memory_space<vmem>>) offsets(%dma_start3A_318 : memref<125xi32, #tpu.memory_space<vmem>>) semaphore(%arg19 : memref<!tpu.dma_semaphore, #tpu.memory_space<semaphore_mem>>)
      } else {
      }
      %mul3A_194 = arith.constant 8 : i32
      %mul3A_195 = arith.muli %scan3A_125, %mul3A_194 : i32
      %add3A_196 = arith.constant 3 : i32
      %add3A_197 = arith.addi %mul3A_195, %add3A_196 : i32
      %dma_wait3A_198 = arith.constant 0 : i32
      %dma_wait3A_199 = tpu.memref_slice %arg7[%add3A_197, %dma_wait3A_198] : memref<80x125xi32, #tpu.memory_space<vmem>> -> memref<1x125xi32, #tpu.memory_space<vmem>>
      %dma_wait3A_200 = tpu.memref_squeeze %dma_wait3A_199 : memref<1x125xi32, #tpu.memory_space<vmem>> -> memref<125xi32, #tpu.memory_space<vmem>>
      %dma_wait3A_201 = arith.constant 0 : i32
      %dma_wait3A_202 = arith.constant 0 : i32
      %dma_wait3A_203 = tpu.memref_slice %arg2[%dma_wait3A_201, %dma_wait3A_202] : memref<10000x32xf32, #tpu.memory_space<hbm>> -> memref<10000x32xf32, #tpu.memory_space<hbm>>
      tpu.wait_indirect_dma semaphore(%arg21 : memref<!tpu.dma_semaphore, #tpu.memory_space<semaphore_mem>>) src(%dma_wait3A_203 : memref<10000x32xf32, #tpu.memory_space<hbm>>) dst(%arg12 : memref<125x32xf32, #tpu.memory_space<vmem>>)
      %dma_start3A_204 = arith.constant 0 : i32
      %dma_start3A_205 = tpu.memref_slice %arg8[%add3A_197, %dma_start3A_204] : memref<80x125xi32, #tpu.memory_space<vmem>> -> memref<1x125xi32, #tpu.memory_space<vmem>>
      %dma_start3A_206 = tpu.memref_squeeze %dma_start3A_205 : memref<1x125xi32, #tpu.memory_space<vmem>> -> memref<125xi32, #tpu.memory_space<vmem>>
      %dma_start3A_207 = arith.constant 0 : i32
      %dma_start3A_208 = arith.constant 0 : i32
      %dma_start3A_209 = tpu.memref_slice %arg17[%dma_start3A_207, %dma_start3A_208] : memref<10000x32xf32, #tpu.memory_space<vmem_shared>> -> memref<10000x32xf32, #tpu.memory_space<vmem_shared>>
      tpu.enqueue_indirect_dma source(%arg12 : memref<125x32xf32, #tpu.memory_space<vmem>>) target(%dma_start3A_209 : memref<10000x32xf32, #tpu.memory_space<vmem_shared>>) offsets(%dma_start3A_206 : memref<125xi32, #tpu.memory_space<vmem>>) semaphore(%arg29 : memref<!tpu.dma_semaphore, #tpu.memory_space<semaphore_mem>>) {add = true}
      %add3A_210 = arith.constant 7 : i32
      %add3A_211 = arith.addi %add3A_197, %add3A_210 : i32
      %lt3A_212 = arith.constant 80 : i32
      %lt3A_213 = arith.cmpi slt, %add3A_211, %lt3A_212 : i32
      %convert_element_type3A_214 = arith.extui %lt3A_213 : i1 to i32
      %cond3A_215 = arith.constant 0 : i32
      %cond3A_216 = arith.cmpi ne, %convert_element_type3A_214, %cond3A_215 : i32
      scf.if %cond3A_216 {
        %sub3A = arith.constant 1 : i32
        %sub3A_309 = arith.subi %add3A_197, %sub3A : i32
        %ge3A = arith.constant 0 : i32
        %ge3A_310 = arith.cmpi sge, %sub3A_309, %ge3A : i32
        %convert_element_type3A_311 = arith.extui %ge3A_310 : i1 to i32
        %cond3A_312 = arith.constant 0 : i32
        %cond3A_313 = arith.cmpi ne, %convert_element_type3A_311, %cond3A_312 : i32
        scf.if %cond3A_313 {
          %sub3A_322 = arith.constant 1 : i32
          %sub3A_323 = arith.subi %add3A_197, %sub3A_322 : i32
          %dma_wait3A_324 = arith.constant 0 : i32
          %dma_wait3A_325 = tpu.memref_slice %arg8[%sub3A_323, %dma_wait3A_324] : memref<80x125xi32, #tpu.memory_space<vmem>> -> memref<1x125xi32, #tpu.memory_space<vmem>>
          %dma_wait3A_326 = tpu.memref_squeeze %dma_wait3A_325 : memref<1x125xi32, #tpu.memory_space<vmem>> -> memref<125xi32, #tpu.memory_space<vmem>>
          %dma_wait3A_327 = arith.constant 0 : i32
          %dma_wait3A_328 = arith.constant 0 : i32
          %dma_wait3A_329 = tpu.memref_slice %arg17[%dma_wait3A_327, %dma_wait3A_328] : memref<10000x32xf32, #tpu.memory_space<vmem_shared>> -> memref<10000x32xf32, #tpu.memory_space<vmem_shared>>
          tpu.wait_indirect_dma semaphore(%arg28 : memref<!tpu.dma_semaphore, #tpu.memory_space<semaphore_mem>>) src(%arg11 : memref<125x32xf32, #tpu.memory_space<vmem>>) dst(%dma_wait3A_329 : memref<10000x32xf32, #tpu.memory_space<vmem_shared>>)
        } else {
        }
        %add3A_314 = arith.constant 7 : i32
        %add3A_315 = arith.addi %add3A_197, %add3A_314 : i32
        %dma_start3A_316 = arith.constant 0 : i32
        %dma_start3A_317 = tpu.memref_slice %arg7[%add3A_315, %dma_start3A_316] : memref<80x125xi32, #tpu.memory_space<vmem>> -> memref<1x125xi32, #tpu.memory_space<vmem>>
        %dma_start3A_318 = tpu.memref_squeeze %dma_start3A_317 : memref<1x125xi32, #tpu.memory_space<vmem>> -> memref<125xi32, #tpu.memory_space<vmem>>
        %dma_start3A_319 = arith.constant 0 : i32
        %dma_start3A_320 = arith.constant 0 : i32
        %dma_start3A_321 = tpu.memref_slice %arg2[%dma_start3A_319, %dma_start3A_320] : memref<10000x32xf32, #tpu.memory_space<hbm>> -> memref<10000x32xf32, #tpu.memory_space<hbm>>
        tpu.enqueue_indirect_dma source(%dma_start3A_321 : memref<10000x32xf32, #tpu.memory_space<hbm>>) target(%arg11 : memref<125x32xf32, #tpu.memory_space<vmem>>) offsets(%dma_start3A_318 : memref<125xi32, #tpu.memory_space<vmem>>) semaphore(%arg20 : memref<!tpu.dma_semaphore, #tpu.memory_space<semaphore_mem>>)
      } else {
      }
      %mul3A_217 = arith.constant 8 : i32
      %mul3A_218 = arith.muli %scan3A_125, %mul3A_217 : i32
      %add3A_219 = arith.constant 4 : i32
      %add3A_220 = arith.addi %mul3A_218, %add3A_219 : i32
      %dma_wait3A_221 = arith.constant 0 : i32
      %dma_wait3A_222 = tpu.memref_slice %arg7[%add3A_220, %dma_wait3A_221] : memref<80x125xi32, #tpu.memory_space<vmem>> -> memref<1x125xi32, #tpu.memory_space<vmem>>
      %dma_wait3A_223 = tpu.memref_squeeze %dma_wait3A_222 : memref<1x125xi32, #tpu.memory_space<vmem>> -> memref<125xi32, #tpu.memory_space<vmem>>
      %dma_wait3A_224 = arith.constant 0 : i32
      %dma_wait3A_225 = arith.constant 0 : i32
      %dma_wait3A_226 = tpu.memref_slice %arg2[%dma_wait3A_224, %dma_wait3A_225] : memref<10000x32xf32, #tpu.memory_space<hbm>> -> memref<10000x32xf32, #tpu.memory_space<hbm>>
      tpu.wait_indirect_dma semaphore(%arg22 : memref<!tpu.dma_semaphore, #tpu.memory_space<semaphore_mem>>) src(%dma_wait3A_226 : memref<10000x32xf32, #tpu.memory_space<hbm>>) dst(%arg13 : memref<125x32xf32, #tpu.memory_space<vmem>>)
      %dma_start3A_227 = arith.constant 0 : i32
      %dma_start3A_228 = tpu.memref_slice %arg8[%add3A_220, %dma_start3A_227] : memref<80x125xi32, #tpu.memory_space<vmem>> -> memref<1x125xi32, #tpu.memory_space<vmem>>
      %dma_start3A_229 = tpu.memref_squeeze %dma_start3A_228 : memref<1x125xi32, #tpu.memory_space<vmem>> -> memref<125xi32, #tpu.memory_space<vmem>>
      %dma_start3A_230 = arith.constant 0 : i32
      %dma_start3A_231 = arith.constant 0 : i32
      %dma_start3A_232 = tpu.memref_slice %arg17[%dma_start3A_230, %dma_start3A_231] : memref<10000x32xf32, #tpu.memory_space<vmem_shared>> -> memref<10000x32xf32, #tpu.memory_space<vmem_shared>>
      tpu.enqueue_indirect_dma source(%arg13 : memref<125x32xf32, #tpu.memory_space<vmem>>) target(%dma_start3A_232 : memref<10000x32xf32, #tpu.memory_space<vmem_shared>>) offsets(%dma_start3A_229 : memref<125xi32, #tpu.memory_space<vmem>>) semaphore(%arg30 : memref<!tpu.dma_semaphore, #tpu.memory_space<semaphore_mem>>) {add = true}
      %add3A_233 = arith.constant 7 : i32
      %add3A_234 = arith.addi %add3A_220, %add3A_233 : i32
      %lt3A_235 = arith.constant 80 : i32
      %lt3A_236 = arith.cmpi slt, %add3A_234, %lt3A_235 : i32
      %convert_element_type3A_237 = arith.extui %lt3A_236 : i1 to i32
      %cond3A_238 = arith.constant 0 : i32
      %cond3A_239 = arith.cmpi ne, %convert_element_type3A_237, %cond3A_238 : i32
      scf.if %cond3A_239 {
        %sub3A = arith.constant 1 : i32
        %sub3A_309 = arith.subi %add3A_220, %sub3A : i32
        %ge3A = arith.constant 0 : i32
        %ge3A_310 = arith.cmpi sge, %sub3A_309, %ge3A : i32
        %convert_element_type3A_311 = arith.extui %ge3A_310 : i1 to i32
        %cond3A_312 = arith.constant 0 : i32
        %cond3A_313 = arith.cmpi ne, %convert_element_type3A_311, %cond3A_312 : i32
        scf.if %cond3A_313 {
          %sub3A_322 = arith.constant 1 : i32
          %sub3A_323 = arith.subi %add3A_220, %sub3A_322 : i32
          %dma_wait3A_324 = arith.constant 0 : i32
          %dma_wait3A_325 = tpu.memref_slice %arg8[%sub3A_323, %dma_wait3A_324] : memref<80x125xi32, #tpu.memory_space<vmem>> -> memref<1x125xi32, #tpu.memory_space<vmem>>
          %dma_wait3A_326 = tpu.memref_squeeze %dma_wait3A_325 : memref<1x125xi32, #tpu.memory_space<vmem>> -> memref<125xi32, #tpu.memory_space<vmem>>
          %dma_wait3A_327 = arith.constant 0 : i32
          %dma_wait3A_328 = arith.constant 0 : i32
          %dma_wait3A_329 = tpu.memref_slice %arg17[%dma_wait3A_327, %dma_wait3A_328] : memref<10000x32xf32, #tpu.memory_space<vmem_shared>> -> memref<10000x32xf32, #tpu.memory_space<vmem_shared>>
          tpu.wait_indirect_dma semaphore(%arg29 : memref<!tpu.dma_semaphore, #tpu.memory_space<semaphore_mem>>) src(%arg12 : memref<125x32xf32, #tpu.memory_space<vmem>>) dst(%dma_wait3A_329 : memref<10000x32xf32, #tpu.memory_space<vmem_shared>>)
        } else {
        }
        %add3A_314 = arith.constant 7 : i32
        %add3A_315 = arith.addi %add3A_220, %add3A_314 : i32
        %dma_start3A_316 = arith.constant 0 : i32
        %dma_start3A_317 = tpu.memref_slice %arg7[%add3A_315, %dma_start3A_316] : memref<80x125xi32, #tpu.memory_space<vmem>> -> memref<1x125xi32, #tpu.memory_space<vmem>>
        %dma_start3A_318 = tpu.memref_squeeze %dma_start3A_317 : memref<1x125xi32, #tpu.memory_space<vmem>> -> memref<125xi32, #tpu.memory_space<vmem>>
        %dma_start3A_319 = arith.constant 0 : i32
        %dma_start3A_320 = arith.constant 0 : i32
        %dma_start3A_321 = tpu.memref_slice %arg2[%dma_start3A_319, %dma_start3A_320] : memref<10000x32xf32, #tpu.memory_space<hbm>> -> memref<10000x32xf32, #tpu.memory_space<hbm>>
        tpu.enqueue_indirect_dma source(%dma_start3A_321 : memref<10000x32xf32, #tpu.memory_space<hbm>>) target(%arg12 : memref<125x32xf32, #tpu.memory_space<vmem>>) offsets(%dma_start3A_318 : memref<125xi32, #tpu.memory_space<vmem>>) semaphore(%arg21 : memref<!tpu.dma_semaphore, #tpu.memory_space<semaphore_mem>>)
      } else {
      }
      %mul3A_240 = arith.constant 8 : i32
      %mul3A_241 = arith.muli %scan3A_125, %mul3A_240 : i32
      %add3A_242 = arith.constant 5 : i32
      %add3A_243 = arith.addi %mul3A_241, %add3A_242 : i32
      %dma_wait3A_244 = arith.constant 0 : i32
      %dma_wait3A_245 = tpu.memref_slice %arg7[%add3A_243, %dma_wait3A_244] : memref<80x125xi32, #tpu.memory_space<vmem>> -> memref<1x125xi32, #tpu.memory_space<vmem>>
      %dma_wait3A_246 = tpu.memref_squeeze %dma_wait3A_245 : memref<1x125xi32, #tpu.memory_space<vmem>> -> memref<125xi32, #tpu.memory_space<vmem>>
      %dma_wait3A_247 = arith.constant 0 : i32
      %dma_wait3A_248 = arith.constant 0 : i32
      %dma_wait3A_249 = tpu.memref_slice %arg2[%dma_wait3A_247, %dma_wait3A_248] : memref<10000x32xf32, #tpu.memory_space<hbm>> -> memref<10000x32xf32, #tpu.memory_space<hbm>>
      tpu.wait_indirect_dma semaphore(%arg23 : memref<!tpu.dma_semaphore, #tpu.memory_space<semaphore_mem>>) src(%dma_wait3A_249 : memref<10000x32xf32, #tpu.memory_space<hbm>>) dst(%arg14 : memref<125x32xf32, #tpu.memory_space<vmem>>)
      %dma_start3A_250 = arith.constant 0 : i32
      %dma_start3A_251 = tpu.memref_slice %arg8[%add3A_243, %dma_start3A_250] : memref<80x125xi32, #tpu.memory_space<vmem>> -> memref<1x125xi32, #tpu.memory_space<vmem>>
      %dma_start3A_252 = tpu.memref_squeeze %dma_start3A_251 : memref<1x125xi32, #tpu.memory_space<vmem>> -> memref<125xi32, #tpu.memory_space<vmem>>
      %dma_start3A_253 = arith.constant 0 : i32
      %dma_start3A_254 = arith.constant 0 : i32
      %dma_start3A_255 = tpu.memref_slice %arg17[%dma_start3A_253, %dma_start3A_254] : memref<10000x32xf32, #tpu.memory_space<vmem_shared>> -> memref<10000x32xf32, #tpu.memory_space<vmem_shared>>
      tpu.enqueue_indirect_dma source(%arg14 : memref<125x32xf32, #tpu.memory_space<vmem>>) target(%dma_start3A_255 : memref<10000x32xf32, #tpu.memory_space<vmem_shared>>) offsets(%dma_start3A_252 : memref<125xi32, #tpu.memory_space<vmem>>) semaphore(%arg31 : memref<!tpu.dma_semaphore, #tpu.memory_space<semaphore_mem>>) {add = true}
      %add3A_256 = arith.constant 7 : i32
      %add3A_257 = arith.addi %add3A_243, %add3A_256 : i32
      %lt3A_258 = arith.constant 80 : i32
      %lt3A_259 = arith.cmpi slt, %add3A_257, %lt3A_258 : i32
      %convert_element_type3A_260 = arith.extui %lt3A_259 : i1 to i32
      %cond3A_261 = arith.constant 0 : i32
      %cond3A_262 = arith.cmpi ne, %convert_element_type3A_260, %cond3A_261 : i32
      scf.if %cond3A_262 {
        %sub3A = arith.constant 1 : i32
        %sub3A_309 = arith.subi %add3A_243, %sub3A : i32
        %ge3A = arith.constant 0 : i32
        %ge3A_310 = arith.cmpi sge, %sub3A_309, %ge3A : i32
        %convert_element_type3A_311 = arith.extui %ge3A_310 : i1 to i32
        %cond3A_312 = arith.constant 0 : i32
        %cond3A_313 = arith.cmpi ne, %convert_element_type3A_311, %cond3A_312 : i32
        scf.if %cond3A_313 {
          %sub3A_322 = arith.constant 1 : i32
          %sub3A_323 = arith.subi %add3A_243, %sub3A_322 : i32
          %dma_wait3A_324 = arith.constant 0 : i32
          %dma_wait3A_325 = tpu.memref_slice %arg8[%sub3A_323, %dma_wait3A_324] : memref<80x125xi32, #tpu.memory_space<vmem>> -> memref<1x125xi32, #tpu.memory_space<vmem>>
          %dma_wait3A_326 = tpu.memref_squeeze %dma_wait3A_325 : memref<1x125xi32, #tpu.memory_space<vmem>> -> memref<125xi32, #tpu.memory_space<vmem>>
          %dma_wait3A_327 = arith.constant 0 : i32
          %dma_wait3A_328 = arith.constant 0 : i32
          %dma_wait3A_329 = tpu.memref_slice %arg17[%dma_wait3A_327, %dma_wait3A_328] : memref<10000x32xf32, #tpu.memory_space<vmem_shared>> -> memref<10000x32xf32, #tpu.memory_space<vmem_shared>>
          tpu.wait_indirect_dma semaphore(%arg30 : memref<!tpu.dma_semaphore, #tpu.memory_space<semaphore_mem>>) src(%arg13 : memref<125x32xf32, #tpu.memory_space<vmem>>) dst(%dma_wait3A_329 : memref<10000x32xf32, #tpu.memory_space<vmem_shared>>)
        } else {
        }
        %add3A_314 = arith.constant 7 : i32
        %add3A_315 = arith.addi %add3A_243, %add3A_314 : i32
        %dma_start3A_316 = arith.constant 0 : i32
        %dma_start3A_317 = tpu.memref_slice %arg7[%add3A_315, %dma_start3A_316] : memref<80x125xi32, #tpu.memory_space<vmem>> -> memref<1x125xi32, #tpu.memory_space<vmem>>
        %dma_start3A_318 = tpu.memref_squeeze %dma_start3A_317 : memref<1x125xi32, #tpu.memory_space<vmem>> -> memref<125xi32, #tpu.memory_space<vmem>>
        %dma_start3A_319 = arith.constant 0 : i32
        %dma_start3A_320 = arith.constant 0 : i32
        %dma_start3A_321 = tpu.memref_slice %arg2[%dma_start3A_319, %dma_start3A_320] : memref<10000x32xf32, #tpu.memory_space<hbm>> -> memref<10000x32xf32, #tpu.memory_space<hbm>>
        tpu.enqueue_indirect_dma source(%dma_start3A_321 : memref<10000x32xf32, #tpu.memory_space<hbm>>) target(%arg13 : memref<125x32xf32, #tpu.memory_space<vmem>>) offsets(%dma_start3A_318 : memref<125xi32, #tpu.memory_space<vmem>>) semaphore(%arg22 : memref<!tpu.dma_semaphore, #tpu.memory_space<semaphore_mem>>)
      } else {
      }
      %mul3A_263 = arith.constant 8 : i32
      %mul3A_264 = arith.muli %scan3A_125, %mul3A_263 : i32
      %add3A_265 = arith.constant 6 : i32
      %add3A_266 = arith.addi %mul3A_264, %add3A_265 : i32
      %dma_wait3A_267 = arith.constant 0 : i32
      %dma_wait3A_268 = tpu.memref_slice %arg7[%add3A_266, %dma_wait3A_267] : memref<80x125xi32, #tpu.memory_space<vmem>> -> memref<1x125xi32, #tpu.memory_space<vmem>>
      %dma_wait3A_269 = tpu.memref_squeeze %dma_wait3A_268 : memref<1x125xi32, #tpu.memory_space<vmem>> -> memref<125xi32, #tpu.memory_space<vmem>>
      %dma_wait3A_270 = arith.constant 0 : i32
      %dma_wait3A_271 = arith.constant 0 : i32
      %dma_wait3A_272 = tpu.memref_slice %arg2[%dma_wait3A_270, %dma_wait3A_271] : memref<10000x32xf32, #tpu.memory_space<hbm>> -> memref<10000x32xf32, #tpu.memory_space<hbm>>
      tpu.wait_indirect_dma semaphore(%arg24 : memref<!tpu.dma_semaphore, #tpu.memory_space<semaphore_mem>>) src(%dma_wait3A_272 : memref<10000x32xf32, #tpu.memory_space<hbm>>) dst(%arg15 : memref<125x32xf32, #tpu.memory_space<vmem>>)
      %dma_start3A_273 = arith.constant 0 : i32
      %dma_start3A_274 = tpu.memref_slice %arg8[%add3A_266, %dma_start3A_273] : memref<80x125xi32, #tpu.memory_space<vmem>> -> memref<1x125xi32, #tpu.memory_space<vmem>>
      %dma_start3A_275 = tpu.memref_squeeze %dma_start3A_274 : memref<1x125xi32, #tpu.memory_space<vmem>> -> memref<125xi32, #tpu.memory_space<vmem>>
      %dma_start3A_276 = arith.constant 0 : i32
      %dma_start3A_277 = arith.constant 0 : i32
      %dma_start3A_278 = tpu.memref_slice %arg17[%dma_start3A_276, %dma_start3A_277] : memref<10000x32xf32, #tpu.memory_space<vmem_shared>> -> memref<10000x32xf32, #tpu.memory_space<vmem_shared>>
      tpu.enqueue_indirect_dma source(%arg15 : memref<125x32xf32, #tpu.memory_space<vmem>>) target(%dma_start3A_278 : memref<10000x32xf32, #tpu.memory_space<vmem_shared>>) offsets(%dma_start3A_275 : memref<125xi32, #tpu.memory_space<vmem>>) semaphore(%arg32 : memref<!tpu.dma_semaphore, #tpu.memory_space<semaphore_mem>>) {add = true}
      %add3A_279 = arith.constant 7 : i32
      %add3A_280 = arith.addi %add3A_266, %add3A_279 : i32
      %lt3A_281 = arith.constant 80 : i32
      %lt3A_282 = arith.cmpi slt, %add3A_280, %lt3A_281 : i32
      %convert_element_type3A_283 = arith.extui %lt3A_282 : i1 to i32
      %cond3A_284 = arith.constant 0 : i32
      %cond3A_285 = arith.cmpi ne, %convert_element_type3A_283, %cond3A_284 : i32
      scf.if %cond3A_285 {
        %sub3A = arith.constant 1 : i32
        %sub3A_309 = arith.subi %add3A_266, %sub3A : i32
        %ge3A = arith.constant 0 : i32
        %ge3A_310 = arith.cmpi sge, %sub3A_309, %ge3A : i32
        %convert_element_type3A_311 = arith.extui %ge3A_310 : i1 to i32
        %cond3A_312 = arith.constant 0 : i32
        %cond3A_313 = arith.cmpi ne, %convert_element_type3A_311, %cond3A_312 : i32
        scf.if %cond3A_313 {
          %sub3A_322 = arith.constant 1 : i32
          %sub3A_323 = arith.subi %add3A_266, %sub3A_322 : i32
          %dma_wait3A_324 = arith.constant 0 : i32
          %dma_wait3A_325 = tpu.memref_slice %arg8[%sub3A_323, %dma_wait3A_324] : memref<80x125xi32, #tpu.memory_space<vmem>> -> memref<1x125xi32, #tpu.memory_space<vmem>>
          %dma_wait3A_326 = tpu.memref_squeeze %dma_wait3A_325 : memref<1x125xi32, #tpu.memory_space<vmem>> -> memref<125xi32, #tpu.memory_space<vmem>>
          %dma_wait3A_327 = arith.constant 0 : i32
          %dma_wait3A_328 = arith.constant 0 : i32
          %dma_wait3A_329 = tpu.memref_slice %arg17[%dma_wait3A_327, %dma_wait3A_328] : memref<10000x32xf32, #tpu.memory_space<vmem_shared>> -> memref<10000x32xf32, #tpu.memory_space<vmem_shared>>
          tpu.wait_indirect_dma semaphore(%arg31 : memref<!tpu.dma_semaphore, #tpu.memory_space<semaphore_mem>>) src(%arg14 : memref<125x32xf32, #tpu.memory_space<vmem>>) dst(%dma_wait3A_329 : memref<10000x32xf32, #tpu.memory_space<vmem_shared>>)
        } else {
        }
        %add3A_314 = arith.constant 7 : i32
        %add3A_315 = arith.addi %add3A_266, %add3A_314 : i32
        %dma_start3A_316 = arith.constant 0 : i32
        %dma_start3A_317 = tpu.memref_slice %arg7[%add3A_315, %dma_start3A_316] : memref<80x125xi32, #tpu.memory_space<vmem>> -> memref<1x125xi32, #tpu.memory_space<vmem>>
        %dma_start3A_318 = tpu.memref_squeeze %dma_start3A_317 : memref<1x125xi32, #tpu.memory_space<vmem>> -> memref<125xi32, #tpu.memory_space<vmem>>
        %dma_start3A_319 = arith.constant 0 : i32
        %dma_start3A_320 = arith.constant 0 : i32
        %dma_start3A_321 = tpu.memref_slice %arg2[%dma_start3A_319, %dma_start3A_320] : memref<10000x32xf32, #tpu.memory_space<hbm>> -> memref<10000x32xf32, #tpu.memory_space<hbm>>
        tpu.enqueue_indirect_dma source(%dma_start3A_321 : memref<10000x32xf32, #tpu.memory_space<hbm>>) target(%arg14 : memref<125x32xf32, #tpu.memory_space<vmem>>) offsets(%dma_start3A_318 : memref<125xi32, #tpu.memory_space<vmem>>) semaphore(%arg23 : memref<!tpu.dma_semaphore, #tpu.memory_space<semaphore_mem>>)
      } else {
      }
      %mul3A_286 = arith.constant 8 : i32
      %mul3A_287 = arith.muli %scan3A_125, %mul3A_286 : i32
      %add3A_288 = arith.constant 7 : i32
      %add3A_289 = arith.addi %mul3A_287, %add3A_288 : i32
      %dma_wait3A_290 = arith.constant 0 : i32
      %dma_wait3A_291 = tpu.memref_slice %arg7[%add3A_289, %dma_wait3A_290] : memref<80x125xi32, #tpu.memory_space<vmem>> -> memref<1x125xi32, #tpu.memory_space<vmem>>
      %dma_wait3A_292 = tpu.memref_squeeze %dma_wait3A_291 : memref<1x125xi32, #tpu.memory_space<vmem>> -> memref<125xi32, #tpu.memory_space<vmem>>
      %dma_wait3A_293 = arith.constant 0 : i32
      %dma_wait3A_294 = arith.constant 0 : i32
      %dma_wait3A_295 = tpu.memref_slice %arg2[%dma_wait3A_293, %dma_wait3A_294] : memref<10000x32xf32, #tpu.memory_space<hbm>> -> memref<10000x32xf32, #tpu.memory_space<hbm>>
      tpu.wait_indirect_dma semaphore(%arg25 : memref<!tpu.dma_semaphore, #tpu.memory_space<semaphore_mem>>) src(%dma_wait3A_295 : memref<10000x32xf32, #tpu.memory_space<hbm>>) dst(%arg16 : memref<125x32xf32, #tpu.memory_space<vmem>>)
      %dma_start3A_296 = arith.constant 0 : i32
      %dma_start3A_297 = tpu.memref_slice %arg8[%add3A_289, %dma_start3A_296] : memref<80x125xi32, #tpu.memory_space<vmem>> -> memref<1x125xi32, #tpu.memory_space<vmem>>
      %dma_start3A_298 = tpu.memref_squeeze %dma_start3A_297 : memref<1x125xi32, #tpu.memory_space<vmem>> -> memref<125xi32, #tpu.memory_space<vmem>>
      %dma_start3A_299 = arith.constant 0 : i32
      %dma_start3A_300 = arith.constant 0 : i32
      %dma_start3A_301 = tpu.memref_slice %arg17[%dma_start3A_299, %dma_start3A_300] : memref<10000x32xf32, #tpu.memory_space<vmem_shared>> -> memref<10000x32xf32, #tpu.memory_space<vmem_shared>>
      tpu.enqueue_indirect_dma source(%arg16 : memref<125x32xf32, #tpu.memory_space<vmem>>) target(%dma_start3A_301 : memref<10000x32xf32, #tpu.memory_space<vmem_shared>>) offsets(%dma_start3A_298 : memref<125xi32, #tpu.memory_space<vmem>>) semaphore(%arg33 : memref<!tpu.dma_semaphore, #tpu.memory_space<semaphore_mem>>) {add = true}
      %add3A_302 = arith.constant 7 : i32
      %add3A_303 = arith.addi %add3A_289, %add3A_302 : i32
      %lt3A_304 = arith.constant 80 : i32
      %lt3A_305 = arith.cmpi slt, %add3A_303, %lt3A_304 : i32
      %convert_element_type3A_306 = arith.extui %lt3A_305 : i1 to i32
      %cond3A_307 = arith.constant 0 : i32
      %cond3A_308 = arith.cmpi ne, %convert_element_type3A_306, %cond3A_307 : i32
      scf.if %cond3A_308 {
        %sub3A = arith.constant 1 : i32
        %sub3A_309 = arith.subi %add3A_289, %sub3A : i32
        %ge3A = arith.constant 0 : i32
        %ge3A_310 = arith.cmpi sge, %sub3A_309, %ge3A : i32
        %convert_element_type3A_311 = arith.extui %ge3A_310 : i1 to i32
        %cond3A_312 = arith.constant 0 : i32
        %cond3A_313 = arith.cmpi ne, %convert_element_type3A_311, %cond3A_312 : i32
        scf.if %cond3A_313 {
          %sub3A_322 = arith.constant 1 : i32
          %sub3A_323 = arith.subi %add3A_289, %sub3A_322 : i32
          %dma_wait3A_324 = arith.constant 0 : i32
          %dma_wait3A_325 = tpu.memref_slice %arg8[%sub3A_323, %dma_wait3A_324] : memref<80x125xi32, #tpu.memory_space<vmem>> -> memref<1x125xi32, #tpu.memory_space<vmem>>
          %dma_wait3A_326 = tpu.memref_squeeze %dma_wait3A_325 : memref<1x125xi32, #tpu.memory_space<vmem>> -> memref<125xi32, #tpu.memory_space<vmem>>
          %dma_wait3A_327 = arith.constant 0 : i32
          %dma_wait3A_328 = arith.constant 0 : i32
          %dma_wait3A_329 = tpu.memref_slice %arg17[%dma_wait3A_327, %dma_wait3A_328] : memref<10000x32xf32, #tpu.memory_space<vmem_shared>> -> memref<10000x32xf32, #tpu.memory_space<vmem_shared>>
          tpu.wait_indirect_dma semaphore(%arg32 : memref<!tpu.dma_semaphore, #tpu.memory_space<semaphore_mem>>) src(%arg15 : memref<125x32xf32, #tpu.memory_space<vmem>>) dst(%dma_wait3A_329 : memref<10000x32xf32, #tpu.memory_space<vmem_shared>>)
        } else {
        }
        %add3A_314 = arith.constant 7 : i32
        %add3A_315 = arith.addi %add3A_289, %add3A_314 : i32
        %dma_start3A_316 = arith.constant 0 : i32
        %dma_start3A_317 = tpu.memref_slice %arg7[%add3A_315, %dma_start3A_316] : memref<80x125xi32, #tpu.memory_space<vmem>> -> memref<1x125xi32, #tpu.memory_space<vmem>>
        %dma_start3A_318 = tpu.memref_squeeze %dma_start3A_317 : memref<1x125xi32, #tpu.memory_space<vmem>> -> memref<125xi32, #tpu.memory_space<vmem>>
        %dma_start3A_319 = arith.constant 0 : i32
        %dma_start3A_320 = arith.constant 0 : i32
        %dma_start3A_321 = tpu.memref_slice %arg2[%dma_start3A_319, %dma_start3A_320] : memref<10000x32xf32, #tpu.memory_space<hbm>> -> memref<10000x32xf32, #tpu.memory_space<hbm>>
        tpu.enqueue_indirect_dma source(%dma_start3A_321 : memref<10000x32xf32, #tpu.memory_space<hbm>>) target(%arg15 : memref<125x32xf32, #tpu.memory_space<vmem>>) offsets(%dma_start3A_318 : memref<125xi32, #tpu.memory_space<vmem>>) semaphore(%arg24 : memref<!tpu.dma_semaphore, #tpu.memory_space<semaphore_mem>>)
      } else {
      }
    }
    %scan3A_59 = arith.constant 10 : i32
    %dma_wait3A = arith.constant 72 : i32
    %dma_wait3A_60 = arith.constant 0 : i32
    %dma_wait3A_61 = tpu.memref_slice %arg8[%dma_wait3A, %dma_wait3A_60] : memref<80x125xi32, #tpu.memory_space<vmem>> -> memref<1x125xi32, #tpu.memory_space<vmem>>
    %dma_wait3A_62 = tpu.memref_squeeze %dma_wait3A_61 : memref<1x125xi32, #tpu.memory_space<vmem>> -> memref<125xi32, #tpu.memory_space<vmem>>
    %dma_wait3A_63 = arith.constant 0 : i32
    %dma_wait3A_64 = arith.constant 0 : i32
    %dma_wait3A_65 = tpu.memref_slice %arg17[%dma_wait3A_63, %dma_wait3A_64] : memref<10000x32xf32, #tpu.memory_space<vmem_shared>> -> memref<10000x32xf32, #tpu.memory_space<vmem_shared>>
    tpu.wait_indirect_dma semaphore(%arg26 : memref<!tpu.dma_semaphore, #tpu.memory_space<semaphore_mem>>) src(%arg9 : memref<125x32xf32, #tpu.memory_space<vmem>>) dst(%dma_wait3A_65 : memref<10000x32xf32, #tpu.memory_space<vmem_shared>>)
    %dma_wait3A_66 = arith.constant 73 : i32
    %dma_wait3A_67 = arith.constant 0 : i32
    %dma_wait3A_68 = tpu.memref_slice %arg8[%dma_wait3A_66, %dma_wait3A_67] : memref<80x125xi32, #tpu.memory_space<vmem>> -> memref<1x125xi32, #tpu.memory_space<vmem>>
    %dma_wait3A_69 = tpu.memref_squeeze %dma_wait3A_68 : memref<1x125xi32, #tpu.memory_space<vmem>> -> memref<125xi32, #tpu.memory_space<vmem>>
    %dma_wait3A_70 = arith.constant 0 : i32
    %dma_wait3A_71 = arith.constant 0 : i32
    %dma_wait3A_72 = tpu.memref_slice %arg17[%dma_wait3A_70, %dma_wait3A_71] : memref<10000x32xf32, #tpu.memory_space<vmem_shared>> -> memref<10000x32xf32, #tpu.memory_space<vmem_shared>>
    tpu.wait_indirect_dma semaphore(%arg27 : memref<!tpu.dma_semaphore, #tpu.memory_space<semaphore_mem>>) src(%arg10 : memref<125x32xf32, #tpu.memory_space<vmem>>) dst(%dma_wait3A_72 : memref<10000x32xf32, #tpu.memory_space<vmem_shared>>)
    %dma_wait3A_73 = arith.constant 74 : i32
    %dma_wait3A_74 = arith.constant 0 : i32
    %dma_wait3A_75 = tpu.memref_slice %arg8[%dma_wait3A_73, %dma_wait3A_74] : memref<80x125xi32, #tpu.memory_space<vmem>> -> memref<1x125xi32, #tpu.memory_space<vmem>>
    %dma_wait3A_76 = tpu.memref_squeeze %dma_wait3A_75 : memref<1x125xi32, #tpu.memory_space<vmem>> -> memref<125xi32, #tpu.memory_space<vmem>>
    %dma_wait3A_77 = arith.constant 0 : i32
    %dma_wait3A_78 = arith.constant 0 : i32
    %dma_wait3A_79 = tpu.memref_slice %arg17[%dma_wait3A_77, %dma_wait3A_78] : memref<10000x32xf32, #tpu.memory_space<vmem_shared>> -> memref<10000x32xf32, #tpu.memory_space<vmem_shared>>
    tpu.wait_indirect_dma semaphore(%arg28 : memref<!tpu.dma_semaphore, #tpu.memory_space<semaphore_mem>>) src(%arg11 : memref<125x32xf32, #tpu.memory_space<vmem>>) dst(%dma_wait3A_79 : memref<10000x32xf32, #tpu.memory_space<vmem_shared>>)
    %dma_wait3A_80 = arith.constant 75 : i32
    %dma_wait3A_81 = arith.constant 0 : i32
    %dma_wait3A_82 = tpu.memref_slice %arg8[%dma_wait3A_80, %dma_wait3A_81] : memref<80x125xi32, #tpu.memory_space<vmem>> -> memref<1x125xi32, #tpu.memory_space<vmem>>
    %dma_wait3A_83 = tpu.memref_squeeze %dma_wait3A_82 : memref<1x125xi32, #tpu.memory_space<vmem>> -> memref<125xi32, #tpu.memory_space<vmem>>
    %dma_wait3A_84 = arith.constant 0 : i32
    %dma_wait3A_85 = arith.constant 0 : i32
    %dma_wait3A_86 = tpu.memref_slice %arg17[%dma_wait3A_84, %dma_wait3A_85] : memref<10000x32xf32, #tpu.memory_space<vmem_shared>> -> memref<10000x32xf32, #tpu.memory_space<vmem_shared>>
    tpu.wait_indirect_dma semaphore(%arg29 : memref<!tpu.dma_semaphore, #tpu.memory_space<semaphore_mem>>) src(%arg12 : memref<125x32xf32, #tpu.memory_space<vmem>>) dst(%dma_wait3A_86 : memref<10000x32xf32, #tpu.memory_space<vmem_shared>>)
    %dma_wait3A_87 = arith.constant 76 : i32
    %dma_wait3A_88 = arith.constant 0 : i32
    %dma_wait3A_89 = tpu.memref_slice %arg8[%dma_wait3A_87, %dma_wait3A_88] : memref<80x125xi32, #tpu.memory_space<vmem>> -> memref<1x125xi32, #tpu.memory_space<vmem>>
    %dma_wait3A_90 = tpu.memref_squeeze %dma_wait3A_89 : memref<1x125xi32, #tpu.memory_space<vmem>> -> memref<125xi32, #tpu.memory_space<vmem>>
    %dma_wait3A_91 = arith.constant 0 : i32
    %dma_wait3A_92 = arith.constant 0 : i32
    %dma_wait3A_93 = tpu.memref_slice %arg17[%dma_wait3A_91, %dma_wait3A_92] : memref<10000x32xf32, #tpu.memory_space<vmem_shared>> -> memref<10000x32xf32, #tpu.memory_space<vmem_shared>>
    tpu.wait_indirect_dma semaphore(%arg30 : memref<!tpu.dma_semaphore, #tpu.memory_space<semaphore_mem>>) src(%arg13 : memref<125x32xf32, #tpu.memory_space<vmem>>) dst(%dma_wait3A_93 : memref<10000x32xf32, #tpu.memory_space<vmem_shared>>)
    %dma_wait3A_94 = arith.constant 77 : i32
    %dma_wait3A_95 = arith.constant 0 : i32
    %dma_wait3A_96 = tpu.memref_slice %arg8[%dma_wait3A_94, %dma_wait3A_95] : memref<80x125xi32, #tpu.memory_space<vmem>> -> memref<1x125xi32, #tpu.memory_space<vmem>>
    %dma_wait3A_97 = tpu.memref_squeeze %dma_wait3A_96 : memref<1x125xi32, #tpu.memory_space<vmem>> -> memref<125xi32, #tpu.memory_space<vmem>>
    %dma_wait3A_98 = arith.constant 0 : i32
    %dma_wait3A_99 = arith.constant 0 : i32
    %dma_wait3A_100 = tpu.memref_slice %arg17[%dma_wait3A_98, %dma_wait3A_99] : memref<10000x32xf32, #tpu.memory_space<vmem_shared>> -> memref<10000x32xf32, #tpu.memory_space<vmem_shared>>
    tpu.wait_indirect_dma semaphore(%arg31 : memref<!tpu.dma_semaphore, #tpu.memory_space<semaphore_mem>>) src(%arg14 : memref<125x32xf32, #tpu.memory_space<vmem>>) dst(%dma_wait3A_100 : memref<10000x32xf32, #tpu.memory_space<vmem_shared>>)
    %dma_wait3A_101 = arith.constant 78 : i32
    %dma_wait3A_102 = arith.constant 0 : i32
    %dma_wait3A_103 = tpu.memref_slice %arg8[%dma_wait3A_101, %dma_wait3A_102] : memref<80x125xi32, #tpu.memory_space<vmem>> -> memref<1x125xi32, #tpu.memory_space<vmem>>
    %dma_wait3A_104 = tpu.memref_squeeze %dma_wait3A_103 : memref<1x125xi32, #tpu.memory_space<vmem>> -> memref<125xi32, #tpu.memory_space<vmem>>
    %dma_wait3A_105 = arith.constant 0 : i32
    %dma_wait3A_106 = arith.constant 0 : i32
    %dma_wait3A_107 = tpu.memref_slice %arg17[%dma_wait3A_105, %dma_wait3A_106] : memref<10000x32xf32, #tpu.memory_space<vmem_shared>> -> memref<10000x32xf32, #tpu.memory_space<vmem_shared>>
    tpu.wait_indirect_dma semaphore(%arg32 : memref<!tpu.dma_semaphore, #tpu.memory_space<semaphore_mem>>) src(%arg15 : memref<125x32xf32, #tpu.memory_space<vmem>>) dst(%dma_wait3A_107 : memref<10000x32xf32, #tpu.memory_space<vmem_shared>>)
    %dma_wait3A_108 = arith.constant 79 : i32
    %dma_wait3A_109 = arith.constant 0 : i32
    %dma_wait3A_110 = tpu.memref_slice %arg8[%dma_wait3A_108, %dma_wait3A_109] : memref<80x125xi32, #tpu.memory_space<vmem>> -> memref<1x125xi32, #tpu.memory_space<vmem>>
    %dma_wait3A_111 = tpu.memref_squeeze %dma_wait3A_110 : memref<1x125xi32, #tpu.memory_space<vmem>> -> memref<125xi32, #tpu.memory_space<vmem>>
    %dma_wait3A_112 = arith.constant 0 : i32
    %dma_wait3A_113 = arith.constant 0 : i32
    %dma_wait3A_114 = tpu.memref_slice %arg17[%dma_wait3A_112, %dma_wait3A_113] : memref<10000x32xf32, #tpu.memory_space<vmem_shared>> -> memref<10000x32xf32, #tpu.memory_space<vmem_shared>>
    tpu.wait_indirect_dma semaphore(%arg33 : memref<!tpu.dma_semaphore, #tpu.memory_space<semaphore_mem>>) src(%arg16 : memref<125x32xf32, #tpu.memory_space<vmem>>) dst(%dma_wait3A_114 : memref<10000x32xf32, #tpu.memory_space<vmem_shared>>)
    %barrier3A_115 = arith.constant 0 : index
    tpu.barrier barrier_id(%barrier3A_115)
    %mul3A_116 = arith.constant 624 : i32
    %mul3A_117 = arith.muli %arg1, %mul3A_116 : i32
    %mul3A_118 = arith.constant 624 : i32
    %mul3A_119 = arith.muli %arg1, %mul3A_118 : i32
    "tpu.region"() ({
      %run_scoped3A = tpu.sem_alloc : memref<!tpu.dma_semaphore, #tpu.memory_space<semaphore_mem>>
      %dma_start3A_125 = arith.constant 0 : i32
      %dma_start3A_126 = tpu.memref_slice %arg6[%arg0, %mul3A_119, %dma_start3A_125] : memref<2x10000x32xf32, #tpu.memory_space<hbm>> -> memref<1x624x32xf32, #tpu.memory_space<hbm>>
      %dma_start3A_127 = tpu.memref_squeeze %dma_start3A_126 : memref<1x624x32xf32, #tpu.memory_space<hbm>> -> memref<624x32xf32, #tpu.memory_space<hbm>>
      %dma_start3A_128 = arith.constant 0 : i32
      %dma_start3A_129 = tpu.memref_slice %arg17[%mul3A_117, %dma_start3A_128] : memref<10000x32xf32, #tpu.memory_space<vmem_shared>> -> memref<624x32xf32, #tpu.memory_space<vmem_shared>>
      tpu.enqueue_dma source(%dma_start3A_129 : memref<624x32xf32, #tpu.memory_space<vmem_shared>>) target(%dma_start3A_127 : memref<624x32xf32, #tpu.memory_space<hbm>>) target_semaphore(%run_scoped3A : memref<!tpu.dma_semaphore, #tpu.memory_space<semaphore_mem>>)
      %dma_wait3A_130 = arith.constant 0 : i32
      %dma_wait3A_131 = tpu.memref_slice %arg6[%arg0, %mul3A_119, %dma_wait3A_130] : memref<2x10000x32xf32, #tpu.memory_space<hbm>> -> memref<1x624x32xf32, #tpu.memory_space<hbm>>
      %dma_wait3A_132 = tpu.memref_squeeze %dma_wait3A_131 : memref<1x624x32xf32, #tpu.memory_space<hbm>> -> memref<624x32xf32, #tpu.memory_space<hbm>>
      %dma_wait3A_133 = arith.constant 0 : i32
      %dma_wait3A_134 = tpu.memref_slice %arg17[%mul3A_117, %dma_wait3A_133] : memref<10000x32xf32, #tpu.memory_space<vmem_shared>> -> memref<624x32xf32, #tpu.memory_space<vmem_shared>>
      tpu.wait_dma2 semaphore(%run_scoped3A : memref<!tpu.dma_semaphore, #tpu.memory_space<semaphore_mem>>) src(%dma_wait3A_134 : memref<624x32xf32, #tpu.memory_space<vmem_shared>>) dst(%dma_wait3A_132 : memref<624x32xf32, #tpu.memory_space<hbm>>)
      tpu.yield
    }) : () -> ()
    %eq3A_120 = arith.constant 15 : i32
    %eq3A_121 = arith.cmpi eq, %arg1, %eq3A_120 : i32
    %convert_element_type3A_122 = arith.extui %eq3A_121 : i1 to i32
    %cond3A_123 = arith.constant 0 : i32
    %cond3A_124 = arith.cmpi ne, %convert_element_type3A_122, %cond3A_123 : i32
    scf.if %cond3A_124 {
      "tpu.region"() ({
        %run_scoped3A = tpu.sem_alloc : memref<!tpu.dma_semaphore, #tpu.memory_space<semaphore_mem>>
        %dma_start3A_125 = arith.constant 9984 : i32
        %dma_start3A_126 = arith.constant 0 : i32
        %dma_start3A_127 = tpu.memref_slice %arg6[%arg0, %dma_start3A_125, %dma_start3A_126] : memref<2x10000x32xf32, #tpu.memory_space<hbm>> -> memref<1x16x32xf32, #tpu.memory_space<hbm>>
        %dma_start3A_128 = tpu.memref_squeeze %dma_start3A_127 : memref<1x16x32xf32, #tpu.memory_space<hbm>> -> memref<16x32xf32, #tpu.memory_space<hbm>>
        %dma_start3A_129 = arith.constant 9984 : i32
        %dma_start3A_130 = arith.constant 0 : i32
        %dma_start3A_131 = tpu.memref_slice %arg17[%dma_start3A_129, %dma_start3A_130] : memref<10000x32xf32, #tpu.memory_space<vmem_shared>> -> memref<16x32xf32, #tpu.memory_space<vmem_shared>>
        tpu.enqueue_dma source(%dma_start3A_131 : memref<16x32xf32, #tpu.memory_space<vmem_shared>>) target(%dma_start3A_128 : memref<16x32xf32, #tpu.memory_space<hbm>>) target_semaphore(%run_scoped3A : memref<!tpu.dma_semaphore, #tpu.memory_space<semaphore_mem>>)
        %dma_wait3A_132 = arith.constant 9984 : i32
        %dma_wait3A_133 = arith.constant 0 : i32
        %dma_wait3A_134 = tpu.memref_slice %arg6[%arg0, %dma_wait3A_132, %dma_wait3A_133] : memref<2x10000x32xf32, #tpu.memory_space<hbm>> -> memref<1x16x32xf32, #tpu.memory_space<hbm>>
        %dma_wait3A_135 = tpu.memref_squeeze %dma_wait3A_134 : memref<1x16x32xf32, #tpu.memory_space<hbm>> -> memref<16x32xf32, #tpu.memory_space<hbm>>
        %dma_wait3A_136 = arith.constant 9984 : i32
        %dma_wait3A_137 = arith.constant 0 : i32
        %dma_wait3A_138 = tpu.memref_slice %arg17[%dma_wait3A_136, %dma_wait3A_137] : memref<10000x32xf32, #tpu.memory_space<vmem_shared>> -> memref<16x32xf32, #tpu.memory_space<vmem_shared>>
        tpu.wait_dma2 semaphore(%run_scoped3A : memref<!tpu.dma_semaphore, #tpu.memory_space<semaphore_mem>>) src(%dma_wait3A_138 : memref<16x32xf32, #tpu.memory_space<vmem_shared>>) dst(%dma_wait3A_135 : memref<16x32xf32, #tpu.memory_space<hbm>>)
        tpu.yield
      }) : () -> ()
    } else {
    }
    return
  }
}

module attributes {stable_mosaic.version = 14 : i64} {
  func.func @body(%arg0: memref<2500x512xf32, #tpu.memory_space<vmem>>, %arg1: memref<512x128xf32, #tpu.memory_space<vmem>>, %arg2: memref<512x128xf32, #tpu.memory_space<vmem>>, %arg3: memref<2500x128xf32, #tpu.memory_space<vmem>>, %arg4: memref<2500x128xf32, #tpu.memory_space<vmem>>) attributes {dimension_semantics = [], scalar_prefetch = 0 : i64, scratch_operands = 0 : i64, tpu.core_type = #tpu.core_type<tc>} {
    %get3A = arith.constant 0 : index
    %get3A_0 = arith.constant 0 : index
    %get3A_1 = vector.load %arg0[%get3A, %get3A_0] : memref<2500x512xf32, #tpu.memory_space<vmem>>, vector<2500x512xf32>
    %get3A_2 = arith.constant 0 : index
    %get3A_3 = arith.constant 0 : index
    %get3A_4 = vector.load %arg1[%get3A_2, %get3A_3] : memref<512x128xf32, #tpu.memory_space<vmem>>, vector<512x128xf32>
    %dot_general3A = arith.constant dense<0.000000e+00> : vector<2500x128xf32>
    %dot_general3A_5 = tpu.matmul %get3A_1, %get3A_4, %dot_general3A {dimension_numbers = #tpu.dot_dimension_numbers<[1], [0], [0], [1], [0, 0, 1, 1], [], []>, transpose_lhs_hint = false} : vector<2500x512xf32>, vector<512x128xf32>, vector<2500x128xf32> -> vector<2500x128xf32>
    %swap3A = arith.constant 0 : index
    %swap3A_6 = arith.constant 0 : index
    %swap3A_7 = vector.load %arg3[%swap3A, %swap3A_6] : memref<2500x128xf32, #tpu.memory_space<vmem>>, vector<2500x128xf32>
    tpu.vector_store %arg3[%swap3A, %swap3A_6], %dot_general3A_5 {strides = array<i32>} : memref<2500x128xf32, #tpu.memory_space<vmem>>, vector<2500x128xf32>,
    %get3A_8 = arith.constant 0 : index
    %get3A_9 = arith.constant 0 : index
    %get3A_10 = vector.load %arg2[%get3A_8, %get3A_9] : memref<512x128xf32, #tpu.memory_space<vmem>>, vector<512x128xf32>
    %dot_general3A_11 = arith.constant dense<0.000000e+00> : vector<2500x128xf32>
    %dot_general3A_12 = tpu.matmul %get3A_1, %get3A_10, %dot_general3A_11 {dimension_numbers = #tpu.dot_dimension_numbers<[1], [0], [0], [1], [0, 0, 1, 1], [], []>, transpose_lhs_hint = false} : vector<2500x512xf32>, vector<512x128xf32>, vector<2500x128xf32> -> vector<2500x128xf32>
    %swap3A_13 = arith.constant 0 : index
    %swap3A_14 = arith.constant 0 : index
    %swap3A_15 = vector.load %arg4[%swap3A_13, %swap3A_14] : memref<2500x128xf32, #tpu.memory_space<vmem>>, vector<2500x128xf32>
    tpu.vector_store %arg4[%swap3A_13, %swap3A_14], %dot_general3A_12 {strides = array<i32>} : memref<2500x128xf32, #tpu.memory_space<vmem>>, vector<2500x128xf32>,
    return
  }
}

module attributes {stable_mosaic.version = 14 : i64} {
  func.func @body(%arg0: i32, %arg1: memref<1x2500x128xf32, #tpu.memory_space<vmem>>, %arg2: memref<1x2500x128xf32, #tpu.memory_space<vmem>>, %arg3: memref<2500x128xf32, #tpu.memory_space<vmem>>, %arg4: memref<1x128xf32, #tpu.memory_space<vmem>>, %arg5: memref<2500x128xf32, #tpu.memory_space<vmem>>) attributes {dimension_semantics = [#tpu.dimension_semantics<arbitrary>], iteration_bounds = array<i64: 1>, scalar_prefetch = 0 : i64, scratch_operands = 0 : i64, tpu.core_type = #tpu.core_type<tc>, window_params = [{transform_indices = @transform_0, window_bounds = array<i64: 1, 2500, 128>}, {transform_indices = @transform_1, window_bounds = array<i64: 1, 2500, 128>}, {pipeline_mode = #tpu.pipeline_mode<synchronous>, transform_indices = @transform_2, window_bounds = array<i64: 2500, 128>}, {pipeline_mode = #tpu.pipeline_mode<synchronous>, transform_indices = @transform_3, window_bounds = array<i64: 1, 128>}, {pipeline_mode = #tpu.pipeline_mode<synchronous>, transform_indices = @transform_4, window_bounds = array<i64: 2500, 128>}]} {
    %get3A = arith.constant 0 : index
    %get3A_0 = arith.constant 0 : index
    %get3A_1 = arith.constant 0 : index
    %get3A_2 = vector.load %arg1[%get3A, %get3A_0, %get3A_1] : memref<1x2500x128xf32, #tpu.memory_space<vmem>>, vector<1x2500x128xf32>
    %get3A_3 = vector.shape_cast %get3A_2 : vector<1x2500x128xf32> to vector<2500x128xf32>
    %get3A_4 = arith.constant 0 : index
    %get3A_5 = arith.constant 0 : index
    %get3A_6 = arith.constant 0 : index
    %get3A_7 = vector.load %arg2[%get3A_4, %get3A_5, %get3A_6] : memref<1x2500x128xf32, #tpu.memory_space<vmem>>, vector<1x2500x128xf32>
    %get3A_8 = vector.shape_cast %get3A_7 : vector<1x2500x128xf32> to vector<2500x128xf32>
    %add3A = arith.addf %get3A_3, %get3A_8 : vector<2500x128xf32>
    %get3A_9 = arith.constant 0 : index
    %get3A_10 = arith.constant 0 : index
    %get3A_11 = vector.load %arg3[%get3A_9, %get3A_10] : memref<2500x128xf32, #tpu.memory_space<vmem>>, vector<2500x128xf32>
    %add3A_12 = arith.addf %add3A, %get3A_11 : vector<2500x128xf32>
    %get3A_13 = arith.constant 0 : index
    %get3A_14 = arith.constant 0 : index
    %get3A_15 = vector.load %arg4[%get3A_13, %get3A_14] : memref<1x128xf32, #tpu.memory_space<vmem>>, vector<1x128xf32>
    %add3A_16 = vector.broadcast %get3A_15 : vector<1x128xf32> to vector<2500x128xf32>
    %add3A_17 = arith.addf %add3A_12, %add3A_16 : vector<2500x128xf32>
    %gt3A = arith.constant 0.000000e+00 : f32
    %gt3A_18 = vector.broadcast %gt3A : f32 to vector<2500x128xf32>
    %gt3A_19 = arith.cmpf ogt, %add3A_17, %gt3A_18 : vector<2500x128xf32>
    %min3A = arith.constant 0.000000e+00 : f32
    %min3A_20 = vector.broadcast %min3A : f32 to vector<2500x128xf32>
    %min3A_21 = arith.minimumf %add3A_17, %min3A_20 : vector<2500x128xf32>
    %exp3A = math.exp %min3A_21 : vector<2500x128xf32>
    %sub3A = arith.constant 1.000000e+00 : f32
    %sub3A_22 = vector.broadcast %sub3A : f32 to vector<2500x128xf32>
    %sub3A_23 = arith.subf %exp3A, %sub3A_22 : vector<2500x128xf32>
    %select_n3A = arith.select %gt3A_19, %add3A_17, %sub3A_23 : vector<2500x128xi1>, vector<2500x128xf32>
    %swap3A = arith.constant 0 : index
    %swap3A_24 = arith.constant 0 : index
    %swap3A_25 = vector.load %arg5[%swap3A, %swap3A_24] : memref<2500x128xf32, #tpu.memory_space<vmem>>, vector<2500x128xf32>
    tpu.vector_store %arg5[%swap3A, %swap3A_24], %select_n3A {strides = array<i32>} : memref<2500x128xf32, #tpu.memory_space<vmem>>, vector<2500x128xf32>,
    return
  }
  func.func @transform_0(%arg0: i32) -> (i32, i32, i32) {
    %c0_i32 = arith.constant 0 : i32
    %c0_i32_0 = arith.constant 0 : i32
    %c0_i32_1 = arith.constant 0 : i32
    %c0_i32_2 = arith.constant 0 : i32
    return %c0_i32, %c0_i32_0, %c0_i32_1 : i32, i32, i32
  }
  func.func @transform_1(%arg0: i32) -> (i32, i32, i32) {
    %c1_i32 = arith.constant 1 : i32
    %c0_i32 = arith.constant 0 : i32
    %c0_i32_0 = arith.constant 0 : i32
    %c0_i32_1 = arith.constant 0 : i32
    return %c1_i32, %c0_i32, %c0_i32_0 : i32, i32, i32
  }
  func.func @transform_2(%arg0: i32) -> (i32, i32) {
    %c0_i32 = arith.constant 0 : i32
    %c0_i32_0 = arith.constant 0 : i32
    %c0_i32_1 = arith.constant 0 : i32
    return %c0_i32, %c0_i32_0 : i32, i32
  }
  func.func @transform_3(%arg0: i32) -> (i32, i32) {
    %c0_i32 = arith.constant 0 : i32
    %c0_i32_0 = arith.constant 0 : i32
    %c0_i32_1 = arith.constant 0 : i32
    return %c0_i32, %c0_i32_0 : i32, i32
  }
  func.func @transform_4(%arg0: i32) -> (i32, i32) {
    %c0_i32 = arith.constant 0 : i32
    %c0_i32_0 = arith.constant 0 : i32
    %c0_i32_1 = arith.constant 0 : i32
    return %c0_i32, %c0_i32_0 : i32, i32
  }
}

module attributes {stable_mosaic.version = 14 : i64} {
  func.func @body(%arg0: i32, %arg1: memref<1x2500x128xf32, #tpu.memory_space<vmem>>, %arg2: memref<1x2500x128xf32, #tpu.memory_space<vmem>>, %arg3: memref<2500x128xf32, #tpu.memory_space<vmem>>, %arg4: memref<128x256xf32, #tpu.memory_space<vmem>>, %arg5: memref<1x256xf32, #tpu.memory_space<vmem>>, %arg6: memref<128x256xf32, #tpu.memory_space<vmem>>, %arg7: memref<2500x256xf32, #tpu.memory_space<vmem>>) attributes {dimension_semantics = [#tpu.dimension_semantics<arbitrary>], iteration_bounds = array<i64: 1>, scalar_prefetch = 0 : i64, scratch_operands = 0 : i64, tpu.core_type = #tpu.core_type<tc>, window_params = [{transform_indices = @transform_0, window_bounds = array<i64: 1, 2500, 128>}, {transform_indices = @transform_1, window_bounds = array<i64: 1, 2500, 128>}, {pipeline_mode = #tpu.pipeline_mode<synchronous>, transform_indices = @transform_2, window_bounds = array<i64: 2500, 128>}, {pipeline_mode = #tpu.pipeline_mode<synchronous>, transform_indices = @transform_3, window_bounds = array<i64: 128, 256>}, {pipeline_mode = #tpu.pipeline_mode<synchronous>, transform_indices = @transform_4, window_bounds = array<i64: 1, 256>}, {pipeline_mode = #tpu.pipeline_mode<synchronous>, transform_indices = @transform_5, window_bounds = array<i64: 128, 256>}, {pipeline_mode = #tpu.pipeline_mode<synchronous>, transform_indices = @transform_6, window_bounds = array<i64: 2500, 256>}]} {
    %get3A = arith.constant 0 : index
    %get3A_0 = arith.constant 0 : index
    %get3A_1 = arith.constant 0 : index
    %get3A_2 = vector.load %arg1[%get3A, %get3A_0, %get3A_1] : memref<1x2500x128xf32, #tpu.memory_space<vmem>>, vector<1x2500x128xf32>
    %get3A_3 = vector.shape_cast %get3A_2 : vector<1x2500x128xf32> to vector<2500x128xf32>
    %get3A_4 = arith.constant 0 : index
    %get3A_5 = arith.constant 0 : index
    %get3A_6 = arith.constant 0 : index
    %get3A_7 = vector.load %arg2[%get3A_4, %get3A_5, %get3A_6] : memref<1x2500x128xf32, #tpu.memory_space<vmem>>, vector<1x2500x128xf32>
    %get3A_8 = vector.shape_cast %get3A_7 : vector<1x2500x128xf32> to vector<2500x128xf32>
    %add3A = arith.addf %get3A_3, %get3A_8 : vector<2500x128xf32>
    %get3A_9 = arith.constant 0 : index
    %get3A_10 = arith.constant 0 : index
    %get3A_11 = vector.load %arg4[%get3A_9, %get3A_10] : memref<128x256xf32, #tpu.memory_space<vmem>>, vector<128x256xf32>
    %dot_general3A = arith.constant dense<0.000000e+00> : vector<2500x256xf32>
    %dot_general3A_12 = tpu.matmul %add3A, %get3A_11, %dot_general3A {dimension_numbers = #tpu.dot_dimension_numbers<[1], [0], [0], [1], [0, 0, 1, 1], [], []>, transpose_lhs_hint = false} : vector<2500x128xf32>, vector<128x256xf32>, vector<2500x256xf32> -> vector<2500x256xf32>
    %get3A_13 = arith.constant 0 : index
    %get3A_14 = arith.constant 0 : index
    %get3A_15 = vector.load %arg3[%get3A_13, %get3A_14] : memref<2500x128xf32, #tpu.memory_space<vmem>>, vector<2500x128xf32>
    %get3A_16 = arith.constant 0 : index
    %get3A_17 = arith.constant 0 : index
    %get3A_18 = vector.load %arg6[%get3A_16, %get3A_17] : memref<128x256xf32, #tpu.memory_space<vmem>>, vector<128x256xf32>
    %dot_general3A_19 = arith.constant dense<0.000000e+00> : vector<2500x256xf32>
    %dot_general3A_20 = tpu.matmul %get3A_15, %get3A_18, %dot_general3A_19 {dimension_numbers = #tpu.dot_dimension_numbers<[1], [0], [0], [1], [0, 0, 1, 1], [], []>, transpose_lhs_hint = false} : vector<2500x128xf32>, vector<128x256xf32>, vector<2500x256xf32> -> vector<2500x256xf32>
    %add3A_21 = arith.addf %dot_general3A_12, %dot_general3A_20 : vector<2500x256xf32>
    %get3A_22 = arith.constant 0 : index
    %get3A_23 = arith.constant 0 : index
    %get3A_24 = vector.load %arg5[%get3A_22, %get3A_23] : memref<1x256xf32, #tpu.memory_space<vmem>>, vector<1x256xf32>
    %add3A_25 = vector.broadcast %get3A_24 : vector<1x256xf32> to vector<2500x256xf32>
    %add3A_26 = arith.addf %add3A_21, %add3A_25 : vector<2500x256xf32>
    %gt3A = arith.constant 0.000000e+00 : f32
    %gt3A_27 = vector.broadcast %gt3A : f32 to vector<2500x256xf32>
    %gt3A_28 = arith.cmpf ogt, %add3A_26, %gt3A_27 : vector<2500x256xf32>
    %min3A = arith.constant 0.000000e+00 : f32
    %min3A_29 = vector.broadcast %min3A : f32 to vector<2500x256xf32>
    %min3A_30 = arith.minimumf %add3A_26, %min3A_29 : vector<2500x256xf32>
    %exp3A = math.exp %min3A_30 : vector<2500x256xf32>
    %sub3A = arith.constant 1.000000e+00 : f32
    %sub3A_31 = vector.broadcast %sub3A : f32 to vector<2500x256xf32>
    %sub3A_32 = arith.subf %exp3A, %sub3A_31 : vector<2500x256xf32>
    %select_n3A = arith.select %gt3A_28, %add3A_26, %sub3A_32 : vector<2500x256xi1>, vector<2500x256xf32>
    %swap3A = arith.constant 0 : index
    %swap3A_33 = arith.constant 0 : index
    %swap3A_34 = vector.load %arg7[%swap3A, %swap3A_33] : memref<2500x256xf32, #tpu.memory_space<vmem>>, vector<2500x256xf32>
    tpu.vector_store %arg7[%swap3A, %swap3A_33], %select_n3A {strides = array<i32>} : memref<2500x256xf32, #tpu.memory_space<vmem>>, vector<2500x256xf32>,
    return
  }
  func.func @transform_0(%arg0: i32) -> (i32, i32, i32) {
    %c0_i32 = arith.constant 0 : i32
    %c0_i32_0 = arith.constant 0 : i32
    %c0_i32_1 = arith.constant 0 : i32
    %c0_i32_2 = arith.constant 0 : i32
    return %c0_i32, %c0_i32_0, %c0_i32_1 : i32, i32, i32
  }
  func.func @transform_1(%arg0: i32) -> (i32, i32, i32) {
    %c1_i32 = arith.constant 1 : i32
    %c0_i32 = arith.constant 0 : i32
    %c0_i32_0 = arith.constant 0 : i32
    %c0_i32_1 = arith.constant 0 : i32
    return %c1_i32, %c0_i32, %c0_i32_0 : i32, i32, i32
  }
  func.func @transform_2(%arg0: i32) -> (i32, i32) {
    %c0_i32 = arith.constant 0 : i32
    %c0_i32_0 = arith.constant 0 : i32
    %c0_i32_1 = arith.constant 0 : i32
    return %c0_i32, %c0_i32_0 : i32, i32
  }
  func.func @transform_3(%arg0: i32) -> (i32, i32) {
    %c0_i32 = arith.constant 0 : i32
    %c0_i32_0 = arith.constant 0 : i32
    %c0_i32_1 = arith.constant 0 : i32
    return %c0_i32, %c0_i32_0 : i32, i32
  }
  func.func @transform_4(%arg0: i32) -> (i32, i32) {
    %c0_i32 = arith.constant 0 : i32
    %c0_i32_0 = arith.constant 0 : i32
    %c0_i32_1 = arith.constant 0 : i32
    return %c0_i32, %c0_i32_0 : i32, i32
  }
  func.func @transform_5(%arg0: i32) -> (i32, i32) {
    %c0_i32 = arith.constant 0 : i32
    %c0_i32_0 = arith.constant 0 : i32
    %c0_i32_1 = arith.constant 0 : i32
    return %c0_i32, %c0_i32_0 : i32, i32
  }
  func.func @transform_6(%arg0: i32) -> (i32, i32) {
    %c0_i32 = arith.constant 0 : i32
    %c0_i32_0 = arith.constant 0 : i32
    %c0_i32_1 = arith.constant 0 : i32
    return %c0_i32, %c0_i32_0 : i32, i32
  }
}

module attributes {stable_mosaic.version = 14 : i64} {
  func.func @body(%arg0: i32, %arg1: memref<1x5000x128xf32, #tpu.memory_space<vmem>>, %arg2: memref<1x5000x128xf32, #tpu.memory_space<vmem>>, %arg3: memref<5000x128xf32, #tpu.memory_space<vmem>>, %arg4: memref<128x128xf32, #tpu.memory_space<vmem>>, %arg5: memref<1x128xf32, #tpu.memory_space<vmem>>, %arg6: memref<128x128xf32, #tpu.memory_space<vmem>>, %arg7: memref<1x1x5000xi32, #tpu.memory_space<vmem>>, %arg8: memref<1x1x5000xi32, #tpu.memory_space<vmem>>, %arg9: memref<64x64xf32, #tpu.memory_space<vmem>>, %arg10: memref<1x64xf32, #tpu.memory_space<vmem>>, %arg11: memref<64x32xf32, #tpu.memory_space<vmem>>, %arg12: memref<1x32xf32, #tpu.memory_space<vmem>>, %arg13: memref<32x10xf32, #tpu.memory_space<vmem>>, %arg14: memref<1x10xf32, #tpu.memory_space<vmem>>, %arg15: memref<64x10xf32, #tpu.memory_space<vmem>>) attributes {dimension_semantics = [#tpu.dimension_semantics<arbitrary>], iteration_bounds = array<i64: 1>, scalar_prefetch = 0 : i64, scratch_operands = 0 : i64, tpu.core_type = #tpu.core_type<tc>, window_params = [{transform_indices = @transform_0, window_bounds = array<i64: 1, 5000, 128>}, {transform_indices = @transform_1, window_bounds = array<i64: 1, 5000, 128>}, {pipeline_mode = #tpu.pipeline_mode<synchronous>, transform_indices = @transform_2, window_bounds = array<i64: 5000, 128>}, {pipeline_mode = #tpu.pipeline_mode<synchronous>, transform_indices = @transform_3, window_bounds = array<i64: 128, 128>}, {pipeline_mode = #tpu.pipeline_mode<synchronous>, transform_indices = @transform_4, window_bounds = array<i64: 1, 128>}, {pipeline_mode = #tpu.pipeline_mode<synchronous>, transform_indices = @transform_5, window_bounds = array<i64: 128, 128>}, {pipeline_mode = #tpu.pipeline_mode<synchronous>, transform_indices = @transform_6, window_bounds = array<i64: 1, 1, 5000>}, {pipeline_mode = #tpu.pipeline_mode<synchronous>, transform_indices = @transform_7, window_bounds = array<i64: 1, 1, 5000>}, {pipeline_mode = #tpu.pipeline_mode<synchronous>, transform_indices = @transform_8, window_bounds = array<i64: 64, 64>}, {pipeline_mode = #tpu.pipeline_mode<synchronous>, transform_indices = @transform_9, window_bounds = array<i64: 1, 64>}, {pipeline_mode = #tpu.pipeline_mode<synchronous>, transform_indices = @transform_10, window_bounds = array<i64: 64, 32>}, {pipeline_mode = #tpu.pipeline_mode<synchronous>, transform_indices = @transform_11, window_bounds = array<i64: 1, 32>}, {pipeline_mode = #tpu.pipeline_mode<synchronous>, transform_indices = @transform_12, window_bounds = array<i64: 32, 10>}, {pipeline_mode = #tpu.pipeline_mode<synchronous>, transform_indices = @transform_13, window_bounds = array<i64: 1, 10>}, {pipeline_mode = #tpu.pipeline_mode<synchronous>, transform_indices = @transform_14, window_bounds = array<i64: 64, 10>}]} {
    %get3A = arith.constant 0 : index
    %get3A_0 = arith.constant 0 : index
    %get3A_1 = arith.constant 0 : index
    %get3A_2 = vector.load %arg1[%get3A, %get3A_0, %get3A_1] : memref<1x5000x128xf32, #tpu.memory_space<vmem>>, vector<1x5000x128xf32>
    %get3A_3 = vector.shape_cast %get3A_2 : vector<1x5000x128xf32> to vector<5000x128xf32>
    %get3A_4 = arith.constant 0 : index
    %get3A_5 = arith.constant 0 : index
    %get3A_6 = arith.constant 0 : index
    %get3A_7 = vector.load %arg2[%get3A_4, %get3A_5, %get3A_6] : memref<1x5000x128xf32, #tpu.memory_space<vmem>>, vector<1x5000x128xf32>
    %get3A_8 = vector.shape_cast %get3A_7 : vector<1x5000x128xf32> to vector<5000x128xf32>
    %add3A = arith.addf %get3A_3, %get3A_8 : vector<5000x128xf32>
    %get3A_9 = arith.constant 0 : index
    %get3A_10 = arith.constant 0 : index
    %get3A_11 = vector.load %arg4[%get3A_9, %get3A_10] : memref<128x128xf32, #tpu.memory_space<vmem>>, vector<128x128xf32>
    %dot_general3A = arith.constant dense<0.000000e+00> : vector<5000x128xf32>
    %dot_general3A_12 = tpu.matmul %add3A, %get3A_11, %dot_general3A {dimension_numbers = #tpu.dot_dimension_numbers<[1], [0], [0], [1], [0, 0, 1, 1], [], []>, transpose_lhs_hint = false} : vector<5000x128xf32>, vector<128x128xf32>, vector<5000x128xf32> -> vector<5000x128xf32>
    %get3A_13 = arith.constant 0 : index
    %get3A_14 = arith.constant 0 : index
    %get3A_15 = vector.load %arg3[%get3A_13, %get3A_14] : memref<5000x128xf32, #tpu.memory_space<vmem>>, vector<5000x128xf32>
    %get3A_16 = arith.constant 0 : index
    %get3A_17 = arith.constant 0 : index
    %get3A_18 = vector.load %arg6[%get3A_16, %get3A_17] : memref<128x128xf32, #tpu.memory_space<vmem>>, vector<128x128xf32>
    %dot_general3A_19 = arith.constant dense<0.000000e+00> : vector<5000x128xf32>
    %dot_general3A_20 = tpu.matmul %get3A_15, %get3A_18, %dot_general3A_19 {dimension_numbers = #tpu.dot_dimension_numbers<[1], [0], [0], [1], [0, 0, 1, 1], [], []>, transpose_lhs_hint = false} : vector<5000x128xf32>, vector<128x128xf32>, vector<5000x128xf32> -> vector<5000x128xf32>
    %add3A_21 = arith.addf %dot_general3A_12, %dot_general3A_20 : vector<5000x128xf32>
    %get3A_22 = arith.constant 0 : index
    %get3A_23 = arith.constant 0 : index
    %get3A_24 = vector.load %arg5[%get3A_22, %get3A_23] : memref<1x128xf32, #tpu.memory_space<vmem>>, vector<1x128xf32>
    %add3A_25 = vector.broadcast %get3A_24 : vector<1x128xf32> to vector<5000x128xf32>
    %add3A_26 = arith.addf %add3A_21, %add3A_25 : vector<5000x128xf32>
    %gt3A = arith.constant 0.000000e+00 : f32
    %gt3A_27 = vector.broadcast %gt3A : f32 to vector<5000x128xf32>
    %gt3A_28 = arith.cmpf ogt, %add3A_26, %gt3A_27 : vector<5000x128xf32>
    %min3A = arith.constant 0.000000e+00 : f32
    %min3A_29 = vector.broadcast %min3A : f32 to vector<5000x128xf32>
    %min3A_30 = arith.minimumf %add3A_26, %min3A_29 : vector<5000x128xf32>
    %exp3A = math.exp %min3A_30 : vector<5000x128xf32>
    %sub3A = arith.constant 1.000000e+00 : f32
    %sub3A_31 = vector.broadcast %sub3A : f32 to vector<5000x128xf32>
    %sub3A_32 = arith.subf %exp3A, %sub3A_31 : vector<5000x128xf32>
    %select_n3A = arith.select %gt3A_28, %add3A_26, %sub3A_32 : vector<5000x128xi1>, vector<5000x128xf32>
    %iota3A = tpu.iota {dimensions = array<i32: 1>} : vector<5000x64xi32>
    %get3A_33 = arith.constant 0 : index
    %get3A_34 = arith.constant 0 : index
    %get3A_35 = arith.constant 0 : index
    %get3A_36 = vector.load %arg7[%get3A_33, %get3A_34, %get3A_35] : memref<1x1x5000xi32, #tpu.memory_space<vmem>>, vector<1x1x5000xi32>
    %get3A_37 = vector.shape_cast %get3A_36 : vector<1x1x5000xi32> to vector<5000xi32>
    %broadcast_in_dim3A = vector.shape_cast %get3A_37 : vector<5000xi32> to vector<5000x1xi32>
    %eq3A = vector.broadcast %broadcast_in_dim3A : vector<5000x1xi32> to vector<5000x64xi32>
    %eq3A_38 = arith.cmpi eq, %eq3A, %iota3A : vector<5000x64xi32>
    %convert_element_type3A = arith.extui %eq3A_38 : vector<5000x64xi1> to vector<5000x64xi32>
    %convert_element_type3A_39 = arith.sitofp %convert_element_type3A : vector<5000x64xi32> to vector<5000x64xf32>
    %get3A_40 = arith.constant 0 : index
    %get3A_41 = arith.constant 0 : index
    %get3A_42 = arith.constant 0 : index
    %get3A_43 = vector.load %arg8[%get3A_40, %get3A_41, %get3A_42] : memref<1x1x5000xi32, #tpu.memory_space<vmem>>, vector<1x1x5000xi32>
    %get3A_44 = vector.shape_cast %get3A_43 : vector<1x1x5000xi32> to vector<5000xi32>
    %broadcast_in_dim3A_45 = vector.shape_cast %get3A_44 : vector<5000xi32> to vector<5000x1xi32>
    %eq3A_46 = vector.broadcast %broadcast_in_dim3A_45 : vector<5000x1xi32> to vector<5000x64xi32>
    %eq3A_47 = arith.cmpi eq, %eq3A_46, %iota3A : vector<5000x64xi32>
    %convert_element_type3A_48 = arith.extui %eq3A_47 : vector<5000x64xi1> to vector<5000x64xi32>
    %convert_element_type3A_49 = arith.sitofp %convert_element_type3A_48 : vector<5000x64xi32> to vector<5000x64xf32>
    %slice3A = vector.extract_strided_slice %select_n3A {offsets = [0, 0], sizes = [5000, 64], strides = [1, 1]} : vector<5000x128xf32> to vector<5000x64xf32>
    %dot_general3A_50 = arith.constant dense<0.000000e+00> : vector<64x64xf32>
    %dot_general3A_51 = tpu.matmul %convert_element_type3A_39, %slice3A, %dot_general3A_50 {dimension_numbers = #tpu.dot_dimension_numbers<[0], [0], [1], [1], [0, 1, 1, 1], [], []>, transpose_lhs_hint = false} : vector<5000x64xf32>, vector<5000x64xf32>, vector<64x64xf32> -> vector<64x64xf32>
    %slice3A_52 = vector.extract_strided_slice %select_n3A {offsets = [0, 64], sizes = [5000, 64], strides = [1, 1]} : vector<5000x128xf32> to vector<5000x64xf32>
    %dot_general3A_53 = arith.constant dense<0.000000e+00> : vector<64x64xf32>
    %dot_general3A_54 = tpu.matmul %convert_element_type3A_49, %slice3A_52, %dot_general3A_53 {dimension_numbers = #tpu.dot_dimension_numbers<[0], [0], [1], [1], [0, 1, 1, 1], [], []>, transpose_lhs_hint = false} : vector<5000x64xf32>, vector<5000x64xf32>, vector<64x64xf32> -> vector<64x64xf32>
    %add3A_55 = arith.addf %dot_general3A_51, %dot_general3A_54 : vector<64x64xf32>
    %reduce_sum3A = arith.constant dense<0.000000e+00> : vector<64xf32>
    %reduce_sum3A_56 = vector.multi_reduction <add>, %convert_element_type3A_39, %reduce_sum3A [0] : vector<5000x64xf32> to vector<64xf32>
    %reduce_sum3A_57 = arith.constant dense<0.000000e+00> : vector<64xf32>
    %reduce_sum3A_58 = vector.multi_reduction <add>, %convert_element_type3A_49, %reduce_sum3A_57 [0] : vector<5000x64xf32> to vector<64xf32>
    %add3A_59 = arith.addf %reduce_sum3A_56, %reduce_sum3A_58 : vector<64xf32>
    %broadcast_in_dim3A_60 = vector.shape_cast %add3A_59 : vector<64xf32> to vector<64x1xf32>
    %max3A = arith.constant 1.000000e+00 : f32
    %max3A_61 = vector.broadcast %max3A : f32 to vector<64x1xf32>
    %max3A_62 = arith.maximumf %broadcast_in_dim3A_60, %max3A_61 : vector<64x1xf32>
    %div3A = vector.broadcast %max3A_62 : vector<64x1xf32> to vector<64x64xf32>
    %div3A_63 = arith.divf %add3A_55, %div3A : vector<64x64xf32>
    %get3A_64 = arith.constant 0 : index
    %get3A_65 = arith.constant 0 : index
    %get3A_66 = vector.load %arg9[%get3A_64, %get3A_65] : memref<64x64xf32, #tpu.memory_space<vmem>>, vector<64x64xf32>
    %dot_general3A_67 = arith.constant dense<0.000000e+00> : vector<64x64xf32>
    %dot_general3A_68 = tpu.matmul %div3A_63, %get3A_66, %dot_general3A_67 {dimension_numbers = #tpu.dot_dimension_numbers<[1], [0], [0], [1], [0, 0, 1, 1], [], []>, transpose_lhs_hint = false} : vector<64x64xf32>, vector<64x64xf32>, vector<64x64xf32> -> vector<64x64xf32>
    %get3A_69 = arith.constant 0 : index
    %get3A_70 = arith.constant 0 : index
    %get3A_71 = vector.load %arg10[%get3A_69, %get3A_70] : memref<1x64xf32, #tpu.memory_space<vmem>>, vector<1x64xf32>
    %add3A_72 = vector.broadcast %get3A_71 : vector<1x64xf32> to vector<64x64xf32>
    %add3A_73 = arith.addf %dot_general3A_68, %add3A_72 : vector<64x64xf32>
    %gt3A_74 = arith.constant 0.000000e+00 : f32
    %gt3A_75 = vector.broadcast %gt3A_74 : f32 to vector<64x64xf32>
    %gt3A_76 = arith.cmpf ogt, %add3A_73, %gt3A_75 : vector<64x64xf32>
    %min3A_77 = arith.constant 0.000000e+00 : f32
    %min3A_78 = vector.broadcast %min3A_77 : f32 to vector<64x64xf32>
    %min3A_79 = arith.minimumf %add3A_73, %min3A_78 : vector<64x64xf32>
    %exp3A_80 = math.exp %min3A_79 : vector<64x64xf32>
    %sub3A_81 = arith.constant 1.000000e+00 : f32
    %sub3A_82 = vector.broadcast %sub3A_81 : f32 to vector<64x64xf32>
    %sub3A_83 = arith.subf %exp3A_80, %sub3A_82 : vector<64x64xf32>
    %select_n3A_84 = arith.select %gt3A_76, %add3A_73, %sub3A_83 : vector<64x64xi1>, vector<64x64xf32>
    %get3A_85 = arith.constant 0 : index
    %get3A_86 = arith.constant 0 : index
    %get3A_87 = vector.load %arg11[%get3A_85, %get3A_86] : memref<64x32xf32, #tpu.memory_space<vmem>>, vector<64x32xf32>
    %dot_general3A_88 = arith.constant dense<0.000000e+00> : vector<64x32xf32>
    %dot_general3A_89 = tpu.matmul %select_n3A_84, %get3A_87, %dot_general3A_88 {dimension_numbers = #tpu.dot_dimension_numbers<[1], [0], [0], [1], [0, 0, 1, 1], [], []>, transpose_lhs_hint = false} : vector<64x64xf32>, vector<64x32xf32>, vector<64x32xf32> -> vector<64x32xf32>
    %get3A_90 = arith.constant 0 : index
    %get3A_91 = arith.constant 0 : index
    %get3A_92 = vector.load %arg12[%get3A_90, %get3A_91] : memref<1x32xf32, #tpu.memory_space<vmem>>, vector<1x32xf32>
    %add3A_93 = vector.broadcast %get3A_92 : vector<1x32xf32> to vector<64x32xf32>
    %add3A_94 = arith.addf %dot_general3A_89, %add3A_93 : vector<64x32xf32>
    %gt3A_95 = arith.constant 0.000000e+00 : f32
    %gt3A_96 = vector.broadcast %gt3A_95 : f32 to vector<64x32xf32>
    %gt3A_97 = arith.cmpf ogt, %add3A_94, %gt3A_96 : vector<64x32xf32>
    %min3A_98 = arith.constant 0.000000e+00 : f32
    %min3A_99 = vector.broadcast %min3A_98 : f32 to vector<64x32xf32>
    %min3A_100 = arith.minimumf %add3A_94, %min3A_99 : vector<64x32xf32>
    %exp3A_101 = math.exp %min3A_100 : vector<64x32xf32>
    %sub3A_102 = arith.constant 1.000000e+00 : f32
    %sub3A_103 = vector.broadcast %sub3A_102 : f32 to vector<64x32xf32>
    %sub3A_104 = arith.subf %exp3A_101, %sub3A_103 : vector<64x32xf32>
    %select_n3A_105 = arith.select %gt3A_97, %add3A_94, %sub3A_104 : vector<64x32xi1>, vector<64x32xf32>
    %get3A_106 = arith.constant 0 : index
    %get3A_107 = arith.constant 0 : index
    %get3A_108 = vector.load %arg13[%get3A_106, %get3A_107] : memref<32x10xf32, #tpu.memory_space<vmem>>, vector<32x10xf32>
    %dot_general3A_109 = arith.constant dense<0.000000e+00> : vector<64x10xf32>
    %dot_general3A_110 = tpu.matmul %select_n3A_105, %get3A_108, %dot_general3A_109 {dimension_numbers = #tpu.dot_dimension_numbers<[1], [0], [0], [1], [0, 0, 1, 1], [], []>, transpose_lhs_hint = false} : vector<64x32xf32>, vector<32x10xf32>, vector<64x10xf32> -> vector<64x10xf32>
    %get3A_111 = arith.constant 0 : index
    %get3A_112 = arith.constant 0 : index
    %get3A_113 = vector.load %arg14[%get3A_111, %get3A_112] : memref<1x10xf32, #tpu.memory_space<vmem>>, vector<1x10xf32>
    %add3A_114 = vector.broadcast %get3A_113 : vector<1x10xf32> to vector<64x10xf32>
    %add3A_115 = arith.addf %dot_general3A_110, %add3A_114 : vector<64x10xf32>
    %reduce_max3A = arith.constant dense<0xFF800000> : vector<64xf32>
    %reduce_max3A_116 = vector.multi_reduction <maximumf>, %add3A_115, %reduce_max3A [1] : vector<64x10xf32> to vector<64xf32>
    %broadcast_in_dim3A_117 = vector.shape_cast %reduce_max3A_116 : vector<64xf32> to vector<64x1xf32>
    %sub3A_118 = vector.broadcast %broadcast_in_dim3A_117 : vector<64x1xf32> to vector<64x10xf32>
    %sub3A_119 = arith.subf %add3A_115, %sub3A_118 : vector<64x10xf32>
    %exp3A_120 = math.exp %sub3A_119 : vector<64x10xf32>
    %reduce_sum3A_121 = arith.constant dense<0.000000e+00> : vector<64xf32>
    %reduce_sum3A_122 = vector.multi_reduction <add>, %exp3A_120, %reduce_sum3A_121 [1] : vector<64x10xf32> to vector<64xf32>
    %broadcast_in_dim3A_123 = vector.shape_cast %reduce_sum3A_122 : vector<64xf32> to vector<64x1xf32>
    %log3A = math.log %broadcast_in_dim3A_123 : vector<64x1xf32>
    %sub3A_124 = vector.broadcast %log3A : vector<64x1xf32> to vector<64x10xf32>
    %sub3A_125 = arith.subf %sub3A_119, %sub3A_124 : vector<64x10xf32>
    %swap3A = arith.constant 0 : index
    %swap3A_126 = arith.constant 0 : index
    %swap3A_127 = vector.load %arg15[%swap3A, %swap3A_126] : memref<64x10xf32, #tpu.memory_space<vmem>>, vector<64x10xf32>
    tpu.vector_store %arg15[%swap3A, %swap3A_126], %sub3A_125 {strides = array<i32>} : memref<64x10xf32, #tpu.memory_space<vmem>>, vector<64x10xf32>,
    return
  }
  func.func @transform_0(%arg0: i32) -> (i32, i32, i32) {
    %c0_i32 = arith.constant 0 : i32
    %c0_i32_0 = arith.constant 0 : i32
    %c0_i32_1 = arith.constant 0 : i32
    %c0_i32_2 = arith.constant 0 : i32
    return %c0_i32, %c0_i32_0, %c0_i32_1 : i32, i32, i32
  }
  func.func @transform_1(%arg0: i32) -> (i32, i32, i32) {
    %c1_i32 = arith.constant 1 : i32
    %c0_i32 = arith.constant 0 : i32
    %c0_i32_0 = arith.constant 0 : i32
    %c0_i32_1 = arith.constant 0 : i32
    return %c1_i32, %c0_i32, %c0_i32_0 : i32, i32, i32
  }
  func.func @transform_2(%arg0: i32) -> (i32, i32) {
    %c0_i32 = arith.constant 0 : i32
    %c0_i32_0 = arith.constant 0 : i32
    %c0_i32_1 = arith.constant 0 : i32
    return %c0_i32, %c0_i32_0 : i32, i32
  }
  func.func @transform_3(%arg0: i32) -> (i32, i32) {
    %c0_i32 = arith.constant 0 : i32
    %c0_i32_0 = arith.constant 0 : i32
    %c0_i32_1 = arith.constant 0 : i32
    return %c0_i32, %c0_i32_0 : i32, i32
  }
  func.func @transform_4(%arg0: i32) -> (i32, i32) {
    %c0_i32 = arith.constant 0 : i32
    %c0_i32_0 = arith.constant 0 : i32
    %c0_i32_1 = arith.constant 0 : i32
    return %c0_i32, %c0_i32_0 : i32, i32
  }
  func.func @transform_5(%arg0: i32) -> (i32, i32) {
    %c0_i32 = arith.constant 0 : i32
    %c0_i32_0 = arith.constant 0 : i32
    %c0_i32_1 = arith.constant 0 : i32
    return %c0_i32, %c0_i32_0 : i32, i32
  }
  func.func @transform_6(%arg0: i32) -> (i32, i32, i32) {
    %c0_i32 = arith.constant 0 : i32
    %c0_i32_0 = arith.constant 0 : i32
    %c0_i32_1 = arith.constant 0 : i32
    %c0_i32_2 = arith.constant 0 : i32
    return %c0_i32, %c0_i32_0, %c0_i32_1 : i32, i32, i32
  }
  func.func @transform_7(%arg0: i32) -> (i32, i32, i32) {
    %c0_i32 = arith.constant 0 : i32
    %c0_i32_0 = arith.constant 0 : i32
    %c0_i32_1 = arith.constant 0 : i32
    %c0_i32_2 = arith.constant 0 : i32
    return %c0_i32, %c0_i32_0, %c0_i32_1 : i32, i32, i32
  }
  func.func @transform_8(%arg0: i32) -> (i32, i32) {
    %c0_i32 = arith.constant 0 : i32
    %c0_i32_0 = arith.constant 0 : i32
    %c0_i32_1 = arith.constant 0 : i32
    return %c0_i32, %c0_i32_0 : i32, i32
  }
  func.func @transform_9(%arg0: i32) -> (i32, i32) {
    %c0_i32 = arith.constant 0 : i32
    %c0_i32_0 = arith.constant 0 : i32
    %c0_i32_1 = arith.constant 0 : i32
    return %c0_i32, %c0_i32_0 : i32, i32
  }
  func.func @transform_10(%arg0: i32) -> (i32, i32) {
    %c0_i32 = arith.constant 0 : i32
    %c0_i32_0 = arith.constant 0 : i32
    %c0_i32_1 = arith.constant 0 : i32
    return %c0_i32, %c0_i32_0 : i32, i32
  }
  func.func @transform_11(%arg0: i32) -> (i32, i32) {
    %c0_i32 = arith.constant 0 : i32
    %c0_i32_0 = arith.constant 0 : i32
    %c0_i32_1 = arith.constant 0 : i32
    return %c0_i32, %c0_i32_0 : i32, i32
  }
  func.func @transform_12(%arg0: i32) -> (i32, i32) {
    %c0_i32 = arith.constant 0 : i32
    %c0_i32_0 = arith.constant 0 : i32
    %c0_i32_1 = arith.constant 0 : i32
    return %c0_i32, %c0_i32_0 : i32, i32
  }
  func.func @transform_13(%arg0: i32) -> (i32, i32) {
    %c0_i32 = arith.constant 0 : i32
    %c0_i32_0 = arith.constant 0 : i32
    %c0_i32_1 = arith.constant 0 : i32
    return %c0_i32, %c0_i32_0 : i32, i32
  }
  func.func @transform_14(%arg0: i32) -> (i32, i32) {
    %c0_i32 = arith.constant 0 : i32
    %c0_i32_0 = arith.constant 0 : i32
    %c0_i32_1 = arith.constant 0 : i32
    return %c0_i32, %c0_i32_0 : i32, i32
  }
}

</mosaic_0001>

<sc_bundles>
// kernel: kernel.12.cloned.1.call-start
scs
__scs_entry_jumppad:
0x0: {  	(pc) =	sbr.rel $0x88, $3  }
0x1: {  	(tag) =	ssettag $0x0;
	lr =	simm.s32 $0x1  }
0x2: {  	[smem:$0x3F8F] =	sst lr;
	_ =	strace $0xD0000000  }
0x3: {  	_ = 	snop  }
0x4: {  	_ = 	snop  }
0x5: {  	_ = 	snop  }
0x6: {  	_ = 	snop  }
0x7: {  	_ = 	snop  }
__scs_overlays_trampoline_lowered:
0x8: {  	[smem:$0x3F9E] =	sst s0  }
0x9: {  	[smem:$0x3F9F] =	sst s1  }
0xa: {  	[smem:$0x3FA0] =	sst s2  }
0xb: {  	[smem:$0x3FA1] =	sst s3  }
0xc: {  	[smem:$0x3FA2] =	sst s4  }
0xd: {  	[smem:$0x3FA3] =	sst s5  }
0xe: {  	[smem:$0x3FA4] =	sst s6  }
0xf: {  	[smem:$0x3FA5] =	sst s7  }
0x10: {  	[smem:$0x3FA6] =	sst s8  }
0x11: {  	[smem:$0x3FA7] =	sst s9;
	s0 =	simm.s32 @!p0 $0x0  }
0x12: {  	s1 =	sld [smem:$0x3F8D];
	s0 =	simm.s32 @p0 $0x1  }
0x13: {  	[smem:$0x3FA8] =	sst s0;
	s0 =	simm.s32 @!p1 $0x0  }
0x14: {  	s2 =	sld [smem:$0x3F8C];
	s0 =	simm.s32 @p1 $0x1  }
0x15: {  	[smem:$0x3FA9] =	sst s0;
	s0 =	simm.s32 @!p2 $0x0  }
0x16: {  	s3 =	sld [smem:$0x3FDB];
	s0 =	simm.s32 @p2 $0x1  }
0x17: {  	s4 =	simm.s32 $0x1BF5;
	[smem:$0x3FAB] =	sst s0  }
0x18: {  	s0 =	sld [smem:$0x3F8E];
	_ =	swait.ge [sflag:s4], $0x0  }
0x19: {  	s7 =	sld [smem:$0x3F8F]  }
0x1a: {  	s8 =	sadd.s32 $0xFFFFE003, lr  }
0x1b: {  	s9 =	sadd.s32 $0xFFFFFEF7, lr;
	s5 =	simm.s32 $0xFFFFFFFF;
	p2 =	slt.u32 s8, $0xFFFFF086  }
0x1c: {  	p1 =	slt.u32 s9, $0xF7A;
	s5 =	simm.s32 @!p2 $0x0  }
0x1d: {  	s5 =	simm.s32 @p1 $0x1;
	p0 =	seq.s32 s7, s2  }
0x1e: {  	s7 =	smul.u32 @!p0 $0xF7A, s2;
	p2 =	seq.s32 @!p0 s5, $0x0  }
0x1f: {  	s9 =	smul.u32 $0xF7A, s1;
	s8 =	simm.s32 @!p0 $0x1BF5;
	p2 =	por !p2, p0  }
0x20: {  	[sflag:s8] =	ssyncset.s32 @!p0 $0xFFFFF086;
	s6 =	sadd.s32 @!p0 s3, s7;
	s7 =	simm.s32 @!p0 $0x108  }
0x21: {  	s3 =	sadd.s32 s3, s9;
	s6 =	sadd.s32 @!p0 $0x88, s6;
	s7 =	simm.s32 @p2 $0x1082  }
0x22: {  	[simem:s7], [sflag:s8] =	dma.local @!p0 [hbm:s6], $0xF7A  }
0x23: {  	s9 =	sor.u32 $0xD0000000, s2;
	s6 =	simm.s32 $0x108;
	_ =	swait.ge @!p0 [sflag:s8], $0x0  }
0x24: {  	s3 =	sadd.s32 $0x88, s3;
	s6 =	simm.s32 @!p1 $0x1082;
	[sflag:s4] =	ssyncset.s32 $0xFFFFF086  }
0x25: {  	[simem:s6], [sflag:s4] =	dma.local [hbm:s3], $0xF7A  }
0x26: {  	[smem:$0x3F8F] =	sst s1;
	(tag) =	ssettag s2;
	_ =	strace s9  }
0x27: {  	s1 =	sld [smem:$0x3F9F]  }
0x28: {  	s2 =	sld [smem:$0x3FA0]  }
0x29: {  	s4 =	sld [smem:$0x3FA2]  }
0x2a: {  	p0 =	seq.s32 s5, $0x0;
	s5 =	sld [smem:$0x3FA3]  }
0x2b: {  	s6 =	sld [smem:$0x3FA4]  }
0x2c: {  	s7 =	sld [smem:$0x3FA5]  }
0x2d: {  	s3 =	simm.s32 $0x108;
	s8 =	sld [smem:$0x3FA6]  }
0x2e: {  	s3 =	simm.s32 @!p0 $0x1082;
	s9 =	sld [smem:$0x3FA7]  }
0x2f: {  	lr =	sadd.s32 s0, s3;
	s0 =	sld [smem:$0x3F9E]  }
0x30: {  	s3 =	sld [smem:$0x3FA1]  }
0x31: {  	[smem:$0x3FAA] =	sst s10  }
0x32: {  	s10 =	sld [smem:$0x3FA8];
	_ =	sdelay $0x3  }
0x33: {  	p0 =	seq.s32 s10, $0x1;
	s10 =	sld [smem:$0x3FAA];
	_ =	sdelay $0x3  }
0x34: {  	[smem:$0x3FAA] =	sst s10  }
0x35: {  	s10 =	sld [smem:$0x3FA9];
	_ =	sdelay $0x3  }
0x36: {  	p1 =	seq.s32 s10, $0x1;
	s10 =	sld [smem:$0x3FAA];
	_ =	sdelay $0x3  }
0x37: {  	[smem:$0x3FAA] =	sst s10  }
0x38: {  	s10 =	sld [smem:$0x3FAB]  }
0x39: {  	_ = 	snop;
	(pc) =	sbr.ind lr, $3  }
0x3a: {  	_ = 	snop  }
0x3b: {  	_ = 	snop  }
0x3c: {  	p2 =	seq.s32 s10, $0x1;
	s10 =	sld [smem:$0x3FAA]  }
0x3d: {  	_ =	shalt  }
0x3e: {  	_ =	shalt  }
0x3f: {  	_ =	shalt  }
0x40: {  	_ =	shalt  }
0x41: {  	_ =	shalt  }
0x42: {  	_ =	shalt  }
0x43: {  	_ =	shalt  }
0x44: {  	_ =	shalt  }
0x45: {  	_ =	shalt  }
0x46: {  	_ =	shalt  }
0x47: {  	_ =	shalt  }
0x48: {  	_ =	shalt  }
0x49: {  	_ =	shalt  }
0x4a: {  	_ =	shalt  }
0x4b: {  	_ =	shalt  }
0x4c: {  	_ =	shalt  }
0x4d: {  	_ =	shalt  }
0x4e: {  	_ =	shalt  }
0x4f: {  	_ =	shalt  }
0x50: {  	_ =	shalt  }
0x51: {  	_ =	shalt  }
0x52: {  	_ =	shalt  }
0x53: {  	_ =	shalt  }
0x54: {  	_ =	shalt  }
0x55: {  	_ =	shalt  }
0x56: {  	_ =	shalt  }
0x57: {  	_ =	shalt  }
0x58: {  	_ =	shalt  }
0x59: {  	_ =	shalt  }
0x5a: {  	_ =	shalt  }
0x5b: {  	_ =	shalt  }
0x5c: {  	_ =	shalt  }
0x5d: {  	_ =	shalt  }
0x5e: {  	_ =	shalt  }
0x5f: {  	_ =	shalt  }
0x60: {  	_ =	shalt  }
0x61: {  	_ =	shalt  }
0x62: {  	_ =	shalt  }
0x63: {  	_ =	shalt  }
0x64: {  	_ =	shalt  }
0x65: {  	_ =	shalt  }
0x66: {  	_ =	shalt  }
0x67: {  	_ =	shalt  }
0x68: {  	_ =	shalt  }
0x69: {  	_ =	shalt  }
0x6a: {  	_ =	shalt  }
0x6b: {  	_ =	shalt  }
0x6c: {  	_ =	shalt  }
0x6d: {  	_ =	shalt  }
0x6e: {  	_ =	shalt  }
0x6f: {  	_ =	shalt  }
0x70: {  	_ =	shalt  }
0x71: {  	_ =	shalt  }
0x72: {  	_ =	shalt  }
0x73: {  	_ =	shalt  }
0x74: {  	_ =	shalt  }
0x75: {  	_ =	shalt  }
0x76: {  	_ =	shalt  }
0x77: {  	_ =	shalt  }
0x78: {  	_ =	shalt  }
0x79: {  	_ =	shalt  }
0x7a: {  	_ =	shalt  }
0x7b: {  	_ =	shalt  }
0x7c: {  	_ =	shalt  }
0x7d: {  	_ =	shalt  }
0x7e: {  	_ =	shalt  }
0x7f: {  	_ =	shalt  }
0x80: {  	_ =	shalt  }
0x81: {  	_ =	shalt  }
0x82: {  	_ =	shalt  }
0x83: {  	_ =	shalt  }
0x84: {  	_ =	shalt  }
0x85: {  	_ =	shalt  }
0x86: {  	_ =	shalt  }
0x87: {  	_ =	shalt  }
.Lfunc_end0:
.L_simem_size_0:
called_computation.1_lowered:
.L_overlay_start_0:
0x88: {  	s2 =	sld [smem:$0x3FD9]  }
0x89: {  	s3 =	sld [smem:$0x3FFE];
	_ =	sdelay $0x1  }
0x8a: {  	s1 =	srdreg.scid  }
0x8b: {  	s0 =	sand.u32 $0x1, s1  }
0x8c: {  	s16 =	sshll.u32 s0, $0xA;
	s2 =	sadd.s32 s3, s2  }
0x8d: {  	s2 =	sadd.s32 s2, s16  }
0x8e: {  	[smem:$0x3FB6] =	sst s2  }
0x8f: {  	_ = 	snop  }
0x90: {  	(tm) =	ssettm $0x1  }
0x91: {  	s17 =	sld [smem:$0x3FFB];
	_ =	sdelay $0x3  }
0x92: {  	_ =	strace s17  }
0x93: {  	s2 =	sld [smem:$0x3FFC];
	_ =	sdelay $0x3  }
0x94: {  	_ =	strace s2  }
0x95: {  	s2 =	sld [smem:$0x3FFD];
	_ =	sdelay $0x3  }
0x96: {  	_ =	strace s2  }
0x97: {  	_ =	strace $0x8FFFFFFF  }
0x98: {  	s18 =	sld [smem:$0x3FDB];
	_ =	sdelay $0x1  }
0x99: {  	s19 =	simm.s32 $_scs_section_size  }
0x9a: {  	s4 =	simm.s32 $_size__tile_overlayer_lowered;
	s5 =	simm.s32 $_tile_overlayer_lowered  }
0x9b: {  	s22 =	simm.s32 $0x1BFF;
	s21 =	sshll.u32 s5, $0x1;
	s2 =	sadd.s32 s19, s18  }
0x9c: {  	s6 =	simm.s32 $0x0;
	s20 =	sshll.u32 s4, $0x1;
	s4 =	sadd.s32 s21, s2  }
0x9d: {  	[timem:s6], [sflag:s22] =	dma.local [hbm:s4], s20  }
0x9e: {  	_ =	swait.ge [sflag:s22], s20  }
0x9f: {  	s3 =	ssub.s32 $0x0, s20;
	[sflag:s22] =	ssyncset.done $0x0  }
0xa0: {  	[sflag:s22] =	ssyncadd.s32 s3;
	_ =	sdelay $0x1  }
0xa1: {  	s23 =	simm.s32 $0x1B8B  }
0xa2: {  	_ =	swait.ge [sflag:s23], $0x1  }
0xa3: {  	[sflag:s23] =	ssyncset.done $0x0  }
0xa4: {  	s25 =	simm.s32 $0x1B8E;
	s24 =	sld [smem:$0x3FFE];
	[sflag:s23] =	ssyncadd.s32 $0xFFFFFFFF  }
0xa5: {  	s26 =	simm.s32 $execute0_lowered;
	[smem:$0x3FD2] =	sst s25  }
0xa6: {  	s4 =	sshll.u32 s26, $0x1;
	_ =	strace $0x80000049;
	[dreg:$0x1] =	wrdreg $0xFFFFFFFF  }
0xa7: {  	s28 =	simm.s32 $_size_execute0_lowered;
	s2 =	sadd.s32 s2, s4;
	[dreg:$0x0] =	wrdreg $0x0  }
0xa8: {  	s4 =	sshll.u32 s28, $0x1;
	[dreg:$0x2] =	wrdreg s2  }
0xa9: {  	[dreg:$0x3] =	wrdreg s4  }
0xaa: {  	[dreg:$0x4] =	wrdreg $0xC0  }
0xab: {  	_ =	task [dreg:s6], $0x5FFFF  }
0xac: {  	[dreg:$0x1] =	wrdreg $0xFFFFFFFF  }
0xad: {  	[dreg:$0x0] =	wrdreg $0x60  }
0xae: {  	[dreg:$0x2] =	wrdreg s24  }
0xaf: {  	[dreg:$0x3] =	wrdreg $0xCD000  }
0xb0: {  	[dreg:$0x4] =	wrdreg $0x9  }
0xb1: {  	_ =	task.clear_ibuf [dreg:s6], $0x5FFFF;
	_ =	strace $0x90000049  }
0xb2: {  	s29 =	simm.s32 $0x9;
	_ =	strace $0x8000004B  }
0xb3: {  	_ =	swait.ge [sflag:s29], $0x1  }
0xb4: {  	[sflag:s29] =	ssyncadd.s32 $0xFFFFFFFF  }
0xb5: {  	_ =	strace $0x9000004B  }
0xb6: {  	_ =	sfence  }
0xb7: {  	s30 =	sld [smem:$0x0];
	_ =	sdelay $0x2  }
0xb8: {  	s31 =	sshll.u32 s1, $0xD;
	s1 =	sshrl.u32 s1, $0x2  }
0xb9: {  	s3 =	sand.u32 $0x4000, s31;
	s1 =	sadd.s32 s1, s30  }
0xba: {  	s0 =	sor.u32 s3, s0;
	s1 =	sshll.u32 s1, $0x11  }
0xbb: {  	s0 =	sor.u32 s1, s0  }
0xbc: {  	s0 =	sadd.s32 $0x8F2B, s0  }
0xbd: {  	[sflag:s0] =	ssyncadd.remote.s32 $0x1  }
0xbe: {  	_ =	sfence.sel $0xFFFF  }
0xbf: {  	[dreg:$0x0] =	wrdreg $0xFFFFFFFF;
	(pc) =	sbr.abs _section_cstart, $3  }
0xc0: {  	[dreg:$0x1] =	wrdreg $0xFFFFFFFF  }
0xc1: {  	_ =	task.clear_ibuf [dreg:s6], $0x2FFFF;
	_ =	strace $0x9FFFFFFF  }
0xc2: {  	(tm) =	ssettm $0x7FFFFFFF  }
0xc3: {  	_ =	shalt  }
tec
execute0_lowered:
.L_overlay_start_1:
0x0: {  	(tag) =	ssettag $0x1  }
0x1: {  	s0 =	rddreg [dreg:$0x0]  }
0x2: {  	s1 =	rddreg [dreg:$0x1]  }
0x3: {  	s2 =	srdreg.scid;
	s4 =	simm.s32 $0x0;
	s10 =	stileid.u32  }
0x4: {  	s14 =	simm.s32 $0x11;
	s16 =	simm.s32 $0x7D;
	s17 =	simm.s32 $0x5000  }
0x5: {  	s28 =	simm.s32 $0x9E20;
	s30 =	simm.s32 $0xADC0;
	s31 =	simm.s32 $0x1  }
0x6: {  	s15 =	simm.s32 $0x4;
	s18 =	simm.s32 $0x6;
	s29 =	simm.s32 $0xE  }
0x7: {  	s2 =	sand.u32 $0x1, s2;
	[smem:$0x7FF] =	sst s4;
	s5 =	smul.u32 $0x4E00, s10  }
0x8: {  	s4 =	sadd.s32 $0x17200, s0;
	s9 =	sadd.s32 $0x2AE00, s0;
	s23 =	sadd.s32 $0x4E000, s1  }
0x9: {  	p0 =	sne.s32 s10, $0xF;
	s3 =	sshll.u32 s2, $0x4;
	_ =	strace $0x8000004A  }
0xa: {  	s7 =	ssub.s32 $0x2, s2;
	s2 =	smul.u32 $0x4E200, s2;
	[dreg:$0x7] =	wrdreg s23  }
0xb: {  	s23 =	simm.s32 $0x7EE0;
	s3 =	sor.u32 s10, s3;
	s6 =	sshrl.u32 s5, $0x3  }
0xc: {  	s8 =	sshrl.u32 s7, $0x1;
	s20 =	sadd.s32 s5, s1;
	s3 =	smul.u32 $0x500, s3  }
0xd: {  	s6 =	sadd.s32 s6, s0;
	s7 =	ssub.s32 s7, s8;
	[dreg:$0x5] =	wrdreg s20  }
0xe: {  	s22 =	sadd.s32 s5, s2;
	s2 =	sshrl.u32 s2, $0x3;
	s20 =	simm.s32 $0x8  }
0xf: {  	s5 =	simm.s32 $0xF;
	s21 =	sadd.s32 $0x21000, s6;
	s2 =	sadd.s32 s9, s2  }
0x10: {  	s26 =	smax.u32 s7, $0x1;
	s6 =	simm.s32 $0x10;
	[dreg:$0x6] =	wrdreg s21  }
0x11: {  	s3 =	sadd.s32 s3, s0;
	s0 =	sadd.s32 $0x2AC00, s0;
	[dreg:$0xb] =	wrdreg s26  }
.Ltmp0:
0x12: {  	s25 =	sadd.s32 $0x9C00, s2;
	[dreg:$0x8] =	wrdreg s0;
	(pc) =	sbr.rel .LBB2_1-.Ltmp0, $4  }
0x13: {  	s19 =	sadd.s32 $0xD200, s3;
	s3 =	sadd.s32 $0x3200, s3;
	[dreg:$0xa] =	wrdreg s25  }
0x14: {  	s7 =	simm.s32 $0x0;
	[dreg:$0x4] =	wrdreg s3;
	s3 =	sshrl.u32 s22, $0x3  }
0x15: {  	s2 =	simm.s32 $0x2;
	[dreg:$0x3] =	wrdreg s19;
	s24 =	sadd.s32 s9, s3  }
0x16: {  	s0 =	simm.s32 $0xBD60;
	s19 =	simm.s32 $0x5FA0;
	[dreg:$0x9] =	wrdreg s24  }
.LBB2_4:
0x17: {  	s3 =	simm.s32 $0x9  }
0x18: {  	_ =	swait.ge [sflag:s3], $0xFA0  }
0x19: {  	[sflag:s3] =	ssyncset.done $0x0  }
0x1a: {  	s13 =	simm.s32 $0xA;
	[sflag:s3] =	ssyncadd.s32 $0xFFFFF060  }
0x1b: {  	_ =	swait.ge [sflag:s13], $0xFA0  }
0x1c: {  	[sflag:s13] =	ssyncset.done $0x0  }
0x1d: {  	s21 =	simm.s32 $0xB;
	[sflag:s13] =	ssyncadd.s32 $0xFFFFF060  }
0x1e: {  	_ =	swait.ge [sflag:s21], $0xFA0  }
0x1f: {  	[sflag:s21] =	ssyncset.done $0x0  }
0x20: {  	s22 =	simm.s32 $0xC;
	[sflag:s21] =	ssyncadd.s32 $0xFFFFF060  }
0x21: {  	_ =	swait.ge [sflag:s22], $0xFA0  }
0x22: {  	[sflag:s22] =	ssyncset.done $0x0  }
0x23: {  	s24 =	simm.s32 $0xD;
	[sflag:s22] =	ssyncadd.s32 $0xFFFFF060  }
0x24: {  	_ =	swait.ge [sflag:s24], $0xFA0  }
0x25: {  	[sflag:s24] =	ssyncset.done $0x0  }
0x26: {  	[sflag:s24] =	ssyncadd.s32 $0xFFFFF060  }
0x27: {  	_ =	swait.ge [sflag:s29], $0xFA0  }
0x28: {  	[sflag:s29] =	ssyncset.done $0x0  }
0x29: {  	[sflag:s29] =	ssyncadd.s32 $0xFFFFF060  }
0x2a: {  	_ =	swait.ge [sflag:s5], $0xFA0  }
0x2b: {  	[sflag:s5] =	ssyncset.done $0x0  }
0x2c: {  	[sflag:s5] =	ssyncadd.s32 $0xFFFFF060  }
0x2d: {  	_ =	swait.ge [sflag:s6], $0xFA0  }
0x2e: {  	[sflag:s6] =	ssyncset.done $0x0  }
0x2f: {  	[sflag:s6] =	ssyncadd.s32 $0xFFFFF060  }
0x30: {  	[bflag:$0x0] =	sbarrier.arrive $0xFFFF  }
0x31: {  	s25 =	rddreg [dreg:$0x9]  }
0x32: {  	[hbm:s25], [sflag:s8] =	dma.local [spmem:s9], $0x9C0  }
0x33: {  	_ =	swait.ge [sflag:s14], $0x9C0  }
0x34: {  	[sflag:s14] =	ssyncset.done $0x0  }
0x35: {  	s3 =	rddreg [dreg:$0xa];
	[sflag:s14] =	ssyncadd.s32 $0xFFFFF640  }
0x36: {  	[hbm:s3], [sflag:s8] =	dma.local @!p0 [spmem:s10], $0x40  }
0x37: {  	s3 =	simm.s32 @!p0 $0x11  }
0x38: {  	_ =	swait.ge @!p0 [sflag:s3], $0x40  }
0x39: {  	s7 =	sadd.s32 $0x1, s7;
	s26 =	rddreg [dreg:$0xb]  }
0x3a: {  	p1 =	sne.s32 s7, s26  }
.Ltmp1:
0x3b: {  	_ = 	snop;
	(pc) =	sbr.rel @!p1 .LBB2_5-.Ltmp1, $3  }
0x3c: {  	_ =	sdelay $0x1  }
0x3d: {  	[sflag:s3] =	ssyncset.done @!p0 $0x0  }
0x3e: {  	[sflag:s3] =	ssyncadd.s32 @!p0 $0xFFFFFFC0  }
.LBB2_1:
0x3f: {  	s3 =	simm.s32 $0x0;
	s8 =	rddreg [dreg:$0x3]  }
0x40: {  	[tilespmem:s3], [sflag:$0x11] =	stream.linear.gather [hbm4b:s8+s3], $0x2800, $0x38;
	[tilespmem:$0x11B20] =	vst v63  }
0x41: {  	_ =	swait.ge [sflag:s14], $0x2800  }
0x42: {  	[sflag:s14] =	ssyncset.done $0x0  }
0x43: {  	s9 =	simm.s32 $0x2800;
	s26 =	rddreg [dreg:$0x4];
	[sflag:s14] =	ssyncadd.s32 $0xFFFFD800  }
0x44: {  	[tilespmem:s9], [sflag:$0x11] =	stream.linear.gather [hbm4b:s26+s3], $0x2800, $0x38;
	[tilespmem:$0x11B20] =	vst v63  }
0x45: {  	_ =	swait.ge [sflag:s14], $0x2800  }
0x46: {  	[sflag:s14] =	ssyncset.done $0x0  }
0x47: {  	[sflag:s14] =	ssyncadd.s32 $0xFFFFD800  }
0x48: {  	[tilespmem:s17], [sflag:$0x1] =	stream.indirect.gather [hbm4b:s4+s16], $0x20, s3, s16, $0xb8;
	[tilespmem:$0x11B20] =	vst v63  }
0x49: {  	s8 =	simm.s32 $0x80  }
0x4a: {  	[tilespmem:s19], [sflag:$0x2] =	stream.indirect.gather [hbm4b:s4+s16], $0x20, s8, s16, $0xb8;
	[tilespmem:$0x11B20] =	vst v63  }
0x4b: {  	s10 =	simm.s32 $0x6F40;
	s9 =	simm.s32 $0x100  }
0x4c: {  	[tilespmem:s10], [sflag:$0x3] =	stream.indirect.gather [hbm4b:s4+s16], $0x20, s9, s16, $0xb8;
	[tilespmem:$0x11B20] =	vst v63  }
0x4d: {  	s11 =	simm.s32 $0x180;
	s12 =	simm.s32 $0x200  }
0x4e: {  	[tilespmem:s23], [sflag:$0x4] =	stream.indirect.gather [hbm4b:s4+s16], $0x20, s11, s16, $0xb8;
	[tilespmem:$0x11B20] =	vst v63  }
0x4f: {  	s13 =	simm.s32 $0x8E80;
	s21 =	simm.s32 $0x280;
	s24 =	stileid.u32  }
0x50: {  	[tilespmem:s13], [sflag:$0x5] =	stream.indirect.gather [hbm4b:s4+s16], $0x20, s12, s16, $0xb8;
	[tilespmem:$0x11B20] =	vst v63  }
0x51: {  	s22 =	simm.s32 $0x300;
	s25 =	rddreg [dreg:$0x5];
	s3 =	sshll.u32 s24, $0x6  }
0x52: {  	[tilespmem:s28], [sflag:$0x6] =	stream.indirect.gather [hbm4b:s4+s16], $0x20, s21, s16, $0xb8;
	[tilespmem:$0x11B20] =	vst v63  }
0x53: {  	s26 =	rddreg [dreg:$0x6];
	s8 =	sor.u32 $0x1C11, s3;
	s9 =	sshrl.u32 s25, $0x3  }
0x54: {  	[tilespmem:s30], [sflag:$0x7] =	stream.indirect.gather [hbm4b:s4+s16], $0x20, s22, s16, $0xb8;
	[tilespmem:$0x11B20] =	vst v63  }
0x55: {  	[spmem:s9], [sflag:s8] =	dma.local [hbm:s26], $0x9C0  }
0x56: {  	_ =	swait.ge [sflag:s14], $0x9C0  }
0x57: {  	[sflag:s14] =	ssyncset.done $0x0;
	s3 =	rddreg [dreg:$0x7]  }
0x58: {  	[sflag:s14] =	ssyncadd.s32 $0xFFFFF640;
	s10 =	sshrl.u32 @!p0 s3, $0x3;
	s3 =	rddreg [dreg:$0x8]  }
0x59: {  	[spmem:s10], [sflag:s8] =	dma.local @!p0 [hbm:s3], $0x40  }
0x5a: {  	s3 =	simm.s32 @!p0 $0x11  }
0x5b: {  	_ =	swait.ge @!p0 [sflag:s3], $0x40  }
0x5c: {  	[sflag:s3] =	ssyncset.done @!p0 $0x0  }
0x5d: {  	[sflag:s3] =	ssyncadd.s32 @!p0 $0xFFFFFFC0  }
0x5e: {  	s11 =	simm.s32 $0x0;
	[bflag:$0x0] =	sbarrier.arrive $0xFFFF  }
.LBB2_2:
0x5f: {  	_ =	swait.ge [sflag:s31], $0xFA0  }
0x60: {  	s12 =	sshra.s32 s11, $0x2;
	[sflag:s31] =	ssyncset.done $0x0  }
0x61: {  	p1 =	seq.s32 s11, $0x0;
	s3 =	sadd.s32 $0x2800, s12;
	[sflag:s31] =	ssyncadd.s32 $0xFFFFF060  }
0x62: {  	[spmem:s1] =	stream.indirect.scatter.add.f32 [tilespmem:s17], [sflag:$0x9], $0x20, s3, s16, $0xb8;
	[tilespmem:$0x11B20] =	vst v63  }
0x63: {  	s3 =	simm.s32 @!p1 $0x10  }
0x64: {  	_ =	swait.ge @!p1 [sflag:s3], $0xFA0  }
0x65: {  	[sflag:s3] =	ssyncset.done @!p1 $0x0  }
0x66: {  	s24 =	sadd.s32 $0x380, s12;
	[sflag:s3] =	ssyncadd.s32 @!p1 $0xFFFFF060  }
0x67: {  	[tilespmem:s0], [sflag:$0x8] =	stream.indirect.gather [hbm4b:s4+s16], $0x20, s24, s16, $0xb8;
	[tilespmem:$0x11B20] =	vst v63  }
0x68: {  	_ =	swait.ge [sflag:s2], $0xFA0  }
0x69: {  	p1 =	seq.s32 s11, $0x9000;
	[sflag:s2] =	ssyncset.done $0x0  }
0x6a: {  	s25 =	sadd.s32 $0x2880, s12;
	s3 =	simm.s32 @p1 $0x3;
	[sflag:s2] =	ssyncadd.s32 $0xFFFFF060  }
0x6b: {  	[spmem:s1] =	stream.indirect.scatter.add.f32 [tilespmem:s19], [sflag:$0xA], $0x20, s25, s16, $0xb8;
	[tilespmem:$0x11B20] =	vst v63  }
0x6c: {  	_ =	swait.ge @p1 [sflag:s3], $0xFA0  }
0x6d: {  	s21 =	sshra.s32 @p1 s11, $0x2;
	s22 =	simm.s32 @p1 $0x7D;
	[sflag:s3] =	ssyncset.done @p1 $0x0  }
0x6e: {  	s13 =	simm.s32 @p1 $0x6F40;
	[sflag:s3] =	ssyncadd.s32 @p1 $0xFFFFF060;
	s3 =	sadd.s32 @p1 $0x2900, s21  }
0x6f: {  	[spmem:s1] =	stream.indirect.scatter.add.f32 @p1 [tilespmem:s13], [sflag:$0xB], $0x20, s3, s22, $0xb8;
	[tilespmem:$0x11B20] =	vst v63  }
0x70: {  	s3 =	simm.s32 @!p1 $0x9  }
0x71: {  	_ =	swait.ge @!p1 [sflag:s3], $0xFA0  }
0x72: {  	s25 =	simm.s32 @!p1 $0x5000;
	s13 =	sshra.s32 @!p1 s11, $0x2;
	[sflag:s3] =	ssyncset.done @!p1 $0x0  }
0x73: {  	s24 =	sadd.s32 @!p1 $0x400, s13;
	[sflag:s3] =	ssyncadd.s32 @!p1 $0xFFFFF060;
	s3 =	simm.s32 @!p1 $0x7D  }
0x74: {  	[tilespmem:s25], [sflag:$0x1] =	stream.indirect.gather @!p1 [hbm4b:s4+s3], $0x20, s24, s3, $0xb8;
	[tilespmem:$0x11B20] =	vst v63  }
0x75: {  	s24 =	simm.s32 @!p1 $0x3  }
0x76: {  	_ =	swait.ge @!p1 [sflag:s24], $0xFA0  }
0x77: {  	[sflag:s24] =	ssyncset.done @!p1 $0x0  }
0x78: {  	s25 =	simm.s32 @!p1 $0x6F40;
	[sflag:s24] =	ssyncadd.s32 @!p1 $0xFFFFF060;
	s24 =	sadd.s32 @!p1 $0x2900, s13  }
0x79: {  	[spmem:s1] =	stream.indirect.scatter.add.f32 @!p1 [tilespmem:s25], [sflag:$0xB], $0x20, s24, s3, $0xb8;
	[tilespmem:$0x11B20] =	vst v63  }
0x7a: {  	s24 =	simm.s32 @!p1 $0xA  }
0x7b: {  	_ =	swait.ge @!p1 [sflag:s24], $0xFA0  }
0x7c: {  	[sflag:s24] =	ssyncset.done @!p1 $0x0  }
0x7d: {  	s26 =	simm.s32 @!p1 $0x5FA0;
	[sflag:s24] =	ssyncadd.s32 @!p1 $0xFFFFF060;
	s24 =	sadd.s32 @!p1 $0x480, s13  }
0x7e: {  	[tilespmem:s26], [sflag:$0x2] =	stream.indirect.gather @!p1 [hbm4b:s4+s3], $0x20, s24, s3, $0xb8;
	[tilespmem:$0x11B20] =	vst v63  }
0x7f: {  	_ =	swait.ge [sflag:s15], $0xFA0  }
0x80: {  	[sflag:s15] =	ssyncset.done $0x0  }
0x81: {  	s26 =	sadd.s32 $0x2980, s12;
	s24 =	simm.s32 @p1 $0x5;
	[sflag:s15] =	ssyncadd.s32 $0xFFFFF060  }
0x82: {  	[spmem:s1] =	stream.indirect.scatter.add.f32 [tilespmem:s23], [sflag:$0xC], $0x20, s26, s16, $0xb8;
	[tilespmem:$0x11B20] =	vst v63  }
0x83: {  	_ =	swait.ge @p1 [sflag:s24], $0xFA0  }
0x84: {  	[sflag:s24] =	ssyncset.done @p1 $0x0  }
0x85: {  	s26 =	simm.s32 @p1 $0x8E80;
	[sflag:s24] =	ssyncadd.s32 @p1 $0xFFFFF060;
	s24 =	sadd.s32 @p1 $0x2A00, s21  }
0x86: {  	[spmem:s1] =	stream.indirect.scatter.add.f32 @p1 [tilespmem:s26], [sflag:$0xD], $0x20, s24, s22, $0xb8;
	[tilespmem:$0x11B20] =	vst v63  }
0x87: {  	s24 =	simm.s32 @!p1 $0xB  }
0x88: {  	_ =	swait.ge @!p1 [sflag:s24], $0xFA0  }
0x89: {  	[sflag:s24] =	ssyncset.done @!p1 $0x0  }
0x8a: {  	[sflag:s24] =	ssyncadd.s32 @!p1 $0xFFFFF060;
	s24 =	sadd.s32 @!p1 $0x500, s13  }
0x8b: {  	[tilespmem:s25], [sflag:$0x3] =	stream.indirect.gather @!p1 [hbm4b:s4+s3], $0x20, s24, s3, $0xb8;
	[tilespmem:$0x11B20] =	vst v63  }
0x8c: {  	s24 =	simm.s32 @!p1 $0x5  }
0x8d: {  	_ =	swait.ge @!p1 [sflag:s24], $0xFA0  }
0x8e: {  	[sflag:s24] =	ssyncset.done @!p1 $0x0  }
0x8f: {  	s25 =	simm.s32 @!p1 $0x8E80;
	[sflag:s24] =	ssyncadd.s32 @!p1 $0xFFFFF060;
	s24 =	sadd.s32 @!p1 $0x2A00, s13  }
0x90: {  	[spmem:s1] =	stream.indirect.scatter.add.f32 @!p1 [tilespmem:s25], [sflag:$0xD], $0x20, s24, s3, $0xb8;
	[tilespmem:$0x11B20] =	vst v63  }
0x91: {  	s24 =	simm.s32 @!p1 $0xC  }
0x92: {  	_ =	swait.ge @!p1 [sflag:s24], $0xFA0  }
0x93: {  	[sflag:s24] =	ssyncset.done @!p1 $0x0  }
0x94: {  	s26 =	simm.s32 @!p1 $0x7EE0;
	[sflag:s24] =	ssyncadd.s32 @!p1 $0xFFFFF060;
	s24 =	sadd.s32 @!p1 $0x580, s13  }
0x95: {  	[tilespmem:s26], [sflag:$0x4] =	stream.indirect.gather @!p1 [hbm4b:s4+s3], $0x20, s24, s3, $0xb8;
	[tilespmem:$0x11B20] =	vst v63  }
0x96: {  	_ =	swait.ge [sflag:s18], $0xFA0  }
0x97: {  	[sflag:s18] =	ssyncset.done $0x0  }
0x98: {  	s26 =	sadd.s32 $0x2A80, s12;
	s24 =	simm.s32 @p1 $0x7;
	[sflag:s18] =	ssyncadd.s32 $0xFFFFF060  }
0x99: {  	[spmem:s1] =	stream.indirect.scatter.add.f32 [tilespmem:s28], [sflag:$0xE], $0x20, s26, s16, $0xb8;
	[tilespmem:$0x11B20] =	vst v63  }
0x9a: {  	_ =	swait.ge @p1 [sflag:s24], $0xFA0  }
0x9b: {  	[sflag:s24] =	ssyncset.done @p1 $0x0  }
0x9c: {  	s21 =	sadd.s32 @p1 $0x2B00, s21;
	[sflag:s24] =	ssyncadd.s32 @p1 $0xFFFFF060;
	s24 =	simm.s32 @p1 $0xADC0  }
0x9d: {  	[spmem:s1] =	stream.indirect.scatter.add.f32 @p1 [tilespmem:s24], [sflag:$0xF], $0x20, s21, s22, $0xb8;
	[tilespmem:$0x11B20] =	vst v63  }
0x9e: {  	s21 =	simm.s32 @!p1 $0xD  }
0x9f: {  	_ =	swait.ge @!p1 [sflag:s21], $0xFA0  }
0xa0: {  	[sflag:s21] =	ssyncset.done @!p1 $0x0  }
0xa1: {  	[sflag:s21] =	ssyncadd.s32 @!p1 $0xFFFFF060;
	s21 =	sadd.s32 @!p1 $0x600, s13  }
0xa2: {  	[tilespmem:s25], [sflag:$0x5] =	stream.indirect.gather @!p1 [hbm4b:s4+s3], $0x20, s21, s3, $0xb8;
	[tilespmem:$0x11B20] =	vst v63  }
0xa3: {  	s21 =	simm.s32 @!p1 $0x7  }
0xa4: {  	_ =	swait.ge @!p1 [sflag:s21], $0xFA0  }
0xa5: {  	[sflag:s21] =	ssyncset.done @!p1 $0x0  }
0xa6: {  	s22 =	simm.s32 @!p1 $0xADC0;
	[sflag:s21] =	ssyncadd.s32 @!p1 $0xFFFFF060;
	s21 =	sadd.s32 @!p1 $0x2B00, s13  }
0xa7: {  	[spmem:s1] =	stream.indirect.scatter.add.f32 @!p1 [tilespmem:s22], [sflag:$0xF], $0x20, s21, s3, $0xb8;
	[tilespmem:$0x11B20] =	vst v63  }
0xa8: {  	s21 =	simm.s32 @!p1 $0xE  }
0xa9: {  	_ =	swait.ge @!p1 [sflag:s21], $0xFA0  }
0xaa: {  	[sflag:s21] =	ssyncset.done @!p1 $0x0  }
0xab: {  	s13 =	sadd.s32 @!p1 $0x680, s13;
	[sflag:s21] =	ssyncadd.s32 @!p1 $0xFFFFF060;
	s21 =	simm.s32 @!p1 $0x9E20  }
0xac: {  	[tilespmem:s21], [sflag:$0x6] =	stream.indirect.gather @!p1 [hbm4b:s4+s3], $0x20, s13, s3, $0xb8;
	[tilespmem:$0x11B20] =	vst v63  }
.Ltmp2:
0xad: {  	_ = 	snop;
	(pc) =	sbr.rel @p1 .LBB2_4-.Ltmp2, $4  }
0xae: {  	_ =	swait.ge [sflag:s20], $0xFA0  }
0xaf: {  	[sflag:s20] =	ssyncset.done $0x0  }
0xb0: {  	s26 =	sadd.s32 $0x2B80, s12;
	[sflag:s20] =	ssyncadd.s32 $0xFFFFF060  }
0xb1: {  	[spmem:s1] =	stream.indirect.scatter.add.f32 [tilespmem:s0], [sflag:$0x10], $0x20, s26, s16, $0xb8;
	[tilespmem:$0x11B20] =	vst v63  }
.Ltmp3:
0xb2: {  	(pc) =	sbr.rel .LBB2_2-.Ltmp3, $4  }
0xb3: {  	_ =	swait.ge [sflag:s5], $0xFA0  }
0xb4: {  	[sflag:s5] =	ssyncset.done $0x0  }
0xb5: {  	s3 =	sadd.s32 $0x700, s12;
	s11 =	sadd.s32 $0x1000, s11;
	[sflag:s5] =	ssyncadd.s32 $0xFFFFF060  }
0xb6: {  	[tilespmem:s30], [sflag:$0x7] =	stream.indirect.gather [hbm4b:s4+s16], $0x20, s3, s16, $0xb8;
	[tilespmem:$0x11B20] =	vst v63  }
.LBB2_5:
0xb7: {  	_ =	sfence.sel $0x180000  }
0xb8: {  	[bflag:$0x0] =	sbarrier.arrive $0xFFFF  }
0xb9: {  	_ =	strace $0x9000004A  }
0xba: {  	s0 =	stileid.u32;
	[bflag:$0x2] =	sbarrier.arrive $0xFFFF  }
0xbb: {  	p0 =	sne.s32 s0, $0x0;
	s0 =	rddreg [dreg:$0x2]  }
0xbc: {  	s0 =	sadd.s32 @!p0 $0x100000, s0  }
0xbd: {  	[sflag:s0] =	ssyncadd.tile.s32 @!p0 $0x1;
	_ =	shalt  }
.Lfunc_end2:
_tile_overlayer_lowered:
.L_overlay_start_2:
0xbe: {  	(tag) =	ssettag $0x2  }
0xbf: {  	s0 =	rddreg [dreg:$0x0];
	s2 =	stileid.u32  }
0xc0: {  	s1 =	rddreg [dreg:$0x1];
	p0 =	sne.s32 s2, $0x0  }
0xc1: {  	s3 =	rddreg [dreg:$0x2];
	[bflag:$0x3] =	sbarrier.arrive $0xFFFF;
	s2 =	simm.s32 @!p0 $0x1C11  }
0xc2: {  	[timem:s3], [sflag:s2] =	dma.local @!p0 [hbm:s0], s1  }
0xc3: {  	s0 =	simm.s32 @!p0 $0x11  }
0xc4: {  	_ =	swait.ge @!p0 [sflag:s0], s1  }
0xc5: {  	s1 =	ssub.s32 @!p0 $0x0, s1;
	[sflag:s0] =	ssyncset.done @!p0 $0x0  }
0xc6: {  	[sflag:s0] =	ssyncadd.s32 @!p0 s1  }
0xc7: {  	[bflag:$0x3] =	sbarrier.arrive $0xFFFF  }
0xc8: {  	_ =	shalt  }

// kernel: kernel.15.cloned.1.call-start
scs
__scs_entry_jumppad:
0x0: {  	(pc) =	sbr.rel $0x88, $3  }
0x1: {  	(tag) =	ssettag $0x0;
	lr =	simm.s32 $0x1  }
0x2: {  	[smem:$0x3F8F] =	sst lr;
	_ =	strace $0xD0000000  }
0x3: {  	_ = 	snop  }
0x4: {  	_ = 	snop  }
0x5: {  	_ = 	snop  }
0x6: {  	_ = 	snop  }
0x7: {  	_ = 	snop  }
__scs_overlays_trampoline_lowered:
0x8: {  	[smem:$0x3F9E] =	sst s0  }
0x9: {  	[smem:$0x3F9F] =	sst s1  }
0xa: {  	[smem:$0x3FA0] =	sst s2  }
0xb: {  	[smem:$0x3FA1] =	sst s3  }
0xc: {  	[smem:$0x3FA2] =	sst s4  }
0xd: {  	[smem:$0x3FA3] =	sst s5  }
0xe: {  	[smem:$0x3FA4] =	sst s6  }
0xf: {  	[smem:$0x3FA5] =	sst s7  }
0x10: {  	[smem:$0x3FA6] =	sst s8  }
0x11: {  	[smem:$0x3FA7] =	sst s9;
	s0 =	simm.s32 @!p0 $0x0  }
0x12: {  	s1 =	sld [smem:$0x3F8D];
	s0 =	simm.s32 @p0 $0x1  }
0x13: {  	[smem:$0x3FA8] =	sst s0;
	s0 =	simm.s32 @!p1 $0x0  }
0x14: {  	s2 =	sld [smem:$0x3F8C];
	s0 =	simm.s32 @p1 $0x1  }
0x15: {  	[smem:$0x3FA9] =	sst s0;
	s0 =	simm.s32 @!p2 $0x0  }
0x16: {  	s3 =	sld [smem:$0x3FDB];
	s0 =	simm.s32 @p2 $0x1  }
0x17: {  	s4 =	simm.s32 $0x1BF5;
	[smem:$0x3FAB] =	sst s0  }
0x18: {  	s0 =	sld [smem:$0x3F8E];
	_ =	swait.ge [sflag:s4], $0x0  }
0x19: {  	s7 =	sld [smem:$0x3F8F]  }
0x1a: {  	s8 =	sadd.s32 $0xFFFFE003, lr  }
0x1b: {  	s9 =	sadd.s32 $0xFFFFFEF7, lr;
	s5 =	simm.s32 $0xFFFFFFFF;
	p2 =	slt.u32 s8, $0xFFFFF086  }
0x1c: {  	p1 =	slt.u32 s9, $0xF7A;
	s5 =	simm.s32 @!p2 $0x0  }
0x1d: {  	s5 =	simm.s32 @p1 $0x1;
	p0 =	seq.s32 s7, s2  }
0x1e: {  	s7 =	smul.u32 @!p0 $0xF7A, s2;
	p2 =	seq.s32 @!p0 s5, $0x0  }
0x1f: {  	s9 =	smul.u32 $0xF7A, s1;
	s8 =	simm.s32 @!p0 $0x1BF5;
	p2 =	por !p2, p0  }
0x20: {  	[sflag:s8] =	ssyncset.s32 @!p0 $0xFFFFF086;
	s6 =	sadd.s32 @!p0 s3, s7;
	s7 =	simm.s32 @!p0 $0x108  }
0x21: {  	s3 =	sadd.s32 s3, s9;
	s6 =	sadd.s32 @!p0 $0x88, s6;
	s7 =	simm.s32 @p2 $0x1082  }
0x22: {  	[simem:s7], [sflag:s8] =	dma.local @!p0 [hbm:s6], $0xF7A  }
0x23: {  	s9 =	sor.u32 $0xD0000000, s2;
	s6 =	simm.s32 $0x108;
	_ =	swait.ge @!p0 [sflag:s8], $0x0  }
0x24: {  	s3 =	sadd.s32 $0x88, s3;
	s6 =	simm.s32 @!p1 $0x1082;
	[sflag:s4] =	ssyncset.s32 $0xFFFFF086  }
0x25: {  	[simem:s6], [sflag:s4] =	dma.local [hbm:s3], $0xF7A  }
0x26: {  	[smem:$0x3F8F] =	sst s1;
	(tag) =	ssettag s2;
	_ =	strace s9  }
0x27: {  	s1 =	sld [smem:$0x3F9F]  }
0x28: {  	s2 =	sld [smem:$0x3FA0]  }
0x29: {  	s4 =	sld [smem:$0x3FA2]  }
0x2a: {  	p0 =	seq.s32 s5, $0x0;
	s5 =	sld [smem:$0x3FA3]  }
0x2b: {  	s6 =	sld [smem:$0x3FA4]  }
0x2c: {  	s7 =	sld [smem:$0x3FA5]  }
0x2d: {  	s3 =	simm.s32 $0x108;
	s8 =	sld [smem:$0x3FA6]  }
0x2e: {  	s3 =	simm.s32 @!p0 $0x1082;
	s9 =	sld [smem:$0x3FA7]  }
0x2f: {  	lr =	sadd.s32 s0, s3;
	s0 =	sld [smem:$0x3F9E]  }
0x30: {  	s3 =	sld [smem:$0x3FA1]  }
0x31: {  	[smem:$0x3FAA] =	sst s10  }
0x32: {  	s10 =	sld [smem:$0x3FA8];
	_ =	sdelay $0x3  }
0x33: {  	p0 =	seq.s32 s10, $0x1;
	s10 =	sld [smem:$0x3FAA];
	_ =	sdelay $0x3  }
0x34: {  	[smem:$0x3FAA] =	sst s10  }
0x35: {  	s10 =	sld [smem:$0x3FA9];
	_ =	sdelay $0x3  }
0x36: {  	p1 =	seq.s32 s10, $0x1;
	s10 =	sld [smem:$0x3FAA];
	_ =	sdelay $0x3  }
0x37: {  	[smem:$0x3FAA] =	sst s10  }
0x38: {  	s10 =	sld [smem:$0x3FAB]  }
0x39: {  	_ = 	snop;
	(pc) =	sbr.ind lr, $3  }
0x3a: {  	_ = 	snop  }
0x3b: {  	_ = 	snop  }
0x3c: {  	p2 =	seq.s32 s10, $0x1;
	s10 =	sld [smem:$0x3FAA]  }
0x3d: {  	_ =	shalt  }
0x3e: {  	_ =	shalt  }
0x3f: {  	_ =	shalt  }
0x40: {  	_ =	shalt  }
0x41: {  	_ =	shalt  }
0x42: {  	_ =	shalt  }
0x43: {  	_ =	shalt  }
0x44: {  	_ =	shalt  }
0x45: {  	_ =	shalt  }
0x46: {  	_ =	shalt  }
0x47: {  	_ =	shalt  }
0x48: {  	_ =	shalt  }
0x49: {  	_ =	shalt  }
0x4a: {  	_ =	shalt  }
0x4b: {  	_ =	shalt  }
0x4c: {  	_ =	shalt  }
0x4d: {  	_ =	shalt  }
0x4e: {  	_ =	shalt  }
0x4f: {  	_ =	shalt  }
0x50: {  	_ =	shalt  }
0x51: {  	_ =	shalt  }
0x52: {  	_ =	shalt  }
0x53: {  	_ =	shalt  }
0x54: {  	_ =	shalt  }
0x55: {  	_ =	shalt  }
0x56: {  	_ =	shalt  }
0x57: {  	_ =	shalt  }
0x58: {  	_ =	shalt  }
0x59: {  	_ =	shalt  }
0x5a: {  	_ =	shalt  }
0x5b: {  	_ =	shalt  }
0x5c: {  	_ =	shalt  }
0x5d: {  	_ =	shalt  }
0x5e: {  	_ =	shalt  }
0x5f: {  	_ =	shalt  }
0x60: {  	_ =	shalt  }
0x61: {  	_ =	shalt  }
0x62: {  	_ =	shalt  }
0x63: {  	_ =	shalt  }
0x64: {  	_ =	shalt  }
0x65: {  	_ =	shalt  }
0x66: {  	_ =	shalt  }
0x67: {  	_ =	shalt  }
0x68: {  	_ =	shalt  }
0x69: {  	_ =	shalt  }
0x6a: {  	_ =	shalt  }
0x6b: {  	_ =	shalt  }
0x6c: {  	_ =	shalt  }
0x6d: {  	_ =	shalt  }
0x6e: {  	_ =	shalt  }
0x6f: {  	_ =	shalt  }
0x70: {  	_ =	shalt  }
0x71: {  	_ =	shalt  }
0x72: {  	_ =	shalt  }
0x73: {  	_ =	shalt  }
0x74: {  	_ =	shalt  }
0x75: {  	_ =	shalt  }
0x76: {  	_ =	shalt  }
0x77: {  	_ =	shalt  }
0x78: {  	_ =	shalt  }
0x79: {  	_ =	shalt  }
0x7a: {  	_ =	shalt  }
0x7b: {  	_ =	shalt  }
0x7c: {  	_ =	shalt  }
0x7d: {  	_ =	shalt  }
0x7e: {  	_ =	shalt  }
0x7f: {  	_ =	shalt  }
0x80: {  	_ =	shalt  }
0x81: {  	_ =	shalt  }
0x82: {  	_ =	shalt  }
0x83: {  	_ =	shalt  }
0x84: {  	_ =	shalt  }
0x85: {  	_ =	shalt  }
0x86: {  	_ =	shalt  }
0x87: {  	_ =	shalt  }
.Lfunc_end0:
.L_simem_size_0:
called_computation.2_lowered:
.L_overlay_start_0:
0x88: {  	s2 =	sld [smem:$0x3FD9]  }
0x89: {  	s3 =	sld [smem:$0x3FFE];
	_ =	sdelay $0x1  }
0x8a: {  	s1 =	srdreg.scid  }
0x8b: {  	s0 =	sand.u32 $0x1, s1  }
0x8c: {  	s16 =	sshll.u32 s0, $0xA;
	s2 =	sadd.s32 s3, s2  }
0x8d: {  	s2 =	sadd.s32 s2, s16  }
0x8e: {  	[smem:$0x3FB6] =	sst s2  }
0x8f: {  	_ = 	snop  }
0x90: {  	(tm) =	ssettm $0x1  }
0x91: {  	s17 =	sld [smem:$0x3FFB];
	_ =	sdelay $0x3  }
0x92: {  	_ =	strace s17  }
0x93: {  	s2 =	sld [smem:$0x3FFC];
	_ =	sdelay $0x3  }
0x94: {  	_ =	strace s2  }
0x95: {  	s2 =	sld [smem:$0x3FFD];
	_ =	sdelay $0x3  }
0x96: {  	_ =	strace s2  }
0x97: {  	_ =	strace $0x8FFFFFFF  }
0x98: {  	s18 =	sld [smem:$0x3FDB];
	_ =	sdelay $0x1  }
0x99: {  	s19 =	simm.s32 $_scs_section_size  }
0x9a: {  	s4 =	simm.s32 $_size__tile_overlayer_lowered;
	s5 =	simm.s32 $_tile_overlayer_lowered  }
0x9b: {  	s22 =	simm.s32 $0x1BFF;
	s21 =	sshll.u32 s5, $0x1;
	s2 =	sadd.s32 s19, s18  }
0x9c: {  	s6 =	simm.s32 $0x0;
	s20 =	sshll.u32 s4, $0x1;
	s4 =	sadd.s32 s21, s2  }
0x9d: {  	[timem:s6], [sflag:s22] =	dma.local [hbm:s4], s20  }
0x9e: {  	_ =	swait.ge [sflag:s22], s20  }
0x9f: {  	s3 =	ssub.s32 $0x0, s20;
	[sflag:s22] =	ssyncset.done $0x0  }
0xa0: {  	[sflag:s22] =	ssyncadd.s32 s3;
	_ =	sdelay $0x1  }
0xa1: {  	s23 =	simm.s32 $0x1B8B  }
0xa2: {  	_ =	swait.ge [sflag:s23], $0x1  }
0xa3: {  	[sflag:s23] =	ssyncset.done $0x0  }
0xa4: {  	s25 =	simm.s32 $0x1B8E;
	s24 =	sld [smem:$0x3FFE];
	[sflag:s23] =	ssyncadd.s32 $0xFFFFFFFF  }
0xa5: {  	s26 =	simm.s32 $execute0_lowered;
	[smem:$0x3FD2] =	sst s25  }
0xa6: {  	s4 =	sshll.u32 s26, $0x1;
	_ =	strace $0x8000004C;
	[dreg:$0x1] =	wrdreg $0xFFFFFFFF  }
0xa7: {  	s28 =	simm.s32 $_size_execute0_lowered;
	s2 =	sadd.s32 s2, s4;
	[dreg:$0x0] =	wrdreg $0x0  }
0xa8: {  	s4 =	sshll.u32 s28, $0x1;
	[dreg:$0x2] =	wrdreg s2  }
0xa9: {  	[dreg:$0x3] =	wrdreg s4  }
0xaa: {  	[dreg:$0x4] =	wrdreg $0xC0  }
0xab: {  	_ =	task [dreg:s6], $0x5FFFF  }
0xac: {  	[dreg:$0x1] =	wrdreg $0xFFFFFFFF  }
0xad: {  	[dreg:$0x0] =	wrdreg $0x60  }
0xae: {  	[dreg:$0x2] =	wrdreg s24  }
0xaf: {  	[dreg:$0x3] =	wrdreg $0x14A000  }
0xb0: {  	[dreg:$0x4] =	wrdreg $0x9  }
0xb1: {  	_ =	task.clear_ibuf [dreg:s6], $0x5FFFF;
	_ =	strace $0x9000004C  }
0xb2: {  	s29 =	simm.s32 $0x9;
	_ =	strace $0x8000004E  }
0xb3: {  	_ =	swait.ge [sflag:s29], $0x1  }
0xb4: {  	[sflag:s29] =	ssyncadd.s32 $0xFFFFFFFF  }
0xb5: {  	_ =	strace $0x9000004E  }
0xb6: {  	_ =	sfence  }
0xb7: {  	s30 =	sld [smem:$0x0];
	_ =	sdelay $0x2  }
0xb8: {  	s31 =	sshll.u32 s1, $0xD;
	s1 =	sshrl.u32 s1, $0x2  }
0xb9: {  	s3 =	sand.u32 $0x4000, s31;
	s1 =	sadd.s32 s1, s30  }
0xba: {  	s0 =	sor.u32 s3, s0;
	s1 =	sshll.u32 s1, $0x11  }
0xbb: {  	s0 =	sor.u32 s1, s0  }
0xbc: {  	s0 =	sadd.s32 $0x8F2B, s0  }
0xbd: {  	[sflag:s0] =	ssyncadd.remote.s32 $0x1  }
0xbe: {  	_ =	sfence.sel $0xFFFF  }
0xbf: {  	[dreg:$0x0] =	wrdreg $0xFFFFFFFF;
	(pc) =	sbr.abs _section_cstart, $3  }
0xc0: {  	[dreg:$0x1] =	wrdreg $0xFFFFFFFF  }
0xc1: {  	_ =	task.clear_ibuf [dreg:s6], $0x2FFFF;
	_ =	strace $0x9FFFFFFF  }
0xc2: {  	(tm) =	ssettm $0x7FFFFFFF  }
0xc3: {  	_ =	shalt  }
tec
execute0_lowered:
.L_overlay_start_1:
0x0: {  	(tag) =	ssettag $0x1  }
0x1: {  	s0 =	rddreg [dreg:$0x0]  }
0x2: {  	s1 =	rddreg [dreg:$0x1]  }
0x3: {  	s2 =	srdreg.scid;
	s4 =	simm.s32 $0x0;
	s10 =	stileid.u32  }
0x4: {  	s14 =	simm.s32 $0x11;
	s16 =	simm.s32 $0x7D;
	s17 =	simm.s32 $0x5000  }
0x5: {  	s28 =	simm.s32 $0xEC40;
	s30 =	simm.s32 $0x10B80;
	s31 =	simm.s32 $0x1  }
0x6: {  	s15 =	simm.s32 $0x4;
	s18 =	simm.s32 $0x6;
	s29 =	simm.s32 $0xE  }
0x7: {  	s2 =	sand.u32 $0x1, s2;
	[smem:$0x7FF] =	sst s4;
	s5 =	smul.u32 $0x9C00, s10  }
0x8: {  	s4 =	sadd.s32 $0x17200, s0;
	s9 =	sadd.s32 $0x3E600, s0;
	s23 =	sadd.s32 $0x9C000, s1  }
0x9: {  	p0 =	sne.s32 s10, $0xF;
	s3 =	sshll.u32 s2, $0x4;
	_ =	strace $0x8000004D  }
0xa: {  	s7 =	ssub.s32 $0x2, s2;
	s2 =	smul.u32 $0x9C400, s2;
	[dreg:$0x7] =	wrdreg s23  }
0xb: {  	s23 =	simm.s32 $0xADC0;
	s3 =	sor.u32 s10, s3;
	s6 =	sshrl.u32 s5, $0x3  }
0xc: {  	s8 =	sshrl.u32 s7, $0x1;
	s20 =	sadd.s32 s5, s1;
	s3 =	smul.u32 $0x500, s3  }
0xd: {  	s6 =	sadd.s32 s6, s0;
	s7 =	ssub.s32 s7, s8;
	[dreg:$0x5] =	wrdreg s20  }
0xe: {  	s22 =	sadd.s32 s5, s2;
	s2 =	sshrl.u32 s2, $0x3;
	s20 =	simm.s32 $0x8  }
0xf: {  	s5 =	simm.s32 $0xF;
	s21 =	sadd.s32 $0x2AC00, s6;
	s2 =	sadd.s32 s9, s2  }
0x10: {  	s26 =	smax.u32 s7, $0x1;
	s6 =	simm.s32 $0x10;
	[dreg:$0x6] =	wrdreg s21  }
0x11: {  	s3 =	sadd.s32 s3, s0;
	s0 =	sadd.s32 $0x3E400, s0;
	[dreg:$0xb] =	wrdreg s26  }
.Ltmp0:
0x12: {  	s25 =	sadd.s32 $0x13800, s2;
	[dreg:$0x8] =	wrdreg s0;
	(pc) =	sbr.rel .LBB2_1-.Ltmp0, $4  }
0x13: {  	s19 =	sadd.s32 $0xD200, s3;
	s3 =	sadd.s32 $0x3200, s3;
	[dreg:$0xa] =	wrdreg s25  }
0x14: {  	s7 =	simm.s32 $0x0;
	[dreg:$0x4] =	wrdreg s3;
	s3 =	sshrl.u32 s22, $0x3  }
0x15: {  	s2 =	simm.s32 $0x2;
	[dreg:$0x3] =	wrdreg s19;
	s24 =	sadd.s32 s9, s3  }
0x16: {  	s0 =	simm.s32 $0x12AC0;
	s19 =	simm.s32 $0x6F40;
	[dreg:$0x9] =	wrdreg s24  }
.LBB2_4:
0x17: {  	s3 =	simm.s32 $0x9  }
0x18: {  	_ =	swait.ge [sflag:s3], $0x1F40  }
0x19: {  	[sflag:s3] =	ssyncset.done $0x0  }
0x1a: {  	s13 =	simm.s32 $0xA;
	[sflag:s3] =	ssyncadd.s32 $0xFFFFE0C0  }
0x1b: {  	_ =	swait.ge [sflag:s13], $0x1F40  }
0x1c: {  	[sflag:s13] =	ssyncset.done $0x0  }
0x1d: {  	s21 =	simm.s32 $0xB;
	[sflag:s13] =	ssyncadd.s32 $0xFFFFE0C0  }
0x1e: {  	_ =	swait.ge [sflag:s21], $0x1F40  }
0x1f: {  	[sflag:s21] =	ssyncset.done $0x0  }
0x20: {  	s22 =	simm.s32 $0xC;
	[sflag:s21] =	ssyncadd.s32 $0xFFFFE0C0  }
0x21: {  	_ =	swait.ge [sflag:s22], $0x1F40  }
0x22: {  	[sflag:s22] =	ssyncset.done $0x0  }
0x23: {  	s24 =	simm.s32 $0xD;
	[sflag:s22] =	ssyncadd.s32 $0xFFFFE0C0  }
0x24: {  	_ =	swait.ge [sflag:s24], $0x1F40  }
0x25: {  	[sflag:s24] =	ssyncset.done $0x0  }
0x26: {  	[sflag:s24] =	ssyncadd.s32 $0xFFFFE0C0  }
0x27: {  	_ =	swait.ge [sflag:s29], $0x1F40  }
0x28: {  	[sflag:s29] =	ssyncset.done $0x0  }
0x29: {  	[sflag:s29] =	ssyncadd.s32 $0xFFFFE0C0  }
0x2a: {  	_ =	swait.ge [sflag:s5], $0x1F40  }
0x2b: {  	[sflag:s5] =	ssyncset.done $0x0  }
0x2c: {  	[sflag:s5] =	ssyncadd.s32 $0xFFFFE0C0  }
0x2d: {  	_ =	swait.ge [sflag:s6], $0x1F40  }
0x2e: {  	[sflag:s6] =	ssyncset.done $0x0  }
0x2f: {  	[sflag:s6] =	ssyncadd.s32 $0xFFFFE0C0  }
0x30: {  	[bflag:$0x0] =	sbarrier.arrive $0xFFFF  }
0x31: {  	s25 =	rddreg [dreg:$0x9]  }
0x32: {  	[hbm:s25], [sflag:s8] =	dma.local [spmem:s9], $0x1380  }
0x33: {  	_ =	swait.ge [sflag:s14], $0x1380  }
0x34: {  	[sflag:s14] =	ssyncset.done $0x0  }
0x35: {  	s3 =	rddreg [dreg:$0xa];
	[sflag:s14] =	ssyncadd.s32 $0xFFFFEC80  }
0x36: {  	[hbm:s3], [sflag:s8] =	dma.local @!p0 [spmem:s10], $0x80  }
0x37: {  	s3 =	simm.s32 @!p0 $0x11  }
0x38: {  	_ =	swait.ge @!p0 [sflag:s3], $0x80  }
0x39: {  	s7 =	sadd.s32 $0x1, s7;
	s26 =	rddreg [dreg:$0xb]  }
0x3a: {  	p1 =	sne.s32 s7, s26  }
.Ltmp1:
0x3b: {  	_ = 	snop;
	(pc) =	sbr.rel @!p1 .LBB2_5-.Ltmp1, $3  }
0x3c: {  	_ =	sdelay $0x1  }
0x3d: {  	[sflag:s3] =	ssyncset.done @!p0 $0x0  }
0x3e: {  	[sflag:s3] =	ssyncadd.s32 @!p0 $0xFFFFFF80  }
.LBB2_1:
0x3f: {  	s3 =	simm.s32 $0x0;
	s8 =	rddreg [dreg:$0x3]  }
0x40: {  	[tilespmem:s3], [sflag:$0x11] =	stream.linear.gather [hbm4b:s8+s3], $0x2800, $0x38;
	[tilespmem:$0x1E640] =	vst v63  }
0x41: {  	_ =	swait.ge [sflag:s14], $0x2800  }
0x42: {  	[sflag:s14] =	ssyncset.done $0x0  }
0x43: {  	s9 =	simm.s32 $0x2800;
	s26 =	rddreg [dreg:$0x4];
	[sflag:s14] =	ssyncadd.s32 $0xFFFFD800  }
0x44: {  	[tilespmem:s9], [sflag:$0x11] =	stream.linear.gather [hbm4b:s26+s3], $0x2800, $0x38;
	[tilespmem:$0x1E640] =	vst v63  }
0x45: {  	_ =	swait.ge [sflag:s14], $0x2800  }
0x46: {  	[sflag:s14] =	ssyncset.done $0x0  }
0x47: {  	[sflag:s14] =	ssyncadd.s32 $0xFFFFD800  }
0x48: {  	[tilespmem:s17], [sflag:$0x1] =	stream.indirect.gather [hbm4b:s4+s16], $0x40, s3, s16, $0xb8;
	[tilespmem:$0x1E640] =	vst v63  }
0x49: {  	s8 =	simm.s32 $0x80  }
0x4a: {  	[tilespmem:s19], [sflag:$0x2] =	stream.indirect.gather [hbm4b:s4+s16], $0x40, s8, s16, $0xb8;
	[tilespmem:$0x1E640] =	vst v63  }
0x4b: {  	s10 =	simm.s32 $0x8E80;
	s9 =	simm.s32 $0x100  }
0x4c: {  	[tilespmem:s10], [sflag:$0x3] =	stream.indirect.gather [hbm4b:s4+s16], $0x40, s9, s16, $0xb8;
	[tilespmem:$0x1E640] =	vst v63  }
0x4d: {  	s11 =	simm.s32 $0x180;
	s12 =	simm.s32 $0x200  }
0x4e: {  	[tilespmem:s23], [sflag:$0x4] =	stream.indirect.gather [hbm4b:s4+s16], $0x40, s11, s16, $0xb8;
	[tilespmem:$0x1E640] =	vst v63  }
0x4f: {  	s13 =	simm.s32 $0xCD00;
	s21 =	simm.s32 $0x280;
	s24 =	stileid.u32  }
0x50: {  	[tilespmem:s13], [sflag:$0x5] =	stream.indirect.gather [hbm4b:s4+s16], $0x40, s12, s16, $0xb8;
	[tilespmem:$0x1E640] =	vst v63  }
0x51: {  	s22 =	simm.s32 $0x300;
	s25 =	rddreg [dreg:$0x5];
	s3 =	sshll.u32 s24, $0x6  }
0x52: {  	[tilespmem:s28], [sflag:$0x6] =	stream.indirect.gather [hbm4b:s4+s16], $0x40, s21, s16, $0xb8;
	[tilespmem:$0x1E640] =	vst v63  }
0x53: {  	s26 =	rddreg [dreg:$0x6];
	s8 =	sor.u32 $0x1C11, s3;
	s9 =	sshrl.u32 s25, $0x3  }
0x54: {  	[tilespmem:s30], [sflag:$0x7] =	stream.indirect.gather [hbm4b:s4+s16], $0x40, s22, s16, $0xb8;
	[tilespmem:$0x1E640] =	vst v63  }
0x55: {  	[spmem:s9], [sflag:s8] =	dma.local [hbm:s26], $0x1380  }
0x56: {  	_ =	swait.ge [sflag:s14], $0x1380  }
0x57: {  	[sflag:s14] =	ssyncset.done $0x0;
	s3 =	rddreg [dreg:$0x7]  }
0x58: {  	[sflag:s14] =	ssyncadd.s32 $0xFFFFEC80;
	s10 =	sshrl.u32 @!p0 s3, $0x3;
	s3 =	rddreg [dreg:$0x8]  }
0x59: {  	[spmem:s10], [sflag:s8] =	dma.local @!p0 [hbm:s3], $0x80  }
0x5a: {  	s3 =	simm.s32 @!p0 $0x11  }
0x5b: {  	_ =	swait.ge @!p0 [sflag:s3], $0x80  }
0x5c: {  	[sflag:s3] =	ssyncset.done @!p0 $0x0  }
0x5d: {  	[sflag:s3] =	ssyncadd.s32 @!p0 $0xFFFFFF80  }
0x5e: {  	s11 =	simm.s32 $0x0;
	[bflag:$0x0] =	sbarrier.arrive $0xFFFF  }
.LBB2_2:
0x5f: {  	_ =	swait.ge [sflag:s31], $0x1F40  }
0x60: {  	s12 =	sshra.s32 s11, $0x2;
	[sflag:s31] =	ssyncset.done $0x0  }
0x61: {  	p1 =	seq.s32 s11, $0x0;
	s3 =	sadd.s32 $0x2800, s12;
	[sflag:s31] =	ssyncadd.s32 $0xFFFFE0C0  }
0x62: {  	[spmem:s1] =	stream.indirect.scatter.add.f32 [tilespmem:s17], [sflag:$0x9], $0x40, s3, s16, $0xb8;
	[tilespmem:$0x1E640] =	vst v63  }
0x63: {  	s3 =	simm.s32 @!p1 $0x10  }
0x64: {  	_ =	swait.ge @!p1 [sflag:s3], $0x1F40  }
0x65: {  	[sflag:s3] =	ssyncset.done @!p1 $0x0  }
0x66: {  	s24 =	sadd.s32 $0x380, s12;
	[sflag:s3] =	ssyncadd.s32 @!p1 $0xFFFFE0C0  }
0x67: {  	[tilespmem:s0], [sflag:$0x8] =	stream.indirect.gather [hbm4b:s4+s16], $0x40, s24, s16, $0xb8;
	[tilespmem:$0x1E640] =	vst v63  }
0x68: {  	_ =	swait.ge [sflag:s2], $0x1F40  }
0x69: {  	p1 =	seq.s32 s11, $0x9000;
	[sflag:s2] =	ssyncset.done $0x0  }
0x6a: {  	s25 =	sadd.s32 $0x2880, s12;
	s3 =	simm.s32 @p1 $0x3;
	[sflag:s2] =	ssyncadd.s32 $0xFFFFE0C0  }
0x6b: {  	[spmem:s1] =	stream.indirect.scatter.add.f32 [tilespmem:s19], [sflag:$0xA], $0x40, s25, s16, $0xb8;
	[tilespmem:$0x1E640] =	vst v63  }
0x6c: {  	_ =	swait.ge @p1 [sflag:s3], $0x1F40  }
0x6d: {  	s21 =	sshra.s32 @p1 s11, $0x2;
	s22 =	simm.s32 @p1 $0x7D;
	[sflag:s3] =	ssyncset.done @p1 $0x0  }
0x6e: {  	s13 =	simm.s32 @p1 $0x8E80;
	[sflag:s3] =	ssyncadd.s32 @p1 $0xFFFFE0C0;
	s3 =	sadd.s32 @p1 $0x2900, s21  }
0x6f: {  	[spmem:s1] =	stream.indirect.scatter.add.f32 @p1 [tilespmem:s13], [sflag:$0xB], $0x40, s3, s22, $0xb8;
	[tilespmem:$0x1E640] =	vst v63  }
0x70: {  	s3 =	simm.s32 @!p1 $0x9  }
0x71: {  	_ =	swait.ge @!p1 [sflag:s3], $0x1F40  }
0x72: {  	s25 =	simm.s32 @!p1 $0x5000;
	s13 =	sshra.s32 @!p1 s11, $0x2;
	[sflag:s3] =	ssyncset.done @!p1 $0x0  }
0x73: {  	s24 =	sadd.s32 @!p1 $0x400, s13;
	[sflag:s3] =	ssyncadd.s32 @!p1 $0xFFFFE0C0;
	s3 =	simm.s32 @!p1 $0x7D  }
0x74: {  	[tilespmem:s25], [sflag:$0x1] =	stream.indirect.gather @!p1 [hbm4b:s4+s3], $0x40, s24, s3, $0xb8;
	[tilespmem:$0x1E640] =	vst v63  }
0x75: {  	s24 =	simm.s32 @!p1 $0x3  }
0x76: {  	_ =	swait.ge @!p1 [sflag:s24], $0x1F40  }
0x77: {  	[sflag:s24] =	ssyncset.done @!p1 $0x0  }
0x78: {  	s25 =	simm.s32 @!p1 $0x8E80;
	[sflag:s24] =	ssyncadd.s32 @!p1 $0xFFFFE0C0;
	s24 =	sadd.s32 @!p1 $0x2900, s13  }
0x79: {  	[spmem:s1] =	stream.indirect.scatter.add.f32 @!p1 [tilespmem:s25], [sflag:$0xB], $0x40, s24, s3, $0xb8;
	[tilespmem:$0x1E640] =	vst v63  }
0x7a: {  	s24 =	simm.s32 @!p1 $0xA  }
0x7b: {  	_ =	swait.ge @!p1 [sflag:s24], $0x1F40  }
0x7c: {  	[sflag:s24] =	ssyncset.done @!p1 $0x0  }
0x7d: {  	s26 =	simm.s32 @!p1 $0x6F40;
	[sflag:s24] =	ssyncadd.s32 @!p1 $0xFFFFE0C0;
	s24 =	sadd.s32 @!p1 $0x480, s13  }
0x7e: {  	[tilespmem:s26], [sflag:$0x2] =	stream.indirect.gather @!p1 [hbm4b:s4+s3], $0x40, s24, s3, $0xb8;
	[tilespmem:$0x1E640] =	vst v63  }
0x7f: {  	_ =	swait.ge [sflag:s15], $0x1F40  }
0x80: {  	[sflag:s15] =	ssyncset.done $0x0  }
0x81: {  	s26 =	sadd.s32 $0x2980, s12;
	s24 =	simm.s32 @p1 $0x5;
	[sflag:s15] =	ssyncadd.s32 $0xFFFFE0C0  }
0x82: {  	[spmem:s1] =	stream.indirect.scatter.add.f32 [tilespmem:s23], [sflag:$0xC], $0x40, s26, s16, $0xb8;
	[tilespmem:$0x1E640] =	vst v63  }
0x83: {  	_ =	swait.ge @p1 [sflag:s24], $0x1F40  }
0x84: {  	[sflag:s24] =	ssyncset.done @p1 $0x0  }
0x85: {  	s26 =	simm.s32 @p1 $0xCD00;
	[sflag:s24] =	ssyncadd.s32 @p1 $0xFFFFE0C0;
	s24 =	sadd.s32 @p1 $0x2A00, s21  }
0x86: {  	[spmem:s1] =	stream.indirect.scatter.add.f32 @p1 [tilespmem:s26], [sflag:$0xD], $0x40, s24, s22, $0xb8;
	[tilespmem:$0x1E640] =	vst v63  }
0x87: {  	s24 =	simm.s32 @!p1 $0xB  }
0x88: {  	_ =	swait.ge @!p1 [sflag:s24], $0x1F40  }
0x89: {  	[sflag:s24] =	ssyncset.done @!p1 $0x0  }
0x8a: {  	[sflag:s24] =	ssyncadd.s32 @!p1 $0xFFFFE0C0;
	s24 =	sadd.s32 @!p1 $0x500, s13  }
0x8b: {  	[tilespmem:s25], [sflag:$0x3] =	stream.indirect.gather @!p1 [hbm4b:s4+s3], $0x40, s24, s3, $0xb8;
	[tilespmem:$0x1E640] =	vst v63  }
0x8c: {  	s24 =	simm.s32 @!p1 $0x5  }
0x8d: {  	_ =	swait.ge @!p1 [sflag:s24], $0x1F40  }
0x8e: {  	[sflag:s24] =	ssyncset.done @!p1 $0x0  }
0x8f: {  	s25 =	simm.s32 @!p1 $0xCD00;
	[sflag:s24] =	ssyncadd.s32 @!p1 $0xFFFFE0C0;
	s24 =	sadd.s32 @!p1 $0x2A00, s13  }
0x90: {  	[spmem:s1] =	stream.indirect.scatter.add.f32 @!p1 [tilespmem:s25], [sflag:$0xD], $0x40, s24, s3, $0xb8;
	[tilespmem:$0x1E640] =	vst v63  }
0x91: {  	s24 =	simm.s32 @!p1 $0xC  }
0x92: {  	_ =	swait.ge @!p1 [sflag:s24], $0x1F40  }
0x93: {  	[sflag:s24] =	ssyncset.done @!p1 $0x0  }
0x94: {  	s26 =	simm.s32 @!p1 $0xADC0;
	[sflag:s24] =	ssyncadd.s32 @!p1 $0xFFFFE0C0;
	s24 =	sadd.s32 @!p1 $0x580, s13  }
0x95: {  	[tilespmem:s26], [sflag:$0x4] =	stream.indirect.gather @!p1 [hbm4b:s4+s3], $0x40, s24, s3, $0xb8;
	[tilespmem:$0x1E640] =	vst v63  }
0x96: {  	_ =	swait.ge [sflag:s18], $0x1F40  }
0x97: {  	[sflag:s18] =	ssyncset.done $0x0  }
0x98: {  	s26 =	sadd.s32 $0x2A80, s12;
	s24 =	simm.s32 @p1 $0x7;
	[sflag:s18] =	ssyncadd.s32 $0xFFFFE0C0  }
0x99: {  	[spmem:s1] =	stream.indirect.scatter.add.f32 [tilespmem:s28], [sflag:$0xE], $0x40, s26, s16, $0xb8;
	[tilespmem:$0x1E640] =	vst v63  }
0x9a: {  	_ =	swait.ge @p1 [sflag:s24], $0x1F40  }
0x9b: {  	[sflag:s24] =	ssyncset.done @p1 $0x0  }
0x9c: {  	s21 =	sadd.s32 @p1 $0x2B00, s21;
	[sflag:s24] =	ssyncadd.s32 @p1 $0xFFFFE0C0;
	s24 =	simm.s32 @p1 $0x10B80  }
0x9d: {  	[spmem:s1] =	stream.indirect.scatter.add.f32 @p1 [tilespmem:s24], [sflag:$0xF], $0x40, s21, s22, $0xb8;
	[tilespmem:$0x1E640] =	vst v63  }
0x9e: {  	s21 =	simm.s32 @!p1 $0xD  }
0x9f: {  	_ =	swait.ge @!p1 [sflag:s21], $0x1F40  }
0xa0: {  	[sflag:s21] =	ssyncset.done @!p1 $0x0  }
0xa1: {  	[sflag:s21] =	ssyncadd.s32 @!p1 $0xFFFFE0C0;
	s21 =	sadd.s32 @!p1 $0x600, s13  }
0xa2: {  	[tilespmem:s25], [sflag:$0x5] =	stream.indirect.gather @!p1 [hbm4b:s4+s3], $0x40, s21, s3, $0xb8;
	[tilespmem:$0x1E640] =	vst v63  }
0xa3: {  	s21 =	simm.s32 @!p1 $0x7  }
0xa4: {  	_ =	swait.ge @!p1 [sflag:s21], $0x1F40  }
0xa5: {  	[sflag:s21] =	ssyncset.done @!p1 $0x0  }
0xa6: {  	s22 =	simm.s32 @!p1 $0x10B80;
	[sflag:s21] =	ssyncadd.s32 @!p1 $0xFFFFE0C0;
	s21 =	sadd.s32 @!p1 $0x2B00, s13  }
0xa7: {  	[spmem:s1] =	stream.indirect.scatter.add.f32 @!p1 [tilespmem:s22], [sflag:$0xF], $0x40, s21, s3, $0xb8;
	[tilespmem:$0x1E640] =	vst v63  }
0xa8: {  	s21 =	simm.s32 @!p1 $0xE  }
0xa9: {  	_ =	swait.ge @!p1 [sflag:s21], $0x1F40  }
0xaa: {  	[sflag:s21] =	ssyncset.done @!p1 $0x0  }
0xab: {  	s13 =	sadd.s32 @!p1 $0x680, s13;
	[sflag:s21] =	ssyncadd.s32 @!p1 $0xFFFFE0C0;
	s21 =	simm.s32 @!p1 $0xEC40  }
0xac: {  	[tilespmem:s21], [sflag:$0x6] =	stream.indirect.gather @!p1 [hbm4b:s4+s3], $0x40, s13, s3, $0xb8;
	[tilespmem:$0x1E640] =	vst v63  }
.Ltmp2:
0xad: {  	_ = 	snop;
	(pc) =	sbr.rel @p1 .LBB2_4-.Ltmp2, $4  }
0xae: {  	_ =	swait.ge [sflag:s20], $0x1F40  }
0xaf: {  	[sflag:s20] =	ssyncset.done $0x0  }
0xb0: {  	s26 =	sadd.s32 $0x2B80, s12;
	[sflag:s20] =	ssyncadd.s32 $0xFFFFE0C0  }
0xb1: {  	[spmem:s1] =	stream.indirect.scatter.add.f32 [tilespmem:s0], [sflag:$0x10], $0x40, s26, s16, $0xb8;
	[tilespmem:$0x1E640] =	vst v63  }
.Ltmp3:
0xb2: {  	(pc) =	sbr.rel .LBB2_2-.Ltmp3, $4  }
0xb3: {  	_ =	swait.ge [sflag:s5], $0x1F40  }
0xb4: {  	[sflag:s5] =	ssyncset.done $0x0  }
0xb5: {  	s3 =	sadd.s32 $0x700, s12;
	s11 =	sadd.s32 $0x1000, s11;
	[sflag:s5] =	ssyncadd.s32 $0xFFFFE0C0  }
0xb6: {  	[tilespmem:s30], [sflag:$0x7] =	stream.indirect.gather [hbm4b:s4+s16], $0x40, s3, s16, $0xb8;
	[tilespmem:$0x1E640] =	vst v63  }
.LBB2_5:
0xb7: {  	_ =	sfence.sel $0x180000  }
0xb8: {  	[bflag:$0x0] =	sbarrier.arrive $0xFFFF  }
0xb9: {  	_ =	strace $0x9000004D  }
0xba: {  	s0 =	stileid.u32;
	[bflag:$0x2] =	sbarrier.arrive $0xFFFF  }
0xbb: {  	p0 =	sne.s32 s0, $0x0;
	s0 =	rddreg [dreg:$0x2]  }
0xbc: {  	s0 =	sadd.s32 @!p0 $0x100000, s0  }
0xbd: {  	[sflag:s0] =	ssyncadd.tile.s32 @!p0 $0x1;
	_ =	shalt  }
.Lfunc_end2:
_tile_overlayer_lowered:
.L_overlay_start_2:
0xbe: {  	(tag) =	ssettag $0x2  }
0xbf: {  	s0 =	rddreg [dreg:$0x0];
	s2 =	stileid.u32  }
0xc0: {  	s1 =	rddreg [dreg:$0x1];
	p0 =	sne.s32 s2, $0x0  }
0xc1: {  	s3 =	rddreg [dreg:$0x2];
	[bflag:$0x3] =	sbarrier.arrive $0xFFFF;
	s2 =	simm.s32 @!p0 $0x1C11  }
0xc2: {  	[timem:s3], [sflag:s2] =	dma.local @!p0 [hbm:s0], s1  }
0xc3: {  	s0 =	simm.s32 @!p0 $0x11  }
0xc4: {  	_ =	swait.ge @!p0 [sflag:s0], s1  }
0xc5: {  	s1 =	ssub.s32 @!p0 $0x0, s1;
	[sflag:s0] =	ssyncset.done @!p0 $0x0  }
0xc6: {  	[sflag:s0] =	ssyncadd.s32 @!p0 s1  }
0xc7: {  	[bflag:$0x3] =	sbarrier.arrive $0xFFFF  }
0xc8: {  	_ =	shalt  }

// kernel: kernel.9.cloned.1.call-start
scs
__scs_entry_jumppad:
0x0: {  	(pc) =	sbr.rel $0x88, $3  }
0x1: {  	(tag) =	ssettag $0x0;
	lr =	simm.s32 $0x1  }
0x2: {  	[smem:$0x3F8F] =	sst lr;
	_ =	strace $0xD0000000  }
0x3: {  	_ = 	snop  }
0x4: {  	_ = 	snop  }
0x5: {  	_ = 	snop  }
0x6: {  	_ = 	snop  }
0x7: {  	_ = 	snop  }
__scs_overlays_trampoline_lowered:
0x8: {  	[smem:$0x3F9E] =	sst s0  }
0x9: {  	[smem:$0x3F9F] =	sst s1  }
0xa: {  	[smem:$0x3FA0] =	sst s2  }
0xb: {  	[smem:$0x3FA1] =	sst s3  }
0xc: {  	[smem:$0x3FA2] =	sst s4  }
0xd: {  	[smem:$0x3FA3] =	sst s5  }
0xe: {  	[smem:$0x3FA4] =	sst s6  }
0xf: {  	[smem:$0x3FA5] =	sst s7  }
0x10: {  	[smem:$0x3FA6] =	sst s8  }
0x11: {  	[smem:$0x3FA7] =	sst s9;
	s0 =	simm.s32 @!p0 $0x0  }
0x12: {  	s1 =	sld [smem:$0x3F8D];
	s0 =	simm.s32 @p0 $0x1  }
0x13: {  	[smem:$0x3FA8] =	sst s0;
	s0 =	simm.s32 @!p1 $0x0  }
0x14: {  	s2 =	sld [smem:$0x3F8C];
	s0 =	simm.s32 @p1 $0x1  }
0x15: {  	[smem:$0x3FA9] =	sst s0;
	s0 =	simm.s32 @!p2 $0x0  }
0x16: {  	s3 =	sld [smem:$0x3FDB];
	s0 =	simm.s32 @p2 $0x1  }
0x17: {  	s4 =	simm.s32 $0x1BF5;
	[smem:$0x3FAB] =	sst s0  }
0x18: {  	s0 =	sld [smem:$0x3F8E];
	_ =	swait.ge [sflag:s4], $0x0  }
0x19: {  	s7 =	sld [smem:$0x3F8F]  }
0x1a: {  	s8 =	sadd.s32 $0xFFFFE003, lr  }
0x1b: {  	s9 =	sadd.s32 $0xFFFFFEF7, lr;
	s5 =	simm.s32 $0xFFFFFFFF;
	p2 =	slt.u32 s8, $0xFFFFF086  }
0x1c: {  	p1 =	slt.u32 s9, $0xF7A;
	s5 =	simm.s32 @!p2 $0x0  }
0x1d: {  	s5 =	simm.s32 @p1 $0x1;
	p0 =	seq.s32 s7, s2  }
0x1e: {  	s7 =	smul.u32 @!p0 $0xF7A, s2;
	p2 =	seq.s32 @!p0 s5, $0x0  }
0x1f: {  	s9 =	smul.u32 $0xF7A, s1;
	s8 =	simm.s32 @!p0 $0x1BF5;
	p2 =	por !p2, p0  }
0x20: {  	[sflag:s8] =	ssyncset.s32 @!p0 $0xFFFFF086;
	s6 =	sadd.s32 @!p0 s3, s7;
	s7 =	simm.s32 @!p0 $0x108  }
0x21: {  	s3 =	sadd.s32 s3, s9;
	s6 =	sadd.s32 @!p0 $0x88, s6;
	s7 =	simm.s32 @p2 $0x1082  }
0x22: {  	[simem:s7], [sflag:s8] =	dma.local @!p0 [hbm:s6], $0xF7A  }
0x23: {  	s9 =	sor.u32 $0xD0000000, s2;
	s6 =	simm.s32 $0x108;
	_ =	swait.ge @!p0 [sflag:s8], $0x0  }
0x24: {  	s3 =	sadd.s32 $0x88, s3;
	s6 =	simm.s32 @!p1 $0x1082;
	[sflag:s4] =	ssyncset.s32 $0xFFFFF086  }
0x25: {  	[simem:s6], [sflag:s4] =	dma.local [hbm:s3], $0xF7A  }
0x26: {  	[smem:$0x3F8F] =	sst s1;
	(tag) =	ssettag s2;
	_ =	strace s9  }
0x27: {  	s1 =	sld [smem:$0x3F9F]  }
0x28: {  	s2 =	sld [smem:$0x3FA0]  }
0x29: {  	s4 =	sld [smem:$0x3FA2]  }
0x2a: {  	p0 =	seq.s32 s5, $0x0;
	s5 =	sld [smem:$0x3FA3]  }
0x2b: {  	s6 =	sld [smem:$0x3FA4]  }
0x2c: {  	s7 =	sld [smem:$0x3FA5]  }
0x2d: {  	s3 =	simm.s32 $0x108;
	s8 =	sld [smem:$0x3FA6]  }
0x2e: {  	s3 =	simm.s32 @!p0 $0x1082;
	s9 =	sld [smem:$0x3FA7]  }
0x2f: {  	lr =	sadd.s32 s0, s3;
	s0 =	sld [smem:$0x3F9E]  }
0x30: {  	s3 =	sld [smem:$0x3FA1]  }
0x31: {  	[smem:$0x3FAA] =	sst s10  }
0x32: {  	s10 =	sld [smem:$0x3FA8];
	_ =	sdelay $0x3  }
0x33: {  	p0 =	seq.s32 s10, $0x1;
	s10 =	sld [smem:$0x3FAA];
	_ =	sdelay $0x3  }
0x34: {  	[smem:$0x3FAA] =	sst s10  }
0x35: {  	s10 =	sld [smem:$0x3FA9];
	_ =	sdelay $0x3  }
0x36: {  	p1 =	seq.s32 s10, $0x1;
	s10 =	sld [smem:$0x3FAA];
	_ =	sdelay $0x3  }
0x37: {  	[smem:$0x3FAA] =	sst s10  }
0x38: {  	s10 =	sld [smem:$0x3FAB]  }
0x39: {  	_ = 	snop;
	(pc) =	sbr.ind lr, $3  }
0x3a: {  	_ = 	snop  }
0x3b: {  	_ = 	snop  }
0x3c: {  	p2 =	seq.s32 s10, $0x1;
	s10 =	sld [smem:$0x3FAA]  }
0x3d: {  	_ =	shalt  }
0x3e: {  	_ =	shalt  }
0x3f: {  	_ =	shalt  }
0x40: {  	_ =	shalt  }
0x41: {  	_ =	shalt  }
0x42: {  	_ =	shalt  }
0x43: {  	_ =	shalt  }
0x44: {  	_ =	shalt  }
0x45: {  	_ =	shalt  }
0x46: {  	_ =	shalt  }
0x47: {  	_ =	shalt  }
0x48: {  	_ =	shalt  }
0x49: {  	_ =	shalt  }
0x4a: {  	_ =	shalt  }
0x4b: {  	_ =	shalt  }
0x4c: {  	_ =	shalt  }
0x4d: {  	_ =	shalt  }
0x4e: {  	_ =	shalt  }
0x4f: {  	_ =	shalt  }
0x50: {  	_ =	shalt  }
0x51: {  	_ =	shalt  }
0x52: {  	_ =	shalt  }
0x53: {  	_ =	shalt  }
0x54: {  	_ =	shalt  }
0x55: {  	_ =	shalt  }
0x56: {  	_ =	shalt  }
0x57: {  	_ =	shalt  }
0x58: {  	_ =	shalt  }
0x59: {  	_ =	shalt  }
0x5a: {  	_ =	shalt  }
0x5b: {  	_ =	shalt  }
0x5c: {  	_ =	shalt  }
0x5d: {  	_ =	shalt  }
0x5e: {  	_ =	shalt  }
0x5f: {  	_ =	shalt  }
0x60: {  	_ =	shalt  }
0x61: {  	_ =	shalt  }
0x62: {  	_ =	shalt  }
0x63: {  	_ =	shalt  }
0x64: {  	_ =	shalt  }
0x65: {  	_ =	shalt  }
0x66: {  	_ =	shalt  }
0x67: {  	_ =	shalt  }
0x68: {  	_ =	shalt  }
0x69: {  	_ =	shalt  }
0x6a: {  	_ =	shalt  }
0x6b: {  	_ =	shalt  }
0x6c: {  	_ =	shalt  }
0x6d: {  	_ =	shalt  }
0x6e: {  	_ =	shalt  }
0x6f: {  	_ =	shalt  }
0x70: {  	_ =	shalt  }
0x71: {  	_ =	shalt  }
0x72: {  	_ =	shalt  }
0x73: {  	_ =	shalt  }
0x74: {  	_ =	shalt  }
0x75: {  	_ =	shalt  }
0x76: {  	_ =	shalt  }
0x77: {  	_ =	shalt  }
0x78: {  	_ =	shalt  }
0x79: {  	_ =	shalt  }
0x7a: {  	_ =	shalt  }
0x7b: {  	_ =	shalt  }
0x7c: {  	_ =	shalt  }
0x7d: {  	_ =	shalt  }
0x7e: {  	_ =	shalt  }
0x7f: {  	_ =	shalt  }
0x80: {  	_ =	shalt  }
0x81: {  	_ =	shalt  }
0x82: {  	_ =	shalt  }
0x83: {  	_ =	shalt  }
0x84: {  	_ =	shalt  }
0x85: {  	_ =	shalt  }
0x86: {  	_ =	shalt  }
0x87: {  	_ =	shalt  }
.Lfunc_end0:
.L_simem_size_0:
called_computation_lowered:
.L_overlay_start_0:
0x88: {  	s2 =	sld [smem:$0x3FD9]  }
0x89: {  	s3 =	sld [smem:$0x3FFE];
	_ =	sdelay $0x1  }
0x8a: {  	s1 =	srdreg.scid  }
0x8b: {  	s0 =	sand.u32 $0x1, s1  }
0x8c: {  	s16 =	sshll.u32 s0, $0xA;
	s2 =	sadd.s32 s3, s2  }
0x8d: {  	s2 =	sadd.s32 s2, s16  }
0x8e: {  	[smem:$0x3FB6] =	sst s2  }
0x8f: {  	_ = 	snop  }
0x90: {  	(tm) =	ssettm $0x1  }
0x91: {  	s17 =	sld [smem:$0x3FFB];
	_ =	sdelay $0x3  }
0x92: {  	_ =	strace s17  }
0x93: {  	s2 =	sld [smem:$0x3FFC];
	_ =	sdelay $0x3  }
0x94: {  	_ =	strace s2  }
0x95: {  	s2 =	sld [smem:$0x3FFD];
	_ =	sdelay $0x3  }
0x96: {  	_ =	strace s2  }
0x97: {  	_ =	strace $0x8FFFFFFF  }
0x98: {  	s18 =	sld [smem:$0x3FDB];
	_ =	sdelay $0x1  }
0x99: {  	s19 =	simm.s32 $_scs_section_size  }
0x9a: {  	s4 =	simm.s32 $_size__tile_overlayer_lowered;
	s5 =	simm.s32 $_tile_overlayer_lowered  }
0x9b: {  	s22 =	simm.s32 $0x1BFF;
	s21 =	sshll.u32 s5, $0x1;
	s2 =	sadd.s32 s19, s18  }
0x9c: {  	s6 =	simm.s32 $0x0;
	s20 =	sshll.u32 s4, $0x1;
	s4 =	sadd.s32 s21, s2  }
0x9d: {  	[timem:s6], [sflag:s22] =	dma.local [hbm:s4], s20  }
0x9e: {  	_ =	swait.ge [sflag:s22], s20  }
0x9f: {  	s3 =	ssub.s32 $0x0, s20;
	[sflag:s22] =	ssyncset.done $0x0  }
0xa0: {  	[sflag:s22] =	ssyncadd.s32 s3;
	_ =	sdelay $0x1  }
0xa1: {  	s23 =	simm.s32 $0x1B8B  }
0xa2: {  	_ =	swait.ge [sflag:s23], $0x1  }
0xa3: {  	[sflag:s23] =	ssyncset.done $0x0  }
0xa4: {  	s25 =	simm.s32 $0x1B8E;
	s24 =	sld [smem:$0x3FFE];
	[sflag:s23] =	ssyncadd.s32 $0xFFFFFFFF  }
0xa5: {  	s26 =	simm.s32 $execute0_lowered;
	[smem:$0x3FD2] =	sst s25  }
0xa6: {  	s4 =	sshll.u32 s26, $0x1;
	_ =	strace $0x80000046;
	[dreg:$0x1] =	wrdreg $0xFFFFFFFF  }
0xa7: {  	s28 =	simm.s32 $_size_execute0_lowered;
	s2 =	sadd.s32 s2, s4;
	[dreg:$0x0] =	wrdreg $0x0  }
0xa8: {  	s4 =	sshll.u32 s28, $0x1;
	[dreg:$0x2] =	wrdreg s2  }
0xa9: {  	[dreg:$0x3] =	wrdreg s4  }
0xaa: {  	[dreg:$0x4] =	wrdreg $0xC0  }
0xab: {  	_ =	task [dreg:s6], $0x5FFFF  }
0xac: {  	[dreg:$0x1] =	wrdreg $0xFFFFFFFF  }
0xad: {  	[dreg:$0x0] =	wrdreg $0x60  }
0xae: {  	[dreg:$0x2] =	wrdreg s24  }
0xaf: {  	[dreg:$0x3] =	wrdreg $0xCD000  }
0xb0: {  	[dreg:$0x4] =	wrdreg $0x9  }
0xb1: {  	_ =	task.clear_ibuf [dreg:s6], $0x5FFFF;
	_ =	strace $0x90000046  }
0xb2: {  	s29 =	simm.s32 $0x9;
	_ =	strace $0x80000048  }
0xb3: {  	_ =	swait.ge [sflag:s29], $0x1  }
0xb4: {  	[sflag:s29] =	ssyncadd.s32 $0xFFFFFFFF  }
0xb5: {  	_ =	strace $0x90000048  }
0xb6: {  	_ =	sfence  }
0xb7: {  	s30 =	sld [smem:$0x0];
	_ =	sdelay $0x2  }
0xb8: {  	s31 =	sshll.u32 s1, $0xD;
	s1 =	sshrl.u32 s1, $0x2  }
0xb9: {  	s3 =	sand.u32 $0x4000, s31;
	s1 =	sadd.s32 s1, s30  }
0xba: {  	s0 =	sor.u32 s3, s0;
	s1 =	sshll.u32 s1, $0x11  }
0xbb: {  	s0 =	sor.u32 s1, s0  }
0xbc: {  	s0 =	sadd.s32 $0x8F2B, s0  }
0xbd: {  	[sflag:s0] =	ssyncadd.remote.s32 $0x1  }
0xbe: {  	_ =	sfence.sel $0xFFFF  }
0xbf: {  	[dreg:$0x0] =	wrdreg $0xFFFFFFFF;
	(pc) =	sbr.abs _section_cstart, $3  }
0xc0: {  	[dreg:$0x1] =	wrdreg $0xFFFFFFFF  }
0xc1: {  	_ =	task.clear_ibuf [dreg:s6], $0x2FFFF;
	_ =	strace $0x9FFFFFFF  }
0xc2: {  	(tm) =	ssettm $0x7FFFFFFF  }
0xc3: {  	_ =	shalt  }
tec
execute0_lowered:
.L_overlay_start_1:
0x0: {  	(tag) =	ssettag $0x1  }
0x1: {  	s0 =	rddreg [dreg:$0x0]  }
0x2: {  	s1 =	rddreg [dreg:$0x1]  }
0x3: {  	s2 =	srdreg.scid;
	s4 =	simm.s32 $0x0;
	s10 =	stileid.u32  }
0x4: {  	s14 =	simm.s32 $0x11;
	s16 =	simm.s32 $0x7D;
	s17 =	simm.s32 $0x5000  }
0x5: {  	s28 =	simm.s32 $0x9E20;
	s30 =	simm.s32 $0xADC0;
	s31 =	simm.s32 $0x1  }
0x6: {  	s15 =	simm.s32 $0x4;
	s18 =	simm.s32 $0x6;
	s29 =	simm.s32 $0xE  }
0x7: {  	s2 =	sand.u32 $0x1, s2;
	[smem:$0x7FF] =	sst s4;
	s5 =	smul.u32 $0x4E00, s10  }
0x8: {  	s4 =	sadd.s32 $0x17200, s0;
	s9 =	sadd.s32 $0x2AE00, s0;
	s23 =	sadd.s32 $0x4E000, s1  }
0x9: {  	p0 =	sne.s32 s10, $0xF;
	s3 =	sshll.u32 s2, $0x4;
	_ =	strace $0x80000047  }
0xa: {  	s7 =	ssub.s32 $0x2, s2;
	s2 =	smul.u32 $0x4E200, s2;
	[dreg:$0x7] =	wrdreg s23  }
0xb: {  	s23 =	simm.s32 $0x7EE0;
	s3 =	sor.u32 s10, s3;
	s6 =	sshrl.u32 s5, $0x3  }
0xc: {  	s8 =	sshrl.u32 s7, $0x1;
	s20 =	sadd.s32 s5, s1;
	s3 =	smul.u32 $0x500, s3  }
0xd: {  	s6 =	sadd.s32 s6, s0;
	s7 =	ssub.s32 s7, s8;
	[dreg:$0x5] =	wrdreg s20  }
0xe: {  	s22 =	sadd.s32 s5, s2;
	s2 =	sshrl.u32 s2, $0x3;
	s20 =	simm.s32 $0x8  }
0xf: {  	s5 =	simm.s32 $0xF;
	s21 =	sadd.s32 $0x21000, s6;
	s2 =	sadd.s32 s9, s2  }
0x10: {  	s26 =	smax.u32 s7, $0x1;
	s6 =	simm.s32 $0x10;
	[dreg:$0x6] =	wrdreg s21  }
0x11: {  	s3 =	sadd.s32 s3, s0;
	s0 =	sadd.s32 $0x2AC00, s0;
	[dreg:$0xb] =	wrdreg s26  }
.Ltmp0:
0x12: {  	s25 =	sadd.s32 $0x9C00, s2;
	[dreg:$0x8] =	wrdreg s0;
	(pc) =	sbr.rel .LBB2_1-.Ltmp0, $4  }
0x13: {  	s19 =	sadd.s32 $0xD200, s3;
	s3 =	sadd.s32 $0x3200, s3;
	[dreg:$0xa] =	wrdreg s25  }
0x14: {  	s7 =	simm.s32 $0x0;
	[dreg:$0x4] =	wrdreg s3;
	s3 =	sshrl.u32 s22, $0x3  }
0x15: {  	s2 =	simm.s32 $0x2;
	[dreg:$0x3] =	wrdreg s19;
	s24 =	sadd.s32 s9, s3  }
0x16: {  	s0 =	simm.s32 $0xBD60;
	s19 =	simm.s32 $0x5FA0;
	[dreg:$0x9] =	wrdreg s24  }
.LBB2_4:
0x17: {  	s3 =	simm.s32 $0x9  }
0x18: {  	_ =	swait.ge [sflag:s3], $0xFA0  }
0x19: {  	[sflag:s3] =	ssyncset.done $0x0  }
0x1a: {  	s13 =	simm.s32 $0xA;
	[sflag:s3] =	ssyncadd.s32 $0xFFFFF060  }
0x1b: {  	_ =	swait.ge [sflag:s13], $0xFA0  }
0x1c: {  	[sflag:s13] =	ssyncset.done $0x0  }
0x1d: {  	s21 =	simm.s32 $0xB;
	[sflag:s13] =	ssyncadd.s32 $0xFFFFF060  }
0x1e: {  	_ =	swait.ge [sflag:s21], $0xFA0  }
0x1f: {  	[sflag:s21] =	ssyncset.done $0x0  }
0x20: {  	s22 =	simm.s32 $0xC;
	[sflag:s21] =	ssyncadd.s32 $0xFFFFF060  }
0x21: {  	_ =	swait.ge [sflag:s22], $0xFA0  }
0x22: {  	[sflag:s22] =	ssyncset.done $0x0  }
0x23: {  	s24 =	simm.s32 $0xD;
	[sflag:s22] =	ssyncadd.s32 $0xFFFFF060  }
0x24: {  	_ =	swait.ge [sflag:s24], $0xFA0  }
0x25: {  	[sflag:s24] =	ssyncset.done $0x0  }
0x26: {  	[sflag:s24] =	ssyncadd.s32 $0xFFFFF060  }
0x27: {  	_ =	swait.ge [sflag:s29], $0xFA0  }
0x28: {  	[sflag:s29] =	ssyncset.done $0x0  }
0x29: {  	[sflag:s29] =	ssyncadd.s32 $0xFFFFF060  }
0x2a: {  	_ =	swait.ge [sflag:s5], $0xFA0  }
0x2b: {  	[sflag:s5] =	ssyncset.done $0x0  }
0x2c: {  	[sflag:s5] =	ssyncadd.s32 $0xFFFFF060  }
0x2d: {  	_ =	swait.ge [sflag:s6], $0xFA0  }
0x2e: {  	[sflag:s6] =	ssyncset.done $0x0  }
0x2f: {  	[sflag:s6] =	ssyncadd.s32 $0xFFFFF060  }
0x30: {  	[bflag:$0x0] =	sbarrier.arrive $0xFFFF  }
0x31: {  	s25 =	rddreg [dreg:$0x9]  }
0x32: {  	[hbm:s25], [sflag:s8] =	dma.local [spmem:s9], $0x9C0  }
0x33: {  	_ =	swait.ge [sflag:s14], $0x9C0  }
0x34: {  	[sflag:s14] =	ssyncset.done $0x0  }
0x35: {  	s3 =	rddreg [dreg:$0xa];
	[sflag:s14] =	ssyncadd.s32 $0xFFFFF640  }
0x36: {  	[hbm:s3], [sflag:s8] =	dma.local @!p0 [spmem:s10], $0x40  }
0x37: {  	s3 =	simm.s32 @!p0 $0x11  }
0x38: {  	_ =	swait.ge @!p0 [sflag:s3], $0x40  }
0x39: {  	s7 =	sadd.s32 $0x1, s7;
	s26 =	rddreg [dreg:$0xb]  }
0x3a: {  	p1 =	sne.s32 s7, s26  }
.Ltmp1:
0x3b: {  	_ = 	snop;
	(pc) =	sbr.rel @!p1 .LBB2_5-.Ltmp1, $3  }
0x3c: {  	_ =	sdelay $0x1  }
0x3d: {  	[sflag:s3] =	ssyncset.done @!p0 $0x0  }
0x3e: {  	[sflag:s3] =	ssyncadd.s32 @!p0 $0xFFFFFFC0  }
.LBB2_1:
0x3f: {  	s3 =	simm.s32 $0x0;
	s8 =	rddreg [dreg:$0x3]  }
0x40: {  	[tilespmem:s3], [sflag:$0x11] =	stream.linear.gather [hbm4b:s8+s3], $0x2800, $0x38;
	[tilespmem:$0x11B20] =	vst v63  }
0x41: {  	_ =	swait.ge [sflag:s14], $0x2800  }
0x42: {  	[sflag:s14] =	ssyncset.done $0x0  }
0x43: {  	s9 =	simm.s32 $0x2800;
	s26 =	rddreg [dreg:$0x4];
	[sflag:s14] =	ssyncadd.s32 $0xFFFFD800  }
0x44: {  	[tilespmem:s9], [sflag:$0x11] =	stream.linear.gather [hbm4b:s26+s3], $0x2800, $0x38;
	[tilespmem:$0x11B20] =	vst v63  }
0x45: {  	_ =	swait.ge [sflag:s14], $0x2800  }
0x46: {  	[sflag:s14] =	ssyncset.done $0x0  }
0x47: {  	[sflag:s14] =	ssyncadd.s32 $0xFFFFD800  }
0x48: {  	[tilespmem:s17], [sflag:$0x1] =	stream.indirect.gather [hbm4b:s4+s16], $0x20, s3, s16, $0xb8;
	[tilespmem:$0x11B20] =	vst v63  }
0x49: {  	s8 =	simm.s32 $0x80  }
0x4a: {  	[tilespmem:s19], [sflag:$0x2] =	stream.indirect.gather [hbm4b:s4+s16], $0x20, s8, s16, $0xb8;
	[tilespmem:$0x11B20] =	vst v63  }
0x4b: {  	s10 =	simm.s32 $0x6F40;
	s9 =	simm.s32 $0x100  }
0x4c: {  	[tilespmem:s10], [sflag:$0x3] =	stream.indirect.gather [hbm4b:s4+s16], $0x20, s9, s16, $0xb8;
	[tilespmem:$0x11B20] =	vst v63  }
0x4d: {  	s11 =	simm.s32 $0x180;
	s12 =	simm.s32 $0x200  }
0x4e: {  	[tilespmem:s23], [sflag:$0x4] =	stream.indirect.gather [hbm4b:s4+s16], $0x20, s11, s16, $0xb8;
	[tilespmem:$0x11B20] =	vst v63  }
0x4f: {  	s13 =	simm.s32 $0x8E80;
	s21 =	simm.s32 $0x280;
	s24 =	stileid.u32  }
0x50: {  	[tilespmem:s13], [sflag:$0x5] =	stream.indirect.gather [hbm4b:s4+s16], $0x20, s12, s16, $0xb8;
	[tilespmem:$0x11B20] =	vst v63  }
0x51: {  	s22 =	simm.s32 $0x300;
	s25 =	rddreg [dreg:$0x5];
	s3 =	sshll.u32 s24, $0x6  }
0x52: {  	[tilespmem:s28], [sflag:$0x6] =	stream.indirect.gather [hbm4b:s4+s16], $0x20, s21, s16, $0xb8;
	[tilespmem:$0x11B20] =	vst v63  }
0x53: {  	s26 =	rddreg [dreg:$0x6];
	s8 =	sor.u32 $0x1C11, s3;
	s9 =	sshrl.u32 s25, $0x3  }
0x54: {  	[tilespmem:s30], [sflag:$0x7] =	stream.indirect.gather [hbm4b:s4+s16], $0x20, s22, s16, $0xb8;
	[tilespmem:$0x11B20] =	vst v63  }
0x55: {  	[spmem:s9], [sflag:s8] =	dma.local [hbm:s26], $0x9C0  }
0x56: {  	_ =	swait.ge [sflag:s14], $0x9C0  }
0x57: {  	[sflag:s14] =	ssyncset.done $0x0;
	s3 =	rddreg [dreg:$0x7]  }
0x58: {  	[sflag:s14] =	ssyncadd.s32 $0xFFFFF640;
	s10 =	sshrl.u32 @!p0 s3, $0x3;
	s3 =	rddreg [dreg:$0x8]  }
0x59: {  	[spmem:s10], [sflag:s8] =	dma.local @!p0 [hbm:s3], $0x40  }
0x5a: {  	s3 =	simm.s32 @!p0 $0x11  }
0x5b: {  	_ =	swait.ge @!p0 [sflag:s3], $0x40  }
0x5c: {  	[sflag:s3] =	ssyncset.done @!p0 $0x0  }
0x5d: {  	[sflag:s3] =	ssyncadd.s32 @!p0 $0xFFFFFFC0  }
0x5e: {  	s11 =	simm.s32 $0x0;
	[bflag:$0x0] =	sbarrier.arrive $0xFFFF  }
.LBB2_2:
0x5f: {  	_ =	swait.ge [sflag:s31], $0xFA0  }
0x60: {  	s12 =	sshra.s32 s11, $0x2;
	[sflag:s31] =	ssyncset.done $0x0  }
0x61: {  	p1 =	seq.s32 s11, $0x0;
	s3 =	sadd.s32 $0x2800, s12;
	[sflag:s31] =	ssyncadd.s32 $0xFFFFF060  }
0x62: {  	[spmem:s1] =	stream.indirect.scatter.add.f32 [tilespmem:s17], [sflag:$0x9], $0x20, s3, s16, $0xb8;
	[tilespmem:$0x11B20] =	vst v63  }
0x63: {  	s3 =	simm.s32 @!p1 $0x10  }
0x64: {  	_ =	swait.ge @!p1 [sflag:s3], $0xFA0  }
0x65: {  	[sflag:s3] =	ssyncset.done @!p1 $0x0  }
0x66: {  	s24 =	sadd.s32 $0x380, s12;
	[sflag:s3] =	ssyncadd.s32 @!p1 $0xFFFFF060  }
0x67: {  	[tilespmem:s0], [sflag:$0x8] =	stream.indirect.gather [hbm4b:s4+s16], $0x20, s24, s16, $0xb8;
	[tilespmem:$0x11B20] =	vst v63  }
0x68: {  	_ =	swait.ge [sflag:s2], $0xFA0  }
0x69: {  	p1 =	seq.s32 s11, $0x9000;
	[sflag:s2] =	ssyncset.done $0x0  }
0x6a: {  	s25 =	sadd.s32 $0x2880, s12;
	s3 =	simm.s32 @p1 $0x3;
	[sflag:s2] =	ssyncadd.s32 $0xFFFFF060  }
0x6b: {  	[spmem:s1] =	stream.indirect.scatter.add.f32 [tilespmem:s19], [sflag:$0xA], $0x20, s25, s16, $0xb8;
	[tilespmem:$0x11B20] =	vst v63  }
0x6c: {  	_ =	swait.ge @p1 [sflag:s3], $0xFA0  }
0x6d: {  	s21 =	sshra.s32 @p1 s11, $0x2;
	s22 =	simm.s32 @p1 $0x7D;
	[sflag:s3] =	ssyncset.done @p1 $0x0  }
0x6e: {  	s13 =	simm.s32 @p1 $0x6F40;
	[sflag:s3] =	ssyncadd.s32 @p1 $0xFFFFF060;
	s3 =	sadd.s32 @p1 $0x2900, s21  }
0x6f: {  	[spmem:s1] =	stream.indirect.scatter.add.f32 @p1 [tilespmem:s13], [sflag:$0xB], $0x20, s3, s22, $0xb8;
	[tilespmem:$0x11B20] =	vst v63  }
0x70: {  	s3 =	simm.s32 @!p1 $0x9  }
0x71: {  	_ =	swait.ge @!p1 [sflag:s3], $0xFA0  }
0x72: {  	s25 =	simm.s32 @!p1 $0x5000;
	s13 =	sshra.s32 @!p1 s11, $0x2;
	[sflag:s3] =	ssyncset.done @!p1 $0x0  }
0x73: {  	s24 =	sadd.s32 @!p1 $0x400, s13;
	[sflag:s3] =	ssyncadd.s32 @!p1 $0xFFFFF060;
	s3 =	simm.s32 @!p1 $0x7D  }
0x74: {  	[tilespmem:s25], [sflag:$0x1] =	stream.indirect.gather @!p1 [hbm4b:s4+s3], $0x20, s24, s3, $0xb8;
	[tilespmem:$0x11B20] =	vst v63  }
0x75: {  	s24 =	simm.s32 @!p1 $0x3  }
0x76: {  	_ =	swait.ge @!p1 [sflag:s24], $0xFA0  }
0x77: {  	[sflag:s24] =	ssyncset.done @!p1 $0x0  }
0x78: {  	s25 =	simm.s32 @!p1 $0x6F40;
	[sflag:s24] =	ssyncadd.s32 @!p1 $0xFFFFF060;
	s24 =	sadd.s32 @!p1 $0x2900, s13  }
0x79: {  	[spmem:s1] =	stream.indirect.scatter.add.f32 @!p1 [tilespmem:s25], [sflag:$0xB], $0x20, s24, s3, $0xb8;
	[tilespmem:$0x11B20] =	vst v63  }
0x7a: {  	s24 =	simm.s32 @!p1 $0xA  }
0x7b: {  	_ =	swait.ge @!p1 [sflag:s24], $0xFA0  }
0x7c: {  	[sflag:s24] =	ssyncset.done @!p1 $0x0  }
0x7d: {  	s26 =	simm.s32 @!p1 $0x5FA0;
	[sflag:s24] =	ssyncadd.s32 @!p1 $0xFFFFF060;
	s24 =	sadd.s32 @!p1 $0x480, s13  }
0x7e: {  	[tilespmem:s26], [sflag:$0x2] =	stream.indirect.gather @!p1 [hbm4b:s4+s3], $0x20, s24, s3, $0xb8;
	[tilespmem:$0x11B20] =	vst v63  }
0x7f: {  	_ =	swait.ge [sflag:s15], $0xFA0  }
0x80: {  	[sflag:s15] =	ssyncset.done $0x0  }
0x81: {  	s26 =	sadd.s32 $0x2980, s12;
	s24 =	simm.s32 @p1 $0x5;
	[sflag:s15] =	ssyncadd.s32 $0xFFFFF060  }
0x82: {  	[spmem:s1] =	stream.indirect.scatter.add.f32 [tilespmem:s23], [sflag:$0xC], $0x20, s26, s16, $0xb8;
	[tilespmem:$0x11B20] =	vst v63  }
0x83: {  	_ =	swait.ge @p1 [sflag:s24], $0xFA0  }
0x84: {  	[sflag:s24] =	ssyncset.done @p1 $0x0  }
0x85: {  	s26 =	simm.s32 @p1 $0x8E80;
	[sflag:s24] =	ssyncadd.s32 @p1 $0xFFFFF060;
	s24 =	sadd.s32 @p1 $0x2A00, s21  }
0x86: {  	[spmem:s1] =	stream.indirect.scatter.add.f32 @p1 [tilespmem:s26], [sflag:$0xD], $0x20, s24, s22, $0xb8;
	[tilespmem:$0x11B20] =	vst v63  }
0x87: {  	s24 =	simm.s32 @!p1 $0xB  }
0x88: {  	_ =	swait.ge @!p1 [sflag:s24], $0xFA0  }
0x89: {  	[sflag:s24] =	ssyncset.done @!p1 $0x0  }
0x8a: {  	[sflag:s24] =	ssyncadd.s32 @!p1 $0xFFFFF060;
	s24 =	sadd.s32 @!p1 $0x500, s13  }
0x8b: {  	[tilespmem:s25], [sflag:$0x3] =	stream.indirect.gather @!p1 [hbm4b:s4+s3], $0x20, s24, s3, $0xb8;
	[tilespmem:$0x11B20] =	vst v63  }
0x8c: {  	s24 =	simm.s32 @!p1 $0x5  }
0x8d: {  	_ =	swait.ge @!p1 [sflag:s24], $0xFA0  }
0x8e: {  	[sflag:s24] =	ssyncset.done @!p1 $0x0  }
0x8f: {  	s25 =	simm.s32 @!p1 $0x8E80;
	[sflag:s24] =	ssyncadd.s32 @!p1 $0xFFFFF060;
	s24 =	sadd.s32 @!p1 $0x2A00, s13  }
0x90: {  	[spmem:s1] =	stream.indirect.scatter.add.f32 @!p1 [tilespmem:s25], [sflag:$0xD], $0x20, s24, s3, $0xb8;
	[tilespmem:$0x11B20] =	vst v63  }
0x91: {  	s24 =	simm.s32 @!p1 $0xC  }
0x92: {  	_ =	swait.ge @!p1 [sflag:s24], $0xFA0  }
0x93: {  	[sflag:s24] =	ssyncset.done @!p1 $0x0  }
0x94: {  	s26 =	simm.s32 @!p1 $0x7EE0;
	[sflag:s24] =	ssyncadd.s32 @!p1 $0xFFFFF060;
	s24 =	sadd.s32 @!p1 $0x580, s13  }
0x95: {  	[tilespmem:s26], [sflag:$0x4] =	stream.indirect.gather @!p1 [hbm4b:s4+s3], $0x20, s24, s3, $0xb8;
	[tilespmem:$0x11B20] =	vst v63  }
0x96: {  	_ =	swait.ge [sflag:s18], $0xFA0  }
0x97: {  	[sflag:s18] =	ssyncset.done $0x0  }
0x98: {  	s26 =	sadd.s32 $0x2A80, s12;
	s24 =	simm.s32 @p1 $0x7;
	[sflag:s18] =	ssyncadd.s32 $0xFFFFF060  }
0x99: {  	[spmem:s1] =	stream.indirect.scatter.add.f32 [tilespmem:s28], [sflag:$0xE], $0x20, s26, s16, $0xb8;
	[tilespmem:$0x11B20] =	vst v63  }
0x9a: {  	_ =	swait.ge @p1 [sflag:s24], $0xFA0  }
0x9b: {  	[sflag:s24] =	ssyncset.done @p1 $0x0  }
0x9c: {  	s21 =	sadd.s32 @p1 $0x2B00, s21;
	[sflag:s24] =	ssyncadd.s32 @p1 $0xFFFFF060;
	s24 =	simm.s32 @p1 $0xADC0  }
0x9d: {  	[spmem:s1] =	stream.indirect.scatter.add.f32 @p1 [tilespmem:s24], [sflag:$0xF], $0x20, s21, s22, $0xb8;
	[tilespmem:$0x11B20] =	vst v63  }
0x9e: {  	s21 =	simm.s32 @!p1 $0xD  }
0x9f: {  	_ =	swait.ge @!p1 [sflag:s21], $0xFA0  }
0xa0: {  	[sflag:s21] =	ssyncset.done @!p1 $0x0  }
0xa1: {  	[sflag:s21] =	ssyncadd.s32 @!p1 $0xFFFFF060;
	s21 =	sadd.s32 @!p1 $0x600, s13  }
0xa2: {  	[tilespmem:s25], [sflag:$0x5] =	stream.indirect.gather @!p1 [hbm4b:s4+s3], $0x20, s21, s3, $0xb8;
	[tilespmem:$0x11B20] =	vst v63  }
0xa3: {  	s21 =	simm.s32 @!p1 $0x7  }
0xa4: {  	_ =	swait.ge @!p1 [sflag:s21], $0xFA0  }
0xa5: {  	[sflag:s21] =	ssyncset.done @!p1 $0x0  }
0xa6: {  	s22 =	simm.s32 @!p1 $0xADC0;
	[sflag:s21] =	ssyncadd.s32 @!p1 $0xFFFFF060;
	s21 =	sadd.s32 @!p1 $0x2B00, s13  }
0xa7: {  	[spmem:s1] =	stream.indirect.scatter.add.f32 @!p1 [tilespmem:s22], [sflag:$0xF], $0x20, s21, s3, $0xb8;
	[tilespmem:$0x11B20] =	vst v63  }
0xa8: {  	s21 =	simm.s32 @!p1 $0xE  }
0xa9: {  	_ =	swait.ge @!p1 [sflag:s21], $0xFA0  }
0xaa: {  	[sflag:s21] =	ssyncset.done @!p1 $0x0  }
0xab: {  	s13 =	sadd.s32 @!p1 $0x680, s13;
	[sflag:s21] =	ssyncadd.s32 @!p1 $0xFFFFF060;
	s21 =	simm.s32 @!p1 $0x9E20  }
0xac: {  	[tilespmem:s21], [sflag:$0x6] =	stream.indirect.gather @!p1 [hbm4b:s4+s3], $0x20, s13, s3, $0xb8;
	[tilespmem:$0x11B20] =	vst v63  }
.Ltmp2:
0xad: {  	_ = 	snop;
	(pc) =	sbr.rel @p1 .LBB2_4-.Ltmp2, $4  }
0xae: {  	_ =	swait.ge [sflag:s20], $0xFA0  }
0xaf: {  	[sflag:s20] =	ssyncset.done $0x0  }
0xb0: {  	s26 =	sadd.s32 $0x2B80, s12;
	[sflag:s20] =	ssyncadd.s32 $0xFFFFF060  }
0xb1: {  	[spmem:s1] =	stream.indirect.scatter.add.f32 [tilespmem:s0], [sflag:$0x10], $0x20, s26, s16, $0xb8;
	[tilespmem:$0x11B20] =	vst v63  }
.Ltmp3:
0xb2: {  	(pc) =	sbr.rel .LBB2_2-.Ltmp3, $4  }
0xb3: {  	_ =	swait.ge [sflag:s5], $0xFA0  }
0xb4: {  	[sflag:s5] =	ssyncset.done $0x0  }
0xb5: {  	s3 =	sadd.s32 $0x700, s12;
	s11 =	sadd.s32 $0x1000, s11;
	[sflag:s5] =	ssyncadd.s32 $0xFFFFF060  }
0xb6: {  	[tilespmem:s30], [sflag:$0x7] =	stream.indirect.gather [hbm4b:s4+s16], $0x20, s3, s16, $0xb8;
	[tilespmem:$0x11B20] =	vst v63  }
.LBB2_5:
0xb7: {  	_ =	sfence.sel $0x180000  }
0xb8: {  	[bflag:$0x0] =	sbarrier.arrive $0xFFFF  }
0xb9: {  	_ =	strace $0x90000047  }
0xba: {  	s0 =	stileid.u32;
	[bflag:$0x2] =	sbarrier.arrive $0xFFFF  }
0xbb: {  	p0 =	sne.s32 s0, $0x0;
	s0 =	rddreg [dreg:$0x2]  }
0xbc: {  	s0 =	sadd.s32 @!p0 $0x100000, s0  }
0xbd: {  	[sflag:s0] =	ssyncadd.tile.s32 @!p0 $0x1;
	_ =	shalt  }
.Lfunc_end2:
_tile_overlayer_lowered:
.L_overlay_start_2:
0xbe: {  	(tag) =	ssettag $0x2  }
0xbf: {  	s0 =	rddreg [dreg:$0x0];
	s2 =	stileid.u32  }
0xc0: {  	s1 =	rddreg [dreg:$0x1];
	p0 =	sne.s32 s2, $0x0  }
0xc1: {  	s3 =	rddreg [dreg:$0x2];
	[bflag:$0x3] =	sbarrier.arrive $0xFFFF;
	s2 =	simm.s32 @!p0 $0x1C11  }
0xc2: {  	[timem:s3], [sflag:s2] =	dma.local @!p0 [hbm:s0], s1  }
0xc3: {  	s0 =	simm.s32 @!p0 $0x11  }
0xc4: {  	_ =	swait.ge @!p0 [sflag:s0], s1  }
0xc5: {  	s1 =	ssub.s32 @!p0 $0x0, s1;
	[sflag:s0] =	ssyncset.done @!p0 $0x0  }
0xc6: {  	[sflag:s0] =	ssyncadd.s32 @!p0 s1  }
0xc7: {  	[bflag:$0x3] =	sbarrier.arrive $0xFFFF  }
0xc8: {  	_ =	shalt  }

</sc_bundles>
